<compile_context>
chip_gen: v7x
topology: tpu7x:2x2x1
jax: 0.10.2.dev20260603
libtpu: 0.0.44.dev20260713+nightly
codegen_flags: <defaults>
</compile_context>

<pallas_src>
import functools

import jax
import jax.numpy as jnp
from jax import lax
from jax.experimental import pallas as pl
from jax.experimental.pallas import tpu as pltpu
from jax.experimental.pallas import tpu_sc as plsc

_B = 4096
_L = 16
_NC = 2
_NS = 16
_CW = 16


def _sc_embedding_bag(row3, col3, wt2):
    nr = row3.shape[1]
    nch = nr // _CW

    mesh = plsc.VectorSubcoreMesh(core_axis_name="c", subcore_axis_name="s")

    @functools.partial(
        pl.kernel,
        mesh=mesh,
        out_type=jax.ShapeDtypeStruct((_NC, _NS, _B * _L), jnp.float32),
        scratch_types=[
            pltpu.VMEM((2, _CW, 128), jnp.int32),
            pltpu.VMEM((2, _CW, 128), jnp.int32),
            pltpu.VMEM((_CW, 128), jnp.int32),
            pltpu.VMEM((_CW * 128, _L), jnp.float32),
            pltpu.VMEM((_B * _L,), jnp.float32),
            pltpu.SemaphoreType.DMA,
            pltpu.SemaphoreType.DMA,
        ],
        compiler_params=pltpu.CompilerParams(
            needs_layout_passes=False, use_tc_tiling_on_sc=False
        ),
    )
    def body(
        row_hbm, col_hbm, w_hbm, out_hbm, row_v, col_v, cix, gbuf, acc, sem, semi
    ):
        c = lax.axis_index("c")
        s = lax.axis_index("s")
        iota = lax.iota(jnp.int32, _L)
        zeros = jnp.zeros((_L,), jnp.float32)
        gdn = lax.GatherDimensionNumbers(
            offset_dims=(), collapsed_slice_dims=(0,), start_index_map=(0,)
        )

        def lane_splat(vec, j2):
            return lax.gather(
                vec,
                jnp.full((_L, 1), j2, jnp.int32),
                dimension_numbers=gdn,
                slice_sizes=(1,),
                mode=lax.GatherScatterMode.PROMISE_IN_BOUNDS,
            )

        @plsc.parallel_loop(0, _B // 8, unroll=4)
        def zero_step(i):
            for k in range(8):
                acc[pl.ds((i * 8 + k) * _L, _L)] = zeros

        def fire_idx(ch, bsel):
            pltpu.async_copy(
                row_hbm.at[c, pl.ds(ch * _CW, _CW)], row_v.at[bsel], semi
            )
            pltpu.async_copy(
                col_hbm.at[c, pl.ds(ch * _CW, _CW)], col_v.at[bsel], semi
            )

        def wait_idx(bsel):
            pltpu.make_async_copy(
                row_hbm.at[c, pl.ds(0, _CW)], row_v.at[bsel], semi
            ).wait()
            pltpu.make_async_copy(
                col_hbm.at[c, pl.ds(0, _CW)], col_v.at[bsel], semi
            ).wait()

        fire_idx(0, 0)

        def chunk_pair(k, carry):
            for bsel in range(2):
                ch = k * 2 + bsel
                wait_idx(bsel)

                @pl.when(ch + 1 < nch)
                def _prefetch():
                    fire_idx(ch + 1, 1 - bsel)

                @plsc.parallel_loop(0, _CW, unroll=2)
                def col_xform(i):
                    for kk in range(8):
                        sl = pl.ds(kk * 16, 16)
                        cix[i, sl] = col_v[bsel, i, sl] * _NS + s

                for j in range(_CW):
                    pltpu.async_copy(
                        w_hbm.at[cix.at[j]], gbuf.at[pl.ds(j * 128, 128)], sem
                    )

                def sub_step(jj, carry2):
                    for dj in range(4):
                        pltpu.make_async_copy(
                            w_hbm.at[cix.at[0]],
                            gbuf.at[pl.ds((jj * 4 + dj) * 128, 128)],
                            sem,
                        ).wait()

                    @plsc.parallel_loop(0, 32, unroll=8)
                    def pair_groups(g2):
                        gg = jj * 32 + g2
                        r16 = row_v[bsel, gg >> 3, pl.ds((g2 & 7) * 16, 16)] * _L
                        base = gg * 16
                        for j2 in range(16):
                            spl = lane_splat(r16, j2)
                            vals = gbuf[base + j2, :]
                            plsc.addupdate_scatter(acc, [spl + iota], vals)
                    return carry2

                lax.fori_loop(0, _CW // 4, sub_step, 0)
            return carry

        lax.fori_loop(0, nch // 2, chunk_pair, 0)

        pltpu.sync_copy(acc, out_hbm.at[c, s])

    return body(row3, col3, wt2)


def _finish_body(p_ref, b_ref, o_ref):
    q = p_ref[0] + p_ref[1]
    full = jnp.concatenate([q[t] for t in range(_NS)], axis=-1)
    o_ref[...] = jnp.maximum(full + b_ref[...], 0.0)


def kernel(document_mention_indices, W, b):
    idx = document_mention_indices.astype(jnp.int32)
    e = W.shape[0]
    v = W.shape[1]
    nnz = idx.shape[1]
    row3 = idx[0].reshape(_NC, nnz // (_NC * 128), 128)
    col3 = idx[1].reshape(_NC, nnz // (_NC * 128), 128)
    wt2 = W.T.reshape(v * _NS, _L)

    partials = _sc_embedding_bag(row3, col3, wt2)
    partials = partials.reshape(_NC, _NS, _B, _L)

    blk = 512
    return pl.pallas_call(
        _finish_body,
        grid=(_B // blk,),
        in_specs=[
            pl.BlockSpec((_NC, _NS, blk, _L), lambda i: (0, 0, i, 0)),
            pl.BlockSpec((1, e), lambda i: (0, 0)),
        ],
        out_specs=pl.BlockSpec((blk, e), lambda i: (i, 0)),
        out_shape=jax.ShapeDtypeStruct((_B, e), jnp.float32),
    )(partials, b.reshape(1, e))

# --- scband reference (transcript-rebuilt; emitter-appended) ---
"""Pipeline reference for scband-document-context-encoder-798863917659 (READ-ONLY COPY).

The authoritative reference and input builder live on the scoring server;
editing this copy changes nothing except your own understanding.
"""

import jax, jax.numpy as jnp
import numpy as np

B = 4096
NUM_MENTIONS = 10000
EMBED = 256
NNZ = 204800


def setup_inputs(seed: int = 0) -> dict:
    key = jax.random.key(seed)
    k1, k2, k3 = jax.random.split(key, 3)
    document_mention_indices = jax.random.randint(k1, (2, NNZ), 0, B).astype(jnp.int64)
    # nn.Linear(num_mentions, embed): weight [EMBED, NUM_MENTIONS], bias [EMBED]
    W = jax.random.normal(k2, (EMBED, NUM_MENTIONS), dtype=jnp.float32) * 0.01
    b = jax.random.normal(k3, (EMBED,), dtype=jnp.float32) * 0.01
    return {"document_mention_indices": document_mention_indices, "W": W, "b": b}


def reference(document_mention_indices, W, b):
    # Build the (batch, num_mentions) multi-hot 'mention_surfaces' matrix via
    # scatter-add of ones at (doc_idx, mention_idx) coordinates (sparse COO -> dense).
    row = document_mention_indices[0]
    col = document_mention_indices[1]
    mention_surfaces = jnp.zeros((B, NUM_MENTIONS), dtype=jnp.float32).at[row, col].add(1.0)
    # projection: Linear(num_mentions -> embed), then ReLU
    out = mention_surfaces @ W.T + b
    return jax.nn.relu(out)

if __name__ == "__main__":
    import jax
    _d = setup_inputs()
    print(jax.jit(kernel)(*tuple(_d.values())))

</pallas_src>

<mosaic_0001>
#map = affine_map<(d0, d1) -> (0, 0, 0)>
#map1 = affine_map<(d0, d1) -> (0, 0)>
module attributes {stable_mosaic.version = 14 : i64} {
  func.func @body(%arg0: i32, %arg1: i32, %arg2: memref<2x800x128xi32, #tpu.memory_space<hbm>>, %arg3: memref<2x800x128xi32, #tpu.memory_space<hbm>>, %arg4: memref<160000x16xf32, #tpu.memory_space<hbm>>, %arg5: memref<2x16x65536xf32, #tpu.memory_space<hbm>>, %arg6: memref<2x16x128xi32, #tpu.memory_space<vmem>>, %arg7: memref<2x16x128xi32, #tpu.memory_space<vmem>>, %arg8: memref<16x128xi32, #tpu.memory_space<vmem>>, %arg9: memref<2048x16xf32, #tpu.memory_space<vmem>>, %arg10: memref<65536xf32, #tpu.memory_space<vmem>>, %arg11: memref<!tpu.dma_semaphore, #tpu.memory_space<semaphore_mem>>, %arg12: memref<!tpu.dma_semaphore, #tpu.memory_space<semaphore_mem>>) attributes {dimension_semantics = [#tpu.dimension_semantics<core_parallel>, #tpu.dimension_semantics<subcore_parallel>], iteration_bounds = array<i64: 2, 16>, scalar_prefetch = 0 : i64, scratch_operands = 7 : i64, tpu.core_type = #tpu.core_type<sc_vector_subcore>, window_params = [{transform_indices = #map}, {transform_indices = #map}, {transform_indices = #map1}, {transform_indices = #map}]} {
    %iota3A = tpu.iota {dimensions = array<i32: 0>} : vector<16xi32>
    %broadcast_in_dim3A = arith.constant 0.000000e+00 : f32
    %broadcast_in_dim3A_0 = vector.broadcast %broadcast_in_dim3A : f32 to vector<16xf32>
    %parallel_loop3A = arith.constant 0 : i32
    %parallel_loop3A_1 = arith.constant 512 : i32
    %parallel_loop3A_2 = arith.constant 1 : i32
    scf.for %parallel_loop3A_41 = %parallel_loop3A to %parallel_loop3A_1 step %parallel_loop3A_2  : i32 {
      %parallel_loop3A_42 = arith.constant 8 : i32
      %parallel_loop3A_43 = arith.muli %parallel_loop3A_41, %parallel_loop3A_42 : i32
      %parallel_loop3A_44 = arith.constant 0 : i32
      %parallel_loop3A_45 = arith.addi %parallel_loop3A_43, %parallel_loop3A_44 : i32
      %parallel_loop3A_46 = arith.constant 16 : i32
      %parallel_loop3A_47 = arith.muli %parallel_loop3A_45, %parallel_loop3A_46 : i32
      %parallel_loop3A_48 = arith.index_cast %parallel_loop3A_47 : i32 to index
      %parallel_loop3A_49 = tpu.vector_load %arg10[%parallel_loop3A_48] {strides = array<i32>} : memref<65536xf32, #tpu.memory_space<vmem>>, vector<16xf32>,
      tpu.vector_store %arg10[%parallel_loop3A_48], %broadcast_in_dim3A_0 {strides = array<i32>} : memref<65536xf32, #tpu.memory_space<vmem>>, vector<16xf32>,
      %parallel_loop3A_50 = arith.constant 8 : i32
      %parallel_loop3A_51 = arith.muli %parallel_loop3A_41, %parallel_loop3A_50 : i32
      %parallel_loop3A_52 = arith.constant 1 : i32
      %parallel_loop3A_53 = arith.addi %parallel_loop3A_51, %parallel_loop3A_52 : i32
      %parallel_loop3A_54 = arith.constant 16 : i32
      %parallel_loop3A_55 = arith.muli %parallel_loop3A_53, %parallel_loop3A_54 : i32
      %parallel_loop3A_56 = arith.index_cast %parallel_loop3A_55 : i32 to index
      %parallel_loop3A_57 = tpu.vector_load %arg10[%parallel_loop3A_56] {strides = array<i32>} : memref<65536xf32, #tpu.memory_space<vmem>>, vector<16xf32>,
      tpu.vector_store %arg10[%parallel_loop3A_56], %broadcast_in_dim3A_0 {strides = array<i32>} : memref<65536xf32, #tpu.memory_space<vmem>>, vector<16xf32>,
      %parallel_loop3A_58 = arith.constant 8 : i32
      %parallel_loop3A_59 = arith.muli %parallel_loop3A_41, %parallel_loop3A_58 : i32
      %parallel_loop3A_60 = arith.constant 2 : i32
      %parallel_loop3A_61 = arith.addi %parallel_loop3A_59, %parallel_loop3A_60 : i32
      %parallel_loop3A_62 = arith.constant 16 : i32
      %parallel_loop3A_63 = arith.muli %parallel_loop3A_61, %parallel_loop3A_62 : i32
      %parallel_loop3A_64 = arith.index_cast %parallel_loop3A_63 : i32 to index
      %parallel_loop3A_65 = tpu.vector_load %arg10[%parallel_loop3A_64] {strides = array<i32>} : memref<65536xf32, #tpu.memory_space<vmem>>, vector<16xf32>,
      tpu.vector_store %arg10[%parallel_loop3A_64], %broadcast_in_dim3A_0 {strides = array<i32>} : memref<65536xf32, #tpu.memory_space<vmem>>, vector<16xf32>,
      %parallel_loop3A_66 = arith.constant 8 : i32
      %parallel_loop3A_67 = arith.muli %parallel_loop3A_41, %parallel_loop3A_66 : i32
      %parallel_loop3A_68 = arith.constant 3 : i32
      %parallel_loop3A_69 = arith.addi %parallel_loop3A_67, %parallel_loop3A_68 : i32
      %parallel_loop3A_70 = arith.constant 16 : i32
      %parallel_loop3A_71 = arith.muli %parallel_loop3A_69, %parallel_loop3A_70 : i32
      %parallel_loop3A_72 = arith.index_cast %parallel_loop3A_71 : i32 to index
      %parallel_loop3A_73 = tpu.vector_load %arg10[%parallel_loop3A_72] {strides = array<i32>} : memref<65536xf32, #tpu.memory_space<vmem>>, vector<16xf32>,
      tpu.vector_store %arg10[%parallel_loop3A_72], %broadcast_in_dim3A_0 {strides = array<i32>} : memref<65536xf32, #tpu.memory_space<vmem>>, vector<16xf32>,
      %parallel_loop3A_74 = arith.constant 8 : i32
      %parallel_loop3A_75 = arith.muli %parallel_loop3A_41, %parallel_loop3A_74 : i32
      %parallel_loop3A_76 = arith.constant 4 : i32
      %parallel_loop3A_77 = arith.addi %parallel_loop3A_75, %parallel_loop3A_76 : i32
      %parallel_loop3A_78 = arith.constant 16 : i32
      %parallel_loop3A_79 = arith.muli %parallel_loop3A_77, %parallel_loop3A_78 : i32
      %parallel_loop3A_80 = arith.index_cast %parallel_loop3A_79 : i32 to index
      %parallel_loop3A_81 = tpu.vector_load %arg10[%parallel_loop3A_80] {strides = array<i32>} : memref<65536xf32, #tpu.memory_space<vmem>>, vector<16xf32>,
      tpu.vector_store %arg10[%parallel_loop3A_80], %broadcast_in_dim3A_0 {strides = array<i32>} : memref<65536xf32, #tpu.memory_space<vmem>>, vector<16xf32>,
      %parallel_loop3A_82 = arith.constant 8 : i32
      %parallel_loop3A_83 = arith.muli %parallel_loop3A_41, %parallel_loop3A_82 : i32
      %parallel_loop3A_84 = arith.constant 5 : i32
      %parallel_loop3A_85 = arith.addi %parallel_loop3A_83, %parallel_loop3A_84 : i32
      %parallel_loop3A_86 = arith.constant 16 : i32
      %parallel_loop3A_87 = arith.muli %parallel_loop3A_85, %parallel_loop3A_86 : i32
      %parallel_loop3A_88 = arith.index_cast %parallel_loop3A_87 : i32 to index
      %parallel_loop3A_89 = tpu.vector_load %arg10[%parallel_loop3A_88] {strides = array<i32>} : memref<65536xf32, #tpu.memory_space<vmem>>, vector<16xf32>,
      tpu.vector_store %arg10[%parallel_loop3A_88], %broadcast_in_dim3A_0 {strides = array<i32>} : memref<65536xf32, #tpu.memory_space<vmem>>, vector<16xf32>,
      %parallel_loop3A_90 = arith.constant 8 : i32
      %parallel_loop3A_91 = arith.muli %parallel_loop3A_41, %parallel_loop3A_90 : i32
      %parallel_loop3A_92 = arith.constant 6 : i32
      %parallel_loop3A_93 = arith.addi %parallel_loop3A_91, %parallel_loop3A_92 : i32
      %parallel_loop3A_94 = arith.constant 16 : i32
      %parallel_loop3A_95 = arith.muli %parallel_loop3A_93, %parallel_loop3A_94 : i32
      %parallel_loop3A_96 = arith.index_cast %parallel_loop3A_95 : i32 to index
      %parallel_loop3A_97 = tpu.vector_load %arg10[%parallel_loop3A_96] {strides = array<i32>} : memref<65536xf32, #tpu.memory_space<vmem>>, vector<16xf32>,
      tpu.vector_store %arg10[%parallel_loop3A_96], %broadcast_in_dim3A_0 {strides = array<i32>} : memref<65536xf32, #tpu.memory_space<vmem>>, vector<16xf32>,
      %parallel_loop3A_98 = arith.constant 8 : i32
      %parallel_loop3A_99 = arith.muli %parallel_loop3A_41, %parallel_loop3A_98 : i32
      %parallel_loop3A_100 = arith.constant 7 : i32
      %parallel_loop3A_101 = arith.addi %parallel_loop3A_99, %parallel_loop3A_100 : i32
      %parallel_loop3A_102 = arith.constant 16 : i32
      %parallel_loop3A_103 = arith.muli %parallel_loop3A_101, %parallel_loop3A_102 : i32
      %parallel_loop3A_104 = arith.index_cast %parallel_loop3A_103 : i32 to index
      %parallel_loop3A_105 = tpu.vector_load %arg10[%parallel_loop3A_104] {strides = array<i32>} : memref<65536xf32, #tpu.memory_space<vmem>>, vector<16xf32>,
      tpu.vector_store %arg10[%parallel_loop3A_104], %broadcast_in_dim3A_0 {strides = array<i32>} : memref<65536xf32, #tpu.memory_space<vmem>>, vector<16xf32>,
    } {sc.loop_unroll_factor = 4 : i64, sc.parallel_access}
    %dma_start3A = arith.constant 0 : i32
    %dma_start3A_3 = arith.constant 0 : i32
    %dma_start3A_4 = arith.constant 0 : i32
    %dma_start3A_5 = tpu.memref_slice %arg6[%dma_start3A, %dma_start3A_3, %dma_start3A_4] : memref<2x16x128xi32, #tpu.memory_space<vmem>> -> memref<1x16x128xi32, #tpu.memory_space<vmem>>
    %dma_start3A_6 = tpu.memref_squeeze %dma_start3A_5 : memref<1x16x128xi32, #tpu.memory_space<vmem>> -> memref<16x128xi32, #tpu.memory_space<vmem>>
    %dma_start3A_7 = arith.constant 0 : i32
    %dma_start3A_8 = arith.constant 0 : i32
    %dma_start3A_9 = tpu.memref_slice %arg2[%arg0, %dma_start3A_7, %dma_start3A_8] : memref<2x800x128xi32, #tpu.memory_space<hbm>> -> memref<1x16x128xi32, #tpu.memory_space<hbm>>
    %dma_start3A_10 = tpu.memref_squeeze %dma_start3A_9 : memref<1x16x128xi32, #tpu.memory_space<hbm>> -> memref<16x128xi32, #tpu.memory_space<hbm>>
    %dma_start3A_11 = arith.constant 0 : i32
    %dma_start3A_12 = arith.constant 0 : i32
    %dma_start3A_13 = tpu.memref_slice %arg6[%dma_start3A, %dma_start3A_11, %dma_start3A_12] : memref<2x16x128xi32, #tpu.memory_space<vmem>> -> memref<1x16x128xi32, #tpu.memory_space<vmem>>
    %dma_start3A_14 = tpu.memref_squeeze %dma_start3A_13 : memref<1x16x128xi32, #tpu.memory_space<vmem>> -> memref<16x128xi32, #tpu.memory_space<vmem>>
    %dma_start3A_15 = arith.constant 0 : i32
    %dma_start3A_16 = arith.constant 0 : i32
    %dma_start3A_17 = tpu.memref_slice %arg2[%arg0, %dma_start3A_15, %dma_start3A_16] : memref<2x800x128xi32, #tpu.memory_space<hbm>> -> memref<1x16x128xi32, #tpu.memory_space<hbm>>
    %dma_start3A_18 = tpu.memref_squeeze %dma_start3A_17 : memref<1x16x128xi32, #tpu.memory_space<hbm>> -> memref<16x128xi32, #tpu.memory_space<hbm>>
    tpu.enqueue_dma source(%dma_start3A_18 : memref<16x128xi32, #tpu.memory_space<hbm>>) target(%dma_start3A_14 : memref<16x128xi32, #tpu.memory_space<vmem>>) target_semaphore(%arg12 : memref<!tpu.dma_semaphore, #tpu.memory_space<semaphore_mem>>)
    %dma_start3A_19 = arith.constant 0 : i32
    %dma_start3A_20 = arith.constant 0 : i32
    %dma_start3A_21 = arith.constant 0 : i32
    %dma_start3A_22 = tpu.memref_slice %arg7[%dma_start3A_19, %dma_start3A_20, %dma_start3A_21] : memref<2x16x128xi32, #tpu.memory_space<vmem>> -> memref<1x16x128xi32, #tpu.memory_space<vmem>>
    %dma_start3A_23 = tpu.memref_squeeze %dma_start3A_22 : memref<1x16x128xi32, #tpu.memory_space<vmem>> -> memref<16x128xi32, #tpu.memory_space<vmem>>
    %dma_start3A_24 = arith.constant 0 : i32
    %dma_start3A_25 = arith.constant 0 : i32
    %dma_start3A_26 = tpu.memref_slice %arg3[%arg0, %dma_start3A_24, %dma_start3A_25] : memref<2x800x128xi32, #tpu.memory_space<hbm>> -> memref<1x16x128xi32, #tpu.memory_space<hbm>>
    %dma_start3A_27 = tpu.memref_squeeze %dma_start3A_26 : memref<1x16x128xi32, #tpu.memory_space<hbm>> -> memref<16x128xi32, #tpu.memory_space<hbm>>
    %dma_start3A_28 = arith.constant 0 : i32
    %dma_start3A_29 = arith.constant 0 : i32
    %dma_start3A_30 = tpu.memref_slice %arg7[%dma_start3A_19, %dma_start3A_28, %dma_start3A_29] : memref<2x16x128xi32, #tpu.memory_space<vmem>> -> memref<1x16x128xi32, #tpu.memory_space<vmem>>
    %dma_start3A_31 = tpu.memref_squeeze %dma_start3A_30 : memref<1x16x128xi32, #tpu.memory_space<vmem>> -> memref<16x128xi32, #tpu.memory_space<vmem>>
    %dma_start3A_32 = arith.constant 0 : i32
    %dma_start3A_33 = arith.constant 0 : i32
    %dma_start3A_34 = tpu.memref_slice %arg3[%arg0, %dma_start3A_32, %dma_start3A_33] : memref<2x800x128xi32, #tpu.memory_space<hbm>> -> memref<1x16x128xi32, #tpu.memory_space<hbm>>
    %dma_start3A_35 = tpu.memref_squeeze %dma_start3A_34 : memref<1x16x128xi32, #tpu.memory_space<hbm>> -> memref<16x128xi32, #tpu.memory_space<hbm>>
    tpu.enqueue_dma source(%dma_start3A_35 : memref<16x128xi32, #tpu.memory_space<hbm>>) target(%dma_start3A_31 : memref<16x128xi32, #tpu.memory_space<vmem>>) target_semaphore(%arg12 : memref<!tpu.dma_semaphore, #tpu.memory_space<semaphore_mem>>)
    %scan3A = arith.constant 0 : i32
    %scan3A_36 = arith.constant 0 : i32
    %scan3A_37 = arith.constant 25 : i32
    %scan3A_38 = arith.addi %scan3A_36, %scan3A_37 : i32
    %scan3A_39 = arith.constant 1 : i32
    scf.for %scan3A_41 = %scan3A_36 to %scan3A_38 step %scan3A_39  : i32 {
      %mul3A = arith.constant 2 : i32
      %mul3A_42 = arith.muli %scan3A_41, %mul3A : i32
      %add3A = arith.constant 0 : i32
      %add3A_43 = arith.addi %mul3A_42, %add3A : i32
      %dma_wait3A = arith.constant 0 : i32
      %dma_wait3A_44 = arith.constant 0 : i32
      %dma_wait3A_45 = arith.constant 0 : i32
      %dma_wait3A_46 = tpu.memref_slice %arg6[%dma_wait3A, %dma_wait3A_44, %dma_wait3A_45] : memref<2x16x128xi32, #tpu.memory_space<vmem>> -> memref<1x16x128xi32, #tpu.memory_space<vmem>>
      %dma_wait3A_47 = tpu.memref_squeeze %dma_wait3A_46 : memref<1x16x128xi32, #tpu.memory_space<vmem>> -> memref<16x128xi32, #tpu.memory_space<vmem>>
      %dma_wait3A_48 = arith.constant 0 : i32
      %dma_wait3A_49 = arith.constant 0 : i32
      %dma_wait3A_50 = tpu.memref_slice %arg2[%arg0, %dma_wait3A_48, %dma_wait3A_49] : memref<2x800x128xi32, #tpu.memory_space<hbm>> -> memref<1x16x128xi32, #tpu.memory_space<hbm>>
      %dma_wait3A_51 = tpu.memref_squeeze %dma_wait3A_50 : memref<1x16x128xi32, #tpu.memory_space<hbm>> -> memref<16x128xi32, #tpu.memory_space<hbm>>
      %dma_wait3A_52 = arith.constant 0 : i32
      %dma_wait3A_53 = arith.constant 0 : i32
      %dma_wait3A_54 = tpu.memref_slice %arg6[%dma_wait3A, %dma_wait3A_52, %dma_wait3A_53] : memref<2x16x128xi32, #tpu.memory_space<vmem>> -> memref<1x16x128xi32, #tpu.memory_space<vmem>>
      %dma_wait3A_55 = tpu.memref_squeeze %dma_wait3A_54 : memref<1x16x128xi32, #tpu.memory_space<vmem>> -> memref<16x128xi32, #tpu.memory_space<vmem>>
      %dma_wait3A_56 = arith.constant 0 : i32
      %dma_wait3A_57 = arith.constant 0 : i32
      %dma_wait3A_58 = tpu.memref_slice %arg2[%arg0, %dma_wait3A_56, %dma_wait3A_57] : memref<2x800x128xi32, #tpu.memory_space<hbm>> -> memref<1x16x128xi32, #tpu.memory_space<hbm>>
      %dma_wait3A_59 = tpu.memref_squeeze %dma_wait3A_58 : memref<1x16x128xi32, #tpu.memory_space<hbm>> -> memref<16x128xi32, #tpu.memory_space<hbm>>
      tpu.wait_dma2 semaphore(%arg12 : memref<!tpu.dma_semaphore, #tpu.memory_space<semaphore_mem>>) src(%dma_wait3A_59 : memref<16x128xi32, #tpu.memory_space<hbm>>) dst(%dma_wait3A_55 : memref<16x128xi32, #tpu.memory_space<vmem>>)
      %dma_wait3A_60 = arith.constant 0 : i32
      %dma_wait3A_61 = arith.constant 0 : i32
      %dma_wait3A_62 = arith.constant 0 : i32
      %dma_wait3A_63 = tpu.memref_slice %arg7[%dma_wait3A_60, %dma_wait3A_61, %dma_wait3A_62] : memref<2x16x128xi32, #tpu.memory_space<vmem>> -> memref<1x16x128xi32, #tpu.memory_space<vmem>>
      %dma_wait3A_64 = tpu.memref_squeeze %dma_wait3A_63 : memref<1x16x128xi32, #tpu.memory_space<vmem>> -> memref<16x128xi32, #tpu.memory_space<vmem>>
      %dma_wait3A_65 = arith.constant 0 : i32
      %dma_wait3A_66 = arith.constant 0 : i32
      %dma_wait3A_67 = tpu.memref_slice %arg3[%arg0, %dma_wait3A_65, %dma_wait3A_66] : memref<2x800x128xi32, #tpu.memory_space<hbm>> -> memref<1x16x128xi32, #tpu.memory_space<hbm>>
      %dma_wait3A_68 = tpu.memref_squeeze %dma_wait3A_67 : memref<1x16x128xi32, #tpu.memory_space<hbm>> -> memref<16x128xi32, #tpu.memory_space<hbm>>
      %dma_wait3A_69 = arith.constant 0 : i32
      %dma_wait3A_70 = arith.constant 0 : i32
      %dma_wait3A_71 = tpu.memref_slice %arg7[%dma_wait3A_60, %dma_wait3A_69, %dma_wait3A_70] : memref<2x16x128xi32, #tpu.memory_space<vmem>> -> memref<1x16x128xi32, #tpu.memory_space<vmem>>
      %dma_wait3A_72 = tpu.memref_squeeze %dma_wait3A_71 : memref<1x16x128xi32, #tpu.memory_space<vmem>> -> memref<16x128xi32, #tpu.memory_space<vmem>>
      %dma_wait3A_73 = arith.constant 0 : i32
      %dma_wait3A_74 = arith.constant 0 : i32
      %dma_wait3A_75 = tpu.memref_slice %arg3[%arg0, %dma_wait3A_73, %dma_wait3A_74] : memref<2x800x128xi32, #tpu.memory_space<hbm>> -> memref<1x16x128xi32, #tpu.memory_space<hbm>>
      %dma_wait3A_76 = tpu.memref_squeeze %dma_wait3A_75 : memref<1x16x128xi32, #tpu.memory_space<hbm>> -> memref<16x128xi32, #tpu.memory_space<hbm>>
      tpu.wait_dma2 semaphore(%arg12 : memref<!tpu.dma_semaphore, #tpu.memory_space<semaphore_mem>>) src(%dma_wait3A_76 : memref<16x128xi32, #tpu.memory_space<hbm>>) dst(%dma_wait3A_72 : memref<16x128xi32, #tpu.memory_space<vmem>>)
      %add3A_77 = arith.constant 1 : i32
      %add3A_78 = arith.addi %add3A_43, %add3A_77 : i32
      %lt3A = arith.constant 50 : i32
      %lt3A_79 = arith.cmpi slt, %add3A_78, %lt3A : i32
      %convert_element_type3A = arith.extui %lt3A_79 : i1 to i32
      %cond3A = arith.constant 0 : i32
      %cond3A_80 = arith.cmpi ne, %convert_element_type3A, %cond3A : i32
      scf.if %cond3A_80 {
        %add3A_464 = arith.constant 1 : i32
        %add3A_465 = arith.addi %add3A_43, %add3A_464 : i32
        %mul3A_466 = arith.constant 16 : i32
        %mul3A_467 = arith.muli %add3A_465, %mul3A_466 : i32
        %dma_start3A_468 = arith.constant 1 : i32
        %dma_start3A_469 = arith.constant 0 : i32
        %dma_start3A_470 = arith.constant 0 : i32
        %dma_start3A_471 = tpu.memref_slice %arg6[%dma_start3A_468, %dma_start3A_469, %dma_start3A_470] : memref<2x16x128xi32, #tpu.memory_space<vmem>> -> memref<1x16x128xi32, #tpu.memory_space<vmem>>
        %dma_start3A_472 = tpu.memref_squeeze %dma_start3A_471 : memref<1x16x128xi32, #tpu.memory_space<vmem>> -> memref<16x128xi32, #tpu.memory_space<vmem>>
        %dma_start3A_473 = arith.constant 0 : i32
        %dma_start3A_474 = tpu.memref_slice %arg2[%arg0, %mul3A_467, %dma_start3A_473] : memref<2x800x128xi32, #tpu.memory_space<hbm>> -> memref<1x16x128xi32, #tpu.memory_space<hbm>>
        %dma_start3A_475 = tpu.memref_squeeze %dma_start3A_474 : memref<1x16x128xi32, #tpu.memory_space<hbm>> -> memref<16x128xi32, #tpu.memory_space<hbm>>
        %dma_start3A_476 = arith.constant 0 : i32
        %dma_start3A_477 = arith.constant 0 : i32
        %dma_start3A_478 = tpu.memref_slice %arg6[%dma_start3A_468, %dma_start3A_476, %dma_start3A_477] : memref<2x16x128xi32, #tpu.memory_space<vmem>> -> memref<1x16x128xi32, #tpu.memory_space<vmem>>
        %dma_start3A_479 = tpu.memref_squeeze %dma_start3A_478 : memref<1x16x128xi32, #tpu.memory_space<vmem>> -> memref<16x128xi32, #tpu.memory_space<vmem>>
        %dma_start3A_480 = arith.constant 0 : i32
        %dma_start3A_481 = tpu.memref_slice %arg2[%arg0, %mul3A_467, %dma_start3A_480] : memref<2x800x128xi32, #tpu.memory_space<hbm>> -> memref<1x16x128xi32, #tpu.memory_space<hbm>>
        %dma_start3A_482 = tpu.memref_squeeze %dma_start3A_481 : memref<1x16x128xi32, #tpu.memory_space<hbm>> -> memref<16x128xi32, #tpu.memory_space<hbm>>
        tpu.enqueue_dma source(%dma_start3A_482 : memref<16x128xi32, #tpu.memory_space<hbm>>) target(%dma_start3A_479 : memref<16x128xi32, #tpu.memory_space<vmem>>) target_semaphore(%arg12 : memref<!tpu.dma_semaphore, #tpu.memory_space<semaphore_mem>>)
        %mul3A_483 = arith.constant 16 : i32
        %mul3A_484 = arith.muli %add3A_465, %mul3A_483 : i32
        %dma_start3A_485 = arith.constant 1 : i32
        %dma_start3A_486 = arith.constant 0 : i32
        %dma_start3A_487 = arith.constant 0 : i32
        %dma_start3A_488 = tpu.memref_slice %arg7[%dma_start3A_485, %dma_start3A_486, %dma_start3A_487] : memref<2x16x128xi32, #tpu.memory_space<vmem>> -> memref<1x16x128xi32, #tpu.memory_space<vmem>>
        %dma_start3A_489 = tpu.memref_squeeze %dma_start3A_488 : memref<1x16x128xi32, #tpu.memory_space<vmem>> -> memref<16x128xi32, #tpu.memory_space<vmem>>
        %dma_start3A_490 = arith.constant 0 : i32
        %dma_start3A_491 = tpu.memref_slice %arg3[%arg0, %mul3A_484, %dma_start3A_490] : memref<2x800x128xi32, #tpu.memory_space<hbm>> -> memref<1x16x128xi32, #tpu.memory_space<hbm>>
        %dma_start3A_492 = tpu.memref_squeeze %dma_start3A_491 : memref<1x16x128xi32, #tpu.memory_space<hbm>> -> memref<16x128xi32, #tpu.memory_space<hbm>>
        %dma_start3A_493 = arith.constant 0 : i32
        %dma_start3A_494 = arith.constant 0 : i32
        %dma_start3A_495 = tpu.memref_slice %arg7[%dma_start3A_485, %dma_start3A_493, %dma_start3A_494] : memref<2x16x128xi32, #tpu.memory_space<vmem>> -> memref<1x16x128xi32, #tpu.memory_space<vmem>>
        %dma_start3A_496 = tpu.memref_squeeze %dma_start3A_495 : memref<1x16x128xi32, #tpu.memory_space<vmem>> -> memref<16x128xi32, #tpu.memory_space<vmem>>
        %dma_start3A_497 = arith.constant 0 : i32
        %dma_start3A_498 = tpu.memref_slice %arg3[%arg0, %mul3A_484, %dma_start3A_497] : memref<2x800x128xi32, #tpu.memory_space<hbm>> -> memref<1x16x128xi32, #tpu.memory_space<hbm>>
        %dma_start3A_499 = tpu.memref_squeeze %dma_start3A_498 : memref<1x16x128xi32, #tpu.memory_space<hbm>> -> memref<16x128xi32, #tpu.memory_space<hbm>>
        tpu.enqueue_dma source(%dma_start3A_499 : memref<16x128xi32, #tpu.memory_space<hbm>>) target(%dma_start3A_496 : memref<16x128xi32, #tpu.memory_space<vmem>>) target_semaphore(%arg12 : memref<!tpu.dma_semaphore, #tpu.memory_space<semaphore_mem>>)
      } else {
      }
      %parallel_loop3A_81 = arith.constant 0 : i32
      %parallel_loop3A_82 = arith.constant 16 : i32
      %parallel_loop3A_83 = arith.constant 1 : i32
      scf.for %parallel_loop3A_464 = %parallel_loop3A_81 to %parallel_loop3A_82 step %parallel_loop3A_83  : i32 {
        %parallel_loop3A_465 = arith.constant 0 : i32
        %parallel_loop3A_466 = arith.index_cast %parallel_loop3A_465 : i32 to index
        %parallel_loop3A_467 = arith.index_cast %parallel_loop3A_464 : i32 to index
        %parallel_loop3A_468 = arith.constant 0 : index
        %parallel_loop3A_469 = tpu.vector_load %arg7[%parallel_loop3A_466, %parallel_loop3A_467, %parallel_loop3A_468] {strides = array<i32>} : memref<2x16x128xi32, #tpu.memory_space<vmem>>, vector<16xi32>,
        %parallel_loop3A_470 = arith.constant 16 : i32
        %parallel_loop3A_471 = vector.broadcast %parallel_loop3A_470 : i32 to vector<16xi32>
        %parallel_loop3A_472 = arith.muli %parallel_loop3A_469, %parallel_loop3A_471 : vector<16xi32>
        %parallel_loop3A_473 = vector.broadcast %arg1 : i32 to vector<16xi32>
        %parallel_loop3A_474 = arith.addi %parallel_loop3A_472, %parallel_loop3A_473 : vector<16xi32>
        %parallel_loop3A_475 = arith.index_cast %parallel_loop3A_464 : i32 to index
        %parallel_loop3A_476 = arith.constant 0 : index
        %parallel_loop3A_477 = tpu.vector_load %arg8[%parallel_loop3A_475, %parallel_loop3A_476] {strides = array<i32>} : memref<16x128xi32, #tpu.memory_space<vmem>>, vector<16xi32>,
        tpu.vector_store %arg8[%parallel_loop3A_475, %parallel_loop3A_476], %parallel_loop3A_474 {strides = array<i32>} : memref<16x128xi32, #tpu.memory_space<vmem>>, vector<16xi32>,
        %parallel_loop3A_478 = arith.constant 0 : i32
        %parallel_loop3A_479 = arith.index_cast %parallel_loop3A_478 : i32 to index
        %parallel_loop3A_480 = arith.index_cast %parallel_loop3A_464 : i32 to index
        %parallel_loop3A_481 = arith.constant 16 : index
        %parallel_loop3A_482 = tpu.vector_load %arg7[%parallel_loop3A_479, %parallel_loop3A_480, %parallel_loop3A_481] {strides = array<i32>} : memref<2x16x128xi32, #tpu.memory_space<vmem>>, vector<16xi32>,
        %parallel_loop3A_483 = arith.constant 16 : i32
        %parallel_loop3A_484 = vector.broadcast %parallel_loop3A_483 : i32 to vector<16xi32>
        %parallel_loop3A_485 = arith.muli %parallel_loop3A_482, %parallel_loop3A_484 : vector<16xi32>
        %parallel_loop3A_486 = vector.broadcast %arg1 : i32 to vector<16xi32>
        %parallel_loop3A_487 = arith.addi %parallel_loop3A_485, %parallel_loop3A_486 : vector<16xi32>
        %parallel_loop3A_488 = arith.index_cast %parallel_loop3A_464 : i32 to index
        %parallel_loop3A_489 = arith.constant 16 : index
        %parallel_loop3A_490 = tpu.vector_load %arg8[%parallel_loop3A_488, %parallel_loop3A_489] {strides = array<i32>} : memref<16x128xi32, #tpu.memory_space<vmem>>, vector<16xi32>,
        tpu.vector_store %arg8[%parallel_loop3A_488, %parallel_loop3A_489], %parallel_loop3A_487 {strides = array<i32>} : memref<16x128xi32, #tpu.memory_space<vmem>>, vector<16xi32>,
        %parallel_loop3A_491 = arith.constant 0 : i32
        %parallel_loop3A_492 = arith.index_cast %parallel_loop3A_491 : i32 to index
        %parallel_loop3A_493 = arith.index_cast %parallel_loop3A_464 : i32 to index
        %parallel_loop3A_494 = arith.constant 32 : index
        %parallel_loop3A_495 = tpu.vector_load %arg7[%parallel_loop3A_492, %parallel_loop3A_493, %parallel_loop3A_494] {strides = array<i32>} : memref<2x16x128xi32, #tpu.memory_space<vmem>>, vector<16xi32>,
        %parallel_loop3A_496 = arith.constant 16 : i32
        %parallel_loop3A_497 = vector.broadcast %parallel_loop3A_496 : i32 to vector<16xi32>
        %parallel_loop3A_498 = arith.muli %parallel_loop3A_495, %parallel_loop3A_497 : vector<16xi32>
        %parallel_loop3A_499 = vector.broadcast %arg1 : i32 to vector<16xi32>
        %parallel_loop3A_500 = arith.addi %parallel_loop3A_498, %parallel_loop3A_499 : vector<16xi32>
        %parallel_loop3A_501 = arith.index_cast %parallel_loop3A_464 : i32 to index
        %parallel_loop3A_502 = arith.constant 32 : index
        %parallel_loop3A_503 = tpu.vector_load %arg8[%parallel_loop3A_501, %parallel_loop3A_502] {strides = array<i32>} : memref<16x128xi32, #tpu.memory_space<vmem>>, vector<16xi32>,
        tpu.vector_store %arg8[%parallel_loop3A_501, %parallel_loop3A_502], %parallel_loop3A_500 {strides = array<i32>} : memref<16x128xi32, #tpu.memory_space<vmem>>, vector<16xi32>,
        %parallel_loop3A_504 = arith.constant 0 : i32
        %parallel_loop3A_505 = arith.index_cast %parallel_loop3A_504 : i32 to index
        %parallel_loop3A_506 = arith.index_cast %parallel_loop3A_464 : i32 to index
        %parallel_loop3A_507 = arith.constant 48 : index
        %parallel_loop3A_508 = tpu.vector_load %arg7[%parallel_loop3A_505, %parallel_loop3A_506, %parallel_loop3A_507] {strides = array<i32>} : memref<2x16x128xi32, #tpu.memory_space<vmem>>, vector<16xi32>,
        %parallel_loop3A_509 = arith.constant 16 : i32
        %parallel_loop3A_510 = vector.broadcast %parallel_loop3A_509 : i32 to vector<16xi32>
        %parallel_loop3A_511 = arith.muli %parallel_loop3A_508, %parallel_loop3A_510 : vector<16xi32>
        %parallel_loop3A_512 = vector.broadcast %arg1 : i32 to vector<16xi32>
        %parallel_loop3A_513 = arith.addi %parallel_loop3A_511, %parallel_loop3A_512 : vector<16xi32>
        %parallel_loop3A_514 = arith.index_cast %parallel_loop3A_464 : i32 to index
        %parallel_loop3A_515 = arith.constant 48 : index
        %parallel_loop3A_516 = tpu.vector_load %arg8[%parallel_loop3A_514, %parallel_loop3A_515] {strides = array<i32>} : memref<16x128xi32, #tpu.memory_space<vmem>>, vector<16xi32>,
        tpu.vector_store %arg8[%parallel_loop3A_514, %parallel_loop3A_515], %parallel_loop3A_513 {strides = array<i32>} : memref<16x128xi32, #tpu.memory_space<vmem>>, vector<16xi32>,
        %parallel_loop3A_517 = arith.constant 0 : i32
        %parallel_loop3A_518 = arith.index_cast %parallel_loop3A_517 : i32 to index
        %parallel_loop3A_519 = arith.index_cast %parallel_loop3A_464 : i32 to index
        %parallel_loop3A_520 = arith.constant 64 : index
        %parallel_loop3A_521 = tpu.vector_load %arg7[%parallel_loop3A_518, %parallel_loop3A_519, %parallel_loop3A_520] {strides = array<i32>} : memref<2x16x128xi32, #tpu.memory_space<vmem>>, vector<16xi32>,
        %parallel_loop3A_522 = arith.constant 16 : i32
        %parallel_loop3A_523 = vector.broadcast %parallel_loop3A_522 : i32 to vector<16xi32>
        %parallel_loop3A_524 = arith.muli %parallel_loop3A_521, %parallel_loop3A_523 : vector<16xi32>
        %parallel_loop3A_525 = vector.broadcast %arg1 : i32 to vector<16xi32>
        %parallel_loop3A_526 = arith.addi %parallel_loop3A_524, %parallel_loop3A_525 : vector<16xi32>
        %parallel_loop3A_527 = arith.index_cast %parallel_loop3A_464 : i32 to index
        %parallel_loop3A_528 = arith.constant 64 : index
        %parallel_loop3A_529 = tpu.vector_load %arg8[%parallel_loop3A_527, %parallel_loop3A_528] {strides = array<i32>} : memref<16x128xi32, #tpu.memory_space<vmem>>, vector<16xi32>,
        tpu.vector_store %arg8[%parallel_loop3A_527, %parallel_loop3A_528], %parallel_loop3A_526 {strides = array<i32>} : memref<16x128xi32, #tpu.memory_space<vmem>>, vector<16xi32>,
        %parallel_loop3A_530 = arith.constant 0 : i32
        %parallel_loop3A_531 = arith.index_cast %parallel_loop3A_530 : i32 to index
        %parallel_loop3A_532 = arith.index_cast %parallel_loop3A_464 : i32 to index
        %parallel_loop3A_533 = arith.constant 80 : index
        %parallel_loop3A_534 = tpu.vector_load %arg7[%parallel_loop3A_531, %parallel_loop3A_532, %parallel_loop3A_533] {strides = array<i32>} : memref<2x16x128xi32, #tpu.memory_space<vmem>>, vector<16xi32>,
        %parallel_loop3A_535 = arith.constant 16 : i32
        %parallel_loop3A_536 = vector.broadcast %parallel_loop3A_535 : i32 to vector<16xi32>
        %parallel_loop3A_537 = arith.muli %parallel_loop3A_534, %parallel_loop3A_536 : vector<16xi32>
        %parallel_loop3A_538 = vector.broadcast %arg1 : i32 to vector<16xi32>
        %parallel_loop3A_539 = arith.addi %parallel_loop3A_537, %parallel_loop3A_538 : vector<16xi32>
        %parallel_loop3A_540 = arith.index_cast %parallel_loop3A_464 : i32 to index
        %parallel_loop3A_541 = arith.constant 80 : index
        %parallel_loop3A_542 = tpu.vector_load %arg8[%parallel_loop3A_540, %parallel_loop3A_541] {strides = array<i32>} : memref<16x128xi32, #tpu.memory_space<vmem>>, vector<16xi32>,
        tpu.vector_store %arg8[%parallel_loop3A_540, %parallel_loop3A_541], %parallel_loop3A_539 {strides = array<i32>} : memref<16x128xi32, #tpu.memory_space<vmem>>, vector<16xi32>,
        %parallel_loop3A_543 = arith.constant 0 : i32
        %parallel_loop3A_544 = arith.index_cast %parallel_loop3A_543 : i32 to index
        %parallel_loop3A_545 = arith.index_cast %parallel_loop3A_464 : i32 to index
        %parallel_loop3A_546 = arith.constant 96 : index
        %parallel_loop3A_547 = tpu.vector_load %arg7[%parallel_loop3A_544, %parallel_loop3A_545, %parallel_loop3A_546] {strides = array<i32>} : memref<2x16x128xi32, #tpu.memory_space<vmem>>, vector<16xi32>,
        %parallel_loop3A_548 = arith.constant 16 : i32
        %parallel_loop3A_549 = vector.broadcast %parallel_loop3A_548 : i32 to vector<16xi32>
        %parallel_loop3A_550 = arith.muli %parallel_loop3A_547, %parallel_loop3A_549 : vector<16xi32>
        %parallel_loop3A_551 = vector.broadcast %arg1 : i32 to vector<16xi32>
        %parallel_loop3A_552 = arith.addi %parallel_loop3A_550, %parallel_loop3A_551 : vector<16xi32>
        %parallel_loop3A_553 = arith.index_cast %parallel_loop3A_464 : i32 to index
        %parallel_loop3A_554 = arith.constant 96 : index
        %parallel_loop3A_555 = tpu.vector_load %arg8[%parallel_loop3A_553, %parallel_loop3A_554] {strides = array<i32>} : memref<16x128xi32, #tpu.memory_space<vmem>>, vector<16xi32>,
        tpu.vector_store %arg8[%parallel_loop3A_553, %parallel_loop3A_554], %parallel_loop3A_552 {strides = array<i32>} : memref<16x128xi32, #tpu.memory_space<vmem>>, vector<16xi32>,
        %parallel_loop3A_556 = arith.constant 0 : i32
        %parallel_loop3A_557 = arith.index_cast %parallel_loop3A_556 : i32 to index
        %parallel_loop3A_558 = arith.index_cast %parallel_loop3A_464 : i32 to index
        %parallel_loop3A_559 = arith.constant 112 : index
        %parallel_loop3A_560 = tpu.vector_load %arg7[%parallel_loop3A_557, %parallel_loop3A_558, %parallel_loop3A_559] {strides = array<i32>} : memref<2x16x128xi32, #tpu.memory_space<vmem>>, vector<16xi32>,
        %parallel_loop3A_561 = arith.constant 16 : i32
        %parallel_loop3A_562 = vector.broadcast %parallel_loop3A_561 : i32 to vector<16xi32>
        %parallel_loop3A_563 = arith.muli %parallel_loop3A_560, %parallel_loop3A_562 : vector<16xi32>
        %parallel_loop3A_564 = vector.broadcast %arg1 : i32 to vector<16xi32>
        %parallel_loop3A_565 = arith.addi %parallel_loop3A_563, %parallel_loop3A_564 : vector<16xi32>
        %parallel_loop3A_566 = arith.index_cast %parallel_loop3A_464 : i32 to index
        %parallel_loop3A_567 = arith.constant 112 : index
        %parallel_loop3A_568 = tpu.vector_load %arg8[%parallel_loop3A_566, %parallel_loop3A_567] {strides = array<i32>} : memref<16x128xi32, #tpu.memory_space<vmem>>, vector<16xi32>,
        tpu.vector_store %arg8[%parallel_loop3A_566, %parallel_loop3A_567], %parallel_loop3A_565 {strides = array<i32>} : memref<16x128xi32, #tpu.memory_space<vmem>>, vector<16xi32>,
      } {sc.loop_unroll_factor = 2 : i64, sc.parallel_access}
      %dma_start3A_84 = arith.constant 0 : i32
      %dma_start3A_85 = arith.constant 0 : i32
      %dma_start3A_86 = arith.constant 0 : i32
      %dma_start3A_87 = tpu.memref_slice %arg9[%dma_start3A_85, %dma_start3A_86] : memref<2048x16xf32, #tpu.memory_space<vmem>> -> memref<128x16xf32, #tpu.memory_space<vmem>>
      %dma_start3A_88 = arith.constant 0 : i32
      %dma_start3A_89 = tpu.memref_slice %arg8[%dma_start3A_84, %dma_start3A_88] : memref<16x128xi32, #tpu.memory_space<vmem>> -> memref<1x128xi32, #tpu.memory_space<vmem>>
      %dma_start3A_90 = tpu.memref_squeeze %dma_start3A_89 : memref<1x128xi32, #tpu.memory_space<vmem>> -> memref<128xi32, #tpu.memory_space<vmem>>
      %dma_start3A_91 = arith.constant 0 : i32
      %dma_start3A_92 = arith.constant 0 : i32
      %dma_start3A_93 = tpu.memref_slice %arg4[%dma_start3A_91, %dma_start3A_92] : memref<160000x16xf32, #tpu.memory_space<hbm>> -> memref<160000x16xf32, #tpu.memory_space<hbm>>
      tpu.enqueue_indirect_dma source(%dma_start3A_93 : memref<160000x16xf32, #tpu.memory_space<hbm>>) target(%dma_start3A_87 : memref<128x16xf32, #tpu.memory_space<vmem>>) offsets(%dma_start3A_90 : memref<128xi32, #tpu.memory_space<vmem>>) semaphore(%arg11 : memref<!tpu.dma_semaphore, #tpu.memory_space<semaphore_mem>>)
      %dma_start3A_94 = arith.constant 1 : i32
      %dma_start3A_95 = arith.constant 128 : i32
      %dma_start3A_96 = arith.constant 0 : i32
      %dma_start3A_97 = tpu.memref_slice %arg9[%dma_start3A_95, %dma_start3A_96] : memref<2048x16xf32, #tpu.memory_space<vmem>> -> memref<128x16xf32, #tpu.memory_space<vmem>>
      %dma_start3A_98 = arith.constant 0 : i32
      %dma_start3A_99 = tpu.memref_slice %arg8[%dma_start3A_94, %dma_start3A_98] : memref<16x128xi32, #tpu.memory_space<vmem>> -> memref<1x128xi32, #tpu.memory_space<vmem>>
      %dma_start3A_100 = tpu.memref_squeeze %dma_start3A_99 : memref<1x128xi32, #tpu.memory_space<vmem>> -> memref<128xi32, #tpu.memory_space<vmem>>
      %dma_start3A_101 = arith.constant 0 : i32
      %dma_start3A_102 = arith.constant 0 : i32
      %dma_start3A_103 = tpu.memref_slice %arg4[%dma_start3A_101, %dma_start3A_102] : memref<160000x16xf32, #tpu.memory_space<hbm>> -> memref<160000x16xf32, #tpu.memory_space<hbm>>
      tpu.enqueue_indirect_dma source(%dma_start3A_103 : memref<160000x16xf32, #tpu.memory_space<hbm>>) target(%dma_start3A_97 : memref<128x16xf32, #tpu.memory_space<vmem>>) offsets(%dma_start3A_100 : memref<128xi32, #tpu.memory_space<vmem>>) semaphore(%arg11 : memref<!tpu.dma_semaphore, #tpu.memory_space<semaphore_mem>>)
      %dma_start3A_104 = arith.constant 2 : i32
      %dma_start3A_105 = arith.constant 256 : i32
      %dma_start3A_106 = arith.constant 0 : i32
      %dma_start3A_107 = tpu.memref_slice %arg9[%dma_start3A_105, %dma_start3A_106] : memref<2048x16xf32, #tpu.memory_space<vmem>> -> memref<128x16xf32, #tpu.memory_space<vmem>>
      %dma_start3A_108 = arith.constant 0 : i32
      %dma_start3A_109 = tpu.memref_slice %arg8[%dma_start3A_104, %dma_start3A_108] : memref<16x128xi32, #tpu.memory_space<vmem>> -> memref<1x128xi32, #tpu.memory_space<vmem>>
      %dma_start3A_110 = tpu.memref_squeeze %dma_start3A_109 : memref<1x128xi32, #tpu.memory_space<vmem>> -> memref<128xi32, #tpu.memory_space<vmem>>
      %dma_start3A_111 = arith.constant 0 : i32
      %dma_start3A_112 = arith.constant 0 : i32
      %dma_start3A_113 = tpu.memref_slice %arg4[%dma_start3A_111, %dma_start3A_112] : memref<160000x16xf32, #tpu.memory_space<hbm>> -> memref<160000x16xf32, #tpu.memory_space<hbm>>
      tpu.enqueue_indirect_dma source(%dma_start3A_113 : memref<160000x16xf32, #tpu.memory_space<hbm>>) target(%dma_start3A_107 : memref<128x16xf32, #tpu.memory_space<vmem>>) offsets(%dma_start3A_110 : memref<128xi32, #tpu.memory_space<vmem>>) semaphore(%arg11 : memref<!tpu.dma_semaphore, #tpu.memory_space<semaphore_mem>>)
      %dma_start3A_114 = arith.constant 3 : i32
      %dma_start3A_115 = arith.constant 384 : i32
      %dma_start3A_116 = arith.constant 0 : i32
      %dma_start3A_117 = tpu.memref_slice %arg9[%dma_start3A_115, %dma_start3A_116] : memref<2048x16xf32, #tpu.memory_space<vmem>> -> memref<128x16xf32, #tpu.memory_space<vmem>>
      %dma_start3A_118 = arith.constant 0 : i32
      %dma_start3A_119 = tpu.memref_slice %arg8[%dma_start3A_114, %dma_start3A_118] : memref<16x128xi32, #tpu.memory_space<vmem>> -> memref<1x128xi32, #tpu.memory_space<vmem>>
      %dma_start3A_120 = tpu.memref_squeeze %dma_start3A_119 : memref<1x128xi32, #tpu.memory_space<vmem>> -> memref<128xi32, #tpu.memory_space<vmem>>
      %dma_start3A_121 = arith.constant 0 : i32
      %dma_start3A_122 = arith.constant 0 : i32
      %dma_start3A_123 = tpu.memref_slice %arg4[%dma_start3A_121, %dma_start3A_122] : memref<160000x16xf32, #tpu.memory_space<hbm>> -> memref<160000x16xf32, #tpu.memory_space<hbm>>
      tpu.enqueue_indirect_dma source(%dma_start3A_123 : memref<160000x16xf32, #tpu.memory_space<hbm>>) target(%dma_start3A_117 : memref<128x16xf32, #tpu.memory_space<vmem>>) offsets(%dma_start3A_120 : memref<128xi32, #tpu.memory_space<vmem>>) semaphore(%arg11 : memref<!tpu.dma_semaphore, #tpu.memory_space<semaphore_mem>>)
      %dma_start3A_124 = arith.constant 4 : i32
      %dma_start3A_125 = arith.constant 512 : i32
      %dma_start3A_126 = arith.constant 0 : i32
      %dma_start3A_127 = tpu.memref_slice %arg9[%dma_start3A_125, %dma_start3A_126] : memref<2048x16xf32, #tpu.memory_space<vmem>> -> memref<128x16xf32, #tpu.memory_space<vmem>>
      %dma_start3A_128 = arith.constant 0 : i32
      %dma_start3A_129 = tpu.memref_slice %arg8[%dma_start3A_124, %dma_start3A_128] : memref<16x128xi32, #tpu.memory_space<vmem>> -> memref<1x128xi32, #tpu.memory_space<vmem>>
      %dma_start3A_130 = tpu.memref_squeeze %dma_start3A_129 : memref<1x128xi32, #tpu.memory_space<vmem>> -> memref<128xi32, #tpu.memory_space<vmem>>
      %dma_start3A_131 = arith.constant 0 : i32
      %dma_start3A_132 = arith.constant 0 : i32
      %dma_start3A_133 = tpu.memref_slice %arg4[%dma_start3A_131, %dma_start3A_132] : memref<160000x16xf32, #tpu.memory_space<hbm>> -> memref<160000x16xf32, #tpu.memory_space<hbm>>
      tpu.enqueue_indirect_dma source(%dma_start3A_133 : memref<160000x16xf32, #tpu.memory_space<hbm>>) target(%dma_start3A_127 : memref<128x16xf32, #tpu.memory_space<vmem>>) offsets(%dma_start3A_130 : memref<128xi32, #tpu.memory_space<vmem>>) semaphore(%arg11 : memref<!tpu.dma_semaphore, #tpu.memory_space<semaphore_mem>>)
      %dma_start3A_134 = arith.constant 5 : i32
      %dma_start3A_135 = arith.constant 640 : i32
      %dma_start3A_136 = arith.constant 0 : i32
      %dma_start3A_137 = tpu.memref_slice %arg9[%dma_start3A_135, %dma_start3A_136] : memref<2048x16xf32, #tpu.memory_space<vmem>> -> memref<128x16xf32, #tpu.memory_space<vmem>>
      %dma_start3A_138 = arith.constant 0 : i32
      %dma_start3A_139 = tpu.memref_slice %arg8[%dma_start3A_134, %dma_start3A_138] : memref<16x128xi32, #tpu.memory_space<vmem>> -> memref<1x128xi32, #tpu.memory_space<vmem>>
      %dma_start3A_140 = tpu.memref_squeeze %dma_start3A_139 : memref<1x128xi32, #tpu.memory_space<vmem>> -> memref<128xi32, #tpu.memory_space<vmem>>
      %dma_start3A_141 = arith.constant 0 : i32
      %dma_start3A_142 = arith.constant 0 : i32
      %dma_start3A_143 = tpu.memref_slice %arg4[%dma_start3A_141, %dma_start3A_142] : memref<160000x16xf32, #tpu.memory_space<hbm>> -> memref<160000x16xf32, #tpu.memory_space<hbm>>
      tpu.enqueue_indirect_dma source(%dma_start3A_143 : memref<160000x16xf32, #tpu.memory_space<hbm>>) target(%dma_start3A_137 : memref<128x16xf32, #tpu.memory_space<vmem>>) offsets(%dma_start3A_140 : memref<128xi32, #tpu.memory_space<vmem>>) semaphore(%arg11 : memref<!tpu.dma_semaphore, #tpu.memory_space<semaphore_mem>>)
      %dma_start3A_144 = arith.constant 6 : i32
      %dma_start3A_145 = arith.constant 768 : i32
      %dma_start3A_146 = arith.constant 0 : i32
      %dma_start3A_147 = tpu.memref_slice %arg9[%dma_start3A_145, %dma_start3A_146] : memref<2048x16xf32, #tpu.memory_space<vmem>> -> memref<128x16xf32, #tpu.memory_space<vmem>>
      %dma_start3A_148 = arith.constant 0 : i32
      %dma_start3A_149 = tpu.memref_slice %arg8[%dma_start3A_144, %dma_start3A_148] : memref<16x128xi32, #tpu.memory_space<vmem>> -> memref<1x128xi32, #tpu.memory_space<vmem>>
      %dma_start3A_150 = tpu.memref_squeeze %dma_start3A_149 : memref<1x128xi32, #tpu.memory_space<vmem>> -> memref<128xi32, #tpu.memory_space<vmem>>
      %dma_start3A_151 = arith.constant 0 : i32
      %dma_start3A_152 = arith.constant 0 : i32
      %dma_start3A_153 = tpu.memref_slice %arg4[%dma_start3A_151, %dma_start3A_152] : memref<160000x16xf32, #tpu.memory_space<hbm>> -> memref<160000x16xf32, #tpu.memory_space<hbm>>
      tpu.enqueue_indirect_dma source(%dma_start3A_153 : memref<160000x16xf32, #tpu.memory_space<hbm>>) target(%dma_start3A_147 : memref<128x16xf32, #tpu.memory_space<vmem>>) offsets(%dma_start3A_150 : memref<128xi32, #tpu.memory_space<vmem>>) semaphore(%arg11 : memref<!tpu.dma_semaphore, #tpu.memory_space<semaphore_mem>>)
      %dma_start3A_154 = arith.constant 7 : i32
      %dma_start3A_155 = arith.constant 896 : i32
      %dma_start3A_156 = arith.constant 0 : i32
      %dma_start3A_157 = tpu.memref_slice %arg9[%dma_start3A_155, %dma_start3A_156] : memref<2048x16xf32, #tpu.memory_space<vmem>> -> memref<128x16xf32, #tpu.memory_space<vmem>>
      %dma_start3A_158 = arith.constant 0 : i32
      %dma_start3A_159 = tpu.memref_slice %arg8[%dma_start3A_154, %dma_start3A_158] : memref<16x128xi32, #tpu.memory_space<vmem>> -> memref<1x128xi32, #tpu.memory_space<vmem>>
      %dma_start3A_160 = tpu.memref_squeeze %dma_start3A_159 : memref<1x128xi32, #tpu.memory_space<vmem>> -> memref<128xi32, #tpu.memory_space<vmem>>
      %dma_start3A_161 = arith.constant 0 : i32
      %dma_start3A_162 = arith.constant 0 : i32
      %dma_start3A_163 = tpu.memref_slice %arg4[%dma_start3A_161, %dma_start3A_162] : memref<160000x16xf32, #tpu.memory_space<hbm>> -> memref<160000x16xf32, #tpu.memory_space<hbm>>
      tpu.enqueue_indirect_dma source(%dma_start3A_163 : memref<160000x16xf32, #tpu.memory_space<hbm>>) target(%dma_start3A_157 : memref<128x16xf32, #tpu.memory_space<vmem>>) offsets(%dma_start3A_160 : memref<128xi32, #tpu.memory_space<vmem>>) semaphore(%arg11 : memref<!tpu.dma_semaphore, #tpu.memory_space<semaphore_mem>>)
      %dma_start3A_164 = arith.constant 8 : i32
      %dma_start3A_165 = arith.constant 1024 : i32
      %dma_start3A_166 = arith.constant 0 : i32
      %dma_start3A_167 = tpu.memref_slice %arg9[%dma_start3A_165, %dma_start3A_166] : memref<2048x16xf32, #tpu.memory_space<vmem>> -> memref<128x16xf32, #tpu.memory_space<vmem>>
      %dma_start3A_168 = arith.constant 0 : i32
      %dma_start3A_169 = tpu.memref_slice %arg8[%dma_start3A_164, %dma_start3A_168] : memref<16x128xi32, #tpu.memory_space<vmem>> -> memref<1x128xi32, #tpu.memory_space<vmem>>
      %dma_start3A_170 = tpu.memref_squeeze %dma_start3A_169 : memref<1x128xi32, #tpu.memory_space<vmem>> -> memref<128xi32, #tpu.memory_space<vmem>>
      %dma_start3A_171 = arith.constant 0 : i32
      %dma_start3A_172 = arith.constant 0 : i32
      %dma_start3A_173 = tpu.memref_slice %arg4[%dma_start3A_171, %dma_start3A_172] : memref<160000x16xf32, #tpu.memory_space<hbm>> -> memref<160000x16xf32, #tpu.memory_space<hbm>>
      tpu.enqueue_indirect_dma source(%dma_start3A_173 : memref<160000x16xf32, #tpu.memory_space<hbm>>) target(%dma_start3A_167 : memref<128x16xf32, #tpu.memory_space<vmem>>) offsets(%dma_start3A_170 : memref<128xi32, #tpu.memory_space<vmem>>) semaphore(%arg11 : memref<!tpu.dma_semaphore, #tpu.memory_space<semaphore_mem>>)
      %dma_start3A_174 = arith.constant 9 : i32
      %dma_start3A_175 = arith.constant 1152 : i32
      %dma_start3A_176 = arith.constant 0 : i32
      %dma_start3A_177 = tpu.memref_slice %arg9[%dma_start3A_175, %dma_start3A_176] : memref<2048x16xf32, #tpu.memory_space<vmem>> -> memref<128x16xf32, #tpu.memory_space<vmem>>
      %dma_start3A_178 = arith.constant 0 : i32
      %dma_start3A_179 = tpu.memref_slice %arg8[%dma_start3A_174, %dma_start3A_178] : memref<16x128xi32, #tpu.memory_space<vmem>> -> memref<1x128xi32, #tpu.memory_space<vmem>>
      %dma_start3A_180 = tpu.memref_squeeze %dma_start3A_179 : memref<1x128xi32, #tpu.memory_space<vmem>> -> memref<128xi32, #tpu.memory_space<vmem>>
      %dma_start3A_181 = arith.constant 0 : i32
      %dma_start3A_182 = arith.constant 0 : i32
      %dma_start3A_183 = tpu.memref_slice %arg4[%dma_start3A_181, %dma_start3A_182] : memref<160000x16xf32, #tpu.memory_space<hbm>> -> memref<160000x16xf32, #tpu.memory_space<hbm>>
      tpu.enqueue_indirect_dma source(%dma_start3A_183 : memref<160000x16xf32, #tpu.memory_space<hbm>>) target(%dma_start3A_177 : memref<128x16xf32, #tpu.memory_space<vmem>>) offsets(%dma_start3A_180 : memref<128xi32, #tpu.memory_space<vmem>>) semaphore(%arg11 : memref<!tpu.dma_semaphore, #tpu.memory_space<semaphore_mem>>)
      %dma_start3A_184 = arith.constant 10 : i32
      %dma_start3A_185 = arith.constant 1280 : i32
      %dma_start3A_186 = arith.constant 0 : i32
      %dma_start3A_187 = tpu.memref_slice %arg9[%dma_start3A_185, %dma_start3A_186] : memref<2048x16xf32, #tpu.memory_space<vmem>> -> memref<128x16xf32, #tpu.memory_space<vmem>>
      %dma_start3A_188 = arith.constant 0 : i32
      %dma_start3A_189 = tpu.memref_slice %arg8[%dma_start3A_184, %dma_start3A_188] : memref<16x128xi32, #tpu.memory_space<vmem>> -> memref<1x128xi32, #tpu.memory_space<vmem>>
      %dma_start3A_190 = tpu.memref_squeeze %dma_start3A_189 : memref<1x128xi32, #tpu.memory_space<vmem>> -> memref<128xi32, #tpu.memory_space<vmem>>
      %dma_start3A_191 = arith.constant 0 : i32
      %dma_start3A_192 = arith.constant 0 : i32
      %dma_start3A_193 = tpu.memref_slice %arg4[%dma_start3A_191, %dma_start3A_192] : memref<160000x16xf32, #tpu.memory_space<hbm>> -> memref<160000x16xf32, #tpu.memory_space<hbm>>
      tpu.enqueue_indirect_dma source(%dma_start3A_193 : memref<160000x16xf32, #tpu.memory_space<hbm>>) target(%dma_start3A_187 : memref<128x16xf32, #tpu.memory_space<vmem>>) offsets(%dma_start3A_190 : memref<128xi32, #tpu.memory_space<vmem>>) semaphore(%arg11 : memref<!tpu.dma_semaphore, #tpu.memory_space<semaphore_mem>>)
      %dma_start3A_194 = arith.constant 11 : i32
      %dma_start3A_195 = arith.constant 1408 : i32
      %dma_start3A_196 = arith.constant 0 : i32
      %dma_start3A_197 = tpu.memref_slice %arg9[%dma_start3A_195, %dma_start3A_196] : memref<2048x16xf32, #tpu.memory_space<vmem>> -> memref<128x16xf32, #tpu.memory_space<vmem>>
      %dma_start3A_198 = arith.constant 0 : i32
      %dma_start3A_199 = tpu.memref_slice %arg8[%dma_start3A_194, %dma_start3A_198] : memref<16x128xi32, #tpu.memory_space<vmem>> -> memref<1x128xi32, #tpu.memory_space<vmem>>
      %dma_start3A_200 = tpu.memref_squeeze %dma_start3A_199 : memref<1x128xi32, #tpu.memory_space<vmem>> -> memref<128xi32, #tpu.memory_space<vmem>>
      %dma_start3A_201 = arith.constant 0 : i32
      %dma_start3A_202 = arith.constant 0 : i32
      %dma_start3A_203 = tpu.memref_slice %arg4[%dma_start3A_201, %dma_start3A_202] : memref<160000x16xf32, #tpu.memory_space<hbm>> -> memref<160000x16xf32, #tpu.memory_space<hbm>>
      tpu.enqueue_indirect_dma source(%dma_start3A_203 : memref<160000x16xf32, #tpu.memory_space<hbm>>) target(%dma_start3A_197 : memref<128x16xf32, #tpu.memory_space<vmem>>) offsets(%dma_start3A_200 : memref<128xi32, #tpu.memory_space<vmem>>) semaphore(%arg11 : memref<!tpu.dma_semaphore, #tpu.memory_space<semaphore_mem>>)
      %dma_start3A_204 = arith.constant 12 : i32
      %dma_start3A_205 = arith.constant 1536 : i32
      %dma_start3A_206 = arith.constant 0 : i32
      %dma_start3A_207 = tpu.memref_slice %arg9[%dma_start3A_205, %dma_start3A_206] : memref<2048x16xf32, #tpu.memory_space<vmem>> -> memref<128x16xf32, #tpu.memory_space<vmem>>
      %dma_start3A_208 = arith.constant 0 : i32
      %dma_start3A_209 = tpu.memref_slice %arg8[%dma_start3A_204, %dma_start3A_208] : memref<16x128xi32, #tpu.memory_space<vmem>> -> memref<1x128xi32, #tpu.memory_space<vmem>>
      %dma_start3A_210 = tpu.memref_squeeze %dma_start3A_209 : memref<1x128xi32, #tpu.memory_space<vmem>> -> memref<128xi32, #tpu.memory_space<vmem>>
      %dma_start3A_211 = arith.constant 0 : i32
      %dma_start3A_212 = arith.constant 0 : i32
      %dma_start3A_213 = tpu.memref_slice %arg4[%dma_start3A_211, %dma_start3A_212] : memref<160000x16xf32, #tpu.memory_space<hbm>> -> memref<160000x16xf32, #tpu.memory_space<hbm>>
      tpu.enqueue_indirect_dma source(%dma_start3A_213 : memref<160000x16xf32, #tpu.memory_space<hbm>>) target(%dma_start3A_207 : memref<128x16xf32, #tpu.memory_space<vmem>>) offsets(%dma_start3A_210 : memref<128xi32, #tpu.memory_space<vmem>>) semaphore(%arg11 : memref<!tpu.dma_semaphore, #tpu.memory_space<semaphore_mem>>)
      %dma_start3A_214 = arith.constant 13 : i32
      %dma_start3A_215 = arith.constant 1664 : i32
      %dma_start3A_216 = arith.constant 0 : i32
      %dma_start3A_217 = tpu.memref_slice %arg9[%dma_start3A_215, %dma_start3A_216] : memref<2048x16xf32, #tpu.memory_space<vmem>> -> memref<128x16xf32, #tpu.memory_space<vmem>>
      %dma_start3A_218 = arith.constant 0 : i32
      %dma_start3A_219 = tpu.memref_slice %arg8[%dma_start3A_214, %dma_start3A_218] : memref<16x128xi32, #tpu.memory_space<vmem>> -> memref<1x128xi32, #tpu.memory_space<vmem>>
      %dma_start3A_220 = tpu.memref_squeeze %dma_start3A_219 : memref<1x128xi32, #tpu.memory_space<vmem>> -> memref<128xi32, #tpu.memory_space<vmem>>
      %dma_start3A_221 = arith.constant 0 : i32
      %dma_start3A_222 = arith.constant 0 : i32
      %dma_start3A_223 = tpu.memref_slice %arg4[%dma_start3A_221, %dma_start3A_222] : memref<160000x16xf32, #tpu.memory_space<hbm>> -> memref<160000x16xf32, #tpu.memory_space<hbm>>
      tpu.enqueue_indirect_dma source(%dma_start3A_223 : memref<160000x16xf32, #tpu.memory_space<hbm>>) target(%dma_start3A_217 : memref<128x16xf32, #tpu.memory_space<vmem>>) offsets(%dma_start3A_220 : memref<128xi32, #tpu.memory_space<vmem>>) semaphore(%arg11 : memref<!tpu.dma_semaphore, #tpu.memory_space<semaphore_mem>>)
      %dma_start3A_224 = arith.constant 14 : i32
      %dma_start3A_225 = arith.constant 1792 : i32
      %dma_start3A_226 = arith.constant 0 : i32
      %dma_start3A_227 = tpu.memref_slice %arg9[%dma_start3A_225, %dma_start3A_226] : memref<2048x16xf32, #tpu.memory_space<vmem>> -> memref<128x16xf32, #tpu.memory_space<vmem>>
      %dma_start3A_228 = arith.constant 0 : i32
      %dma_start3A_229 = tpu.memref_slice %arg8[%dma_start3A_224, %dma_start3A_228] : memref<16x128xi32, #tpu.memory_space<vmem>> -> memref<1x128xi32, #tpu.memory_space<vmem>>
      %dma_start3A_230 = tpu.memref_squeeze %dma_start3A_229 : memref<1x128xi32, #tpu.memory_space<vmem>> -> memref<128xi32, #tpu.memory_space<vmem>>
      %dma_start3A_231 = arith.constant 0 : i32
      %dma_start3A_232 = arith.constant 0 : i32
      %dma_start3A_233 = tpu.memref_slice %arg4[%dma_start3A_231, %dma_start3A_232] : memref<160000x16xf32, #tpu.memory_space<hbm>> -> memref<160000x16xf32, #tpu.memory_space<hbm>>
      tpu.enqueue_indirect_dma source(%dma_start3A_233 : memref<160000x16xf32, #tpu.memory_space<hbm>>) target(%dma_start3A_227 : memref<128x16xf32, #tpu.memory_space<vmem>>) offsets(%dma_start3A_230 : memref<128xi32, #tpu.memory_space<vmem>>) semaphore(%arg11 : memref<!tpu.dma_semaphore, #tpu.memory_space<semaphore_mem>>)
      %dma_start3A_234 = arith.constant 15 : i32
      %dma_start3A_235 = arith.constant 1920 : i32
      %dma_start3A_236 = arith.constant 0 : i32
      %dma_start3A_237 = tpu.memref_slice %arg9[%dma_start3A_235, %dma_start3A_236] : memref<2048x16xf32, #tpu.memory_space<vmem>> -> memref<128x16xf32, #tpu.memory_space<vmem>>
      %dma_start3A_238 = arith.constant 0 : i32
      %dma_start3A_239 = tpu.memref_slice %arg8[%dma_start3A_234, %dma_start3A_238] : memref<16x128xi32, #tpu.memory_space<vmem>> -> memref<1x128xi32, #tpu.memory_space<vmem>>
      %dma_start3A_240 = tpu.memref_squeeze %dma_start3A_239 : memref<1x128xi32, #tpu.memory_space<vmem>> -> memref<128xi32, #tpu.memory_space<vmem>>
      %dma_start3A_241 = arith.constant 0 : i32
      %dma_start3A_242 = arith.constant 0 : i32
      %dma_start3A_243 = tpu.memref_slice %arg4[%dma_start3A_241, %dma_start3A_242] : memref<160000x16xf32, #tpu.memory_space<hbm>> -> memref<160000x16xf32, #tpu.memory_space<hbm>>
      tpu.enqueue_indirect_dma source(%dma_start3A_243 : memref<160000x16xf32, #tpu.memory_space<hbm>>) target(%dma_start3A_237 : memref<128x16xf32, #tpu.memory_space<vmem>>) offsets(%dma_start3A_240 : memref<128xi32, #tpu.memory_space<vmem>>) semaphore(%arg11 : memref<!tpu.dma_semaphore, #tpu.memory_space<semaphore_mem>>)
      %scan3A_244 = arith.constant 0 : i32
      %scan3A_245 = arith.constant 0 : i32
      %scan3A_246 = arith.constant 4 : i32
      %scan3A_247 = arith.addi %scan3A_245, %scan3A_246 : i32
      %scan3A_248 = arith.constant 1 : i32
      scf.for %scan3A_464 = %scan3A_245 to %scan3A_247 step %scan3A_248  : i32 {
        %mul3A_465 = arith.constant 4 : i32
        %mul3A_466 = arith.muli %scan3A_464, %mul3A_465 : i32
        %add3A_467 = arith.constant 0 : i32
        %add3A_468 = arith.addi %mul3A_466, %add3A_467 : i32
        %mul3A_469 = arith.constant 128 : i32
        %mul3A_470 = arith.muli %add3A_468, %mul3A_469 : i32
        %dma_wait3A_471 = arith.constant 0 : i32
        %dma_wait3A_472 = arith.constant 0 : i32
        %dma_wait3A_473 = tpu.memref_slice %arg9[%mul3A_470, %dma_wait3A_472] : memref<2048x16xf32, #tpu.memory_space<vmem>> -> memref<128x16xf32, #tpu.memory_space<vmem>>
        %dma_wait3A_474 = arith.constant 0 : i32
        %dma_wait3A_475 = tpu.memref_slice %arg8[%dma_wait3A_471, %dma_wait3A_474] : memref<16x128xi32, #tpu.memory_space<vmem>> -> memref<1x128xi32, #tpu.memory_space<vmem>>
        %dma_wait3A_476 = tpu.memref_squeeze %dma_wait3A_475 : memref<1x128xi32, #tpu.memory_space<vmem>> -> memref<128xi32, #tpu.memory_space<vmem>>
        %dma_wait3A_477 = arith.constant 0 : i32
        %dma_wait3A_478 = arith.constant 0 : i32
        %dma_wait3A_479 = tpu.memref_slice %arg4[%dma_wait3A_477, %dma_wait3A_478] : memref<160000x16xf32, #tpu.memory_space<hbm>> -> memref<160000x16xf32, #tpu.memory_space<hbm>>
        tpu.wait_indirect_dma semaphore(%arg11 : memref<!tpu.dma_semaphore, #tpu.memory_space<semaphore_mem>>) src(%dma_wait3A_479 : memref<160000x16xf32, #tpu.memory_space<hbm>>) dst(%dma_wait3A_473 : memref<128x16xf32, #tpu.memory_space<vmem>>)
        %mul3A_480 = arith.constant 4 : i32
        %mul3A_481 = arith.muli %scan3A_464, %mul3A_480 : i32
        %add3A_482 = arith.constant 1 : i32
        %add3A_483 = arith.addi %mul3A_481, %add3A_482 : i32
        %mul3A_484 = arith.constant 128 : i32
        %mul3A_485 = arith.muli %add3A_483, %mul3A_484 : i32
        %dma_wait3A_486 = arith.constant 0 : i32
        %dma_wait3A_487 = arith.constant 0 : i32
        %dma_wait3A_488 = tpu.memref_slice %arg9[%mul3A_485, %dma_wait3A_487] : memref<2048x16xf32, #tpu.memory_space<vmem>> -> memref<128x16xf32, #tpu.memory_space<vmem>>
        %dma_wait3A_489 = arith.constant 0 : i32
        %dma_wait3A_490 = tpu.memref_slice %arg8[%dma_wait3A_486, %dma_wait3A_489] : memref<16x128xi32, #tpu.memory_space<vmem>> -> memref<1x128xi32, #tpu.memory_space<vmem>>
        %dma_wait3A_491 = tpu.memref_squeeze %dma_wait3A_490 : memref<1x128xi32, #tpu.memory_space<vmem>> -> memref<128xi32, #tpu.memory_space<vmem>>
        %dma_wait3A_492 = arith.constant 0 : i32
        %dma_wait3A_493 = arith.constant 0 : i32
        %dma_wait3A_494 = tpu.memref_slice %arg4[%dma_wait3A_492, %dma_wait3A_493] : memref<160000x16xf32, #tpu.memory_space<hbm>> -> memref<160000x16xf32, #tpu.memory_space<hbm>>
        tpu.wait_indirect_dma semaphore(%arg11 : memref<!tpu.dma_semaphore, #tpu.memory_space<semaphore_mem>>) src(%dma_wait3A_494 : memref<160000x16xf32, #tpu.memory_space<hbm>>) dst(%dma_wait3A_488 : memref<128x16xf32, #tpu.memory_space<vmem>>)
        %mul3A_495 = arith.constant 4 : i32
        %mul3A_496 = arith.muli %scan3A_464, %mul3A_495 : i32
        %add3A_497 = arith.constant 2 : i32
        %add3A_498 = arith.addi %mul3A_496, %add3A_497 : i32
        %mul3A_499 = arith.constant 128 : i32
        %mul3A_500 = arith.muli %add3A_498, %mul3A_499 : i32
        %dma_wait3A_501 = arith.constant 0 : i32
        %dma_wait3A_502 = arith.constant 0 : i32
        %dma_wait3A_503 = tpu.memref_slice %arg9[%mul3A_500, %dma_wait3A_502] : memref<2048x16xf32, #tpu.memory_space<vmem>> -> memref<128x16xf32, #tpu.memory_space<vmem>>
        %dma_wait3A_504 = arith.constant 0 : i32
        %dma_wait3A_505 = tpu.memref_slice %arg8[%dma_wait3A_501, %dma_wait3A_504] : memref<16x128xi32, #tpu.memory_space<vmem>> -> memref<1x128xi32, #tpu.memory_space<vmem>>
        %dma_wait3A_506 = tpu.memref_squeeze %dma_wait3A_505 : memref<1x128xi32, #tpu.memory_space<vmem>> -> memref<128xi32, #tpu.memory_space<vmem>>
        %dma_wait3A_507 = arith.constant 0 : i32
        %dma_wait3A_508 = arith.constant 0 : i32
        %dma_wait3A_509 = tpu.memref_slice %arg4[%dma_wait3A_507, %dma_wait3A_508] : memref<160000x16xf32, #tpu.memory_space<hbm>> -> memref<160000x16xf32, #tpu.memory_space<hbm>>
        tpu.wait_indirect_dma semaphore(%arg11 : memref<!tpu.dma_semaphore, #tpu.memory_space<semaphore_mem>>) src(%dma_wait3A_509 : memref<160000x16xf32, #tpu.memory_space<hbm>>) dst(%dma_wait3A_503 : memref<128x16xf32, #tpu.memory_space<vmem>>)
        %mul3A_510 = arith.constant 4 : i32
        %mul3A_511 = arith.muli %scan3A_464, %mul3A_510 : i32
        %add3A_512 = arith.constant 3 : i32
        %add3A_513 = arith.addi %mul3A_511, %add3A_512 : i32
        %mul3A_514 = arith.constant 128 : i32
        %mul3A_515 = arith.muli %add3A_513, %mul3A_514 : i32
        %dma_wait3A_516 = arith.constant 0 : i32
        %dma_wait3A_517 = arith.constant 0 : i32
        %dma_wait3A_518 = tpu.memref_slice %arg9[%mul3A_515, %dma_wait3A_517] : memref<2048x16xf32, #tpu.memory_space<vmem>> -> memref<128x16xf32, #tpu.memory_space<vmem>>
        %dma_wait3A_519 = arith.constant 0 : i32
        %dma_wait3A_520 = tpu.memref_slice %arg8[%dma_wait3A_516, %dma_wait3A_519] : memref<16x128xi32, #tpu.memory_space<vmem>> -> memref<1x128xi32, #tpu.memory_space<vmem>>
        %dma_wait3A_521 = tpu.memref_squeeze %dma_wait3A_520 : memref<1x128xi32, #tpu.memory_space<vmem>> -> memref<128xi32, #tpu.memory_space<vmem>>
        %dma_wait3A_522 = arith.constant 0 : i32
        %dma_wait3A_523 = arith.constant 0 : i32
        %dma_wait3A_524 = tpu.memref_slice %arg4[%dma_wait3A_522, %dma_wait3A_523] : memref<160000x16xf32, #tpu.memory_space<hbm>> -> memref<160000x16xf32, #tpu.memory_space<hbm>>
        tpu.wait_indirect_dma semaphore(%arg11 : memref<!tpu.dma_semaphore, #tpu.memory_space<semaphore_mem>>) src(%dma_wait3A_524 : memref<160000x16xf32, #tpu.memory_space<hbm>>) dst(%dma_wait3A_518 : memref<128x16xf32, #tpu.memory_space<vmem>>)
        %parallel_loop3A_525 = arith.constant 0 : i32
        %parallel_loop3A_526 = arith.constant 32 : i32
        %parallel_loop3A_527 = arith.constant 1 : i32
        scf.for %parallel_loop3A_528 = %parallel_loop3A_525 to %parallel_loop3A_526 step %parallel_loop3A_527  : i32 {
          %parallel_loop3A_529 = arith.constant 32 : i32
          %parallel_loop3A_530 = arith.muli %scan3A_464, %parallel_loop3A_529 : i32
          %parallel_loop3A_531 = arith.addi %parallel_loop3A_530, %parallel_loop3A_528 : i32
          %parallel_loop3A_532 = arith.constant 3 : i32
          %parallel_loop3A_533 = arith.shrsi %parallel_loop3A_531, %parallel_loop3A_532 : i32
          %parallel_loop3A_534 = arith.constant 7 : i32
          %parallel_loop3A_535 = arith.andi %parallel_loop3A_528, %parallel_loop3A_534 : i32
          %parallel_loop3A_536 = arith.constant 16 : i32
          %parallel_loop3A_537 = arith.muli %parallel_loop3A_535, %parallel_loop3A_536 : i32
          %parallel_loop3A_538 = arith.constant 0 : i32
          %parallel_loop3A_539 = arith.index_cast %parallel_loop3A_538 : i32 to index
          %parallel_loop3A_540 = arith.index_cast %parallel_loop3A_533 : i32 to index
          %parallel_loop3A_541 = arith.index_cast %parallel_loop3A_537 : i32 to index
          %parallel_loop3A_542 = tpu.vector_load %arg6[%parallel_loop3A_539, %parallel_loop3A_540, %parallel_loop3A_541] {strides = array<i32>} : memref<2x16x128xi32, #tpu.memory_space<vmem>>, vector<16xi32>,
          %parallel_loop3A_543 = arith.constant 16 : i32
          %parallel_loop3A_544 = vector.broadcast %parallel_loop3A_543 : i32 to vector<16xi32>
          %parallel_loop3A_545 = arith.muli %parallel_loop3A_542, %parallel_loop3A_544 : vector<16xi32>
          %parallel_loop3A_546 = arith.constant 16 : i32
          %parallel_loop3A_547 = arith.muli %parallel_loop3A_531, %parallel_loop3A_546 : i32
          %parallel_loop3A_548 = arith.constant 0 : i32
          %parallel_loop3A_549 = vector.broadcast %parallel_loop3A_548 : i32 to vector<16x1xi32>
          %parallel_loop3A_550 = vector.shape_cast %parallel_loop3A_549 : vector<16x1xi32> to vector<16xi32>
          %parallel_loop3A_551 = tpu.dynamic_gather %parallel_loop3A_545[%parallel_loop3A_550] in [0] : vector<16xi32>, vector<16xi32> -> vector<16xi32>
          %parallel_loop3A_552 = arith.constant 0 : i32
          %parallel_loop3A_553 = arith.addi %parallel_loop3A_547, %parallel_loop3A_552 : i32
          %parallel_loop3A_554 = arith.index_cast %parallel_loop3A_553 : i32 to index
          %parallel_loop3A_555 = arith.constant 0 : index
          %parallel_loop3A_556 = tpu.vector_load %arg9[%parallel_loop3A_554, %parallel_loop3A_555] {strides = array<i32>} : memref<2048x16xf32, #tpu.memory_space<vmem>>, vector<16xf32>,
          %parallel_loop3A_557 = arith.addi %parallel_loop3A_551, %iota3A : vector<16xi32>
          tpu.vector_store_idx %arg10[%parallel_loop3A_557], %parallel_loop3A_556 {add = true} : memref<65536xf32, #tpu.memory_space<vmem>>[vector<16xi32>], vector<16xf32>,
          %parallel_loop3A_558 = arith.constant 1 : i32
          %parallel_loop3A_559 = vector.broadcast %parallel_loop3A_558 : i32 to vector<16x1xi32>
          %parallel_loop3A_560 = vector.shape_cast %parallel_loop3A_559 : vector<16x1xi32> to vector<16xi32>
          %parallel_loop3A_561 = tpu.dynamic_gather %parallel_loop3A_545[%parallel_loop3A_560] in [0] : vector<16xi32>, vector<16xi32> -> vector<16xi32>
          %parallel_loop3A_562 = arith.constant 1 : i32
          %parallel_loop3A_563 = arith.addi %parallel_loop3A_547, %parallel_loop3A_562 : i32
          %parallel_loop3A_564 = arith.index_cast %parallel_loop3A_563 : i32 to index
          %parallel_loop3A_565 = arith.constant 0 : index
          %parallel_loop3A_566 = tpu.vector_load %arg9[%parallel_loop3A_564, %parallel_loop3A_565] {strides = array<i32>} : memref<2048x16xf32, #tpu.memory_space<vmem>>, vector<16xf32>,
          %parallel_loop3A_567 = arith.addi %parallel_loop3A_561, %iota3A : vector<16xi32>
          tpu.vector_store_idx %arg10[%parallel_loop3A_567], %parallel_loop3A_566 {add = true} : memref<65536xf32, #tpu.memory_space<vmem>>[vector<16xi32>], vector<16xf32>,
          %parallel_loop3A_568 = arith.constant 2 : i32
          %parallel_loop3A_569 = vector.broadcast %parallel_loop3A_568 : i32 to vector<16x1xi32>
          %parallel_loop3A_570 = vector.shape_cast %parallel_loop3A_569 : vector<16x1xi32> to vector<16xi32>
          %parallel_loop3A_571 = tpu.dynamic_gather %parallel_loop3A_545[%parallel_loop3A_570] in [0] : vector<16xi32>, vector<16xi32> -> vector<16xi32>
          %parallel_loop3A_572 = arith.constant 2 : i32
          %parallel_loop3A_573 = arith.addi %parallel_loop3A_547, %parallel_loop3A_572 : i32
          %parallel_loop3A_574 = arith.index_cast %parallel_loop3A_573 : i32 to index
          %parallel_loop3A_575 = arith.constant 0 : index
          %parallel_loop3A_576 = tpu.vector_load %arg9[%parallel_loop3A_574, %parallel_loop3A_575] {strides = array<i32>} : memref<2048x16xf32, #tpu.memory_space<vmem>>, vector<16xf32>,
          %parallel_loop3A_577 = arith.addi %parallel_loop3A_571, %iota3A : vector<16xi32>
          tpu.vector_store_idx %arg10[%parallel_loop3A_577], %parallel_loop3A_576 {add = true} : memref<65536xf32, #tpu.memory_space<vmem>>[vector<16xi32>], vector<16xf32>,
          %parallel_loop3A_578 = arith.constant 3 : i32
          %parallel_loop3A_579 = vector.broadcast %parallel_loop3A_578 : i32 to vector<16x1xi32>
          %parallel_loop3A_580 = vector.shape_cast %parallel_loop3A_579 : vector<16x1xi32> to vector<16xi32>
          %parallel_loop3A_581 = tpu.dynamic_gather %parallel_loop3A_545[%parallel_loop3A_580] in [0] : vector<16xi32>, vector<16xi32> -> vector<16xi32>
          %parallel_loop3A_582 = arith.constant 3 : i32
          %parallel_loop3A_583 = arith.addi %parallel_loop3A_547, %parallel_loop3A_582 : i32
          %parallel_loop3A_584 = arith.index_cast %parallel_loop3A_583 : i32 to index
          %parallel_loop3A_585 = arith.constant 0 : index
          %parallel_loop3A_586 = tpu.vector_load %arg9[%parallel_loop3A_584, %parallel_loop3A_585] {strides = array<i32>} : memref<2048x16xf32, #tpu.memory_space<vmem>>, vector<16xf32>,
          %parallel_loop3A_587 = arith.addi %parallel_loop3A_581, %iota3A : vector<16xi32>
          tpu.vector_store_idx %arg10[%parallel_loop3A_587], %parallel_loop3A_586 {add = true} : memref<65536xf32, #tpu.memory_space<vmem>>[vector<16xi32>], vector<16xf32>,
          %parallel_loop3A_588 = arith.constant 4 : i32
          %parallel_loop3A_589 = vector.broadcast %parallel_loop3A_588 : i32 to vector<16x1xi32>
          %parallel_loop3A_590 = vector.shape_cast %parallel_loop3A_589 : vector<16x1xi32> to vector<16xi32>
          %parallel_loop3A_591 = tpu.dynamic_gather %parallel_loop3A_545[%parallel_loop3A_590] in [0] : vector<16xi32>, vector<16xi32> -> vector<16xi32>
          %parallel_loop3A_592 = arith.constant 4 : i32
          %parallel_loop3A_593 = arith.addi %parallel_loop3A_547, %parallel_loop3A_592 : i32
          %parallel_loop3A_594 = arith.index_cast %parallel_loop3A_593 : i32 to index
          %parallel_loop3A_595 = arith.constant 0 : index
          %parallel_loop3A_596 = tpu.vector_load %arg9[%parallel_loop3A_594, %parallel_loop3A_595] {strides = array<i32>} : memref<2048x16xf32, #tpu.memory_space<vmem>>, vector<16xf32>,
          %parallel_loop3A_597 = arith.addi %parallel_loop3A_591, %iota3A : vector<16xi32>
          tpu.vector_store_idx %arg10[%parallel_loop3A_597], %parallel_loop3A_596 {add = true} : memref<65536xf32, #tpu.memory_space<vmem>>[vector<16xi32>], vector<16xf32>,
          %parallel_loop3A_598 = arith.constant 5 : i32
          %parallel_loop3A_599 = vector.broadcast %parallel_loop3A_598 : i32 to vector<16x1xi32>
          %parallel_loop3A_600 = vector.shape_cast %parallel_loop3A_599 : vector<16x1xi32> to vector<16xi32>
          %parallel_loop3A_601 = tpu.dynamic_gather %parallel_loop3A_545[%parallel_loop3A_600] in [0] : vector<16xi32>, vector<16xi32> -> vector<16xi32>
          %parallel_loop3A_602 = arith.constant 5 : i32
          %parallel_loop3A_603 = arith.addi %parallel_loop3A_547, %parallel_loop3A_602 : i32
          %parallel_loop3A_604 = arith.index_cast %parallel_loop3A_603 : i32 to index
          %parallel_loop3A_605 = arith.constant 0 : index
          %parallel_loop3A_606 = tpu.vector_load %arg9[%parallel_loop3A_604, %parallel_loop3A_605] {strides = array<i32>} : memref<2048x16xf32, #tpu.memory_space<vmem>>, vector<16xf32>,
          %parallel_loop3A_607 = arith.addi %parallel_loop3A_601, %iota3A : vector<16xi32>
          tpu.vector_store_idx %arg10[%parallel_loop3A_607], %parallel_loop3A_606 {add = true} : memref<65536xf32, #tpu.memory_space<vmem>>[vector<16xi32>], vector<16xf32>,
          %parallel_loop3A_608 = arith.constant 6 : i32
          %parallel_loop3A_609 = vector.broadcast %parallel_loop3A_608 : i32 to vector<16x1xi32>
          %parallel_loop3A_610 = vector.shape_cast %parallel_loop3A_609 : vector<16x1xi32> to vector<16xi32>
          %parallel_loop3A_611 = tpu.dynamic_gather %parallel_loop3A_545[%parallel_loop3A_610] in [0] : vector<16xi32>, vector<16xi32> -> vector<16xi32>
          %parallel_loop3A_612 = arith.constant 6 : i32
          %parallel_loop3A_613 = arith.addi %parallel_loop3A_547, %parallel_loop3A_612 : i32
          %parallel_loop3A_614 = arith.index_cast %parallel_loop3A_613 : i32 to index
          %parallel_loop3A_615 = arith.constant 0 : index
          %parallel_loop3A_616 = tpu.vector_load %arg9[%parallel_loop3A_614, %parallel_loop3A_615] {strides = array<i32>} : memref<2048x16xf32, #tpu.memory_space<vmem>>, vector<16xf32>,
          %parallel_loop3A_617 = arith.addi %parallel_loop3A_611, %iota3A : vector<16xi32>
          tpu.vector_store_idx %arg10[%parallel_loop3A_617], %parallel_loop3A_616 {add = true} : memref<65536xf32, #tpu.memory_space<vmem>>[vector<16xi32>], vector<16xf32>,
          %parallel_loop3A_618 = arith.constant 7 : i32
          %parallel_loop3A_619 = vector.broadcast %parallel_loop3A_618 : i32 to vector<16x1xi32>
          %parallel_loop3A_620 = vector.shape_cast %parallel_loop3A_619 : vector<16x1xi32> to vector<16xi32>
          %parallel_loop3A_621 = tpu.dynamic_gather %parallel_loop3A_545[%parallel_loop3A_620] in [0] : vector<16xi32>, vector<16xi32> -> vector<16xi32>
          %parallel_loop3A_622 = arith.constant 7 : i32
          %parallel_loop3A_623 = arith.addi %parallel_loop3A_547, %parallel_loop3A_622 : i32
          %parallel_loop3A_624 = arith.index_cast %parallel_loop3A_623 : i32 to index
          %parallel_loop3A_625 = arith.constant 0 : index
          %parallel_loop3A_626 = tpu.vector_load %arg9[%parallel_loop3A_624, %parallel_loop3A_625] {strides = array<i32>} : memref<2048x16xf32, #tpu.memory_space<vmem>>, vector<16xf32>,
          %parallel_loop3A_627 = arith.addi %parallel_loop3A_621, %iota3A : vector<16xi32>
          tpu.vector_store_idx %arg10[%parallel_loop3A_627], %parallel_loop3A_626 {add = true} : memref<65536xf32, #tpu.memory_space<vmem>>[vector<16xi32>], vector<16xf32>,
          %parallel_loop3A_628 = arith.constant 8 : i32
          %parallel_loop3A_629 = vector.broadcast %parallel_loop3A_628 : i32 to vector<16x1xi32>
          %parallel_loop3A_630 = vector.shape_cast %parallel_loop3A_629 : vector<16x1xi32> to vector<16xi32>
          %parallel_loop3A_631 = tpu.dynamic_gather %parallel_loop3A_545[%parallel_loop3A_630] in [0] : vector<16xi32>, vector<16xi32> -> vector<16xi32>
          %parallel_loop3A_632 = arith.constant 8 : i32
          %parallel_loop3A_633 = arith.addi %parallel_loop3A_547, %parallel_loop3A_632 : i32
          %parallel_loop3A_634 = arith.index_cast %parallel_loop3A_633 : i32 to index
          %parallel_loop3A_635 = arith.constant 0 : index
          %parallel_loop3A_636 = tpu.vector_load %arg9[%parallel_loop3A_634, %parallel_loop3A_635] {strides = array<i32>} : memref<2048x16xf32, #tpu.memory_space<vmem>>, vector<16xf32>,
          %parallel_loop3A_637 = arith.addi %parallel_loop3A_631, %iota3A : vector<16xi32>
          tpu.vector_store_idx %arg10[%parallel_loop3A_637], %parallel_loop3A_636 {add = true} : memref<65536xf32, #tpu.memory_space<vmem>>[vector<16xi32>], vector<16xf32>,
          %parallel_loop3A_638 = arith.constant 9 : i32
          %parallel_loop3A_639 = vector.broadcast %parallel_loop3A_638 : i32 to vector<16x1xi32>
          %parallel_loop3A_640 = vector.shape_cast %parallel_loop3A_639 : vector<16x1xi32> to vector<16xi32>
          %parallel_loop3A_641 = tpu.dynamic_gather %parallel_loop3A_545[%parallel_loop3A_640] in [0] : vector<16xi32>, vector<16xi32> -> vector<16xi32>
          %parallel_loop3A_642 = arith.constant 9 : i32
          %parallel_loop3A_643 = arith.addi %parallel_loop3A_547, %parallel_loop3A_642 : i32
          %parallel_loop3A_644 = arith.index_cast %parallel_loop3A_643 : i32 to index
          %parallel_loop3A_645 = arith.constant 0 : index
          %parallel_loop3A_646 = tpu.vector_load %arg9[%parallel_loop3A_644, %parallel_loop3A_645] {strides = array<i32>} : memref<2048x16xf32, #tpu.memory_space<vmem>>, vector<16xf32>,
          %parallel_loop3A_647 = arith.addi %parallel_loop3A_641, %iota3A : vector<16xi32>
          tpu.vector_store_idx %arg10[%parallel_loop3A_647], %parallel_loop3A_646 {add = true} : memref<65536xf32, #tpu.memory_space<vmem>>[vector<16xi32>], vector<16xf32>,
          %parallel_loop3A_648 = arith.constant 10 : i32
          %parallel_loop3A_649 = vector.broadcast %parallel_loop3A_648 : i32 to vector<16x1xi32>
          %parallel_loop3A_650 = vector.shape_cast %parallel_loop3A_649 : vector<16x1xi32> to vector<16xi32>
          %parallel_loop3A_651 = tpu.dynamic_gather %parallel_loop3A_545[%parallel_loop3A_650] in [0] : vector<16xi32>, vector<16xi32> -> vector<16xi32>
          %parallel_loop3A_652 = arith.constant 10 : i32
          %parallel_loop3A_653 = arith.addi %parallel_loop3A_547, %parallel_loop3A_652 : i32
          %parallel_loop3A_654 = arith.index_cast %parallel_loop3A_653 : i32 to index
          %parallel_loop3A_655 = arith.constant 0 : index
          %parallel_loop3A_656 = tpu.vector_load %arg9[%parallel_loop3A_654, %parallel_loop3A_655] {strides = array<i32>} : memref<2048x16xf32, #tpu.memory_space<vmem>>, vector<16xf32>,
          %parallel_loop3A_657 = arith.addi %parallel_loop3A_651, %iota3A : vector<16xi32>
          tpu.vector_store_idx %arg10[%parallel_loop3A_657], %parallel_loop3A_656 {add = true} : memref<65536xf32, #tpu.memory_space<vmem>>[vector<16xi32>], vector<16xf32>,
          %parallel_loop3A_658 = arith.constant 11 : i32
          %parallel_loop3A_659 = vector.broadcast %parallel_loop3A_658 : i32 to vector<16x1xi32>
          %parallel_loop3A_660 = vector.shape_cast %parallel_loop3A_659 : vector<16x1xi32> to vector<16xi32>
          %parallel_loop3A_661 = tpu.dynamic_gather %parallel_loop3A_545[%parallel_loop3A_660] in [0] : vector<16xi32>, vector<16xi32> -> vector<16xi32>
          %parallel_loop3A_662 = arith.constant 11 : i32
          %parallel_loop3A_663 = arith.addi %parallel_loop3A_547, %parallel_loop3A_662 : i32
          %parallel_loop3A_664 = arith.index_cast %parallel_loop3A_663 : i32 to index
          %parallel_loop3A_665 = arith.constant 0 : index
          %parallel_loop3A_666 = tpu.vector_load %arg9[%parallel_loop3A_664, %parallel_loop3A_665] {strides = array<i32>} : memref<2048x16xf32, #tpu.memory_space<vmem>>, vector<16xf32>,
          %parallel_loop3A_667 = arith.addi %parallel_loop3A_661, %iota3A : vector<16xi32>
          tpu.vector_store_idx %arg10[%parallel_loop3A_667], %parallel_loop3A_666 {add = true} : memref<65536xf32, #tpu.memory_space<vmem>>[vector<16xi32>], vector<16xf32>,
          %parallel_loop3A_668 = arith.constant 12 : i32
          %parallel_loop3A_669 = vector.broadcast %parallel_loop3A_668 : i32 to vector<16x1xi32>
          %parallel_loop3A_670 = vector.shape_cast %parallel_loop3A_669 : vector<16x1xi32> to vector<16xi32>
          %parallel_loop3A_671 = tpu.dynamic_gather %parallel_loop3A_545[%parallel_loop3A_670] in [0] : vector<16xi32>, vector<16xi32> -> vector<16xi32>
          %parallel_loop3A_672 = arith.constant 12 : i32
          %parallel_loop3A_673 = arith.addi %parallel_loop3A_547, %parallel_loop3A_672 : i32
          %parallel_loop3A_674 = arith.index_cast %parallel_loop3A_673 : i32 to index
          %parallel_loop3A_675 = arith.constant 0 : index
          %parallel_loop3A_676 = tpu.vector_load %arg9[%parallel_loop3A_674, %parallel_loop3A_675] {strides = array<i32>} : memref<2048x16xf32, #tpu.memory_space<vmem>>, vector<16xf32>,
          %parallel_loop3A_677 = arith.addi %parallel_loop3A_671, %iota3A : vector<16xi32>
          tpu.vector_store_idx %arg10[%parallel_loop3A_677], %parallel_loop3A_676 {add = true} : memref<65536xf32, #tpu.memory_space<vmem>>[vector<16xi32>], vector<16xf32>,
          %parallel_loop3A_678 = arith.constant 13 : i32
          %parallel_loop3A_679 = vector.broadcast %parallel_loop3A_678 : i32 to vector<16x1xi32>
          %parallel_loop3A_680 = vector.shape_cast %parallel_loop3A_679 : vector<16x1xi32> to vector<16xi32>
          %parallel_loop3A_681 = tpu.dynamic_gather %parallel_loop3A_545[%parallel_loop3A_680] in [0] : vector<16xi32>, vector<16xi32> -> vector<16xi32>
          %parallel_loop3A_682 = arith.constant 13 : i32
          %parallel_loop3A_683 = arith.addi %parallel_loop3A_547, %parallel_loop3A_682 : i32
          %parallel_loop3A_684 = arith.index_cast %parallel_loop3A_683 : i32 to index
          %parallel_loop3A_685 = arith.constant 0 : index
          %parallel_loop3A_686 = tpu.vector_load %arg9[%parallel_loop3A_684, %parallel_loop3A_685] {strides = array<i32>} : memref<2048x16xf32, #tpu.memory_space<vmem>>, vector<16xf32>,
          %parallel_loop3A_687 = arith.addi %parallel_loop3A_681, %iota3A : vector<16xi32>
          tpu.vector_store_idx %arg10[%parallel_loop3A_687], %parallel_loop3A_686 {add = true} : memref<65536xf32, #tpu.memory_space<vmem>>[vector<16xi32>], vector<16xf32>,
          %parallel_loop3A_688 = arith.constant 14 : i32
          %parallel_loop3A_689 = vector.broadcast %parallel_loop3A_688 : i32 to vector<16x1xi32>
          %parallel_loop3A_690 = vector.shape_cast %parallel_loop3A_689 : vector<16x1xi32> to vector<16xi32>
          %parallel_loop3A_691 = tpu.dynamic_gather %parallel_loop3A_545[%parallel_loop3A_690] in [0] : vector<16xi32>, vector<16xi32> -> vector<16xi32>
          %parallel_loop3A_692 = arith.constant 14 : i32
          %parallel_loop3A_693 = arith.addi %parallel_loop3A_547, %parallel_loop3A_692 : i32
          %parallel_loop3A_694 = arith.index_cast %parallel_loop3A_693 : i32 to index
          %parallel_loop3A_695 = arith.constant 0 : index
          %parallel_loop3A_696 = tpu.vector_load %arg9[%parallel_loop3A_694, %parallel_loop3A_695] {strides = array<i32>} : memref<2048x16xf32, #tpu.memory_space<vmem>>, vector<16xf32>,
          %parallel_loop3A_697 = arith.addi %parallel_loop3A_691, %iota3A : vector<16xi32>
          tpu.vector_store_idx %arg10[%parallel_loop3A_697], %parallel_loop3A_696 {add = true} : memref<65536xf32, #tpu.memory_space<vmem>>[vector<16xi32>], vector<16xf32>,
          %parallel_loop3A_698 = arith.constant 15 : i32
          %parallel_loop3A_699 = vector.broadcast %parallel_loop3A_698 : i32 to vector<16x1xi32>
          %parallel_loop3A_700 = vector.shape_cast %parallel_loop3A_699 : vector<16x1xi32> to vector<16xi32>
          %parallel_loop3A_701 = tpu.dynamic_gather %parallel_loop3A_545[%parallel_loop3A_700] in [0] : vector<16xi32>, vector<16xi32> -> vector<16xi32>
          %parallel_loop3A_702 = arith.constant 15 : i32
          %parallel_loop3A_703 = arith.addi %parallel_loop3A_547, %parallel_loop3A_702 : i32
          %parallel_loop3A_704 = arith.index_cast %parallel_loop3A_703 : i32 to index
          %parallel_loop3A_705 = arith.constant 0 : index
          %parallel_loop3A_706 = tpu.vector_load %arg9[%parallel_loop3A_704, %parallel_loop3A_705] {strides = array<i32>} : memref<2048x16xf32, #tpu.memory_space<vmem>>, vector<16xf32>,
          %parallel_loop3A_707 = arith.addi %parallel_loop3A_701, %iota3A : vector<16xi32>
          tpu.vector_store_idx %arg10[%parallel_loop3A_707], %parallel_loop3A_706 {add = true} : memref<65536xf32, #tpu.memory_space<vmem>>[vector<16xi32>], vector<16xf32>,
        } {sc.loop_unroll_factor = 8 : i64, sc.parallel_access}
      }
      %scan3A_249 = arith.constant 4 : i32
      %mul3A_250 = arith.constant 2 : i32
      %mul3A_251 = arith.muli %scan3A_41, %mul3A_250 : i32
      %add3A_252 = arith.constant 1 : i32
      %add3A_253 = arith.addi %mul3A_251, %add3A_252 : i32
      %dma_wait3A_254 = arith.constant 1 : i32
      %dma_wait3A_255 = arith.constant 0 : i32
      %dma_wait3A_256 = arith.constant 0 : i32
      %dma_wait3A_257 = tpu.memref_slice %arg6[%dma_wait3A_254, %dma_wait3A_255, %dma_wait3A_256] : memref<2x16x128xi32, #tpu.memory_space<vmem>> -> memref<1x16x128xi32, #tpu.memory_space<vmem>>
      %dma_wait3A_258 = tpu.memref_squeeze %dma_wait3A_257 : memref<1x16x128xi32, #tpu.memory_space<vmem>> -> memref<16x128xi32, #tpu.memory_space<vmem>>
      %dma_wait3A_259 = arith.constant 0 : i32
      %dma_wait3A_260 = arith.constant 0 : i32
      %dma_wait3A_261 = tpu.memref_slice %arg2[%arg0, %dma_wait3A_259, %dma_wait3A_260] : memref<2x800x128xi32, #tpu.memory_space<hbm>> -> memref<1x16x128xi32, #tpu.memory_space<hbm>>
      %dma_wait3A_262 = tpu.memref_squeeze %dma_wait3A_261 : memref<1x16x128xi32, #tpu.memory_space<hbm>> -> memref<16x128xi32, #tpu.memory_space<hbm>>
      %dma_wait3A_263 = arith.constant 0 : i32
      %dma_wait3A_264 = arith.constant 0 : i32
      %dma_wait3A_265 = tpu.memref_slice %arg6[%dma_wait3A_254, %dma_wait3A_263, %dma_wait3A_264] : memref<2x16x128xi32, #tpu.memory_space<vmem>> -> memref<1x16x128xi32, #tpu.memory_space<vmem>>
      %dma_wait3A_266 = tpu.memref_squeeze %dma_wait3A_265 : memref<1x16x128xi32, #tpu.memory_space<vmem>> -> memref<16x128xi32, #tpu.memory_space<vmem>>
      %dma_wait3A_267 = arith.constant 0 : i32
      %dma_wait3A_268 = arith.constant 0 : i32
      %dma_wait3A_269 = tpu.memref_slice %arg2[%arg0, %dma_wait3A_267, %dma_wait3A_268] : memref<2x800x128xi32, #tpu.memory_space<hbm>> -> memref<1x16x128xi32, #tpu.memory_space<hbm>>
      %dma_wait3A_270 = tpu.memref_squeeze %dma_wait3A_269 : memref<1x16x128xi32, #tpu.memory_space<hbm>> -> memref<16x128xi32, #tpu.memory_space<hbm>>
      tpu.wait_dma2 semaphore(%arg12 : memref<!tpu.dma_semaphore, #tpu.memory_space<semaphore_mem>>) src(%dma_wait3A_270 : memref<16x128xi32, #tpu.memory_space<hbm>>) dst(%dma_wait3A_266 : memref<16x128xi32, #tpu.memory_space<vmem>>)
      %dma_wait3A_271 = arith.constant 1 : i32
      %dma_wait3A_272 = arith.constant 0 : i32
      %dma_wait3A_273 = arith.constant 0 : i32
      %dma_wait3A_274 = tpu.memref_slice %arg7[%dma_wait3A_271, %dma_wait3A_272, %dma_wait3A_273] : memref<2x16x128xi32, #tpu.memory_space<vmem>> -> memref<1x16x128xi32, #tpu.memory_space<vmem>>
      %dma_wait3A_275 = tpu.memref_squeeze %dma_wait3A_274 : memref<1x16x128xi32, #tpu.memory_space<vmem>> -> memref<16x128xi32, #tpu.memory_space<vmem>>
      %dma_wait3A_276 = arith.constant 0 : i32
      %dma_wait3A_277 = arith.constant 0 : i32
      %dma_wait3A_278 = tpu.memref_slice %arg3[%arg0, %dma_wait3A_276, %dma_wait3A_277] : memref<2x800x128xi32, #tpu.memory_space<hbm>> -> memref<1x16x128xi32, #tpu.memory_space<hbm>>
      %dma_wait3A_279 = tpu.memref_squeeze %dma_wait3A_278 : memref<1x16x128xi32, #tpu.memory_space<hbm>> -> memref<16x128xi32, #tpu.memory_space<hbm>>
      %dma_wait3A_280 = arith.constant 0 : i32
      %dma_wait3A_281 = arith.constant 0 : i32
      %dma_wait3A_282 = tpu.memref_slice %arg7[%dma_wait3A_271, %dma_wait3A_280, %dma_wait3A_281] : memref<2x16x128xi32, #tpu.memory_space<vmem>> -> memref<1x16x128xi32, #tpu.memory_space<vmem>>
      %dma_wait3A_283 = tpu.memref_squeeze %dma_wait3A_282 : memref<1x16x128xi32, #tpu.memory_space<vmem>> -> memref<16x128xi32, #tpu.memory_space<vmem>>
      %dma_wait3A_284 = arith.constant 0 : i32
      %dma_wait3A_285 = arith.constant 0 : i32
      %dma_wait3A_286 = tpu.memref_slice %arg3[%arg0, %dma_wait3A_284, %dma_wait3A_285] : memref<2x800x128xi32, #tpu.memory_space<hbm>> -> memref<1x16x128xi32, #tpu.memory_space<hbm>>
      %dma_wait3A_287 = tpu.memref_squeeze %dma_wait3A_286 : memref<1x16x128xi32, #tpu.memory_space<hbm>> -> memref<16x128xi32, #tpu.memory_space<hbm>>
      tpu.wait_dma2 semaphore(%arg12 : memref<!tpu.dma_semaphore, #tpu.memory_space<semaphore_mem>>) src(%dma_wait3A_287 : memref<16x128xi32, #tpu.memory_space<hbm>>) dst(%dma_wait3A_283 : memref<16x128xi32, #tpu.memory_space<vmem>>)
      %add3A_288 = arith.constant 1 : i32
      %add3A_289 = arith.addi %add3A_253, %add3A_288 : i32
      %lt3A_290 = arith.constant 50 : i32
      %lt3A_291 = arith.cmpi slt, %add3A_289, %lt3A_290 : i32
      %convert_element_type3A_292 = arith.extui %lt3A_291 : i1 to i32
      %cond3A_293 = arith.constant 0 : i32
      %cond3A_294 = arith.cmpi ne, %convert_element_type3A_292, %cond3A_293 : i32
      scf.if %cond3A_294 {
        %add3A_464 = arith.constant 1 : i32
        %add3A_465 = arith.addi %add3A_253, %add3A_464 : i32
        %mul3A_466 = arith.constant 16 : i32
        %mul3A_467 = arith.muli %add3A_465, %mul3A_466 : i32
        %dma_start3A_468 = arith.constant 0 : i32
        %dma_start3A_469 = arith.constant 0 : i32
        %dma_start3A_470 = arith.constant 0 : i32
        %dma_start3A_471 = tpu.memref_slice %arg6[%dma_start3A_468, %dma_start3A_469, %dma_start3A_470] : memref<2x16x128xi32, #tpu.memory_space<vmem>> -> memref<1x16x128xi32, #tpu.memory_space<vmem>>
        %dma_start3A_472 = tpu.memref_squeeze %dma_start3A_471 : memref<1x16x128xi32, #tpu.memory_space<vmem>> -> memref<16x128xi32, #tpu.memory_space<vmem>>
        %dma_start3A_473 = arith.constant 0 : i32
        %dma_start3A_474 = tpu.memref_slice %arg2[%arg0, %mul3A_467, %dma_start3A_473] : memref<2x800x128xi32, #tpu.memory_space<hbm>> -> memref<1x16x128xi32, #tpu.memory_space<hbm>>
        %dma_start3A_475 = tpu.memref_squeeze %dma_start3A_474 : memref<1x16x128xi32, #tpu.memory_space<hbm>> -> memref<16x128xi32, #tpu.memory_space<hbm>>
        %dma_start3A_476 = arith.constant 0 : i32
        %dma_start3A_477 = arith.constant 0 : i32
        %dma_start3A_478 = tpu.memref_slice %arg6[%dma_start3A_468, %dma_start3A_476, %dma_start3A_477] : memref<2x16x128xi32, #tpu.memory_space<vmem>> -> memref<1x16x128xi32, #tpu.memory_space<vmem>>
        %dma_start3A_479 = tpu.memref_squeeze %dma_start3A_478 : memref<1x16x128xi32, #tpu.memory_space<vmem>> -> memref<16x128xi32, #tpu.memory_space<vmem>>
        %dma_start3A_480 = arith.constant 0 : i32
        %dma_start3A_481 = tpu.memref_slice %arg2[%arg0, %mul3A_467, %dma_start3A_480] : memref<2x800x128xi32, #tpu.memory_space<hbm>> -> memref<1x16x128xi32, #tpu.memory_space<hbm>>
        %dma_start3A_482 = tpu.memref_squeeze %dma_start3A_481 : memref<1x16x128xi32, #tpu.memory_space<hbm>> -> memref<16x128xi32, #tpu.memory_space<hbm>>
        tpu.enqueue_dma source(%dma_start3A_482 : memref<16x128xi32, #tpu.memory_space<hbm>>) target(%dma_start3A_479 : memref<16x128xi32, #tpu.memory_space<vmem>>) target_semaphore(%arg12 : memref<!tpu.dma_semaphore, #tpu.memory_space<semaphore_mem>>)
        %mul3A_483 = arith.constant 16 : i32
        %mul3A_484 = arith.muli %add3A_465, %mul3A_483 : i32
        %dma_start3A_485 = arith.constant 0 : i32
        %dma_start3A_486 = arith.constant 0 : i32
        %dma_start3A_487 = arith.constant 0 : i32
        %dma_start3A_488 = tpu.memref_slice %arg7[%dma_start3A_485, %dma_start3A_486, %dma_start3A_487] : memref<2x16x128xi32, #tpu.memory_space<vmem>> -> memref<1x16x128xi32, #tpu.memory_space<vmem>>
        %dma_start3A_489 = tpu.memref_squeeze %dma_start3A_488 : memref<1x16x128xi32, #tpu.memory_space<vmem>> -> memref<16x128xi32, #tpu.memory_space<vmem>>
        %dma_start3A_490 = arith.constant 0 : i32
        %dma_start3A_491 = tpu.memref_slice %arg3[%arg0, %mul3A_484, %dma_start3A_490] : memref<2x800x128xi32, #tpu.memory_space<hbm>> -> memref<1x16x128xi32, #tpu.memory_space<hbm>>
        %dma_start3A_492 = tpu.memref_squeeze %dma_start3A_491 : memref<1x16x128xi32, #tpu.memory_space<hbm>> -> memref<16x128xi32, #tpu.memory_space<hbm>>
        %dma_start3A_493 = arith.constant 0 : i32
        %dma_start3A_494 = arith.constant 0 : i32
        %dma_start3A_495 = tpu.memref_slice %arg7[%dma_start3A_485, %dma_start3A_493, %dma_start3A_494] : memref<2x16x128xi32, #tpu.memory_space<vmem>> -> memref<1x16x128xi32, #tpu.memory_space<vmem>>
        %dma_start3A_496 = tpu.memref_squeeze %dma_start3A_495 : memref<1x16x128xi32, #tpu.memory_space<vmem>> -> memref<16x128xi32, #tpu.memory_space<vmem>>
        %dma_start3A_497 = arith.constant 0 : i32
        %dma_start3A_498 = tpu.memref_slice %arg3[%arg0, %mul3A_484, %dma_start3A_497] : memref<2x800x128xi32, #tpu.memory_space<hbm>> -> memref<1x16x128xi32, #tpu.memory_space<hbm>>
        %dma_start3A_499 = tpu.memref_squeeze %dma_start3A_498 : memref<1x16x128xi32, #tpu.memory_space<hbm>> -> memref<16x128xi32, #tpu.memory_space<hbm>>
        tpu.enqueue_dma source(%dma_start3A_499 : memref<16x128xi32, #tpu.memory_space<hbm>>) target(%dma_start3A_496 : memref<16x128xi32, #tpu.memory_space<vmem>>) target_semaphore(%arg12 : memref<!tpu.dma_semaphore, #tpu.memory_space<semaphore_mem>>)
      } else {
      }
      %parallel_loop3A_295 = arith.constant 0 : i32
      %parallel_loop3A_296 = arith.constant 16 : i32
      %parallel_loop3A_297 = arith.constant 1 : i32
      scf.for %parallel_loop3A_464 = %parallel_loop3A_295 to %parallel_loop3A_296 step %parallel_loop3A_297  : i32 {
        %parallel_loop3A_465 = arith.constant 1 : i32
        %parallel_loop3A_466 = arith.index_cast %parallel_loop3A_465 : i32 to index
        %parallel_loop3A_467 = arith.index_cast %parallel_loop3A_464 : i32 to index
        %parallel_loop3A_468 = arith.constant 0 : index
        %parallel_loop3A_469 = tpu.vector_load %arg7[%parallel_loop3A_466, %parallel_loop3A_467, %parallel_loop3A_468] {strides = array<i32>} : memref<2x16x128xi32, #tpu.memory_space<vmem>>, vector<16xi32>,
        %parallel_loop3A_470 = arith.constant 16 : i32
        %parallel_loop3A_471 = vector.broadcast %parallel_loop3A_470 : i32 to vector<16xi32>
        %parallel_loop3A_472 = arith.muli %parallel_loop3A_469, %parallel_loop3A_471 : vector<16xi32>
        %parallel_loop3A_473 = vector.broadcast %arg1 : i32 to vector<16xi32>
        %parallel_loop3A_474 = arith.addi %parallel_loop3A_472, %parallel_loop3A_473 : vector<16xi32>
        %parallel_loop3A_475 = arith.index_cast %parallel_loop3A_464 : i32 to index
        %parallel_loop3A_476 = arith.constant 0 : index
        %parallel_loop3A_477 = tpu.vector_load %arg8[%parallel_loop3A_475, %parallel_loop3A_476] {strides = array<i32>} : memref<16x128xi32, #tpu.memory_space<vmem>>, vector<16xi32>,
        tpu.vector_store %arg8[%parallel_loop3A_475, %parallel_loop3A_476], %parallel_loop3A_474 {strides = array<i32>} : memref<16x128xi32, #tpu.memory_space<vmem>>, vector<16xi32>,
        %parallel_loop3A_478 = arith.constant 1 : i32
        %parallel_loop3A_479 = arith.index_cast %parallel_loop3A_478 : i32 to index
        %parallel_loop3A_480 = arith.index_cast %parallel_loop3A_464 : i32 to index
        %parallel_loop3A_481 = arith.constant 16 : index
        %parallel_loop3A_482 = tpu.vector_load %arg7[%parallel_loop3A_479, %parallel_loop3A_480, %parallel_loop3A_481] {strides = array<i32>} : memref<2x16x128xi32, #tpu.memory_space<vmem>>, vector<16xi32>,
        %parallel_loop3A_483 = arith.constant 16 : i32
        %parallel_loop3A_484 = vector.broadcast %parallel_loop3A_483 : i32 to vector<16xi32>
        %parallel_loop3A_485 = arith.muli %parallel_loop3A_482, %parallel_loop3A_484 : vector<16xi32>
        %parallel_loop3A_486 = vector.broadcast %arg1 : i32 to vector<16xi32>
        %parallel_loop3A_487 = arith.addi %parallel_loop3A_485, %parallel_loop3A_486 : vector<16xi32>
        %parallel_loop3A_488 = arith.index_cast %parallel_loop3A_464 : i32 to index
        %parallel_loop3A_489 = arith.constant 16 : index
        %parallel_loop3A_490 = tpu.vector_load %arg8[%parallel_loop3A_488, %parallel_loop3A_489] {strides = array<i32>} : memref<16x128xi32, #tpu.memory_space<vmem>>, vector<16xi32>,
        tpu.vector_store %arg8[%parallel_loop3A_488, %parallel_loop3A_489], %parallel_loop3A_487 {strides = array<i32>} : memref<16x128xi32, #tpu.memory_space<vmem>>, vector<16xi32>,
        %parallel_loop3A_491 = arith.constant 1 : i32
        %parallel_loop3A_492 = arith.index_cast %parallel_loop3A_491 : i32 to index
        %parallel_loop3A_493 = arith.index_cast %parallel_loop3A_464 : i32 to index
        %parallel_loop3A_494 = arith.constant 32 : index
        %parallel_loop3A_495 = tpu.vector_load %arg7[%parallel_loop3A_492, %parallel_loop3A_493, %parallel_loop3A_494] {strides = array<i32>} : memref<2x16x128xi32, #tpu.memory_space<vmem>>, vector<16xi32>,
        %parallel_loop3A_496 = arith.constant 16 : i32
        %parallel_loop3A_497 = vector.broadcast %parallel_loop3A_496 : i32 to vector<16xi32>
        %parallel_loop3A_498 = arith.muli %parallel_loop3A_495, %parallel_loop3A_497 : vector<16xi32>
        %parallel_loop3A_499 = vector.broadcast %arg1 : i32 to vector<16xi32>
        %parallel_loop3A_500 = arith.addi %parallel_loop3A_498, %parallel_loop3A_499 : vector<16xi32>
        %parallel_loop3A_501 = arith.index_cast %parallel_loop3A_464 : i32 to index
        %parallel_loop3A_502 = arith.constant 32 : index
        %parallel_loop3A_503 = tpu.vector_load %arg8[%parallel_loop3A_501, %parallel_loop3A_502] {strides = array<i32>} : memref<16x128xi32, #tpu.memory_space<vmem>>, vector<16xi32>,
        tpu.vector_store %arg8[%parallel_loop3A_501, %parallel_loop3A_502], %parallel_loop3A_500 {strides = array<i32>} : memref<16x128xi32, #tpu.memory_space<vmem>>, vector<16xi32>,
        %parallel_loop3A_504 = arith.constant 1 : i32
        %parallel_loop3A_505 = arith.index_cast %parallel_loop3A_504 : i32 to index
        %parallel_loop3A_506 = arith.index_cast %parallel_loop3A_464 : i32 to index
        %parallel_loop3A_507 = arith.constant 48 : index
        %parallel_loop3A_508 = tpu.vector_load %arg7[%parallel_loop3A_505, %parallel_loop3A_506, %parallel_loop3A_507] {strides = array<i32>} : memref<2x16x128xi32, #tpu.memory_space<vmem>>, vector<16xi32>,
        %parallel_loop3A_509 = arith.constant 16 : i32
        %parallel_loop3A_510 = vector.broadcast %parallel_loop3A_509 : i32 to vector<16xi32>
        %parallel_loop3A_511 = arith.muli %parallel_loop3A_508, %parallel_loop3A_510 : vector<16xi32>
        %parallel_loop3A_512 = vector.broadcast %arg1 : i32 to vector<16xi32>
        %parallel_loop3A_513 = arith.addi %parallel_loop3A_511, %parallel_loop3A_512 : vector<16xi32>
        %parallel_loop3A_514 = arith.index_cast %parallel_loop3A_464 : i32 to index
        %parallel_loop3A_515 = arith.constant 48 : index
        %parallel_loop3A_516 = tpu.vector_load %arg8[%parallel_loop3A_514, %parallel_loop3A_515] {strides = array<i32>} : memref<16x128xi32, #tpu.memory_space<vmem>>, vector<16xi32>,
        tpu.vector_store %arg8[%parallel_loop3A_514, %parallel_loop3A_515], %parallel_loop3A_513 {strides = array<i32>} : memref<16x128xi32, #tpu.memory_space<vmem>>, vector<16xi32>,
        %parallel_loop3A_517 = arith.constant 1 : i32
        %parallel_loop3A_518 = arith.index_cast %parallel_loop3A_517 : i32 to index
        %parallel_loop3A_519 = arith.index_cast %parallel_loop3A_464 : i32 to index
        %parallel_loop3A_520 = arith.constant 64 : index
        %parallel_loop3A_521 = tpu.vector_load %arg7[%parallel_loop3A_518, %parallel_loop3A_519, %parallel_loop3A_520] {strides = array<i32>} : memref<2x16x128xi32, #tpu.memory_space<vmem>>, vector<16xi32>,
        %parallel_loop3A_522 = arith.constant 16 : i32
        %parallel_loop3A_523 = vector.broadcast %parallel_loop3A_522 : i32 to vector<16xi32>
        %parallel_loop3A_524 = arith.muli %parallel_loop3A_521, %parallel_loop3A_523 : vector<16xi32>
        %parallel_loop3A_525 = vector.broadcast %arg1 : i32 to vector<16xi32>
        %parallel_loop3A_526 = arith.addi %parallel_loop3A_524, %parallel_loop3A_525 : vector<16xi32>
        %parallel_loop3A_527 = arith.index_cast %parallel_loop3A_464 : i32 to index
        %parallel_loop3A_528 = arith.constant 64 : index
        %parallel_loop3A_529 = tpu.vector_load %arg8[%parallel_loop3A_527, %parallel_loop3A_528] {strides = array<i32>} : memref<16x128xi32, #tpu.memory_space<vmem>>, vector<16xi32>,
        tpu.vector_store %arg8[%parallel_loop3A_527, %parallel_loop3A_528], %parallel_loop3A_526 {strides = array<i32>} : memref<16x128xi32, #tpu.memory_space<vmem>>, vector<16xi32>,
        %parallel_loop3A_530 = arith.constant 1 : i32
        %parallel_loop3A_531 = arith.index_cast %parallel_loop3A_530 : i32 to index
        %parallel_loop3A_532 = arith.index_cast %parallel_loop3A_464 : i32 to index
        %parallel_loop3A_533 = arith.constant 80 : index
        %parallel_loop3A_534 = tpu.vector_load %arg7[%parallel_loop3A_531, %parallel_loop3A_532, %parallel_loop3A_533] {strides = array<i32>} : memref<2x16x128xi32, #tpu.memory_space<vmem>>, vector<16xi32>,
        %parallel_loop3A_535 = arith.constant 16 : i32
        %parallel_loop3A_536 = vector.broadcast %parallel_loop3A_535 : i32 to vector<16xi32>
        %parallel_loop3A_537 = arith.muli %parallel_loop3A_534, %parallel_loop3A_536 : vector<16xi32>
        %parallel_loop3A_538 = vector.broadcast %arg1 : i32 to vector<16xi32>
        %parallel_loop3A_539 = arith.addi %parallel_loop3A_537, %parallel_loop3A_538 : vector<16xi32>
        %parallel_loop3A_540 = arith.index_cast %parallel_loop3A_464 : i32 to index
        %parallel_loop3A_541 = arith.constant 80 : index
        %parallel_loop3A_542 = tpu.vector_load %arg8[%parallel_loop3A_540, %parallel_loop3A_541] {strides = array<i32>} : memref<16x128xi32, #tpu.memory_space<vmem>>, vector<16xi32>,
        tpu.vector_store %arg8[%parallel_loop3A_540, %parallel_loop3A_541], %parallel_loop3A_539 {strides = array<i32>} : memref<16x128xi32, #tpu.memory_space<vmem>>, vector<16xi32>,
        %parallel_loop3A_543 = arith.constant 1 : i32
        %parallel_loop3A_544 = arith.index_cast %parallel_loop3A_543 : i32 to index
        %parallel_loop3A_545 = arith.index_cast %parallel_loop3A_464 : i32 to index
        %parallel_loop3A_546 = arith.constant 96 : index
        %parallel_loop3A_547 = tpu.vector_load %arg7[%parallel_loop3A_544, %parallel_loop3A_545, %parallel_loop3A_546] {strides = array<i32>} : memref<2x16x128xi32, #tpu.memory_space<vmem>>, vector<16xi32>,
        %parallel_loop3A_548 = arith.constant 16 : i32
        %parallel_loop3A_549 = vector.broadcast %parallel_loop3A_548 : i32 to vector<16xi32>
        %parallel_loop3A_550 = arith.muli %parallel_loop3A_547, %parallel_loop3A_549 : vector<16xi32>
        %parallel_loop3A_551 = vector.broadcast %arg1 : i32 to vector<16xi32>
        %parallel_loop3A_552 = arith.addi %parallel_loop3A_550, %parallel_loop3A_551 : vector<16xi32>
        %parallel_loop3A_553 = arith.index_cast %parallel_loop3A_464 : i32 to index
        %parallel_loop3A_554 = arith.constant 96 : index
        %parallel_loop3A_555 = tpu.vector_load %arg8[%parallel_loop3A_553, %parallel_loop3A_554] {strides = array<i32>} : memref<16x128xi32, #tpu.memory_space<vmem>>, vector<16xi32>,
        tpu.vector_store %arg8[%parallel_loop3A_553, %parallel_loop3A_554], %parallel_loop3A_552 {strides = array<i32>} : memref<16x128xi32, #tpu.memory_space<vmem>>, vector<16xi32>,
        %parallel_loop3A_556 = arith.constant 1 : i32
        %parallel_loop3A_557 = arith.index_cast %parallel_loop3A_556 : i32 to index
        %parallel_loop3A_558 = arith.index_cast %parallel_loop3A_464 : i32 to index
        %parallel_loop3A_559 = arith.constant 112 : index
        %parallel_loop3A_560 = tpu.vector_load %arg7[%parallel_loop3A_557, %parallel_loop3A_558, %parallel_loop3A_559] {strides = array<i32>} : memref<2x16x128xi32, #tpu.memory_space<vmem>>, vector<16xi32>,
        %parallel_loop3A_561 = arith.constant 16 : i32
        %parallel_loop3A_562 = vector.broadcast %parallel_loop3A_561 : i32 to vector<16xi32>
        %parallel_loop3A_563 = arith.muli %parallel_loop3A_560, %parallel_loop3A_562 : vector<16xi32>
        %parallel_loop3A_564 = vector.broadcast %arg1 : i32 to vector<16xi32>
        %parallel_loop3A_565 = arith.addi %parallel_loop3A_563, %parallel_loop3A_564 : vector<16xi32>
        %parallel_loop3A_566 = arith.index_cast %parallel_loop3A_464 : i32 to index
        %parallel_loop3A_567 = arith.constant 112 : index
        %parallel_loop3A_568 = tpu.vector_load %arg8[%parallel_loop3A_566, %parallel_loop3A_567] {strides = array<i32>} : memref<16x128xi32, #tpu.memory_space<vmem>>, vector<16xi32>,
        tpu.vector_store %arg8[%parallel_loop3A_566, %parallel_loop3A_567], %parallel_loop3A_565 {strides = array<i32>} : memref<16x128xi32, #tpu.memory_space<vmem>>, vector<16xi32>,
      } {sc.loop_unroll_factor = 2 : i64, sc.parallel_access}
      %dma_start3A_298 = arith.constant 0 : i32
      %dma_start3A_299 = arith.constant 0 : i32
      %dma_start3A_300 = arith.constant 0 : i32
      %dma_start3A_301 = tpu.memref_slice %arg9[%dma_start3A_299, %dma_start3A_300] : memref<2048x16xf32, #tpu.memory_space<vmem>> -> memref<128x16xf32, #tpu.memory_space<vmem>>
      %dma_start3A_302 = arith.constant 0 : i32
      %dma_start3A_303 = tpu.memref_slice %arg8[%dma_start3A_298, %dma_start3A_302] : memref<16x128xi32, #tpu.memory_space<vmem>> -> memref<1x128xi32, #tpu.memory_space<vmem>>
      %dma_start3A_304 = tpu.memref_squeeze %dma_start3A_303 : memref<1x128xi32, #tpu.memory_space<vmem>> -> memref<128xi32, #tpu.memory_space<vmem>>
      %dma_start3A_305 = arith.constant 0 : i32
      %dma_start3A_306 = arith.constant 0 : i32
      %dma_start3A_307 = tpu.memref_slice %arg4[%dma_start3A_305, %dma_start3A_306] : memref<160000x16xf32, #tpu.memory_space<hbm>> -> memref<160000x16xf32, #tpu.memory_space<hbm>>
      tpu.enqueue_indirect_dma source(%dma_start3A_307 : memref<160000x16xf32, #tpu.memory_space<hbm>>) target(%dma_start3A_301 : memref<128x16xf32, #tpu.memory_space<vmem>>) offsets(%dma_start3A_304 : memref<128xi32, #tpu.memory_space<vmem>>) semaphore(%arg11 : memref<!tpu.dma_semaphore, #tpu.memory_space<semaphore_mem>>)
      %dma_start3A_308 = arith.constant 1 : i32
      %dma_start3A_309 = arith.constant 128 : i32
      %dma_start3A_310 = arith.constant 0 : i32
      %dma_start3A_311 = tpu.memref_slice %arg9[%dma_start3A_309, %dma_start3A_310] : memref<2048x16xf32, #tpu.memory_space<vmem>> -> memref<128x16xf32, #tpu.memory_space<vmem>>
      %dma_start3A_312 = arith.constant 0 : i32
      %dma_start3A_313 = tpu.memref_slice %arg8[%dma_start3A_308, %dma_start3A_312] : memref<16x128xi32, #tpu.memory_space<vmem>> -> memref<1x128xi32, #tpu.memory_space<vmem>>
      %dma_start3A_314 = tpu.memref_squeeze %dma_start3A_313 : memref<1x128xi32, #tpu.memory_space<vmem>> -> memref<128xi32, #tpu.memory_space<vmem>>
      %dma_start3A_315 = arith.constant 0 : i32
      %dma_start3A_316 = arith.constant 0 : i32
      %dma_start3A_317 = tpu.memref_slice %arg4[%dma_start3A_315, %dma_start3A_316] : memref<160000x16xf32, #tpu.memory_space<hbm>> -> memref<160000x16xf32, #tpu.memory_space<hbm>>
      tpu.enqueue_indirect_dma source(%dma_start3A_317 : memref<160000x16xf32, #tpu.memory_space<hbm>>) target(%dma_start3A_311 : memref<128x16xf32, #tpu.memory_space<vmem>>) offsets(%dma_start3A_314 : memref<128xi32, #tpu.memory_space<vmem>>) semaphore(%arg11 : memref<!tpu.dma_semaphore, #tpu.memory_space<semaphore_mem>>)
      %dma_start3A_318 = arith.constant 2 : i32
      %dma_start3A_319 = arith.constant 256 : i32
      %dma_start3A_320 = arith.constant 0 : i32
      %dma_start3A_321 = tpu.memref_slice %arg9[%dma_start3A_319, %dma_start3A_320] : memref<2048x16xf32, #tpu.memory_space<vmem>> -> memref<128x16xf32, #tpu.memory_space<vmem>>
      %dma_start3A_322 = arith.constant 0 : i32
      %dma_start3A_323 = tpu.memref_slice %arg8[%dma_start3A_318, %dma_start3A_322] : memref<16x128xi32, #tpu.memory_space<vmem>> -> memref<1x128xi32, #tpu.memory_space<vmem>>
      %dma_start3A_324 = tpu.memref_squeeze %dma_start3A_323 : memref<1x128xi32, #tpu.memory_space<vmem>> -> memref<128xi32, #tpu.memory_space<vmem>>
      %dma_start3A_325 = arith.constant 0 : i32
      %dma_start3A_326 = arith.constant 0 : i32
      %dma_start3A_327 = tpu.memref_slice %arg4[%dma_start3A_325, %dma_start3A_326] : memref<160000x16xf32, #tpu.memory_space<hbm>> -> memref<160000x16xf32, #tpu.memory_space<hbm>>
      tpu.enqueue_indirect_dma source(%dma_start3A_327 : memref<160000x16xf32, #tpu.memory_space<hbm>>) target(%dma_start3A_321 : memref<128x16xf32, #tpu.memory_space<vmem>>) offsets(%dma_start3A_324 : memref<128xi32, #tpu.memory_space<vmem>>) semaphore(%arg11 : memref<!tpu.dma_semaphore, #tpu.memory_space<semaphore_mem>>)
      %dma_start3A_328 = arith.constant 3 : i32
      %dma_start3A_329 = arith.constant 384 : i32
      %dma_start3A_330 = arith.constant 0 : i32
      %dma_start3A_331 = tpu.memref_slice %arg9[%dma_start3A_329, %dma_start3A_330] : memref<2048x16xf32, #tpu.memory_space<vmem>> -> memref<128x16xf32, #tpu.memory_space<vmem>>
      %dma_start3A_332 = arith.constant 0 : i32
      %dma_start3A_333 = tpu.memref_slice %arg8[%dma_start3A_328, %dma_start3A_332] : memref<16x128xi32, #tpu.memory_space<vmem>> -> memref<1x128xi32, #tpu.memory_space<vmem>>
      %dma_start3A_334 = tpu.memref_squeeze %dma_start3A_333 : memref<1x128xi32, #tpu.memory_space<vmem>> -> memref<128xi32, #tpu.memory_space<vmem>>
      %dma_start3A_335 = arith.constant 0 : i32
      %dma_start3A_336 = arith.constant 0 : i32
      %dma_start3A_337 = tpu.memref_slice %arg4[%dma_start3A_335, %dma_start3A_336] : memref<160000x16xf32, #tpu.memory_space<hbm>> -> memref<160000x16xf32, #tpu.memory_space<hbm>>
      tpu.enqueue_indirect_dma source(%dma_start3A_337 : memref<160000x16xf32, #tpu.memory_space<hbm>>) target(%dma_start3A_331 : memref<128x16xf32, #tpu.memory_space<vmem>>) offsets(%dma_start3A_334 : memref<128xi32, #tpu.memory_space<vmem>>) semaphore(%arg11 : memref<!tpu.dma_semaphore, #tpu.memory_space<semaphore_mem>>)
      %dma_start3A_338 = arith.constant 4 : i32
      %dma_start3A_339 = arith.constant 512 : i32
      %dma_start3A_340 = arith.constant 0 : i32
      %dma_start3A_341 = tpu.memref_slice %arg9[%dma_start3A_339, %dma_start3A_340] : memref<2048x16xf32, #tpu.memory_space<vmem>> -> memref<128x16xf32, #tpu.memory_space<vmem>>
      %dma_start3A_342 = arith.constant 0 : i32
      %dma_start3A_343 = tpu.memref_slice %arg8[%dma_start3A_338, %dma_start3A_342] : memref<16x128xi32, #tpu.memory_space<vmem>> -> memref<1x128xi32, #tpu.memory_space<vmem>>
      %dma_start3A_344 = tpu.memref_squeeze %dma_start3A_343 : memref<1x128xi32, #tpu.memory_space<vmem>> -> memref<128xi32, #tpu.memory_space<vmem>>
      %dma_start3A_345 = arith.constant 0 : i32
      %dma_start3A_346 = arith.constant 0 : i32
      %dma_start3A_347 = tpu.memref_slice %arg4[%dma_start3A_345, %dma_start3A_346] : memref<160000x16xf32, #tpu.memory_space<hbm>> -> memref<160000x16xf32, #tpu.memory_space<hbm>>
      tpu.enqueue_indirect_dma source(%dma_start3A_347 : memref<160000x16xf32, #tpu.memory_space<hbm>>) target(%dma_start3A_341 : memref<128x16xf32, #tpu.memory_space<vmem>>) offsets(%dma_start3A_344 : memref<128xi32, #tpu.memory_space<vmem>>) semaphore(%arg11 : memref<!tpu.dma_semaphore, #tpu.memory_space<semaphore_mem>>)
      %dma_start3A_348 = arith.constant 5 : i32
      %dma_start3A_349 = arith.constant 640 : i32
      %dma_start3A_350 = arith.constant 0 : i32
      %dma_start3A_351 = tpu.memref_slice %arg9[%dma_start3A_349, %dma_start3A_350] : memref<2048x16xf32, #tpu.memory_space<vmem>> -> memref<128x16xf32, #tpu.memory_space<vmem>>
      %dma_start3A_352 = arith.constant 0 : i32
      %dma_start3A_353 = tpu.memref_slice %arg8[%dma_start3A_348, %dma_start3A_352] : memref<16x128xi32, #tpu.memory_space<vmem>> -> memref<1x128xi32, #tpu.memory_space<vmem>>
      %dma_start3A_354 = tpu.memref_squeeze %dma_start3A_353 : memref<1x128xi32, #tpu.memory_space<vmem>> -> memref<128xi32, #tpu.memory_space<vmem>>
      %dma_start3A_355 = arith.constant 0 : i32
      %dma_start3A_356 = arith.constant 0 : i32
      %dma_start3A_357 = tpu.memref_slice %arg4[%dma_start3A_355, %dma_start3A_356] : memref<160000x16xf32, #tpu.memory_space<hbm>> -> memref<160000x16xf32, #tpu.memory_space<hbm>>
      tpu.enqueue_indirect_dma source(%dma_start3A_357 : memref<160000x16xf32, #tpu.memory_space<hbm>>) target(%dma_start3A_351 : memref<128x16xf32, #tpu.memory_space<vmem>>) offsets(%dma_start3A_354 : memref<128xi32, #tpu.memory_space<vmem>>) semaphore(%arg11 : memref<!tpu.dma_semaphore, #tpu.memory_space<semaphore_mem>>)
      %dma_start3A_358 = arith.constant 6 : i32
      %dma_start3A_359 = arith.constant 768 : i32
      %dma_start3A_360 = arith.constant 0 : i32
      %dma_start3A_361 = tpu.memref_slice %arg9[%dma_start3A_359, %dma_start3A_360] : memref<2048x16xf32, #tpu.memory_space<vmem>> -> memref<128x16xf32, #tpu.memory_space<vmem>>
      %dma_start3A_362 = arith.constant 0 : i32
      %dma_start3A_363 = tpu.memref_slice %arg8[%dma_start3A_358, %dma_start3A_362] : memref<16x128xi32, #tpu.memory_space<vmem>> -> memref<1x128xi32, #tpu.memory_space<vmem>>
      %dma_start3A_364 = tpu.memref_squeeze %dma_start3A_363 : memref<1x128xi32, #tpu.memory_space<vmem>> -> memref<128xi32, #tpu.memory_space<vmem>>
      %dma_start3A_365 = arith.constant 0 : i32
      %dma_start3A_366 = arith.constant 0 : i32
      %dma_start3A_367 = tpu.memref_slice %arg4[%dma_start3A_365, %dma_start3A_366] : memref<160000x16xf32, #tpu.memory_space<hbm>> -> memref<160000x16xf32, #tpu.memory_space<hbm>>
      tpu.enqueue_indirect_dma source(%dma_start3A_367 : memref<160000x16xf32, #tpu.memory_space<hbm>>) target(%dma_start3A_361 : memref<128x16xf32, #tpu.memory_space<vmem>>) offsets(%dma_start3A_364 : memref<128xi32, #tpu.memory_space<vmem>>) semaphore(%arg11 : memref<!tpu.dma_semaphore, #tpu.memory_space<semaphore_mem>>)
      %dma_start3A_368 = arith.constant 7 : i32
      %dma_start3A_369 = arith.constant 896 : i32
      %dma_start3A_370 = arith.constant 0 : i32
      %dma_start3A_371 = tpu.memref_slice %arg9[%dma_start3A_369, %dma_start3A_370] : memref<2048x16xf32, #tpu.memory_space<vmem>> -> memref<128x16xf32, #tpu.memory_space<vmem>>
      %dma_start3A_372 = arith.constant 0 : i32
      %dma_start3A_373 = tpu.memref_slice %arg8[%dma_start3A_368, %dma_start3A_372] : memref<16x128xi32, #tpu.memory_space<vmem>> -> memref<1x128xi32, #tpu.memory_space<vmem>>
      %dma_start3A_374 = tpu.memref_squeeze %dma_start3A_373 : memref<1x128xi32, #tpu.memory_space<vmem>> -> memref<128xi32, #tpu.memory_space<vmem>>
      %dma_start3A_375 = arith.constant 0 : i32
      %dma_start3A_376 = arith.constant 0 : i32
      %dma_start3A_377 = tpu.memref_slice %arg4[%dma_start3A_375, %dma_start3A_376] : memref<160000x16xf32, #tpu.memory_space<hbm>> -> memref<160000x16xf32, #tpu.memory_space<hbm>>
      tpu.enqueue_indirect_dma source(%dma_start3A_377 : memref<160000x16xf32, #tpu.memory_space<hbm>>) target(%dma_start3A_371 : memref<128x16xf32, #tpu.memory_space<vmem>>) offsets(%dma_start3A_374 : memref<128xi32, #tpu.memory_space<vmem>>) semaphore(%arg11 : memref<!tpu.dma_semaphore, #tpu.memory_space<semaphore_mem>>)
      %dma_start3A_378 = arith.constant 8 : i32
      %dma_start3A_379 = arith.constant 1024 : i32
      %dma_start3A_380 = arith.constant 0 : i32
      %dma_start3A_381 = tpu.memref_slice %arg9[%dma_start3A_379, %dma_start3A_380] : memref<2048x16xf32, #tpu.memory_space<vmem>> -> memref<128x16xf32, #tpu.memory_space<vmem>>
      %dma_start3A_382 = arith.constant 0 : i32
      %dma_start3A_383 = tpu.memref_slice %arg8[%dma_start3A_378, %dma_start3A_382] : memref<16x128xi32, #tpu.memory_space<vmem>> -> memref<1x128xi32, #tpu.memory_space<vmem>>
      %dma_start3A_384 = tpu.memref_squeeze %dma_start3A_383 : memref<1x128xi32, #tpu.memory_space<vmem>> -> memref<128xi32, #tpu.memory_space<vmem>>
      %dma_start3A_385 = arith.constant 0 : i32
      %dma_start3A_386 = arith.constant 0 : i32
      %dma_start3A_387 = tpu.memref_slice %arg4[%dma_start3A_385, %dma_start3A_386] : memref<160000x16xf32, #tpu.memory_space<hbm>> -> memref<160000x16xf32, #tpu.memory_space<hbm>>
      tpu.enqueue_indirect_dma source(%dma_start3A_387 : memref<160000x16xf32, #tpu.memory_space<hbm>>) target(%dma_start3A_381 : memref<128x16xf32, #tpu.memory_space<vmem>>) offsets(%dma_start3A_384 : memref<128xi32, #tpu.memory_space<vmem>>) semaphore(%arg11 : memref<!tpu.dma_semaphore, #tpu.memory_space<semaphore_mem>>)
      %dma_start3A_388 = arith.constant 9 : i32
      %dma_start3A_389 = arith.constant 1152 : i32
      %dma_start3A_390 = arith.constant 0 : i32
      %dma_start3A_391 = tpu.memref_slice %arg9[%dma_start3A_389, %dma_start3A_390] : memref<2048x16xf32, #tpu.memory_space<vmem>> -> memref<128x16xf32, #tpu.memory_space<vmem>>
      %dma_start3A_392 = arith.constant 0 : i32
      %dma_start3A_393 = tpu.memref_slice %arg8[%dma_start3A_388, %dma_start3A_392] : memref<16x128xi32, #tpu.memory_space<vmem>> -> memref<1x128xi32, #tpu.memory_space<vmem>>
      %dma_start3A_394 = tpu.memref_squeeze %dma_start3A_393 : memref<1x128xi32, #tpu.memory_space<vmem>> -> memref<128xi32, #tpu.memory_space<vmem>>
      %dma_start3A_395 = arith.constant 0 : i32
      %dma_start3A_396 = arith.constant 0 : i32
      %dma_start3A_397 = tpu.memref_slice %arg4[%dma_start3A_395, %dma_start3A_396] : memref<160000x16xf32, #tpu.memory_space<hbm>> -> memref<160000x16xf32, #tpu.memory_space<hbm>>
      tpu.enqueue_indirect_dma source(%dma_start3A_397 : memref<160000x16xf32, #tpu.memory_space<hbm>>) target(%dma_start3A_391 : memref<128x16xf32, #tpu.memory_space<vmem>>) offsets(%dma_start3A_394 : memref<128xi32, #tpu.memory_space<vmem>>) semaphore(%arg11 : memref<!tpu.dma_semaphore, #tpu.memory_space<semaphore_mem>>)
      %dma_start3A_398 = arith.constant 10 : i32
      %dma_start3A_399 = arith.constant 1280 : i32
      %dma_start3A_400 = arith.constant 0 : i32
      %dma_start3A_401 = tpu.memref_slice %arg9[%dma_start3A_399, %dma_start3A_400] : memref<2048x16xf32, #tpu.memory_space<vmem>> -> memref<128x16xf32, #tpu.memory_space<vmem>>
      %dma_start3A_402 = arith.constant 0 : i32
      %dma_start3A_403 = tpu.memref_slice %arg8[%dma_start3A_398, %dma_start3A_402] : memref<16x128xi32, #tpu.memory_space<vmem>> -> memref<1x128xi32, #tpu.memory_space<vmem>>
      %dma_start3A_404 = tpu.memref_squeeze %dma_start3A_403 : memref<1x128xi32, #tpu.memory_space<vmem>> -> memref<128xi32, #tpu.memory_space<vmem>>
      %dma_start3A_405 = arith.constant 0 : i32
      %dma_start3A_406 = arith.constant 0 : i32
      %dma_start3A_407 = tpu.memref_slice %arg4[%dma_start3A_405, %dma_start3A_406] : memref<160000x16xf32, #tpu.memory_space<hbm>> -> memref<160000x16xf32, #tpu.memory_space<hbm>>
      tpu.enqueue_indirect_dma source(%dma_start3A_407 : memref<160000x16xf32, #tpu.memory_space<hbm>>) target(%dma_start3A_401 : memref<128x16xf32, #tpu.memory_space<vmem>>) offsets(%dma_start3A_404 : memref<128xi32, #tpu.memory_space<vmem>>) semaphore(%arg11 : memref<!tpu.dma_semaphore, #tpu.memory_space<semaphore_mem>>)
      %dma_start3A_408 = arith.constant 11 : i32
      %dma_start3A_409 = arith.constant 1408 : i32
      %dma_start3A_410 = arith.constant 0 : i32
      %dma_start3A_411 = tpu.memref_slice %arg9[%dma_start3A_409, %dma_start3A_410] : memref<2048x16xf32, #tpu.memory_space<vmem>> -> memref<128x16xf32, #tpu.memory_space<vmem>>
      %dma_start3A_412 = arith.constant 0 : i32
      %dma_start3A_413 = tpu.memref_slice %arg8[%dma_start3A_408, %dma_start3A_412] : memref<16x128xi32, #tpu.memory_space<vmem>> -> memref<1x128xi32, #tpu.memory_space<vmem>>
      %dma_start3A_414 = tpu.memref_squeeze %dma_start3A_413 : memref<1x128xi32, #tpu.memory_space<vmem>> -> memref<128xi32, #tpu.memory_space<vmem>>
      %dma_start3A_415 = arith.constant 0 : i32
      %dma_start3A_416 = arith.constant 0 : i32
      %dma_start3A_417 = tpu.memref_slice %arg4[%dma_start3A_415, %dma_start3A_416] : memref<160000x16xf32, #tpu.memory_space<hbm>> -> memref<160000x16xf32, #tpu.memory_space<hbm>>
      tpu.enqueue_indirect_dma source(%dma_start3A_417 : memref<160000x16xf32, #tpu.memory_space<hbm>>) target(%dma_start3A_411 : memref<128x16xf32, #tpu.memory_space<vmem>>) offsets(%dma_start3A_414 : memref<128xi32, #tpu.memory_space<vmem>>) semaphore(%arg11 : memref<!tpu.dma_semaphore, #tpu.memory_space<semaphore_mem>>)
      %dma_start3A_418 = arith.constant 12 : i32
      %dma_start3A_419 = arith.constant 1536 : i32
      %dma_start3A_420 = arith.constant 0 : i32
      %dma_start3A_421 = tpu.memref_slice %arg9[%dma_start3A_419, %dma_start3A_420] : memref<2048x16xf32, #tpu.memory_space<vmem>> -> memref<128x16xf32, #tpu.memory_space<vmem>>
      %dma_start3A_422 = arith.constant 0 : i32
      %dma_start3A_423 = tpu.memref_slice %arg8[%dma_start3A_418, %dma_start3A_422] : memref<16x128xi32, #tpu.memory_space<vmem>> -> memref<1x128xi32, #tpu.memory_space<vmem>>
      %dma_start3A_424 = tpu.memref_squeeze %dma_start3A_423 : memref<1x128xi32, #tpu.memory_space<vmem>> -> memref<128xi32, #tpu.memory_space<vmem>>
      %dma_start3A_425 = arith.constant 0 : i32
      %dma_start3A_426 = arith.constant 0 : i32
      %dma_start3A_427 = tpu.memref_slice %arg4[%dma_start3A_425, %dma_start3A_426] : memref<160000x16xf32, #tpu.memory_space<hbm>> -> memref<160000x16xf32, #tpu.memory_space<hbm>>
      tpu.enqueue_indirect_dma source(%dma_start3A_427 : memref<160000x16xf32, #tpu.memory_space<hbm>>) target(%dma_start3A_421 : memref<128x16xf32, #tpu.memory_space<vmem>>) offsets(%dma_start3A_424 : memref<128xi32, #tpu.memory_space<vmem>>) semaphore(%arg11 : memref<!tpu.dma_semaphore, #tpu.memory_space<semaphore_mem>>)
      %dma_start3A_428 = arith.constant 13 : i32
      %dma_start3A_429 = arith.constant 1664 : i32
      %dma_start3A_430 = arith.constant 0 : i32
      %dma_start3A_431 = tpu.memref_slice %arg9[%dma_start3A_429, %dma_start3A_430] : memref<2048x16xf32, #tpu.memory_space<vmem>> -> memref<128x16xf32, #tpu.memory_space<vmem>>
      %dma_start3A_432 = arith.constant 0 : i32
      %dma_start3A_433 = tpu.memref_slice %arg8[%dma_start3A_428, %dma_start3A_432] : memref<16x128xi32, #tpu.memory_space<vmem>> -> memref<1x128xi32, #tpu.memory_space<vmem>>
      %dma_start3A_434 = tpu.memref_squeeze %dma_start3A_433 : memref<1x128xi32, #tpu.memory_space<vmem>> -> memref<128xi32, #tpu.memory_space<vmem>>
      %dma_start3A_435 = arith.constant 0 : i32
      %dma_start3A_436 = arith.constant 0 : i32
      %dma_start3A_437 = tpu.memref_slice %arg4[%dma_start3A_435, %dma_start3A_436] : memref<160000x16xf32, #tpu.memory_space<hbm>> -> memref<160000x16xf32, #tpu.memory_space<hbm>>
      tpu.enqueue_indirect_dma source(%dma_start3A_437 : memref<160000x16xf32, #tpu.memory_space<hbm>>) target(%dma_start3A_431 : memref<128x16xf32, #tpu.memory_space<vmem>>) offsets(%dma_start3A_434 : memref<128xi32, #tpu.memory_space<vmem>>) semaphore(%arg11 : memref<!tpu.dma_semaphore, #tpu.memory_space<semaphore_mem>>)
      %dma_start3A_438 = arith.constant 14 : i32
      %dma_start3A_439 = arith.constant 1792 : i32
      %dma_start3A_440 = arith.constant 0 : i32
      %dma_start3A_441 = tpu.memref_slice %arg9[%dma_start3A_439, %dma_start3A_440] : memref<2048x16xf32, #tpu.memory_space<vmem>> -> memref<128x16xf32, #tpu.memory_space<vmem>>
      %dma_start3A_442 = arith.constant 0 : i32
      %dma_start3A_443 = tpu.memref_slice %arg8[%dma_start3A_438, %dma_start3A_442] : memref<16x128xi32, #tpu.memory_space<vmem>> -> memref<1x128xi32, #tpu.memory_space<vmem>>
      %dma_start3A_444 = tpu.memref_squeeze %dma_start3A_443 : memref<1x128xi32, #tpu.memory_space<vmem>> -> memref<128xi32, #tpu.memory_space<vmem>>
      %dma_start3A_445 = arith.constant 0 : i32
      %dma_start3A_446 = arith.constant 0 : i32
      %dma_start3A_447 = tpu.memref_slice %arg4[%dma_start3A_445, %dma_start3A_446] : memref<160000x16xf32, #tpu.memory_space<hbm>> -> memref<160000x16xf32, #tpu.memory_space<hbm>>
      tpu.enqueue_indirect_dma source(%dma_start3A_447 : memref<160000x16xf32, #tpu.memory_space<hbm>>) target(%dma_start3A_441 : memref<128x16xf32, #tpu.memory_space<vmem>>) offsets(%dma_start3A_444 : memref<128xi32, #tpu.memory_space<vmem>>) semaphore(%arg11 : memref<!tpu.dma_semaphore, #tpu.memory_space<semaphore_mem>>)
      %dma_start3A_448 = arith.constant 15 : i32
      %dma_start3A_449 = arith.constant 1920 : i32
      %dma_start3A_450 = arith.constant 0 : i32
      %dma_start3A_451 = tpu.memref_slice %arg9[%dma_start3A_449, %dma_start3A_450] : memref<2048x16xf32, #tpu.memory_space<vmem>> -> memref<128x16xf32, #tpu.memory_space<vmem>>
      %dma_start3A_452 = arith.constant 0 : i32
      %dma_start3A_453 = tpu.memref_slice %arg8[%dma_start3A_448, %dma_start3A_452] : memref<16x128xi32, #tpu.memory_space<vmem>> -> memref<1x128xi32, #tpu.memory_space<vmem>>
      %dma_start3A_454 = tpu.memref_squeeze %dma_start3A_453 : memref<1x128xi32, #tpu.memory_space<vmem>> -> memref<128xi32, #tpu.memory_space<vmem>>
      %dma_start3A_455 = arith.constant 0 : i32
      %dma_start3A_456 = arith.constant 0 : i32
      %dma_start3A_457 = tpu.memref_slice %arg4[%dma_start3A_455, %dma_start3A_456] : memref<160000x16xf32, #tpu.memory_space<hbm>> -> memref<160000x16xf32, #tpu.memory_space<hbm>>
      tpu.enqueue_indirect_dma source(%dma_start3A_457 : memref<160000x16xf32, #tpu.memory_space<hbm>>) target(%dma_start3A_451 : memref<128x16xf32, #tpu.memory_space<vmem>>) offsets(%dma_start3A_454 : memref<128xi32, #tpu.memory_space<vmem>>) semaphore(%arg11 : memref<!tpu.dma_semaphore, #tpu.memory_space<semaphore_mem>>)
      %scan3A_458 = arith.constant 0 : i32
      %scan3A_459 = arith.constant 0 : i32
      %scan3A_460 = arith.constant 4 : i32
      %scan3A_461 = arith.addi %scan3A_459, %scan3A_460 : i32
      %scan3A_462 = arith.constant 1 : i32
      scf.for %scan3A_464 = %scan3A_459 to %scan3A_461 step %scan3A_462  : i32 {
        %mul3A_465 = arith.constant 4 : i32
        %mul3A_466 = arith.muli %scan3A_464, %mul3A_465 : i32
        %add3A_467 = arith.constant 0 : i32
        %add3A_468 = arith.addi %mul3A_466, %add3A_467 : i32
        %mul3A_469 = arith.constant 128 : i32
        %mul3A_470 = arith.muli %add3A_468, %mul3A_469 : i32
        %dma_wait3A_471 = arith.constant 0 : i32
        %dma_wait3A_472 = arith.constant 0 : i32
        %dma_wait3A_473 = tpu.memref_slice %arg9[%mul3A_470, %dma_wait3A_472] : memref<2048x16xf32, #tpu.memory_space<vmem>> -> memref<128x16xf32, #tpu.memory_space<vmem>>
        %dma_wait3A_474 = arith.constant 0 : i32
        %dma_wait3A_475 = tpu.memref_slice %arg8[%dma_wait3A_471, %dma_wait3A_474] : memref<16x128xi32, #tpu.memory_space<vmem>> -> memref<1x128xi32, #tpu.memory_space<vmem>>
        %dma_wait3A_476 = tpu.memref_squeeze %dma_wait3A_475 : memref<1x128xi32, #tpu.memory_space<vmem>> -> memref<128xi32, #tpu.memory_space<vmem>>
        %dma_wait3A_477 = arith.constant 0 : i32
        %dma_wait3A_478 = arith.constant 0 : i32
        %dma_wait3A_479 = tpu.memref_slice %arg4[%dma_wait3A_477, %dma_wait3A_478] : memref<160000x16xf32, #tpu.memory_space<hbm>> -> memref<160000x16xf32, #tpu.memory_space<hbm>>
        tpu.wait_indirect_dma semaphore(%arg11 : memref<!tpu.dma_semaphore, #tpu.memory_space<semaphore_mem>>) src(%dma_wait3A_479 : memref<160000x16xf32, #tpu.memory_space<hbm>>) dst(%dma_wait3A_473 : memref<128x16xf32, #tpu.memory_space<vmem>>)
        %mul3A_480 = arith.constant 4 : i32
        %mul3A_481 = arith.muli %scan3A_464, %mul3A_480 : i32
        %add3A_482 = arith.constant 1 : i32
        %add3A_483 = arith.addi %mul3A_481, %add3A_482 : i32
        %mul3A_484 = arith.constant 128 : i32
        %mul3A_485 = arith.muli %add3A_483, %mul3A_484 : i32
        %dma_wait3A_486 = arith.constant 0 : i32
        %dma_wait3A_487 = arith.constant 0 : i32
        %dma_wait3A_488 = tpu.memref_slice %arg9[%mul3A_485, %dma_wait3A_487] : memref<2048x16xf32, #tpu.memory_space<vmem>> -> memref<128x16xf32, #tpu.memory_space<vmem>>
        %dma_wait3A_489 = arith.constant 0 : i32
        %dma_wait3A_490 = tpu.memref_slice %arg8[%dma_wait3A_486, %dma_wait3A_489] : memref<16x128xi32, #tpu.memory_space<vmem>> -> memref<1x128xi32, #tpu.memory_space<vmem>>
        %dma_wait3A_491 = tpu.memref_squeeze %dma_wait3A_490 : memref<1x128xi32, #tpu.memory_space<vmem>> -> memref<128xi32, #tpu.memory_space<vmem>>
        %dma_wait3A_492 = arith.constant 0 : i32
        %dma_wait3A_493 = arith.constant 0 : i32
        %dma_wait3A_494 = tpu.memref_slice %arg4[%dma_wait3A_492, %dma_wait3A_493] : memref<160000x16xf32, #tpu.memory_space<hbm>> -> memref<160000x16xf32, #tpu.memory_space<hbm>>
        tpu.wait_indirect_dma semaphore(%arg11 : memref<!tpu.dma_semaphore, #tpu.memory_space<semaphore_mem>>) src(%dma_wait3A_494 : memref<160000x16xf32, #tpu.memory_space<hbm>>) dst(%dma_wait3A_488 : memref<128x16xf32, #tpu.memory_space<vmem>>)
        %mul3A_495 = arith.constant 4 : i32
        %mul3A_496 = arith.muli %scan3A_464, %mul3A_495 : i32
        %add3A_497 = arith.constant 2 : i32
        %add3A_498 = arith.addi %mul3A_496, %add3A_497 : i32
        %mul3A_499 = arith.constant 128 : i32
        %mul3A_500 = arith.muli %add3A_498, %mul3A_499 : i32
        %dma_wait3A_501 = arith.constant 0 : i32
        %dma_wait3A_502 = arith.constant 0 : i32
        %dma_wait3A_503 = tpu.memref_slice %arg9[%mul3A_500, %dma_wait3A_502] : memref<2048x16xf32, #tpu.memory_space<vmem>> -> memref<128x16xf32, #tpu.memory_space<vmem>>
        %dma_wait3A_504 = arith.constant 0 : i32
        %dma_wait3A_505 = tpu.memref_slice %arg8[%dma_wait3A_501, %dma_wait3A_504] : memref<16x128xi32, #tpu.memory_space<vmem>> -> memref<1x128xi32, #tpu.memory_space<vmem>>
        %dma_wait3A_506 = tpu.memref_squeeze %dma_wait3A_505 : memref<1x128xi32, #tpu.memory_space<vmem>> -> memref<128xi32, #tpu.memory_space<vmem>>
        %dma_wait3A_507 = arith.constant 0 : i32
        %dma_wait3A_508 = arith.constant 0 : i32
        %dma_wait3A_509 = tpu.memref_slice %arg4[%dma_wait3A_507, %dma_wait3A_508] : memref<160000x16xf32, #tpu.memory_space<hbm>> -> memref<160000x16xf32, #tpu.memory_space<hbm>>
        tpu.wait_indirect_dma semaphore(%arg11 : memref<!tpu.dma_semaphore, #tpu.memory_space<semaphore_mem>>) src(%dma_wait3A_509 : memref<160000x16xf32, #tpu.memory_space<hbm>>) dst(%dma_wait3A_503 : memref<128x16xf32, #tpu.memory_space<vmem>>)
        %mul3A_510 = arith.constant 4 : i32
        %mul3A_511 = arith.muli %scan3A_464, %mul3A_510 : i32
        %add3A_512 = arith.constant 3 : i32
        %add3A_513 = arith.addi %mul3A_511, %add3A_512 : i32
        %mul3A_514 = arith.constant 128 : i32
        %mul3A_515 = arith.muli %add3A_513, %mul3A_514 : i32
        %dma_wait3A_516 = arith.constant 0 : i32
        %dma_wait3A_517 = arith.constant 0 : i32
        %dma_wait3A_518 = tpu.memref_slice %arg9[%mul3A_515, %dma_wait3A_517] : memref<2048x16xf32, #tpu.memory_space<vmem>> -> memref<128x16xf32, #tpu.memory_space<vmem>>
        %dma_wait3A_519 = arith.constant 0 : i32
        %dma_wait3A_520 = tpu.memref_slice %arg8[%dma_wait3A_516, %dma_wait3A_519] : memref<16x128xi32, #tpu.memory_space<vmem>> -> memref<1x128xi32, #tpu.memory_space<vmem>>
        %dma_wait3A_521 = tpu.memref_squeeze %dma_wait3A_520 : memref<1x128xi32, #tpu.memory_space<vmem>> -> memref<128xi32, #tpu.memory_space<vmem>>
        %dma_wait3A_522 = arith.constant 0 : i32
        %dma_wait3A_523 = arith.constant 0 : i32
        %dma_wait3A_524 = tpu.memref_slice %arg4[%dma_wait3A_522, %dma_wait3A_523] : memref<160000x16xf32, #tpu.memory_space<hbm>> -> memref<160000x16xf32, #tpu.memory_space<hbm>>
        tpu.wait_indirect_dma semaphore(%arg11 : memref<!tpu.dma_semaphore, #tpu.memory_space<semaphore_mem>>) src(%dma_wait3A_524 : memref<160000x16xf32, #tpu.memory_space<hbm>>) dst(%dma_wait3A_518 : memref<128x16xf32, #tpu.memory_space<vmem>>)
        %parallel_loop3A_525 = arith.constant 0 : i32
        %parallel_loop3A_526 = arith.constant 32 : i32
        %parallel_loop3A_527 = arith.constant 1 : i32
        scf.for %parallel_loop3A_528 = %parallel_loop3A_525 to %parallel_loop3A_526 step %parallel_loop3A_527  : i32 {
          %parallel_loop3A_529 = arith.constant 32 : i32
          %parallel_loop3A_530 = arith.muli %scan3A_464, %parallel_loop3A_529 : i32
          %parallel_loop3A_531 = arith.addi %parallel_loop3A_530, %parallel_loop3A_528 : i32
          %parallel_loop3A_532 = arith.constant 3 : i32
          %parallel_loop3A_533 = arith.shrsi %parallel_loop3A_531, %parallel_loop3A_532 : i32
          %parallel_loop3A_534 = arith.constant 7 : i32
          %parallel_loop3A_535 = arith.andi %parallel_loop3A_528, %parallel_loop3A_534 : i32
          %parallel_loop3A_536 = arith.constant 16 : i32
          %parallel_loop3A_537 = arith.muli %parallel_loop3A_535, %parallel_loop3A_536 : i32
          %parallel_loop3A_538 = arith.constant 1 : i32
          %parallel_loop3A_539 = arith.index_cast %parallel_loop3A_538 : i32 to index
          %parallel_loop3A_540 = arith.index_cast %parallel_loop3A_533 : i32 to index
          %parallel_loop3A_541 = arith.index_cast %parallel_loop3A_537 : i32 to index
          %parallel_loop3A_542 = tpu.vector_load %arg6[%parallel_loop3A_539, %parallel_loop3A_540, %parallel_loop3A_541] {strides = array<i32>} : memref<2x16x128xi32, #tpu.memory_space<vmem>>, vector<16xi32>,
          %parallel_loop3A_543 = arith.constant 16 : i32
          %parallel_loop3A_544 = vector.broadcast %parallel_loop3A_543 : i32 to vector<16xi32>
          %parallel_loop3A_545 = arith.muli %parallel_loop3A_542, %parallel_loop3A_544 : vector<16xi32>
          %parallel_loop3A_546 = arith.constant 16 : i32
          %parallel_loop3A_547 = arith.muli %parallel_loop3A_531, %parallel_loop3A_546 : i32
          %parallel_loop3A_548 = arith.constant 0 : i32
          %parallel_loop3A_549 = vector.broadcast %parallel_loop3A_548 : i32 to vector<16x1xi32>
          %parallel_loop3A_550 = vector.shape_cast %parallel_loop3A_549 : vector<16x1xi32> to vector<16xi32>
          %parallel_loop3A_551 = tpu.dynamic_gather %parallel_loop3A_545[%parallel_loop3A_550] in [0] : vector<16xi32>, vector<16xi32> -> vector<16xi32>
          %parallel_loop3A_552 = arith.constant 0 : i32
          %parallel_loop3A_553 = arith.addi %parallel_loop3A_547, %parallel_loop3A_552 : i32
          %parallel_loop3A_554 = arith.index_cast %parallel_loop3A_553 : i32 to index
          %parallel_loop3A_555 = arith.constant 0 : index
          %parallel_loop3A_556 = tpu.vector_load %arg9[%parallel_loop3A_554, %parallel_loop3A_555] {strides = array<i32>} : memref<2048x16xf32, #tpu.memory_space<vmem>>, vector<16xf32>,
          %parallel_loop3A_557 = arith.addi %parallel_loop3A_551, %iota3A : vector<16xi32>
          tpu.vector_store_idx %arg10[%parallel_loop3A_557], %parallel_loop3A_556 {add = true} : memref<65536xf32, #tpu.memory_space<vmem>>[vector<16xi32>], vector<16xf32>,
          %parallel_loop3A_558 = arith.constant 1 : i32
          %parallel_loop3A_559 = vector.broadcast %parallel_loop3A_558 : i32 to vector<16x1xi32>
          %parallel_loop3A_560 = vector.shape_cast %parallel_loop3A_559 : vector<16x1xi32> to vector<16xi32>
          %parallel_loop3A_561 = tpu.dynamic_gather %parallel_loop3A_545[%parallel_loop3A_560] in [0] : vector<16xi32>, vector<16xi32> -> vector<16xi32>
          %parallel_loop3A_562 = arith.constant 1 : i32
          %parallel_loop3A_563 = arith.addi %parallel_loop3A_547, %parallel_loop3A_562 : i32
          %parallel_loop3A_564 = arith.index_cast %parallel_loop3A_563 : i32 to index
          %parallel_loop3A_565 = arith.constant 0 : index
          %parallel_loop3A_566 = tpu.vector_load %arg9[%parallel_loop3A_564, %parallel_loop3A_565] {strides = array<i32>} : memref<2048x16xf32, #tpu.memory_space<vmem>>, vector<16xf32>,
          %parallel_loop3A_567 = arith.addi %parallel_loop3A_561, %iota3A : vector<16xi32>
          tpu.vector_store_idx %arg10[%parallel_loop3A_567], %parallel_loop3A_566 {add = true} : memref<65536xf32, #tpu.memory_space<vmem>>[vector<16xi32>], vector<16xf32>,
          %parallel_loop3A_568 = arith.constant 2 : i32
          %parallel_loop3A_569 = vector.broadcast %parallel_loop3A_568 : i32 to vector<16x1xi32>
          %parallel_loop3A_570 = vector.shape_cast %parallel_loop3A_569 : vector<16x1xi32> to vector<16xi32>
          %parallel_loop3A_571 = tpu.dynamic_gather %parallel_loop3A_545[%parallel_loop3A_570] in [0] : vector<16xi32>, vector<16xi32> -> vector<16xi32>
          %parallel_loop3A_572 = arith.constant 2 : i32
          %parallel_loop3A_573 = arith.addi %parallel_loop3A_547, %parallel_loop3A_572 : i32
          %parallel_loop3A_574 = arith.index_cast %parallel_loop3A_573 : i32 to index
          %parallel_loop3A_575 = arith.constant 0 : index
          %parallel_loop3A_576 = tpu.vector_load %arg9[%parallel_loop3A_574, %parallel_loop3A_575] {strides = array<i32>} : memref<2048x16xf32, #tpu.memory_space<vmem>>, vector<16xf32>,
          %parallel_loop3A_577 = arith.addi %parallel_loop3A_571, %iota3A : vector<16xi32>
          tpu.vector_store_idx %arg10[%parallel_loop3A_577], %parallel_loop3A_576 {add = true} : memref<65536xf32, #tpu.memory_space<vmem>>[vector<16xi32>], vector<16xf32>,
          %parallel_loop3A_578 = arith.constant 3 : i32
          %parallel_loop3A_579 = vector.broadcast %parallel_loop3A_578 : i32 to vector<16x1xi32>
          %parallel_loop3A_580 = vector.shape_cast %parallel_loop3A_579 : vector<16x1xi32> to vector<16xi32>
          %parallel_loop3A_581 = tpu.dynamic_gather %parallel_loop3A_545[%parallel_loop3A_580] in [0] : vector<16xi32>, vector<16xi32> -> vector<16xi32>
          %parallel_loop3A_582 = arith.constant 3 : i32
          %parallel_loop3A_583 = arith.addi %parallel_loop3A_547, %parallel_loop3A_582 : i32
          %parallel_loop3A_584 = arith.index_cast %parallel_loop3A_583 : i32 to index
          %parallel_loop3A_585 = arith.constant 0 : index
          %parallel_loop3A_586 = tpu.vector_load %arg9[%parallel_loop3A_584, %parallel_loop3A_585] {strides = array<i32>} : memref<2048x16xf32, #tpu.memory_space<vmem>>, vector<16xf32>,
          %parallel_loop3A_587 = arith.addi %parallel_loop3A_581, %iota3A : vector<16xi32>
          tpu.vector_store_idx %arg10[%parallel_loop3A_587], %parallel_loop3A_586 {add = true} : memref<65536xf32, #tpu.memory_space<vmem>>[vector<16xi32>], vector<16xf32>,
          %parallel_loop3A_588 = arith.constant 4 : i32
          %parallel_loop3A_589 = vector.broadcast %parallel_loop3A_588 : i32 to vector<16x1xi32>
          %parallel_loop3A_590 = vector.shape_cast %parallel_loop3A_589 : vector<16x1xi32> to vector<16xi32>
          %parallel_loop3A_591 = tpu.dynamic_gather %parallel_loop3A_545[%parallel_loop3A_590] in [0] : vector<16xi32>, vector<16xi32> -> vector<16xi32>
          %parallel_loop3A_592 = arith.constant 4 : i32
          %parallel_loop3A_593 = arith.addi %parallel_loop3A_547, %parallel_loop3A_592 : i32
          %parallel_loop3A_594 = arith.index_cast %parallel_loop3A_593 : i32 to index
          %parallel_loop3A_595 = arith.constant 0 : index
          %parallel_loop3A_596 = tpu.vector_load %arg9[%parallel_loop3A_594, %parallel_loop3A_595] {strides = array<i32>} : memref<2048x16xf32, #tpu.memory_space<vmem>>, vector<16xf32>,
          %parallel_loop3A_597 = arith.addi %parallel_loop3A_591, %iota3A : vector<16xi32>
          tpu.vector_store_idx %arg10[%parallel_loop3A_597], %parallel_loop3A_596 {add = true} : memref<65536xf32, #tpu.memory_space<vmem>>[vector<16xi32>], vector<16xf32>,
          %parallel_loop3A_598 = arith.constant 5 : i32
          %parallel_loop3A_599 = vector.broadcast %parallel_loop3A_598 : i32 to vector<16x1xi32>
          %parallel_loop3A_600 = vector.shape_cast %parallel_loop3A_599 : vector<16x1xi32> to vector<16xi32>
          %parallel_loop3A_601 = tpu.dynamic_gather %parallel_loop3A_545[%parallel_loop3A_600] in [0] : vector<16xi32>, vector<16xi32> -> vector<16xi32>
          %parallel_loop3A_602 = arith.constant 5 : i32
          %parallel_loop3A_603 = arith.addi %parallel_loop3A_547, %parallel_loop3A_602 : i32
          %parallel_loop3A_604 = arith.index_cast %parallel_loop3A_603 : i32 to index
          %parallel_loop3A_605 = arith.constant 0 : index
          %parallel_loop3A_606 = tpu.vector_load %arg9[%parallel_loop3A_604, %parallel_loop3A_605] {strides = array<i32>} : memref<2048x16xf32, #tpu.memory_space<vmem>>, vector<16xf32>,
          %parallel_loop3A_607 = arith.addi %parallel_loop3A_601, %iota3A : vector<16xi32>
          tpu.vector_store_idx %arg10[%parallel_loop3A_607], %parallel_loop3A_606 {add = true} : memref<65536xf32, #tpu.memory_space<vmem>>[vector<16xi32>], vector<16xf32>,
          %parallel_loop3A_608 = arith.constant 6 : i32
          %parallel_loop3A_609 = vector.broadcast %parallel_loop3A_608 : i32 to vector<16x1xi32>
          %parallel_loop3A_610 = vector.shape_cast %parallel_loop3A_609 : vector<16x1xi32> to vector<16xi32>
          %parallel_loop3A_611 = tpu.dynamic_gather %parallel_loop3A_545[%parallel_loop3A_610] in [0] : vector<16xi32>, vector<16xi32> -> vector<16xi32>
          %parallel_loop3A_612 = arith.constant 6 : i32
          %parallel_loop3A_613 = arith.addi %parallel_loop3A_547, %parallel_loop3A_612 : i32
          %parallel_loop3A_614 = arith.index_cast %parallel_loop3A_613 : i32 to index
          %parallel_loop3A_615 = arith.constant 0 : index
          %parallel_loop3A_616 = tpu.vector_load %arg9[%parallel_loop3A_614, %parallel_loop3A_615] {strides = array<i32>} : memref<2048x16xf32, #tpu.memory_space<vmem>>, vector<16xf32>,
          %parallel_loop3A_617 = arith.addi %parallel_loop3A_611, %iota3A : vector<16xi32>
          tpu.vector_store_idx %arg10[%parallel_loop3A_617], %parallel_loop3A_616 {add = true} : memref<65536xf32, #tpu.memory_space<vmem>>[vector<16xi32>], vector<16xf32>,
          %parallel_loop3A_618 = arith.constant 7 : i32
          %parallel_loop3A_619 = vector.broadcast %parallel_loop3A_618 : i32 to vector<16x1xi32>
          %parallel_loop3A_620 = vector.shape_cast %parallel_loop3A_619 : vector<16x1xi32> to vector<16xi32>
          %parallel_loop3A_621 = tpu.dynamic_gather %parallel_loop3A_545[%parallel_loop3A_620] in [0] : vector<16xi32>, vector<16xi32> -> vector<16xi32>
          %parallel_loop3A_622 = arith.constant 7 : i32
          %parallel_loop3A_623 = arith.addi %parallel_loop3A_547, %parallel_loop3A_622 : i32
          %parallel_loop3A_624 = arith.index_cast %parallel_loop3A_623 : i32 to index
          %parallel_loop3A_625 = arith.constant 0 : index
          %parallel_loop3A_626 = tpu.vector_load %arg9[%parallel_loop3A_624, %parallel_loop3A_625] {strides = array<i32>} : memref<2048x16xf32, #tpu.memory_space<vmem>>, vector<16xf32>,
          %parallel_loop3A_627 = arith.addi %parallel_loop3A_621, %iota3A : vector<16xi32>
          tpu.vector_store_idx %arg10[%parallel_loop3A_627], %parallel_loop3A_626 {add = true} : memref<65536xf32, #tpu.memory_space<vmem>>[vector<16xi32>], vector<16xf32>,
          %parallel_loop3A_628 = arith.constant 8 : i32
          %parallel_loop3A_629 = vector.broadcast %parallel_loop3A_628 : i32 to vector<16x1xi32>
          %parallel_loop3A_630 = vector.shape_cast %parallel_loop3A_629 : vector<16x1xi32> to vector<16xi32>
          %parallel_loop3A_631 = tpu.dynamic_gather %parallel_loop3A_545[%parallel_loop3A_630] in [0] : vector<16xi32>, vector<16xi32> -> vector<16xi32>
          %parallel_loop3A_632 = arith.constant 8 : i32
          %parallel_loop3A_633 = arith.addi %parallel_loop3A_547, %parallel_loop3A_632 : i32
          %parallel_loop3A_634 = arith.index_cast %parallel_loop3A_633 : i32 to index
          %parallel_loop3A_635 = arith.constant 0 : index
          %parallel_loop3A_636 = tpu.vector_load %arg9[%parallel_loop3A_634, %parallel_loop3A_635] {strides = array<i32>} : memref<2048x16xf32, #tpu.memory_space<vmem>>, vector<16xf32>,
          %parallel_loop3A_637 = arith.addi %parallel_loop3A_631, %iota3A : vector<16xi32>
          tpu.vector_store_idx %arg10[%parallel_loop3A_637], %parallel_loop3A_636 {add = true} : memref<65536xf32, #tpu.memory_space<vmem>>[vector<16xi32>], vector<16xf32>,
          %parallel_loop3A_638 = arith.constant 9 : i32
          %parallel_loop3A_639 = vector.broadcast %parallel_loop3A_638 : i32 to vector<16x1xi32>
          %parallel_loop3A_640 = vector.shape_cast %parallel_loop3A_639 : vector<16x1xi32> to vector<16xi32>
          %parallel_loop3A_641 = tpu.dynamic_gather %parallel_loop3A_545[%parallel_loop3A_640] in [0] : vector<16xi32>, vector<16xi32> -> vector<16xi32>
          %parallel_loop3A_642 = arith.constant 9 : i32
          %parallel_loop3A_643 = arith.addi %parallel_loop3A_547, %parallel_loop3A_642 : i32
          %parallel_loop3A_644 = arith.index_cast %parallel_loop3A_643 : i32 to index
          %parallel_loop3A_645 = arith.constant 0 : index
          %parallel_loop3A_646 = tpu.vector_load %arg9[%parallel_loop3A_644, %parallel_loop3A_645] {strides = array<i32>} : memref<2048x16xf32, #tpu.memory_space<vmem>>, vector<16xf32>,
          %parallel_loop3A_647 = arith.addi %parallel_loop3A_641, %iota3A : vector<16xi32>
          tpu.vector_store_idx %arg10[%parallel_loop3A_647], %parallel_loop3A_646 {add = true} : memref<65536xf32, #tpu.memory_space<vmem>>[vector<16xi32>], vector<16xf32>,
          %parallel_loop3A_648 = arith.constant 10 : i32
          %parallel_loop3A_649 = vector.broadcast %parallel_loop3A_648 : i32 to vector<16x1xi32>
          %parallel_loop3A_650 = vector.shape_cast %parallel_loop3A_649 : vector<16x1xi32> to vector<16xi32>
          %parallel_loop3A_651 = tpu.dynamic_gather %parallel_loop3A_545[%parallel_loop3A_650] in [0] : vector<16xi32>, vector<16xi32> -> vector<16xi32>
          %parallel_loop3A_652 = arith.constant 10 : i32
          %parallel_loop3A_653 = arith.addi %parallel_loop3A_547, %parallel_loop3A_652 : i32
          %parallel_loop3A_654 = arith.index_cast %parallel_loop3A_653 : i32 to index
          %parallel_loop3A_655 = arith.constant 0 : index
          %parallel_loop3A_656 = tpu.vector_load %arg9[%parallel_loop3A_654, %parallel_loop3A_655] {strides = array<i32>} : memref<2048x16xf32, #tpu.memory_space<vmem>>, vector<16xf32>,
          %parallel_loop3A_657 = arith.addi %parallel_loop3A_651, %iota3A : vector<16xi32>
          tpu.vector_store_idx %arg10[%parallel_loop3A_657], %parallel_loop3A_656 {add = true} : memref<65536xf32, #tpu.memory_space<vmem>>[vector<16xi32>], vector<16xf32>,
          %parallel_loop3A_658 = arith.constant 11 : i32
          %parallel_loop3A_659 = vector.broadcast %parallel_loop3A_658 : i32 to vector<16x1xi32>
          %parallel_loop3A_660 = vector.shape_cast %parallel_loop3A_659 : vector<16x1xi32> to vector<16xi32>
          %parallel_loop3A_661 = tpu.dynamic_gather %parallel_loop3A_545[%parallel_loop3A_660] in [0] : vector<16xi32>, vector<16xi32> -> vector<16xi32>
          %parallel_loop3A_662 = arith.constant 11 : i32
          %parallel_loop3A_663 = arith.addi %parallel_loop3A_547, %parallel_loop3A_662 : i32
          %parallel_loop3A_664 = arith.index_cast %parallel_loop3A_663 : i32 to index
          %parallel_loop3A_665 = arith.constant 0 : index
          %parallel_loop3A_666 = tpu.vector_load %arg9[%parallel_loop3A_664, %parallel_loop3A_665] {strides = array<i32>} : memref<2048x16xf32, #tpu.memory_space<vmem>>, vector<16xf32>,
          %parallel_loop3A_667 = arith.addi %parallel_loop3A_661, %iota3A : vector<16xi32>
          tpu.vector_store_idx %arg10[%parallel_loop3A_667], %parallel_loop3A_666 {add = true} : memref<65536xf32, #tpu.memory_space<vmem>>[vector<16xi32>], vector<16xf32>,
          %parallel_loop3A_668 = arith.constant 12 : i32
          %parallel_loop3A_669 = vector.broadcast %parallel_loop3A_668 : i32 to vector<16x1xi32>
          %parallel_loop3A_670 = vector.shape_cast %parallel_loop3A_669 : vector<16x1xi32> to vector<16xi32>
          %parallel_loop3A_671 = tpu.dynamic_gather %parallel_loop3A_545[%parallel_loop3A_670] in [0] : vector<16xi32>, vector<16xi32> -> vector<16xi32>
          %parallel_loop3A_672 = arith.constant 12 : i32
          %parallel_loop3A_673 = arith.addi %parallel_loop3A_547, %parallel_loop3A_672 : i32
          %parallel_loop3A_674 = arith.index_cast %parallel_loop3A_673 : i32 to index
          %parallel_loop3A_675 = arith.constant 0 : index
          %parallel_loop3A_676 = tpu.vector_load %arg9[%parallel_loop3A_674, %parallel_loop3A_675] {strides = array<i32>} : memref<2048x16xf32, #tpu.memory_space<vmem>>, vector<16xf32>,
          %parallel_loop3A_677 = arith.addi %parallel_loop3A_671, %iota3A : vector<16xi32>
          tpu.vector_store_idx %arg10[%parallel_loop3A_677], %parallel_loop3A_676 {add = true} : memref<65536xf32, #tpu.memory_space<vmem>>[vector<16xi32>], vector<16xf32>,
          %parallel_loop3A_678 = arith.constant 13 : i32
          %parallel_loop3A_679 = vector.broadcast %parallel_loop3A_678 : i32 to vector<16x1xi32>
          %parallel_loop3A_680 = vector.shape_cast %parallel_loop3A_679 : vector<16x1xi32> to vector<16xi32>
          %parallel_loop3A_681 = tpu.dynamic_gather %parallel_loop3A_545[%parallel_loop3A_680] in [0] : vector<16xi32>, vector<16xi32> -> vector<16xi32>
          %parallel_loop3A_682 = arith.constant 13 : i32
          %parallel_loop3A_683 = arith.addi %parallel_loop3A_547, %parallel_loop3A_682 : i32
          %parallel_loop3A_684 = arith.index_cast %parallel_loop3A_683 : i32 to index
          %parallel_loop3A_685 = arith.constant 0 : index
          %parallel_loop3A_686 = tpu.vector_load %arg9[%parallel_loop3A_684, %parallel_loop3A_685] {strides = array<i32>} : memref<2048x16xf32, #tpu.memory_space<vmem>>, vector<16xf32>,
          %parallel_loop3A_687 = arith.addi %parallel_loop3A_681, %iota3A : vector<16xi32>
          tpu.vector_store_idx %arg10[%parallel_loop3A_687], %parallel_loop3A_686 {add = true} : memref<65536xf32, #tpu.memory_space<vmem>>[vector<16xi32>], vector<16xf32>,
          %parallel_loop3A_688 = arith.constant 14 : i32
          %parallel_loop3A_689 = vector.broadcast %parallel_loop3A_688 : i32 to vector<16x1xi32>
          %parallel_loop3A_690 = vector.shape_cast %parallel_loop3A_689 : vector<16x1xi32> to vector<16xi32>
          %parallel_loop3A_691 = tpu.dynamic_gather %parallel_loop3A_545[%parallel_loop3A_690] in [0] : vector<16xi32>, vector<16xi32> -> vector<16xi32>
          %parallel_loop3A_692 = arith.constant 14 : i32
          %parallel_loop3A_693 = arith.addi %parallel_loop3A_547, %parallel_loop3A_692 : i32
          %parallel_loop3A_694 = arith.index_cast %parallel_loop3A_693 : i32 to index
          %parallel_loop3A_695 = arith.constant 0 : index
          %parallel_loop3A_696 = tpu.vector_load %arg9[%parallel_loop3A_694, %parallel_loop3A_695] {strides = array<i32>} : memref<2048x16xf32, #tpu.memory_space<vmem>>, vector<16xf32>,
          %parallel_loop3A_697 = arith.addi %parallel_loop3A_691, %iota3A : vector<16xi32>
          tpu.vector_store_idx %arg10[%parallel_loop3A_697], %parallel_loop3A_696 {add = true} : memref<65536xf32, #tpu.memory_space<vmem>>[vector<16xi32>], vector<16xf32>,
          %parallel_loop3A_698 = arith.constant 15 : i32
          %parallel_loop3A_699 = vector.broadcast %parallel_loop3A_698 : i32 to vector<16x1xi32>
          %parallel_loop3A_700 = vector.shape_cast %parallel_loop3A_699 : vector<16x1xi32> to vector<16xi32>
          %parallel_loop3A_701 = tpu.dynamic_gather %parallel_loop3A_545[%parallel_loop3A_700] in [0] : vector<16xi32>, vector<16xi32> -> vector<16xi32>
          %parallel_loop3A_702 = arith.constant 15 : i32
          %parallel_loop3A_703 = arith.addi %parallel_loop3A_547, %parallel_loop3A_702 : i32
          %parallel_loop3A_704 = arith.index_cast %parallel_loop3A_703 : i32 to index
          %parallel_loop3A_705 = arith.constant 0 : index
          %parallel_loop3A_706 = tpu.vector_load %arg9[%parallel_loop3A_704, %parallel_loop3A_705] {strides = array<i32>} : memref<2048x16xf32, #tpu.memory_space<vmem>>, vector<16xf32>,
          %parallel_loop3A_707 = arith.addi %parallel_loop3A_701, %iota3A : vector<16xi32>
          tpu.vector_store_idx %arg10[%parallel_loop3A_707], %parallel_loop3A_706 {add = true} : memref<65536xf32, #tpu.memory_space<vmem>>[vector<16xi32>], vector<16xf32>,
        } {sc.loop_unroll_factor = 8 : i64, sc.parallel_access}
      }
      %scan3A_463 = arith.constant 4 : i32
    }
    %scan3A_40 = arith.constant 25 : i32
    "tpu.region"() ({
      %run_scoped3A = tpu.sem_alloc : memref<!tpu.dma_semaphore, #tpu.memory_space<semaphore_mem>>
      %dma_start3A_41 = arith.constant 0 : i32
      %dma_start3A_42 = tpu.memref_slice %arg5[%arg0, %arg1, %dma_start3A_41] : memref<2x16x65536xf32, #tpu.memory_space<hbm>> -> memref<1x1x65536xf32, #tpu.memory_space<hbm>>
      %dma_start3A_43 = tpu.memref_squeeze %dma_start3A_42 : memref<1x1x65536xf32, #tpu.memory_space<hbm>> -> memref<65536xf32, #tpu.memory_space<hbm>>
      %dma_start3A_44 = arith.constant 0 : i32
      %dma_start3A_45 = tpu.memref_slice %arg5[%arg0, %arg1, %dma_start3A_44] : memref<2x16x65536xf32, #tpu.memory_space<hbm>> -> memref<1x1x65536xf32, #tpu.memory_space<hbm>>
      %dma_start3A_46 = tpu.memref_squeeze %dma_start3A_45 : memref<1x1x65536xf32, #tpu.memory_space<hbm>> -> memref<65536xf32, #tpu.memory_space<hbm>>
      tpu.enqueue_dma source(%arg10 : memref<65536xf32, #tpu.memory_space<vmem>>) target(%dma_start3A_46 : memref<65536xf32, #tpu.memory_space<hbm>>) target_semaphore(%run_scoped3A : memref<!tpu.dma_semaphore, #tpu.memory_space<semaphore_mem>>)
      %dma_wait3A = arith.constant 0 : i32
      %dma_wait3A_47 = tpu.memref_slice %arg5[%arg0, %arg1, %dma_wait3A] : memref<2x16x65536xf32, #tpu.memory_space<hbm>> -> memref<1x1x65536xf32, #tpu.memory_space<hbm>>
      %dma_wait3A_48 = tpu.memref_squeeze %dma_wait3A_47 : memref<1x1x65536xf32, #tpu.memory_space<hbm>> -> memref<65536xf32, #tpu.memory_space<hbm>>
      %dma_wait3A_49 = arith.constant 0 : i32
      %dma_wait3A_50 = tpu.memref_slice %arg5[%arg0, %arg1, %dma_wait3A_49] : memref<2x16x65536xf32, #tpu.memory_space<hbm>> -> memref<1x1x65536xf32, #tpu.memory_space<hbm>>
      %dma_wait3A_51 = tpu.memref_squeeze %dma_wait3A_50 : memref<1x1x65536xf32, #tpu.memory_space<hbm>> -> memref<65536xf32, #tpu.memory_space<hbm>>
      tpu.wait_dma2 semaphore(%run_scoped3A : memref<!tpu.dma_semaphore, #tpu.memory_space<semaphore_mem>>) src(%arg10 : memref<65536xf32, #tpu.memory_space<vmem>>) dst(%dma_wait3A_51 : memref<65536xf32, #tpu.memory_space<hbm>>)
      tpu.yield
    }) : () -> ()
    return
  }
}

module attributes {stable_mosaic.version = 14 : i64} {
  func.func @_finish_body(%arg0: i32, %arg1: memref<2x16x512x16xf32, #tpu.memory_space<vmem>>, %arg2: memref<1x256xf32, #tpu.memory_space<vmem>>, %arg3: memref<512x256xf32, #tpu.memory_space<vmem>>) attributes {dimension_semantics = [#tpu.dimension_semantics<arbitrary>], iteration_bounds = array<i64: 8>, scalar_prefetch = 0 : i64, scratch_operands = 0 : i64, tpu.core_type = #tpu.core_type<tc>, window_params = [{transform_indices = @transform_0, window_bounds = array<i64: 2, 16, 512, 16>}, {pipeline_mode = #tpu.pipeline_mode<synchronous>, transform_indices = @transform_1, window_bounds = array<i64: 1, 256>}, {transform_indices = @transform_2, window_bounds = array<i64: 512, 256>}]} {
    %get3A = arith.constant 0 : index
    %get3A_0 = arith.constant 0 : index
    %get3A_1 = arith.constant 0 : index
    %get3A_2 = arith.constant 0 : index
    %get3A_3 = vector.load %arg1[%get3A, %get3A_0, %get3A_1, %get3A_2] : memref<2x16x512x16xf32, #tpu.memory_space<vmem>>, vector<1x16x512x16xf32>
    %get3A_4 = vector.shape_cast %get3A_3 : vector<1x16x512x16xf32> to vector<16x512x16xf32>
    %get3A_5 = arith.constant 1 : index
    %get3A_6 = arith.constant 0 : index
    %get3A_7 = arith.constant 0 : index
    %get3A_8 = arith.constant 0 : index
    %get3A_9 = vector.load %arg1[%get3A_5, %get3A_6, %get3A_7, %get3A_8] : memref<2x16x512x16xf32, #tpu.memory_space<vmem>>, vector<1x16x512x16xf32>
    %get3A_10 = vector.shape_cast %get3A_9 : vector<1x16x512x16xf32> to vector<16x512x16xf32>
    %add3A = arith.addf %get3A_4, %get3A_10 : vector<16x512x16xf32>
    %slice3A = vector.extract_strided_slice %add3A {offsets = [0, 0, 0], sizes = [1, 512, 16], strides = [1, 1, 1]} : vector<16x512x16xf32> to vector<1x512x16xf32>
    %squeeze3A = vector.shape_cast %slice3A : vector<1x512x16xf32> to vector<512x16xf32>
    %slice3A_11 = vector.extract_strided_slice %add3A {offsets = [1, 0, 0], sizes = [1, 512, 16], strides = [1, 1, 1]} : vector<16x512x16xf32> to vector<1x512x16xf32>
    %squeeze3A_12 = vector.shape_cast %slice3A_11 : vector<1x512x16xf32> to vector<512x16xf32>
    %slice3A_13 = vector.extract_strided_slice %add3A {offsets = [2, 0, 0], sizes = [1, 512, 16], strides = [1, 1, 1]} : vector<16x512x16xf32> to vector<1x512x16xf32>
    %squeeze3A_14 = vector.shape_cast %slice3A_13 : vector<1x512x16xf32> to vector<512x16xf32>
    %slice3A_15 = vector.extract_strided_slice %add3A {offsets = [3, 0, 0], sizes = [1, 512, 16], strides = [1, 1, 1]} : vector<16x512x16xf32> to vector<1x512x16xf32>
    %squeeze3A_16 = vector.shape_cast %slice3A_15 : vector<1x512x16xf32> to vector<512x16xf32>
    %slice3A_17 = vector.extract_strided_slice %add3A {offsets = [4, 0, 0], sizes = [1, 512, 16], strides = [1, 1, 1]} : vector<16x512x16xf32> to vector<1x512x16xf32>
    %squeeze3A_18 = vector.shape_cast %slice3A_17 : vector<1x512x16xf32> to vector<512x16xf32>
    %slice3A_19 = vector.extract_strided_slice %add3A {offsets = [5, 0, 0], sizes = [1, 512, 16], strides = [1, 1, 1]} : vector<16x512x16xf32> to vector<1x512x16xf32>
    %squeeze3A_20 = vector.shape_cast %slice3A_19 : vector<1x512x16xf32> to vector<512x16xf32>
    %slice3A_21 = vector.extract_strided_slice %add3A {offsets = [6, 0, 0], sizes = [1, 512, 16], strides = [1, 1, 1]} : vector<16x512x16xf32> to vector<1x512x16xf32>
    %squeeze3A_22 = vector.shape_cast %slice3A_21 : vector<1x512x16xf32> to vector<512x16xf32>
    %slice3A_23 = vector.extract_strided_slice %add3A {offsets = [7, 0, 0], sizes = [1, 512, 16], strides = [1, 1, 1]} : vector<16x512x16xf32> to vector<1x512x16xf32>
    %squeeze3A_24 = vector.shape_cast %slice3A_23 : vector<1x512x16xf32> to vector<512x16xf32>
    %slice3A_25 = vector.extract_strided_slice %add3A {offsets = [8, 0, 0], sizes = [1, 512, 16], strides = [1, 1, 1]} : vector<16x512x16xf32> to vector<1x512x16xf32>
    %squeeze3A_26 = vector.shape_cast %slice3A_25 : vector<1x512x16xf32> to vector<512x16xf32>
    %slice3A_27 = vector.extract_strided_slice %add3A {offsets = [9, 0, 0], sizes = [1, 512, 16], strides = [1, 1, 1]} : vector<16x512x16xf32> to vector<1x512x16xf32>
    %squeeze3A_28 = vector.shape_cast %slice3A_27 : vector<1x512x16xf32> to vector<512x16xf32>
    %slice3A_29 = vector.extract_strided_slice %add3A {offsets = [10, 0, 0], sizes = [1, 512, 16], strides = [1, 1, 1]} : vector<16x512x16xf32> to vector<1x512x16xf32>
    %squeeze3A_30 = vector.shape_cast %slice3A_29 : vector<1x512x16xf32> to vector<512x16xf32>
    %slice3A_31 = vector.extract_strided_slice %add3A {offsets = [11, 0, 0], sizes = [1, 512, 16], strides = [1, 1, 1]} : vector<16x512x16xf32> to vector<1x512x16xf32>
    %squeeze3A_32 = vector.shape_cast %slice3A_31 : vector<1x512x16xf32> to vector<512x16xf32>
    %slice3A_33 = vector.extract_strided_slice %add3A {offsets = [12, 0, 0], sizes = [1, 512, 16], strides = [1, 1, 1]} : vector<16x512x16xf32> to vector<1x512x16xf32>
    %squeeze3A_34 = vector.shape_cast %slice3A_33 : vector<1x512x16xf32> to vector<512x16xf32>
    %slice3A_35 = vector.extract_strided_slice %add3A {offsets = [13, 0, 0], sizes = [1, 512, 16], strides = [1, 1, 1]} : vector<16x512x16xf32> to vector<1x512x16xf32>
    %squeeze3A_36 = vector.shape_cast %slice3A_35 : vector<1x512x16xf32> to vector<512x16xf32>
    %slice3A_37 = vector.extract_strided_slice %add3A {offsets = [14, 0, 0], sizes = [1, 512, 16], strides = [1, 1, 1]} : vector<16x512x16xf32> to vector<1x512x16xf32>
    %squeeze3A_38 = vector.shape_cast %slice3A_37 : vector<1x512x16xf32> to vector<512x16xf32>
    %slice3A_39 = vector.extract_strided_slice %add3A {offsets = [15, 0, 0], sizes = [1, 512, 16], strides = [1, 1, 1]} : vector<16x512x16xf32> to vector<1x512x16xf32>
    %squeeze3A_40 = vector.shape_cast %slice3A_39 : vector<1x512x16xf32> to vector<512x16xf32>
    %concatenate3A = tpu.concatenate %squeeze3A, %squeeze3A_12, %squeeze3A_14, %squeeze3A_16, %squeeze3A_18, %squeeze3A_20, %squeeze3A_22, %squeeze3A_24, %squeeze3A_26, %squeeze3A_28, %squeeze3A_30, %squeeze3A_32, %squeeze3A_34, %squeeze3A_36, %squeeze3A_38, %squeeze3A_40 in 1 : vector<512x16xf32>, vector<512x16xf32>, vector<512x16xf32>, vector<512x16xf32>, vector<512x16xf32>, vector<512x16xf32>, vector<512x16xf32>, vector<512x16xf32>, vector<512x16xf32>, vector<512x16xf32>, vector<512x16xf32>, vector<512x16xf32>, vector<512x16xf32>, vector<512x16xf32>, vector<512x16xf32>, vector<512x16xf32> -> vector<512x256xf32>
    %get3A_41 = arith.constant 0 : index
    %get3A_42 = arith.constant 0 : index
    %get3A_43 = vector.load %arg2[%get3A_41, %get3A_42] : memref<1x256xf32, #tpu.memory_space<vmem>>, vector<1x256xf32>
    %add3A_44 = vector.broadcast %get3A_43 : vector<1x256xf32> to vector<512x256xf32>
    %add3A_45 = arith.addf %concatenate3A, %add3A_44 : vector<512x256xf32>
    %max3A = arith.constant 0.000000e+00 : f32
    %max3A_46 = vector.broadcast %max3A : f32 to vector<512x256xf32>
    %max3A_47 = arith.maximumf %add3A_45, %max3A_46 : vector<512x256xf32>
    %swap3A = arith.constant 0 : index
    %swap3A_48 = arith.constant 0 : index
    %swap3A_49 = vector.load %arg3[%swap3A, %swap3A_48] : memref<512x256xf32, #tpu.memory_space<vmem>>, vector<512x256xf32>
    tpu.vector_store %arg3[%swap3A, %swap3A_48], %max3A_47 {strides = array<i32>} : memref<512x256xf32, #tpu.memory_space<vmem>>, vector<512x256xf32>,
    return
  }
  func.func @transform_0(%arg0: i32) -> (i32, i32, i32, i32) {
    %c0_i32 = arith.constant 0 : i32
    %c0_i32_0 = arith.constant 0 : i32
    %c0_i32_1 = arith.constant 0 : i32
    %c0_i32_2 = arith.constant 0 : i32
    return %c0_i32, %c0_i32_0, %arg0, %c0_i32_1 : i32, i32, i32, i32
  }
  func.func @transform_1(%arg0: i32) -> (i32, i32) {
    %c0_i32 = arith.constant 0 : i32
    %c0_i32_0 = arith.constant 0 : i32
    %c0_i32_1 = arith.constant 0 : i32
    return %c0_i32, %c0_i32_0 : i32, i32
  }
  func.func @transform_2(%arg0: i32) -> (i32, i32) {
    %c0_i32 = arith.constant 0 : i32
    %c0_i32_0 = arith.constant 0 : i32
    return %arg0, %c0_i32 : i32, i32
  }
}

</mosaic_0001>

<sc_bundles>
// kernel: kernel.4.cloned.1.call-start
scs
__scs_entry_jumppad:
0x0: {  	(pc) =	sbr.rel $0x88, $3  }
0x1: {  	(tag) =	ssettag $0x0;
	lr =	simm.s32 $0x1  }
0x2: {  	[smem:$0x3F9E] =	sst lr;
	_ =	strace $0xD0000000  }
0x3: {  	_ = 	snop  }
0x4: {  	_ = 	snop  }
0x5: {  	_ = 	snop  }
0x6: {  	_ = 	snop  }
0x7: {  	_ = 	snop  }
__scs_overlays_trampoline_lowered:
0x8: {  	[smem:$0x3FAD] =	sst s0  }
0x9: {  	[smem:$0x3FAE] =	sst s1  }
0xa: {  	[smem:$0x3FAF] =	sst s2  }
0xb: {  	[smem:$0x3FB0] =	sst s3  }
0xc: {  	[smem:$0x3FB1] =	sst s4  }
0xd: {  	[smem:$0x3FB2] =	sst s5  }
0xe: {  	[smem:$0x3FB3] =	sst s6  }
0xf: {  	[smem:$0x3FB4] =	sst s7  }
0x10: {  	[smem:$0x3FB5] =	sst s8  }
0x11: {  	[smem:$0x3FB6] =	sst s9;
	s0 =	simm.s32 @!p0 $0x0  }
0x12: {  	s1 =	sld [smem:$0x3F9C];
	s0 =	simm.s32 @p0 $0x1  }
0x13: {  	[smem:$0x3FB7] =	sst s0;
	s0 =	simm.s32 @!p1 $0x0  }
0x14: {  	s2 =	sld [smem:$0x3F9B];
	s0 =	simm.s32 @p1 $0x1  }
0x15: {  	[smem:$0x3FB8] =	sst s0;
	s0 =	simm.s32 @!p2 $0x0  }
0x16: {  	s3 =	sld [smem:$0x3FDB];
	s0 =	simm.s32 @p2 $0x1  }
0x17: {  	s4 =	simm.s32 $0x1BF5;
	[smem:$0x3FBA] =	sst s0  }
0x18: {  	s0 =	sld [smem:$0x3F9D];
	_ =	swait.ge [sflag:s4], $0x0  }
0x19: {  	s7 =	sld [smem:$0x3F9E]  }
0x1a: {  	s8 =	sadd.s32 $0xFFFFE003, lr  }
0x1b: {  	s9 =	sadd.s32 $0xFFFFFEF7, lr;
	s5 =	simm.s32 $0xFFFFFFFF;
	p2 =	slt.u32 s8, $0xFFFFF086  }
0x1c: {  	p1 =	slt.u32 s9, $0xF7A;
	s5 =	simm.s32 @!p2 $0x0  }
0x1d: {  	s5 =	simm.s32 @p1 $0x1;
	p0 =	seq.s32 s7, s2  }
0x1e: {  	s7 =	smul.u32 @!p0 $0xF7A, s2;
	p2 =	seq.s32 @!p0 s5, $0x0  }
0x1f: {  	s9 =	smul.u32 $0xF7A, s1;
	s8 =	simm.s32 @!p0 $0x1BF5;
	p2 =	por !p2, p0  }
0x20: {  	[sflag:s8] =	ssyncset.s32 @!p0 $0xFFFFF086;
	s6 =	sadd.s32 @!p0 s3, s7;
	s7 =	simm.s32 @!p0 $0x108  }
0x21: {  	s3 =	sadd.s32 s3, s9;
	s6 =	sadd.s32 @!p0 $0x88, s6;
	s7 =	simm.s32 @p2 $0x1082  }
0x22: {  	[simem:s7], [sflag:s8] =	dma.local @!p0 [hbm:s6], $0xF7A  }
0x23: {  	s9 =	sor.u32 $0xD0000000, s2;
	s6 =	simm.s32 $0x108;
	_ =	swait.ge @!p0 [sflag:s8], $0x0  }
0x24: {  	s3 =	sadd.s32 $0x88, s3;
	s6 =	simm.s32 @!p1 $0x1082;
	[sflag:s4] =	ssyncset.s32 $0xFFFFF086  }
0x25: {  	[simem:s6], [sflag:s4] =	dma.local [hbm:s3], $0xF7A  }
0x26: {  	[smem:$0x3F9E] =	sst s1;
	(tag) =	ssettag s2;
	_ =	strace s9  }
0x27: {  	s1 =	sld [smem:$0x3FAE]  }
0x28: {  	s2 =	sld [smem:$0x3FAF]  }
0x29: {  	s4 =	sld [smem:$0x3FB1]  }
0x2a: {  	p0 =	seq.s32 s5, $0x0;
	s5 =	sld [smem:$0x3FB2]  }
0x2b: {  	s6 =	sld [smem:$0x3FB3]  }
0x2c: {  	s7 =	sld [smem:$0x3FB4]  }
0x2d: {  	s3 =	simm.s32 $0x108;
	s8 =	sld [smem:$0x3FB5]  }
0x2e: {  	s3 =	simm.s32 @!p0 $0x1082;
	s9 =	sld [smem:$0x3FB6]  }
0x2f: {  	lr =	sadd.s32 s0, s3;
	s0 =	sld [smem:$0x3FAD]  }
0x30: {  	s3 =	sld [smem:$0x3FB0]  }
0x31: {  	[smem:$0x3FB9] =	sst s10  }
0x32: {  	s10 =	sld [smem:$0x3FB7];
	_ =	sdelay $0x3  }
0x33: {  	p0 =	seq.s32 s10, $0x1;
	s10 =	sld [smem:$0x3FB9];
	_ =	sdelay $0x3  }
0x34: {  	[smem:$0x3FB9] =	sst s10  }
0x35: {  	s10 =	sld [smem:$0x3FB8];
	_ =	sdelay $0x3  }
0x36: {  	p1 =	seq.s32 s10, $0x1;
	s10 =	sld [smem:$0x3FB9];
	_ =	sdelay $0x3  }
0x37: {  	[smem:$0x3FB9] =	sst s10  }
0x38: {  	s10 =	sld [smem:$0x3FBA]  }
0x39: {  	_ = 	snop;
	(pc) =	sbr.ind lr, $3  }
0x3a: {  	_ = 	snop  }
0x3b: {  	_ = 	snop  }
0x3c: {  	p2 =	seq.s32 s10, $0x1;
	s10 =	sld [smem:$0x3FB9]  }
0x3d: {  	_ =	shalt  }
0x3e: {  	_ =	shalt  }
0x3f: {  	_ =	shalt  }
0x40: {  	_ =	shalt  }
0x41: {  	_ =	shalt  }
0x42: {  	_ =	shalt  }
0x43: {  	_ =	shalt  }
0x44: {  	_ =	shalt  }
0x45: {  	_ =	shalt  }
0x46: {  	_ =	shalt  }
0x47: {  	_ =	shalt  }
0x48: {  	_ =	shalt  }
0x49: {  	_ =	shalt  }
0x4a: {  	_ =	shalt  }
0x4b: {  	_ =	shalt  }
0x4c: {  	_ =	shalt  }
0x4d: {  	_ =	shalt  }
0x4e: {  	_ =	shalt  }
0x4f: {  	_ =	shalt  }
0x50: {  	_ =	shalt  }
0x51: {  	_ =	shalt  }
0x52: {  	_ =	shalt  }
0x53: {  	_ =	shalt  }
0x54: {  	_ =	shalt  }
0x55: {  	_ =	shalt  }
0x56: {  	_ =	shalt  }
0x57: {  	_ =	shalt  }
0x58: {  	_ =	shalt  }
0x59: {  	_ =	shalt  }
0x5a: {  	_ =	shalt  }
0x5b: {  	_ =	shalt  }
0x5c: {  	_ =	shalt  }
0x5d: {  	_ =	shalt  }
0x5e: {  	_ =	shalt  }
0x5f: {  	_ =	shalt  }
0x60: {  	_ =	shalt  }
0x61: {  	_ =	shalt  }
0x62: {  	_ =	shalt  }
0x63: {  	_ =	shalt  }
0x64: {  	_ =	shalt  }
0x65: {  	_ =	shalt  }
0x66: {  	_ =	shalt  }
0x67: {  	_ =	shalt  }
0x68: {  	_ =	shalt  }
0x69: {  	_ =	shalt  }
0x6a: {  	_ =	shalt  }
0x6b: {  	_ =	shalt  }
0x6c: {  	_ =	shalt  }
0x6d: {  	_ =	shalt  }
0x6e: {  	_ =	shalt  }
0x6f: {  	_ =	shalt  }
0x70: {  	_ =	shalt  }
0x71: {  	_ =	shalt  }
0x72: {  	_ =	shalt  }
0x73: {  	_ =	shalt  }
0x74: {  	_ =	shalt  }
0x75: {  	_ =	shalt  }
0x76: {  	_ =	shalt  }
0x77: {  	_ =	shalt  }
0x78: {  	_ =	shalt  }
0x79: {  	_ =	shalt  }
0x7a: {  	_ =	shalt  }
0x7b: {  	_ =	shalt  }
0x7c: {  	_ =	shalt  }
0x7d: {  	_ =	shalt  }
0x7e: {  	_ =	shalt  }
0x7f: {  	_ =	shalt  }
0x80: {  	_ =	shalt  }
0x81: {  	_ =	shalt  }
0x82: {  	_ =	shalt  }
0x83: {  	_ =	shalt  }
0x84: {  	_ =	shalt  }
0x85: {  	_ =	shalt  }
0x86: {  	_ =	shalt  }
0x87: {  	_ =	shalt  }
.Lfunc_end0:
.L_simem_size_0:
called_computation_lowered:
.L_overlay_start_0:
0x88: {  	s2 =	sld [smem:$0x3FD9]  }
0x89: {  	s3 =	sld [smem:$0x3FFE];
	_ =	sdelay $0x1  }
0x8a: {  	s1 =	srdreg.scid  }
0x8b: {  	s0 =	sand.u32 $0x1, s1  }
0x8c: {  	s17 =	sshll.u32 s0, $0xA;
	s2 =	sadd.s32 s3, s2  }
0x8d: {  	s2 =	sadd.s32 s2, s17  }
0x8e: {  	[smem:$0x3FC5] =	sst s2  }
0x8f: {  	_ = 	snop  }
0x90: {  	s2 =	sld [smem:$0x3FD0];
	(tm) =	ssettm $0x1  }
0x91: {  	s18 =	sld [smem:$0x3FFB];
	_ =	sdelay $0x3  }
0x92: {  	_ =	strace s18  }
0x93: {  	s3 =	sld [smem:$0x3FFC];
	_ =	sdelay $0x3  }
0x94: {  	_ =	strace s3  }
0x95: {  	s3 =	sld [smem:$0x3FFD];
	_ =	sdelay $0x3  }
0x96: {  	_ =	strace s3  }
0x97: {  	_ =	strace $0x8FFFFFFF  }
0x98: {  	s19 =	sld [smem:$0x3FDB];
	_ =	sdelay $0x1  }
0x99: {  	s4 =	simm.s32 $_scs_section_size  }
0x9a: {  	s5 =	simm.s32 $_size__tile_overlayer_lowered;
	s6 =	simm.s32 $_tile_overlayer_lowered  }
0x9b: {  	s22 =	simm.s32 $0x1BFF;
	s21 =	sshll.u32 s6, $0x1;
	s3 =	sadd.s32 s4, s19  }
0x9c: {  	s7 =	simm.s32 $0x0;
	s20 =	sshll.u32 s5, $0x1;
	s5 =	sadd.s32 s21, s3  }
0x9d: {  	[timem:s7], [sflag:s22] =	dma.local [hbm:s5], s20  }
0x9e: {  	_ =	swait.ge [sflag:s22], s20  }
0x9f: {  	s4 =	ssub.s32 $0x0, s20;
	[sflag:s22] =	ssyncset.done $0x0  }
0xa0: {  	[sflag:s22] =	ssyncadd.s32 s4;
	_ =	sdelay $0x1  }
0xa1: {  	s23 =	simm.s32 $0x1B8B  }
0xa2: {  	_ =	swait.ge [sflag:s23], $0x1  }
0xa3: {  	[sflag:s23] =	ssyncset.done $0x0  }
0xa4: {  	s25 =	simm.s32 $0x1B8E;
	s24 =	sld [smem:$0x3FFE];
	[sflag:s23] =	ssyncadd.s32 $0xFFFFFFFF  }
0xa5: {  	s26 =	simm.s32 $execute0_lowered;
	[smem:$0x3FD2] =	sst s25  }
0xa6: {  	s5 =	sshll.u32 s26, $0x1;
	_ =	strace $0x80000046;
	[dreg:$0x1] =	wrdreg $0xFFFFFFFF  }
0xa7: {  	s28 =	simm.s32 $_size_execute0_lowered;
	s3 =	sadd.s32 s3, s5;
	[dreg:$0x0] =	wrdreg $0x0  }
0xa8: {  	s5 =	sshll.u32 s28, $0x1;
	[dreg:$0x2] =	wrdreg s3  }
0xa9: {  	[dreg:$0x3] =	wrdreg s5  }
0xaa: {  	[dreg:$0x4] =	wrdreg $0xC0  }
0xab: {  	_ =	task [dreg:s7], $0x5FFFF  }
0xac: {  	[dreg:$0x1] =	wrdreg $0xFFFFFFFF  }
0xad: {  	[dreg:$0x0] =	wrdreg $0x60  }
0xae: {  	[dreg:$0x2] =	wrdreg s24  }
0xaf: {  	[dreg:$0x3] =	wrdreg s2  }
0xb0: {  	[dreg:$0x4] =	wrdreg $0x9  }
0xb1: {  	_ =	task.clear_ibuf [dreg:s7], $0x5FFFF;
	_ =	strace $0x90000046  }
0xb2: {  	s29 =	simm.s32 $0x9;
	_ =	strace $0x80000048  }
0xb3: {  	_ =	swait.ge [sflag:s29], $0x1  }
0xb4: {  	[sflag:s29] =	ssyncadd.s32 $0xFFFFFFFF  }
0xb5: {  	_ =	strace $0x90000048  }
0xb6: {  	_ =	sfence  }
0xb7: {  	s30 =	sld [smem:$0x0];
	_ =	sdelay $0x2  }
0xb8: {  	s31 =	sshll.u32 s1, $0xD;
	s1 =	sshrl.u32 s1, $0x2  }
0xb9: {  	s3 =	sand.u32 $0x4000, s31;
	s1 =	sadd.s32 s1, s30  }
0xba: {  	s0 =	sor.u32 s3, s0;
	s1 =	sshll.u32 s1, $0x11  }
0xbb: {  	s0 =	sor.u32 s1, s0  }
0xbc: {  	s0 =	sadd.s32 $0x8F2B, s0  }
0xbd: {  	[sflag:s0] =	ssyncadd.remote.s32 $0x1  }
0xbe: {  	_ =	sfence.sel $0xFFFF  }
0xbf: {  	[dreg:$0x0] =	wrdreg $0xFFFFFFFF;
	(pc) =	sbr.abs _section_cstart, $3  }
0xc0: {  	[dreg:$0x1] =	wrdreg $0xFFFFFFFF  }
0xc1: {  	_ =	task.clear_ibuf [dreg:s7], $0x2FFFF;
	_ =	strace $0x9FFFFFFF  }
0xc2: {  	(tm) =	ssettm $0x7FFFFFFF  }
0xc3: {  	_ =	shalt  }
tec
execute0_lowered:
.L_overlay_start_1:
0x0: {  	(tag) =	ssettag $0x1  }
0x1: {  	s0 =	rddreg [dreg:$0x0]  }
0x2: {  	s31 =	rddreg [dreg:$0x1];
	s2 =	simm.s32 $0x0;
	s1 =	srdreg.scid  }
0x3: {  	s8 =	stileid.u32;
	s13 =	simm.s32 $0x2;
	s16 =	simm.s32 $0x80  }
0x4: {  	s15 =	simm.s32 $0x2580;
	s17 =	simm.s32 $0x2680;
	s18 =	simm.s32 $0x9000  }
0x5: {  	s19 =	simm.s32 $0x2700;
	s20 =	simm.s32 $0x9800;
	s21 =	simm.s32 $0x2780  }
0x6: {  	s22 =	simm.s32 $0xA000;
	s23 =	simm.s32 $0x1;
	s24 =	simm.s32 $0xA800  }
0x7: {  	[smem:$0x7FF] =	sst s2;
	s4 =	sadd.s32 $0x800, s0;
	s1 =	sand.u32 $0x1, s1  }
0x8: {  	s3 =	sshll.u32 s8, $0xD;
	s5 =	sadd.s32 $0x6C00, s0;
	s7 =	smul.u32 $0x19000, s1  }
0x9: {  	v4 =	vmov s8;
	s8 =	simm.s32 $0x2600;
	_ =	strace $0x80000047;
	s6 =	ssub.s32 $0x2, s1  }
0xa: {  	s0 =	sadd.s32 s3, s0;
	s1 =	sshll.u32 s1, $0x11;
	s28 =	sor.u32 $0x800, s7  }
0xb: {  	v0 =	vimm.f32 $0.0e+00;
	v47 =	vimm.s32 $0x4;
	v14 =	vimm.s32 $0x0;
	s0 =	sadd.s32 s1, s0;
	s29 =	sadd.s32 $0x1000, s7;
	[dreg:$0x5] =	wrdreg s28  }
0xc: {  	v62 =	vlaneseq.u32;
	v32 =	vimm.s32 $0x1;
	v36 =	vimm.s32 $0x2;
	s26 =	sshrl.u32 s7, $0x3;
	s0 =	sadd.s32 $0x54E00, s0;
	[dreg:$0x6] =	wrdreg s29  }
0xd: {  	v38 =	vimm.s32 $0x3;
	v50 =	vimm.s32 $0x5;
	v52 =	vimm.s32 $0x6;
	s25 =	sshrl.u32 s6, $0x1;
	s9 =	sadd.s32 s4, s26;
	[dreg:$0x7] =	wrdreg s0  }
0xe: {  	v53 =	vimm.s32 $0x7;
	v54 =	vimm.s32 $0x8;
	v55 =	vimm.s32 $0x9;
	s3 =	ssub.s32 s6, s25;
	s6 =	sadd.s32 s31, s26;
	[dreg:$0x3] =	wrdreg s9  }
0xf: {  	v58 =	vimm.s32 $0xA;
	v56 =	vimm.s32 $0xB;
	v57 =	vimm.s32 $0xC;
	s1 =	simm.s32 $0x8000;
	s30 =	smax.u32 s3, $0x1;
	[dreg:$0x4] =	wrdreg s6  }
0x10: {  	v13 =	vimm.s32 $0xD;
	v15 =	vimm.s32 $0xE;
	v16 =	vimm.s32 $0xF;
	[tilespmem:$0x1FFF0] =	vst v4;
	[dreg:$0x8] =	wrdreg s30;
	s9 =	simm.s32 $0x8800;
	s6 =	simm.s32 $0x0  }
.LBB2_1:
0x11: {  	[dreg:$0x9] =	wrdreg s6;
	s0 =	simm.s32 $0xA900  }
0x12: {  	[tilespmem:s0+$0xFFFFFF00] =	vst v0  }
0x13: {  	[tilespmem:s0+$0xF0] =	vst v0  }
0x14: {  	[tilespmem:s0+$0xE0] =	vst v0  }
0x15: {  	[tilespmem:s0+$0xD0] =	vst v0  }
0x16: {  	[tilespmem:s0+$0xC0] =	vst v0  }
0x17: {  	[tilespmem:s0+$0xB0] =	vst v0  }
0x18: {  	[tilespmem:s0+$0xA0] =	vst v0  }
0x19: {  	[tilespmem:s0+$0x90] =	vst v0  }
0x1a: {  	[tilespmem:s0+$0x80] =	vst v0  }
0x1b: {  	[tilespmem:s0+$0x70] =	vst v0  }
0x1c: {  	[tilespmem:s0+$0x60] =	vst v0  }
0x1d: {  	[tilespmem:s0+$0x50] =	vst v0  }
0x1e: {  	[tilespmem:s0+$0x40] =	vst v0  }
0x1f: {  	[tilespmem:s0+$0x30] =	vst v0  }
0x20: {  	[tilespmem:s0+$0x20] =	vst v0  }
0x21: {  	[tilespmem:s0+$0x10] =	vst v0  }
0x22: {  	[tilespmem:s0+$0x0] =	vst v0  }
0x23: {  	[tilespmem:s0+$0xFFFFFFF0] =	vst v0  }
0x24: {  	[tilespmem:s0+$0xFFFFFFE0] =	vst v0  }
0x25: {  	[tilespmem:s0+$0xFFFFFFD0] =	vst v0  }
0x26: {  	[tilespmem:s0+$0xFFFFFFC0] =	vst v0  }
0x27: {  	[tilespmem:s0+$0xFFFFFFB0] =	vst v0  }
0x28: {  	[tilespmem:s0+$0xFFFFFFA0] =	vst v0  }
0x29: {  	[tilespmem:s0+$0xFFFFFF90] =	vst v0  }
0x2a: {  	[tilespmem:s0+$0xFFFFFF80] =	vst v0  }
0x2b: {  	[tilespmem:s0+$0xFFFFFF70] =	vst v0  }
0x2c: {  	[tilespmem:s0+$0xFFFFFF60] =	vst v0  }
0x2d: {  	[tilespmem:s0+$0xFFFFFF50] =	vst v0  }
0x2e: {  	[tilespmem:s0+$0xFFFFFF40] =	vst v0  }
0x2f: {  	[tilespmem:s0+$0xFFFFFF30] =	vst v0  }
0x30: {  	s3 =	simm.s32 $0x0;
	[tilespmem:s0+$0xFFFFFF20] =	vst v0  }
.LBB2_2:
0x31: {  	s3 =	sadd.s32 $0x4, s3;
	[tilespmem:s0+$0xFFFFFF10] =	vst v0;
	s0 =	sadd.s32 $0x200, s0  }
0x32: {  	[tilespmem:s0+$0xFFFFFF00] =	vst v0;
	p0 =	slt.u32 s3, $0x1FC  }
0x33: {  	[tilespmem:s0+$0xF0] =	vst v0  }
0x34: {  	[tilespmem:s0+$0xE0] =	vst v0  }
0x35: {  	[tilespmem:s0+$0xD0] =	vst v0  }
0x36: {  	[tilespmem:s0+$0xC0] =	vst v0  }
0x37: {  	[tilespmem:s0+$0xB0] =	vst v0  }
0x38: {  	[tilespmem:s0+$0xA0] =	vst v0  }
0x39: {  	[tilespmem:s0+$0x90] =	vst v0  }
0x3a: {  	[tilespmem:s0+$0x80] =	vst v0  }
0x3b: {  	[tilespmem:s0+$0x70] =	vst v0  }
0x3c: {  	[tilespmem:s0+$0x60] =	vst v0  }
0x3d: {  	[tilespmem:s0+$0x50] =	vst v0  }
0x3e: {  	[tilespmem:s0+$0x40] =	vst v0  }
0x3f: {  	[tilespmem:s0+$0x30] =	vst v0  }
0x40: {  	[tilespmem:s0+$0x20] =	vst v0  }
0x41: {  	[tilespmem:s0+$0x10] =	vst v0  }
0x42: {  	[tilespmem:s0+$0x0] =	vst v0  }
0x43: {  	[tilespmem:s0+$0xFFFFFFF0] =	vst v0  }
0x44: {  	[tilespmem:s0+$0xFFFFFFE0] =	vst v0  }
0x45: {  	[tilespmem:s0+$0xFFFFFFD0] =	vst v0  }
0x46: {  	[tilespmem:s0+$0xFFFFFFC0] =	vst v0  }
0x47: {  	[tilespmem:s0+$0xFFFFFFB0] =	vst v0  }
0x48: {  	[tilespmem:s0+$0xFFFFFFA0] =	vst v0  }
0x49: {  	[tilespmem:s0+$0xFFFFFF90] =	vst v0  }
0x4a: {  	[tilespmem:s0+$0xFFFFFF80] =	vst v0  }
0x4b: {  	[tilespmem:s0+$0xFFFFFF70] =	vst v0  }
.Ltmp0:
0x4c: {  	[tilespmem:s0+$0xFFFFFF60] =	vst v0;
	(pc) =	sbr.rel @p0 .LBB2_2-.Ltmp0, $4  }
0x4d: {  	[tilespmem:s0+$0xFFFFFF50] =	vst v0  }
0x4e: {  	[tilespmem:s0+$0xFFFFFF40] =	vst v0  }
0x4f: {  	[tilespmem:s0+$0xFFFFFF30] =	vst v0  }
0x50: {  	[tilespmem:s0+$0xFFFFFF20] =	vst v0  }
0x51: {  	[tilespmem:s0+$0xFFFFFF10] =	vst v0  }
0x52: {  	s25 =	simm.s32 $0x0;
	s0 =	rddreg [dreg:$0x3]  }
0x53: {  	[tilespmem:s25], [sflag:$0x2] =	stream.linear.gather [hbm4b:s0+s25], $0x800, $0x38;
	[tilespmem:$0x1A800] =	vst v63  }
0x54: {  	s3 =	simm.s32 $0x1000;
	s30 =	rddreg [dreg:$0x4]  }
0x55: {  	[tilespmem:s3], [sflag:$0x2] =	stream.linear.gather [hbm4b:s30+s25], $0x800, $0x38;
	[tilespmem:$0x1A800] =	vst v63  }
.LBB2_4:
0x56: {  	_ =	swait.ge [sflag:s13], $0x800  }
0x57: {  	[sflag:s13] =	ssyncset.done $0x0  }
0x58: {  	[sflag:s13] =	ssyncadd.s32 $0xFFFFF800  }
0x59: {  	_ =	swait.ge [sflag:s13], $0x800  }
0x5a: {  	s26 =	sshll.u32 s25, $0xC;
	s0 =	rddreg [dreg:$0x5]  }
0x5b: {  	s0 =	sadd.s32 s26, s0  }
0x5c: {  	[sflag:s13] =	ssyncset.done $0x0;
	s0 =	sshrl.u32 s0, $0x3  }
0x5d: {  	s6 =	simm.s32 $0x800;
	[sflag:s13] =	ssyncadd.s32 $0xFFFFF800;
	s3 =	sadd.s32 s4, s0  }
0x5e: {  	[tilespmem:s6], [sflag:$0x2] =	stream.linear.gather [hbm4b:s3+s2], $0x800, $0x38;
	[tilespmem:$0x1A800] =	vst v63  }
0x5f: {  	s12 =	simm.s32 $0x1800;
	s0 =	sadd.s32 s31, s0  }
0x60: {  	[tilespmem:s12], [sflag:$0x2] =	stream.linear.gather [hbm4b:s0+s2], $0x800, $0x38;
	[tilespmem:$0x1A800] =	vst v63  }
0x61: {  	s12 =	simm.s32 $0x1080  }
0x62: {  	v0 =	vld [tilespmem:s12+$0x0];
	_ =	sdelay $0x3  }
0x63: {  	v1 =	vld [tilespmem:s12+$0xFFFFFF80]  }
0x64: {  	v0 =	vshll.u32 v0, $0x4  }
0x65: {  	s0 =	simm.s32 $0x2080;
	v0 =	vor.u32 v4, v0  }
0x66: {  	[tilespmem:s0+$0x0] =	vst v0  }
0x67: {  	v0 =	vld [tilespmem:s12+$0x10]  }
0x68: {  	v1 =	vshll.u32 v1, $0x4  }
0x69: {  	v1 =	vor.u32 v4, v1  }
0x6a: {  	[tilespmem:s0+$0xFFFFFF80] =	vst v1  }
0x6b: {  	v1 =	vld [tilespmem:s12+$0xFFFFFF90]  }
0x6c: {  	v0 =	vshll.u32 v0, $0x4  }
0x6d: {  	s28 =	simm.s32 $0x1180;
	v0 =	vor.u32 v4, v0  }
0x6e: {  	[tilespmem:s0+$0x10] =	vst v0;
	v0 =	vld [tilespmem:s28+$0x0]  }
0x6f: {  	v2 =	vld [tilespmem:s12+$0x20]  }
0x70: {  	v1 =	vshll.u32 v1, $0x4  }
0x71: {  	v1 =	vor.u32 v4, v1  }
0x72: {  	[tilespmem:s0+$0xFFFFFF90] =	vst v1;
	v1 =	vld [tilespmem:s28+$0xFFFFFF80]  }
0x73: {  	v3 =	vld [tilespmem:s12+$0xFFFFFFA0];
	v0 =	vshll.u32 v0, $0x4  }
0x74: {  	s3 =	simm.s32 $0x2180;
	v0 =	vor.u32 v4, v0;
	v2 =	vshll.u32 v2, $0x4  }
0x75: {  	[tilespmem:s3+$0x0] =	vst v0;
	v0 =	vor.u32 v4, v2  }
0x76: {  	v2 =	vld [tilespmem:s28+$0x10];
	[tilespmem:s0+$0x20] =	vst v0  }
0x77: {  	v0 =	vshll.u32 v1, $0x4;
	v1 =	vld [tilespmem:s12+$0x30]  }
0x78: {  	v3 =	vshll.u32 v3, $0x4;
	v0 =	vor.u32 v4, v0  }
0x79: {  	[tilespmem:s3+$0xFFFFFF80] =	vst v0;
	v0 =	vor.u32 v4, v3  }
0x7a: {  	v3 =	vld [tilespmem:s28+$0xFFFFFF90];
	[tilespmem:s0+$0xFFFFFFA0] =	vst v0  }
0x7b: {  	v0 =	vshll.u32 v2, $0x4;
	v2 =	vld [tilespmem:s12+$0xFFFFFFB0]  }
0x7c: {  	s30 =	simm.s32 $0x1280;
	v0 =	vor.u32 v4, v0;
	v1 =	vshll.u32 v1, $0x4  }
0x7d: {  	[tilespmem:s3+$0x10] =	vst v0;
	v0 =	vor.u32 v4, v1;
	v1 =	vld [tilespmem:s30+$0x0]  }
0x7e: {  	[tilespmem:s0+$0x30] =	vst v0;
	v0 =	vld [tilespmem:s28+$0x20]  }
0x7f: {  	v3 =	vshll.u32 v3, $0x4;
	v5 =	vld [tilespmem:s12+$0x40]  }
0x80: {  	v3 =	vor.u32 v4, v3;
	v2 =	vshll.u32 v2, $0x4  }
0x81: {  	[tilespmem:s3+$0xFFFFFF90] =	vst v3;
	v3 =	vld [tilespmem:s30+$0xFFFFFF80];
	v2 =	vor.u32 v4, v2  }
0x82: {  	[tilespmem:s0+$0xFFFFFFB0] =	vst v2;
	v1 =	vshll.u32 v1, $0x4;
	v2 =	vld [tilespmem:s28+$0xFFFFFFA0]  }
0x83: {  	s29 =	simm.s32 $0x2280;
	v1 =	vor.u32 v4, v1;
	v0 =	vshll.u32 v0, $0x4;
	v6 =	vld [tilespmem:s12+$0xFFFFFFC0]  }
0x84: {  	[tilespmem:s29+$0x0] =	vst v1;
	v0 =	vor.u32 v4, v0;
	v1 =	vshll.u32 v5, $0x4  }
0x85: {  	v5 =	vld [tilespmem:s30+$0x10];
	[tilespmem:s3+$0x20] =	vst v0;
	v0 =	vor.u32 v4, v1  }
0x86: {  	v1 =	vshll.u32 v3, $0x4;
	v3 =	vld [tilespmem:s28+$0x30];
	[tilespmem:s0+$0x40] =	vst v0  }
0x87: {  	v0 =	vor.u32 v4, v1;
	v1 =	vshll.u32 v2, $0x4;
	v2 =	vld [tilespmem:s12+$0x50]  }
0x88: {  	[tilespmem:s29+$0xFFFFFF80] =	vst v0;
	v0 =	vor.u32 v4, v1;
	v1 =	vshll.u32 v6, $0x4  }
0x89: {  	v6 =	vld [tilespmem:s30+$0xFFFFFF90];
	[tilespmem:s3+$0xFFFFFFA0] =	vst v0;
	v0 =	vor.u32 v4, v1  }
0x8a: {  	v1 =	vshll.u32 v5, $0x4;
	v5 =	vld [tilespmem:s28+$0xFFFFFFB0];
	[tilespmem:s0+$0xFFFFFFC0] =	vst v0  }
0x8b: {  	s14 =	smov.u32 s31;
	s31 =	simm.s32 $0x1380;
	v0 =	vor.u32 v4, v1;
	v1 =	vshll.u32 v3, $0x4;
	v3 =	vld [tilespmem:s12+$0xFFFFFFD0]  }
0x8c: {  	[tilespmem:s29+$0x10] =	vst v0;
	v0 =	vor.u32 v4, v1;
	v1 =	vshll.u32 v2, $0x4;
	v2 =	vld [tilespmem:s31+$0x0]  }
0x8d: {  	[tilespmem:s3+$0x30] =	vst v0;
	v0 =	vor.u32 v4, v1;
	v1 =	vld [tilespmem:s30+$0x20]  }
0x8e: {  	v6 =	vshll.u32 v6, $0x4;
	[tilespmem:s0+$0x50] =	vst v0;
	v0 =	vld [tilespmem:s28+$0x40]  }
0x8f: {  	v6 =	vor.u32 v4, v6;
	v5 =	vshll.u32 v5, $0x4;
	v7 =	vld [tilespmem:s12+$0x60]  }
0x90: {  	[tilespmem:s29+$0xFFFFFF90] =	vst v6;
	v6 =	vld [tilespmem:s31+$0xFFFFFF80];
	v5 =	vor.u32 v4, v5;
	v3 =	vshll.u32 v3, $0x4  }
0x91: {  	[tilespmem:s3+$0xFFFFFFB0] =	vst v5;
	v3 =	vor.u32 v4, v3;
	v2 =	vshll.u32 v2, $0x4;
	v5 =	vld [tilespmem:s30+$0xFFFFFFA0]  }
0x92: {  	s6 =	simm.s32 $0x2380;
	[tilespmem:s0+$0xFFFFFFD0] =	vst v3;
	v2 =	vor.u32 v4, v2;
	v1 =	vshll.u32 v1, $0x4;
	v3 =	vld [tilespmem:s28+$0xFFFFFFC0]  }
0x93: {  	[tilespmem:s6+$0x0] =	vst v2;
	v1 =	vor.u32 v4, v1;
	v0 =	vshll.u32 v0, $0x4;
	v2 =	vld [tilespmem:s12+$0xFFFFFFE0]  }
0x94: {  	v8 =	vld [tilespmem:s31+$0x10];
	[tilespmem:s29+$0x20] =	vst v1;
	v0 =	vor.u32 v4, v0;
	v1 =	vshll.u32 v7, $0x4  }
0x95: {  	v6 =	vshll.u32 v6, $0x4;
	v7 =	vld [tilespmem:s30+$0x30];
	[tilespmem:s3+$0x40] =	vst v0;
	v0 =	vor.u32 v4, v1  }
0x96: {  	v1 =	vor.u32 v4, v6;
	v5 =	vshll.u32 v5, $0x4;
	v9 =	vld [tilespmem:s28+$0x50];
	[tilespmem:s0+$0x60] =	vst v0  }
0x97: {  	[tilespmem:s6+$0xFFFFFF80] =	vst v1;
	v1 =	vor.u32 v4, v5;
	v3 =	vshll.u32 v3, $0x4;
	v0 =	vld [tilespmem:s12+$0x70]  }
0x98: {  	v6 =	vld [tilespmem:s31+$0xFFFFFF90];
	[tilespmem:s29+$0xFFFFFFA0] =	vst v1;
	v1 =	vor.u32 v4, v3;
	v2 =	vshll.u32 v2, $0x4  }
0x99: {  	v5 =	vshll.u32 v8, $0x4;
	v3 =	vld [tilespmem:s30+$0xFFFFFFB0];
	[tilespmem:s3+$0xFFFFFFC0] =	vst v1;
	v1 =	vor.u32 v4, v2  }
0x9a: {  	v5 =	vor.u32 v4, v5;
	v7 =	vshll.u32 v7, $0x4;
	v2 =	vld [tilespmem:s28+$0xFFFFFFD0];
	[tilespmem:s0+$0xFFFFFFE0] =	vst v1  }
0x9b: {  	s7 =	simm.s32 $0x6;
	s10 =	simm.s32 $0x1480;
	[tilespmem:s6+$0x10] =	vst v5;
	v7 =	vor.u32 v4, v7;
	v5 =	vshll.u32 v9, $0x4;
	v1 =	vld [tilespmem:s12+$0xFFFFFFF0];
	s12 =	simm.s32 $0x2380  }
.LBB2_5:
0x9c: {  	v8 =	vld [tilespmem:s10+$0x0];
	[tilespmem:s29+$0x30] =	vst v7;
	v5 =	vor.u32 v4, v5;
	v0 =	vshll.u32 v0, $0x4;
	s11 =	smov.u32 s31;
	s31 =	smov.u32 s10  }
0x9d: {  	v6 =	vshll.u32 v6, $0x4;
	v7 =	vld [tilespmem:s11+$0x20];
	[tilespmem:s3+$0x50] =	vst v5;
	v0 =	vor.u32 v4, v0  }
0x9e: {  	v5 =	vor.u32 v4, v6;
	v3 =	vshll.u32 v3, $0x4;
	v6 =	vld [tilespmem:s30+$0x40];
	[tilespmem:s0+$0x70] =	vst v0  }
0x9f: {  	s7 =	sadd.s32 $0x2, s7;
	[tilespmem:s6+$0xFFFFFF90] =	vst v5;
	v0 =	vor.u32 v4, v3;
	v2 =	vshll.u32 v2, $0x4;
	v3 =	vld [tilespmem:s28+$0x60]  }
0xa0: {  	p0 =	slt.u32 s7, $0xE;
	v5 =	vld [tilespmem:s10+$0xFFFFFF80];
	[tilespmem:s29+$0xFFFFFFB0] =	vst v0;
	v0 =	vor.u32 v4, v2;
	v1 =	vshll.u32 v1, $0x4  }
0xa1: {  	v2 =	vshll.u32 v8, $0x4;
	v8 =	vld [tilespmem:s11+$0xFFFFFFA0];
	[tilespmem:s3+$0xFFFFFFD0] =	vst v0;
	v0 =	vor.u32 v4, v1  }
0xa2: {  	s6 =	sadd.s32 $0x100, s6;
	v1 =	vor.u32 v4, v2;
	v2 =	vshll.u32 v7, $0x4;
	v7 =	vld [tilespmem:s30+$0xFFFFFFC0];
	[tilespmem:s0+$0xFFFFFFF0] =	vst v0;
	s0 =	smov.u32 s3;
	s3 =	smov.u32 s29  }
0xa3: {  	s29 =	smov.u32 s12;
	s12 =	smov.u32 s6;
	[tilespmem:s6+$0x0] =	vst v1;
	v0 =	vor.u32 v4, v2;
	v1 =	vshll.u32 v6, $0x4;
	v2 =	vld [tilespmem:s28+$0xFFFFFFE0]  }
0xa4: {  	v9 =	vld [tilespmem:s10+$0x10];
	[tilespmem:s29+$0x20] =	vst v0;
	v0 =	vor.u32 v4, v1;
	v1 =	vshll.u32 v3, $0x4  }
0xa5: {  	v3 =	vshll.u32 v5, $0x4;
	v5 =	vld [tilespmem:s11+$0x30];
	[tilespmem:s3+$0x40] =	vst v0;
	v0 =	vor.u32 v4, v1  }
0xa6: {  	v1 =	vor.u32 v4, v3;
	v3 =	vshll.u32 v8, $0x4;
	v8 =	vld [tilespmem:s30+$0x50];
	[tilespmem:s0+$0x60] =	vst v0  }
.Ltmp1:
0xa7: {  	[tilespmem:s6+$0xFFFFFF80] =	vst v1;
	v1 =	vor.u32 v4, v3;
	v3 =	vshll.u32 v7, $0x4;
	v0 =	vld [tilespmem:s28+$0x70];
	(pc) =	sbr.rel @p0 .LBB2_5-.Ltmp1, $4  }
0xa8: {  	v6 =	vld [tilespmem:s10+$0xFFFFFF90];
	[tilespmem:s29+$0xFFFFFFA0] =	vst v1;
	v1 =	vor.u32 v4, v3;
	v2 =	vshll.u32 v2, $0x4  }
0xa9: {  	v7 =	vshll.u32 v9, $0x4;
	v3 =	vld [tilespmem:s11+$0xFFFFFFB0];
	[tilespmem:s3+$0xFFFFFFC0] =	vst v1;
	v1 =	vor.u32 v4, v2  }
0xaa: {  	v7 =	vor.u32 v4, v7;
	v5 =	vshll.u32 v5, $0x4;
	v2 =	vld [tilespmem:s30+$0xFFFFFFD0];
	[tilespmem:s0+$0xFFFFFFE0] =	vst v1  }
0xab: {  	s10 =	sadd.s32 $0x100, s10;
	[tilespmem:s6+$0x10] =	vst v7;
	v7 =	vor.u32 v4, v5;
	v5 =	vshll.u32 v8, $0x4;
	v1 =	vld [tilespmem:s28+$0xFFFFFFF0];
	s28 =	smov.u32 s30;
	s30 =	smov.u32 s11  }
0xac: {  	_ = 	snop  }
0xad: {  	v6 =	vshll.u32 v6, $0x4  }
0xae: {  	v6 =	vor.u32 v4, v6  }
0xaf: {  	v40 =	vld [tilespmem:s31+$0x20];
	[tilespmem:s6+$0xFFFFFF90] =	vst v6  }
0xb0: {  	v8 =	vld [tilespmem:s31+$0xFFFFFFA0];
	_ =	sdelay $0x3  }
0xb1: {  	v6 =	vshll.u32 v40, $0x4  }
0xb2: {  	v6 =	vor.u32 v4, v6;
	v8 =	vshll.u32 v8, $0x4  }
0xb3: {  	[tilespmem:s12+$0x20] =	vst v6;
	v41 =	vor.u32 v4, v8  }
0xb4: {  	v42 =	vld [tilespmem:s31+$0x30];
	[tilespmem:s12+$0xFFFFFFA0] =	vst v41  }
0xb5: {  	v6 =	vld [tilespmem:s31+$0xFFFFFFB0];
	_ =	sdelay $0x1  }
0xb6: {  	v3 =	vshll.u32 v3, $0x4  }
0xb7: {  	v3 =	vor.u32 v4, v3  }
0xb8: {  	[tilespmem:s29+$0xFFFFFFB0] =	vst v3;
	v43 =	vshll.u32 v42, $0x4  }
0xb9: {  	[tilespmem:s29+$0x30] =	vst v7;
	v46 =	vld [tilespmem:s30+$0xFFFFFFC0];
	v45 =	vor.u32 v4, v43;
	v6 =	vshll.u32 v6, $0x4  }
0xba: {  	v44 =	vld [tilespmem:s30+$0x40];
	[tilespmem:s12+$0x30] =	vst v45;
	v48 =	vor.u32 v4, v6  }
0xbb: {  	v49 =	vld [tilespmem:s31+$0x40];
	[tilespmem:s12+$0xFFFFFFB0] =	vst v48  }
0xbc: {  	v3 =	vld [tilespmem:s31+$0xFFFFFFC0];
	_ =	sdelay $0x1  }
0xbd: {  	v7 =	vshll.u32 v46, $0x4  }
0xbe: {  	v8 =	vshll.u32 v44, $0x4;
	v7 =	vor.u32 v4, v7  }
0xbf: {  	v8 =	vor.u32 v4, v8;
	[tilespmem:s29+$0xFFFFFFC0] =	vst v7;
	v6 =	vshll.u32 v49, $0x4  }
0xc0: {  	[tilespmem:s29+$0x40] =	vst v8;
	v7 =	vld [tilespmem:s30+$0xFFFFFFD0];
	v6 =	vor.u32 v4, v6;
	v3 =	vshll.u32 v3, $0x4  }
0xc1: {  	v8 =	vld [tilespmem:s30+$0x50];
	[tilespmem:s12+$0x40] =	vst v6;
	v3 =	vor.u32 v4, v3  }
0xc2: {  	v6 =	vld [tilespmem:s31+$0x50];
	[tilespmem:s12+$0xFFFFFFC0] =	vst v3  }
0xc3: {  	v3 =	vld [tilespmem:s31+$0xFFFFFFD0]  }
0xc4: {  	v5 =	vor.u32 v4, v5;
	v2 =	vshll.u32 v2, $0x4  }
0xc5: {  	[tilespmem:s3+$0x50] =	vst v5;
	v2 =	vor.u32 v4, v2;
	v61 =	vshll.u32 v7, $0x4  }
0xc6: {  	v59 =	vld [tilespmem:s28+$0x60];
	[tilespmem:s3+$0xFFFFFFD0] =	vst v2;
	v51 =	vshll.u32 v8, $0x4;
	v10 =	vor.u32 v4, v61  }
0xc7: {  	v63 =	vld [tilespmem:s28+$0xFFFFFFE0];
	v60 =	vor.u32 v4, v51;
	[tilespmem:s29+$0xFFFFFFD0] =	vst v10;
	v11 =	vshll.u32 v6, $0x4  }
0xc8: {  	[tilespmem:s29+$0x50] =	vst v60;
	v22 =	vld [tilespmem:s30+$0xFFFFFFE0];
	v21 =	vor.u32 v4, v11;
	v3 =	vshll.u32 v3, $0x4  }
0xc9: {  	v20 =	vld [tilespmem:s30+$0x60];
	[tilespmem:s12+$0x50] =	vst v21;
	v23 =	vor.u32 v4, v3  }
0xca: {  	v24 =	vld [tilespmem:s31+$0x60];
	[tilespmem:s12+$0xFFFFFFD0] =	vst v23  }
0xcb: {  	v25 =	vshll.u32 v59, $0x4;
	v26 =	vld [tilespmem:s31+$0xFFFFFFE0]  }
0xcc: {  	v2 =	vor.u32 v4, v25;
	v7 =	vshll.u32 v63, $0x4  }
0xcd: {  	[tilespmem:s3+$0x60] =	vst v2;
	v27 =	vor.u32 v4, v7;
	v5 =	vshll.u32 v22, $0x4  }
0xce: {  	v28 =	vld [tilespmem:s28+$0x70];
	[tilespmem:s3+$0xFFFFFFE0] =	vst v27;
	v31 =	vor.u32 v4, v5;
	v6 =	vshll.u32 v20, $0x4  }
0xcf: {  	v30 =	vld [tilespmem:s28+$0xFFFFFFF0];
	[tilespmem:s29+$0xFFFFFFE0] =	vst v31;
	v29 =	vor.u32 v4, v6;
	v3 =	vshll.u32 v24, $0x4  }
0xd0: {  	v37 =	vld [tilespmem:s30+$0xFFFFFFF0];
	[tilespmem:s29+$0x60] =	vst v29;
	v34 =	vor.u32 v4, v3;
	v35 =	vshll.u32 v26, $0x4  }
0xd1: {  	v0 =	vshll.u32 v0, $0x4;
	v33 =	vld [tilespmem:s30+$0x70];
	[tilespmem:s12+$0x60] =	vst v34;
	v39 =	vor.u32 v4, v35  }
0xd2: {  	v0 =	vor.u32 v4, v0;
	v1 =	vshll.u32 v1, $0x4;
	v40 =	vld [tilespmem:s31+$0x70];
	[tilespmem:s12+$0xFFFFFFE0] =	vst v39  }
0xd3: {  	[tilespmem:s0+$0x70] =	vst v0;
	v41 =	vor.u32 v4, v1;
	v42 =	vshll.u32 v28, $0x4;
	v2 =	vld [tilespmem:s31+$0xFFFFFFF0]  }
0xd4: {  	[tilespmem:s0+$0xFFFFFFF0] =	vst v41;
	v43 =	vor.u32 v4, v42;
	v44 =	vshll.u32 v30, $0x4  }
0xd5: {  	[tilespmem:s3+$0x70] =	vst v43;
	v45 =	vor.u32 v4, v44;
	v49 =	vshll.u32 v37, $0x4  }
0xd6: {  	[tilespmem:s3+$0xFFFFFFF0] =	vst v45;
	v51 =	vor.u32 v4, v49;
	v46 =	vshll.u32 v33, $0x4  }
0xd7: {  	[tilespmem:s29+$0xFFFFFFF0] =	vst v51;
	v48 =	vor.u32 v4, v46;
	v59 =	vshll.u32 v40, $0x4  }
0xd8: {  	[tilespmem:s29+$0x70] =	vst v48;
	v60 =	vor.u32 v4, v59;
	v61 =	vshll.u32 v2, $0x4  }
0xd9: {  	[tilespmem:s12+$0x70] =	vst v60;
	v63 =	vor.u32 v4, v61  }
0xda: {  	s7 =	simm.s32 $0x2000;
	s10 =	simm.s32 $0x2800;
	[tilespmem:s12+$0xFFFFFFF0] =	vst v63  }
0xdb: {  	[tilespmem:s10], [sflag:$0x1] =	stream.indirect.gather [hbm4b:s5+s16], $0x10, s7, s16, $0xb8;
	[tilespmem:$0x1A800] =	vst v63  }
0xdc: {  	s11 =	simm.s32 $0x2080;
	s12 =	simm.s32 $0x3000  }
0xdd: {  	[tilespmem:s12], [sflag:$0x1] =	stream.indirect.gather [hbm4b:s5+s16], $0x10, s11, s16, $0xb8;
	[tilespmem:$0x1A800] =	vst v63  }
0xde: {  	s29 =	simm.s32 $0x2100;
	s31 =	simm.s32 $0x3800  }
0xdf: {  	[tilespmem:s31], [sflag:$0x1] =	stream.indirect.gather [hbm4b:s5+s16], $0x10, s29, s16, $0xb8;
	[tilespmem:$0x1A800] =	vst v63  }
0xe0: {  	s6 =	simm.s32 $0x4000;
	s3 =	simm.s32 $0x2180  }
0xe1: {  	[tilespmem:s6], [sflag:$0x1] =	stream.indirect.gather [hbm4b:s5+s16], $0x10, s3, s16, $0xb8;
	[tilespmem:$0x1A800] =	vst v63  }
0xe2: {  	s7 =	simm.s32 $0x2200;
	s10 =	simm.s32 $0x4800  }
0xe3: {  	[tilespmem:s10], [sflag:$0x1] =	stream.indirect.gather [hbm4b:s5+s16], $0x10, s7, s16, $0xb8;
	[tilespmem:$0x1A800] =	vst v63  }
0xe4: {  	s11 =	simm.s32 $0x2280;
	s12 =	simm.s32 $0x5000  }
0xe5: {  	[tilespmem:s12], [sflag:$0x1] =	stream.indirect.gather [hbm4b:s5+s16], $0x10, s11, s16, $0xb8;
	[tilespmem:$0x1A800] =	vst v63  }
0xe6: {  	s29 =	simm.s32 $0x2300;
	s31 =	simm.s32 $0x5800  }
0xe7: {  	[tilespmem:s31], [sflag:$0x1] =	stream.indirect.gather [hbm4b:s5+s16], $0x10, s29, s16, $0xb8;
	[tilespmem:$0x1A800] =	vst v63  }
0xe8: {  	s3 =	simm.s32 $0x2380;
	s6 =	simm.s32 $0x6000  }
0xe9: {  	[tilespmem:s6], [sflag:$0x1] =	stream.indirect.gather [hbm4b:s5+s16], $0x10, s3, s16, $0xb8;
	[tilespmem:$0x1A800] =	vst v63  }
0xea: {  	s7 =	simm.s32 $0x2400;
	s10 =	simm.s32 $0x6800  }
0xeb: {  	[tilespmem:s10], [sflag:$0x1] =	stream.indirect.gather [hbm4b:s5+s16], $0x10, s7, s16, $0xb8;
	[tilespmem:$0x1A800] =	vst v63  }
0xec: {  	s11 =	simm.s32 $0x2480;
	s12 =	simm.s32 $0x7000  }
0xed: {  	[tilespmem:s12], [sflag:$0x1] =	stream.indirect.gather [hbm4b:s5+s16], $0x10, s11, s16, $0xb8;
	[tilespmem:$0x1A800] =	vst v63  }
0xee: {  	s29 =	simm.s32 $0x2500;
	s31 =	simm.s32 $0x7800  }
0xef: {  	[tilespmem:s31], [sflag:$0x1] =	stream.indirect.gather [hbm4b:s5+s16], $0x10, s29, s16, $0xb8;
	[tilespmem:$0x1A800] =	vst v63  }
0xf0: {  	_ = 	snop  }
0xf1: {  	[tilespmem:s1], [sflag:$0x1] =	stream.indirect.gather [hbm4b:s5+s16], $0x10, s15, s16, $0xb8;
	[tilespmem:$0x1A800] =	vst v63  }
0xf2: {  	_ = 	snop  }
0xf3: {  	[tilespmem:s9], [sflag:$0x1] =	stream.indirect.gather [hbm4b:s5+s16], $0x10, s8, s16, $0xb8;
	[tilespmem:$0x1A800] =	vst v63  }
0xf4: {  	_ = 	snop  }
0xf5: {  	[tilespmem:s18], [sflag:$0x1] =	stream.indirect.gather [hbm4b:s5+s16], $0x10, s17, s16, $0xb8;
	[tilespmem:$0x1A800] =	vst v63  }
0xf6: {  	_ = 	snop  }
0xf7: {  	[tilespmem:s20], [sflag:$0x1] =	stream.indirect.gather [hbm4b:s5+s16], $0x10, s19, s16, $0xb8;
	[tilespmem:$0x1A800] =	vst v63  }
0xf8: {  	s28 =	simm.s32 $0x0;
	s30 =	simm.s32 $0x40;
	s3 =	simm.s32 $0x2C00  }
0xf9: {  	[tilespmem:s22], [sflag:$0x1] =	stream.indirect.gather [hbm4b:s5+s16], $0x10, s21, s16, $0xb8;
	[tilespmem:$0x1A800] =	vst v63  }
.LBB2_7:
0xfa: {  	_ =	swait.ge [sflag:s23], $0x800  }
0xfb: {  	[sflag:s23] =	ssyncset.done $0x0  }
0xfc: {  	[sflag:s23] =	ssyncadd.s32 $0xFFFFF800  }
0xfd: {  	_ =	swait.ge [sflag:s23], $0x800  }
0xfe: {  	[sflag:s23] =	ssyncset.done $0x0  }
0xff: {  	[sflag:s23] =	ssyncadd.s32 $0xFFFFF800  }
0x100: {  	_ =	swait.ge [sflag:s23], $0x800  }
0x101: {  	[sflag:s23] =	ssyncset.done $0x0  }
0x102: {  	[sflag:s23] =	ssyncadd.s32 $0xFFFFF800  }
0x103: {  	_ =	swait.ge [sflag:s23], $0x800  }
0x104: {  	[sflag:s23] =	ssyncset.done $0x0  }
0x105: {  	[sflag:s23] =	ssyncadd.s32 $0xFFFFF800  }
0x106: {  	v0 =	vld [tilespmem:s30+$0x30]  }
0x107: {  	v1 =	vld [tilespmem:s30+$0xFFFFFFD0]  }
0x108: {  	v2 =	vld [tilespmem:s30+$0xFFFFFFE0]  }
0x109: {  	v5 =	vld [tilespmem:s30+$0xFFFFFFC0]  }
0x10a: {  	v6 =	vld [tilespmem:s3+$0x300]  }
0x10b: {  	v7 =	vld [tilespmem:s30+$0xFFFFFFF0]  }
0x10c: {  	v59 =	vld [tilespmem:s30+$0x0]  }
0x10d: {  	v9 =	vld [tilespmem:s30+$0x10]  }
0x10e: {  	v10 =	vld [tilespmem:s3+$0xFFFFFD00];
	v0 =	vshll.u32 v0, $0x4  }
0x10f: {  	v17 =	vld [tilespmem:s30+$0x20];
	v19 =	vshll.u32 v1, $0x4;
	v3 =	vperm.xlane v0, v14  }
0x110: {  	v12 =	vld [tilespmem:s3+$0xFFFFFC00];
	v20 =	vshll.u32 v2, $0x4;
	v8 =	vperm.xlane v19, v14  }
0x111: {  	v28 =	vld [tilespmem:s3+$0xFFFFFE00];
	v2 =	vperm.xlane v20, v14;
	v3 =	vadd.s32 v62, v3  }
0x112: {  	v34 =	vld [tilespmem:s3+$0xFFFFFF00];
	v22 =	vshll.u32 v7, $0x4;
	v8 =	vadd.s32 v62, v8  }
0x113: {  	v35 =	vld [tilespmem:s3+$0x0];
	v23 =	vshll.u32 v59, $0x4;
	v30 =	vperm.xlane v22, v14;
	v2 =	vadd.s32 v62, v2  }
0x114: {  	v42 =	vld [tilespmem:s3+$0x100];
	v24 =	vshll.u32 v9, $0x4;
	v1 =	vperm.xlane v23, v14  }
0x115: {  	v44 =	vld [tilespmem:s3+$0x200];
	v25 =	vshll.u32 v17, $0x4;
	v39 =	vperm.xlane v24, v14;
	v33 =	vadd.s32 v62, v30  }
0x116: {  	v40 =	vperm.xlane v25, v14;
	v1 =	vadd.s32 v62, v1;
	[tilespmem:v3+s24+$0x0] =	vst.idx.add.f32.msk $0xffff, v6  }
0x117: {  	v11 =	vperm.xlane v0, v32;
	v41 =	vadd.s32 v62, v39;
	[tilespmem:v8+s24+$0x0] =	vst.idx.add.f32.msk $0xffff, v10  }
0x118: {  	v43 =	vadd.s32 v62, v40;
	[tilespmem:v2+s24+$0x0] =	vst.idx.add.f32.msk $0xffff, v28  }
0x119: {  	v63 =	vadd.s32 v62, v11;
	v61 =	vld [tilespmem:s3+$0x310]  }
0x11a: {  	[tilespmem:v33+s24+$0x0] =	vst.idx.add.f32.msk $0xffff, v34  }
0x11b: {  	[tilespmem:v1+s24+$0x0] =	vst.idx.add.f32.msk $0xffff, v35  }
0x11c: {  	[tilespmem:v41+s24+$0x0] =	vst.idx.add.f32.msk $0xffff, v42  }
0x11d: {  	v21 =	vshll.u32 v5, $0x4;
	v29 =	vperm.xlane v0, v36;
	[tilespmem:v43+s24+$0x0] =	vst.idx.add.f32.msk $0xffff, v44  }
0x11e: {  	v60 =	vperm.xlane v21, v14;
	[tilespmem:v63+s24+$0x0] =	vst.idx.add.f32.msk $0xffff, v61  }
0x11f: {  	v31 =	vadd.s32 v62, v29;
	v6 =	vld [tilespmem:s3+$0x320]  }
0x120: {  	v3 =	vadd.s32 v62, v60;
	v60 =	vld [tilespmem:s3+$0xFFFFFD10]  }
0x121: {  	v17 =	vld [tilespmem:s3+$0xFFFFFE10]  }
0x122: {  	v26 =	vld [tilespmem:s3+$0xFFFFFF10]  }
0x123: {  	v37 =	vperm.xlane v0, v38;
	v30 =	vld [tilespmem:s3+$0x10]  }
0x124: {  	[tilespmem:v31+s24+$0x0] =	vst.idx.add.f32.msk $0xffff, v6  }
0x125: {  	v48 =	vperm.xlane v19, v32;
	v8 =	vadd.s32 v62, v37;
	v7 =	vld [tilespmem:s3+$0x330]  }
0x126: {  	v11 =	vperm.xlane v22, v32;
	v33 =	vld [tilespmem:s3+$0x110]  }
0x127: {  	v59 =	vadd.s32 v62, v48;
	v35 =	vperm.xlane v25, v32;
	v40 =	vld [tilespmem:s3+$0x210]  }
0x128: {  	v18 =	vadd.s32 v62, v11;
	[tilespmem:v3+s24+$0x0] =	vst.idx.add.f32.msk $0xffff, v12  }
0x129: {  	v45 =	vperm.xlane v0, v47;
	v37 =	vadd.s32 v62, v35;
	v51 =	vld [tilespmem:s3+$0xFFFFFC10]  }
0x12a: {  	[tilespmem:v8+s24+$0x0] =	vst.idx.add.f32.msk $0xffff, v7  }
0x12b: {  	v46 =	vperm.xlane v21, v32;
	v3 =	vadd.s32 v62, v45;
	v8 =	vld [tilespmem:s3+$0x340]  }
0x12c: {  	[tilespmem:v59+s24+$0x0] =	vst.idx.add.f32.msk $0xffff, v60  }
0x12d: {  	v49 =	vadd.s32 v62, v46;
	[tilespmem:v18+s24+$0x0] =	vst.idx.add.f32.msk $0xffff, v26  }
0x12e: {  	v29 =	vperm.xlane v24, v32;
	[tilespmem:v37+s24+$0x0] =	vst.idx.add.f32.msk $0xffff, v40  }
0x12f: {  	v61 =	vperm.xlane v0, v50;
	v46 =	vld [tilespmem:s3+$0xFFFFFD20]  }
0x130: {  	v31 =	vadd.s32 v62, v29;
	[tilespmem:v3+s24+$0x0] =	vst.idx.add.f32.msk $0xffff, v8  }
0x131: {  	v39 =	vperm.xlane v21, v36;
	v5 =	vadd.s32 v62, v61;
	v8 =	vld [tilespmem:s3+$0x350]  }
0x132: {  	[tilespmem:v49+s24+$0x0] =	vst.idx.add.f32.msk $0xffff, v51  }
0x133: {  	v41 =	vadd.s32 v62, v39;
	v63 =	vperm.xlane v20, v32;
	v42 =	vld [tilespmem:s3+$0xFFFFFC20]  }
0x134: {  	v61 =	vld [tilespmem:s3+$0xFFFFFF20]  }
0x135: {  	v27 =	vperm.xlane v0, v52;
	[tilespmem:v31+s24+$0x0] =	vst.idx.add.f32.msk $0xffff, v33;
	v3 =	vadd.s32 v62, v63  }
0x136: {  	[tilespmem:v5+s24+$0x0] =	vst.idx.add.f32.msk $0xffff, v8  }
0x137: {  	v6 =	vadd.s32 v62, v27;
	v8 =	vld [tilespmem:s3+$0x360]  }
0x138: {  	v28 =	vperm.xlane v23, v32;
	[tilespmem:v41+s24+$0x0] =	vst.idx.add.f32.msk $0xffff, v42  }
0x139: {  	v35 =	vld [tilespmem:s3+$0xFFFFFC30]  }
0x13a: {  	[tilespmem:v3+s24+$0x0] =	vst.idx.add.f32.msk $0xffff, v17;
	v5 =	vadd.s32 v62, v28  }
0x13b: {  	v34 =	vperm.xlane v0, v53;
	v49 =	vld [tilespmem:s3+$0xFFFFFE20]  }
0x13c: {  	[tilespmem:v6+s24+$0x0] =	vst.idx.add.f32.msk $0xffff, v8  }
0x13d: {  	v45 =	vperm.xlane v20, v36;
	v3 =	vadd.s32 v62, v34;
	v8 =	vld [tilespmem:s3+$0x370]  }
0x13e: {  	v28 =	vld [tilespmem:s3+$0x120]  }
0x13f: {  	v48 =	vadd.s32 v62, v45;
	v27 =	vperm.xlane v25, v36;
	[tilespmem:v5+s24+$0x0] =	vst.idx.add.f32.msk $0xffff, v30  }
0x140: {  	v60 =	vperm.xlane v23, v36;
	v30 =	vld [tilespmem:s3+$0x220]  }
0x141: {  	v43 =	vperm.xlane v0, v54;
	v29 =	vadd.s32 v62, v27;
	v17 =	vld [tilespmem:s3+$0x20]  }
0x142: {  	v63 =	vadd.s32 v62, v60;
	[tilespmem:v3+s24+$0x0] =	vst.idx.add.f32.msk $0xffff, v8  }
0x143: {  	v6 =	vadd.s32 v62, v43;
	v8 =	vld [tilespmem:s3+$0x380]  }
0x144: {  	v44 =	vperm.xlane v19, v36;
	[tilespmem:v48+s24+$0x0] =	vst.idx.add.f32.msk $0xffff, v49  }
0x145: {  	v43 =	vld [tilespmem:s3+$0xFFFFFE30]  }
0x146: {  	[tilespmem:v29+s24+$0x0] =	vst.idx.add.f32.msk $0xffff, v30;
	v3 =	vadd.s32 v62, v44  }
0x147: {  	v51 =	vperm.xlane v0, v55;
	[tilespmem:v63+s24+$0x0] =	vst.idx.add.f32.msk $0xffff, v17  }
0x148: {  	[tilespmem:v6+s24+$0x0] =	vst.idx.add.f32.msk $0xffff, v8  }
0x149: {  	v59 =	vperm.xlane v22, v36;
	v5 =	vadd.s32 v62, v51;
	v8 =	vld [tilespmem:s3+$0x390]  }
0x14a: {  	v34 =	vperm.xlane v19, v38;
	v17 =	vld [tilespmem:s3+$0x230]  }
0x14b: {  	[tilespmem:v3+s24+$0x0] =	vst.idx.add.f32.msk $0xffff, v46;
	v6 =	vadd.s32 v62, v59  }
0x14c: {  	v26 =	vperm.xlane v24, v36;
	v37 =	vadd.s32 v62, v34;
	v39 =	vld [tilespmem:s3+$0xFFFFFD30]  }
0x14d: {  	v18 =	vperm.xlane v0, v58;
	v51 =	vld [tilespmem:s3+$0x30]  }
0x14e: {  	[tilespmem:v5+s24+$0x0] =	vst.idx.add.f32.msk $0xffff, v8;
	v5 =	vadd.s32 v62, v26  }
0x14f: {  	v3 =	vadd.s32 v62, v18;
	v8 =	vld [tilespmem:s3+$0x3A0]  }
0x150: {  	[tilespmem:v6+s24+$0x0] =	vst.idx.add.f32.msk $0xffff, v61  }
0x151: {  	v42 =	vperm.xlane v22, v38;
	[tilespmem:v37+s24+$0x0] =	vst.idx.add.f32.msk $0xffff, v39  }
0x152: {  	v33 =	vperm.xlane v21, v38;
	v45 =	vld [tilespmem:s3+$0xFFFFFF30]  }
0x153: {  	v49 =	vperm.xlane v24, v38;
	v44 =	vadd.s32 v62, v42;
	[tilespmem:v5+s24+$0x0] =	vst.idx.add.f32.msk $0xffff, v28  }
0x154: {  	[tilespmem:v3+s24+$0x0] =	vst.idx.add.f32.msk $0xffff, v8;
	v3 =	vadd.s32 v62, v33  }
0x155: {  	v31 =	vperm.xlane v0, v56;
	v59 =	vadd.s32 v62, v49;
	v60 =	vld [tilespmem:s3+$0x130]  }
0x156: {  	v29 =	vld [tilespmem:s3+$0xFFFFFD40]  }
0x157: {  	v6 =	vadd.s32 v62, v31;
	v8 =	vld [tilespmem:s3+$0x3B0]  }
0x158: {  	[tilespmem:v44+s24+$0x0] =	vst.idx.add.f32.msk $0xffff, v45  }
0x159: {  	v30 =	vperm.xlane v22, v47;
	[tilespmem:v3+s24+$0x0] =	vst.idx.add.f32.msk $0xffff, v35  }
0x15a: {  	v41 =	vperm.xlane v20, v38;
	[tilespmem:v59+s24+$0x0] =	vst.idx.add.f32.msk $0xffff, v60  }
0x15b: {  	v11 =	vperm.xlane v21, v47;
	v1 =	vadd.s32 v62, v30;
	v35 =	vld [tilespmem:s3+$0xFFFFFF40]  }
0x15c: {  	v37 =	vperm.xlane v24, v47;
	[tilespmem:v6+s24+$0x0] =	vst.idx.add.f32.msk $0xffff, v8;
	v6 =	vadd.s32 v62, v41  }
0x15d: {  	v40 =	vperm.xlane v0, v57;
	v18 =	vadd.s32 v62, v11;
	v26 =	vld [tilespmem:s3+$0xFFFFFC40]  }
0x15e: {  	v41 =	vadd.s32 v62, v37;
	v42 =	vld [tilespmem:s3+$0x140]  }
0x15f: {  	v5 =	vadd.s32 v62, v40;
	v8 =	vld [tilespmem:s3+$0x3C0]  }
0x160: {  	[tilespmem:v1+s24+$0x0] =	vst.idx.add.f32.msk $0xffff, v35  }
0x161: {  	[tilespmem:v6+s24+$0x0] =	vst.idx.add.f32.msk $0xffff, v43  }
0x162: {  	v48 =	vperm.xlane v23, v38;
	[tilespmem:v18+s24+$0x0] =	vst.idx.add.f32.msk $0xffff, v26  }
0x163: {  	v28 =	vperm.xlane v20, v47;
	[tilespmem:v41+s24+$0x0] =	vst.idx.add.f32.msk $0xffff, v42  }
0x164: {  	v44 =	vperm.xlane v21, v50;
	[tilespmem:v5+s24+$0x0] =	vst.idx.add.f32.msk $0xffff, v8;
	v5 =	vadd.s32 v62, v48  }
0x165: {  	v46 =	vperm.xlane v0, v13;
	v31 =	vadd.s32 v62, v28;
	v33 =	vld [tilespmem:s3+$0xFFFFFE40]  }
0x166: {  	v2 =	vadd.s32 v62, v44;
	v48 =	vld [tilespmem:s3+$0xFFFFFC50]  }
0x167: {  	v3 =	vadd.s32 v62, v46;
	v8 =	vld [tilespmem:s3+$0x3D0]  }
0x168: {  	v11 =	vld [tilespmem:s3+$0x150]  }
0x169: {  	[tilespmem:v5+s24+$0x0] =	vst.idx.add.f32.msk $0xffff, v51  }
0x16a: {  	[tilespmem:v31+s24+$0x0] =	vst.idx.add.f32.msk $0xffff, v33  }
0x16b: {  	v27 =	vperm.xlane v19, v47;
	[tilespmem:v2+s24+$0x0] =	vst.idx.add.f32.msk $0xffff, v48  }
0x16c: {  	v63 =	vperm.xlane v25, v38;
	[tilespmem:v3+s24+$0x0] =	vst.idx.add.f32.msk $0xffff, v8  }
0x16d: {  	v5 =	vadd.s32 v62, v27;
	v39 =	vld [tilespmem:s3+$0x40]  }
0x16e: {  	v59 =	vperm.xlane v22, v50;
	v3 =	vadd.s32 v62, v63;
	v60 =	vld [tilespmem:s3+$0xFFFFFE50]  }
0x16f: {  	v63 =	vld [tilespmem:s3+$0xFFFFFF50]  }
0x170: {  	v61 =	vperm.xlane v0, v15;
	v1 =	vadd.s32 v62, v59;
	v28 =	vld [tilespmem:s3+$0xFFFFFC60]  }
0x171: {  	v8 =	vld [tilespmem:s3+$0x3E0]  }
0x172: {  	v6 =	vadd.s32 v62, v61;
	[tilespmem:v5+s24+$0x0] =	vst.idx.add.f32.msk $0xffff, v29  }
0x173: {  	v49 =	vperm.xlane v20, v50;
	[tilespmem:v3+s24+$0x0] =	vst.idx.add.f32.msk $0xffff, v17  }
0x174: {  	v40 =	vperm.xlane v25, v47;
	v51 =	vld [tilespmem:s3+$0xFFFFFD50]  }
0x175: {  	v3 =	vadd.s32 v62, v49;
	[tilespmem:v1+s24+$0x0] =	vst.idx.add.f32.msk $0xffff, v63  }
0x176: {  	v0 =	vperm.xlane v0, v16;
	v43 =	vadd.s32 v62, v40;
	v45 =	vld [tilespmem:s3+$0x240]  }
0x177: {  	v31 =	vperm.xlane v22, v52;
	[tilespmem:v6+s24+$0x0] =	vst.idx.add.f32.msk $0xffff, v8  }
0x178: {  	v0 =	vadd.s32 v62, v0;
	v6 =	vld [tilespmem:s3+$0x3F0]  }
0x179: {  	v1 =	vadd.s32 v62, v31;
	v35 =	vld [tilespmem:s3+$0xFFFFFF60]  }
0x17a: {  	v18 =	vperm.xlane v21, v52;
	[tilespmem:v3+s24+$0x0] =	vst.idx.add.f32.msk $0xffff, v60  }
0x17b: {  	v34 =	vperm.xlane v23, v47;
	[tilespmem:v43+s24+$0x0] =	vst.idx.add.f32.msk $0xffff, v45  }
0x17c: {  	v3 =	vadd.s32 v62, v18;
	v33 =	vld [tilespmem:s3+$0xFFFFFE60]  }
0x17d: {  	[tilespmem:v0+s24+$0x0] =	vst.idx.add.f32.msk $0xffff, v6;
	v0 =	vadd.s32 v62, v34  }
0x17e: {  	v10 =	vperm.xlane v25, v50;
	[tilespmem:v1+s24+$0x0] =	vst.idx.add.f32.msk $0xffff, v35  }
0x17f: {  	v26 =	vld [tilespmem:s3+$0x250]  }
0x180: {  	v46 =	vperm.xlane v19, v50;
	v17 =	vadd.s32 v62, v10;
	v60 =	vld [tilespmem:s3+$0xFFFFFF70]  }
0x181: {  	v61 =	vperm.xlane v23, v50;
	[tilespmem:v3+s24+$0x0] =	vst.idx.add.f32.msk $0xffff, v28  }
0x182: {  	[tilespmem:v0+s24+$0x0] =	vst.idx.add.f32.msk $0xffff, v39;
	v0 =	vadd.s32 v62, v46  }
0x183: {  	v42 =	vperm.xlane v21, v53;
	v2 =	vadd.s32 v62, v61;
	v9 =	vld [tilespmem:s3+$0x50]  }
0x184: {  	v45 =	vld [tilespmem:s3+$0xFFFFFC70]  }
0x185: {  	v1 =	vadd.s32 v62, v42;
	[tilespmem:v17+s24+$0x0] =	vst.idx.add.f32.msk $0xffff, v26  }
0x186: {  	v8 =	vperm.xlane v24, v50;
	v43 =	vld [tilespmem:s3+$0x260]  }
0x187: {  	v27 =	vperm.xlane v19, v52;
	[tilespmem:v0+s24+$0x0] =	vst.idx.add.f32.msk $0xffff, v51  }
0x188: {  	v0 =	vadd.s32 v62, v8;
	[tilespmem:v2+s24+$0x0] =	vst.idx.add.f32.msk $0xffff, v9  }
0x189: {  	v34 =	vperm.xlane v23, v52;
	v2 =	vadd.s32 v62, v27;
	v30 =	vld [tilespmem:s3+$0xFFFFFD60]  }
0x18a: {  	[tilespmem:v1+s24+$0x0] =	vst.idx.add.f32.msk $0xffff, v45  }
0x18b: {  	v3 =	vadd.s32 v62, v34;
	v39 =	vld [tilespmem:s3+$0x60]  }
0x18c: {  	v29 =	vperm.xlane v20, v52;
	v27 =	vld [tilespmem:s3+$0xFFFFFC80]  }
0x18d: {  	v37 =	vperm.xlane v24, v52;
	[tilespmem:v0+s24+$0x0] =	vst.idx.add.f32.msk $0xffff, v11  }
0x18e: {  	v0 =	vadd.s32 v62, v29;
	[tilespmem:v2+s24+$0x0] =	vst.idx.add.f32.msk $0xffff, v30  }
0x18f: {  	v44 =	vperm.xlane v19, v53;
	v2 =	vadd.s32 v62, v37;
	v41 =	vld [tilespmem:s3+$0x160]  }
0x190: {  	[tilespmem:v3+s24+$0x0] =	vst.idx.add.f32.msk $0xffff, v39  }
0x191: {  	v59 =	vperm.xlane v23, v53;
	v3 =	vadd.s32 v62, v44;
	v48 =	vld [tilespmem:s3+$0xFFFFFD70]  }
0x192: {  	v63 =	vld [tilespmem:s3+$0x70]  }
0x193: {  	v1 =	vadd.s32 v62, v59;
	[tilespmem:v0+s24+$0x0] =	vst.idx.add.f32.msk $0xffff, v33  }
0x194: {  	v40 =	vperm.xlane v25, v52;
	[tilespmem:v2+s24+$0x0] =	vst.idx.add.f32.msk $0xffff, v41  }
0x195: {  	v46 =	vperm.xlane v20, v53;
	v51 =	vld [tilespmem:s3+$0xFFFFFE70]  }
0x196: {  	v0 =	vadd.s32 v62, v40;
	[tilespmem:v3+s24+$0x0] =	vst.idx.add.f32.msk $0xffff, v48  }
0x197: {  	v61 =	vperm.xlane v24, v53;
	v2 =	vadd.s32 v62, v46;
	v10 =	vld [tilespmem:s3+$0x170]  }
0x198: {  	[tilespmem:v1+s24+$0x0] =	vst.idx.add.f32.msk $0xffff, v63  }
0x199: {  	v26 =	vperm.xlane v19, v54;
	v3 =	vadd.s32 v62, v61;
	v29 =	vld [tilespmem:s3+$0xFFFFFD80]  }
0x19a: {  	v37 =	vld [tilespmem:s3+$0x80]  }
0x19b: {  	v1 =	vadd.s32 v62, v26;
	[tilespmem:v0+s24+$0x0] =	vst.idx.add.f32.msk $0xffff, v43  }
0x19c: {  	v49 =	vperm.xlane v22, v53;
	[tilespmem:v2+s24+$0x0] =	vst.idx.add.f32.msk $0xffff, v51  }
0x19d: {  	v9 =	vperm.xlane v25, v53;
	v18 =	vld [tilespmem:s3+$0x270]  }
0x19e: {  	v17 =	vperm.xlane v21, v54;
	v0 =	vadd.s32 v62, v49;
	[tilespmem:v3+s24+$0x0] =	vst.idx.add.f32.msk $0xffff, v10  }
0x19f: {  	v11 =	vadd.s32 v62, v9;
	v31 =	vld [tilespmem:s3+$0xFFFFFE80]  }
0x1a0: {  	v28 =	vperm.xlane v20, v54;
	v2 =	vadd.s32 v62, v17;
	[tilespmem:v1+s24+$0x0] =	vst.idx.add.f32.msk $0xffff, v29  }
0x1a1: {  	v40 =	vld [tilespmem:s3+$0x180]  }
0x1a2: {  	v3 =	vadd.s32 v62, v28;
	v48 =	vld [tilespmem:s3+$0xFFFFFD90]  }
0x1a3: {  	v35 =	vperm.xlane v24, v54;
	[tilespmem:v0+s24+$0x0] =	vst.idx.add.f32.msk $0xffff, v60  }
0x1a4: {  	[tilespmem:v11+s24+$0x0] =	vst.idx.add.f32.msk $0xffff, v18  }
0x1a5: {  	v1 =	vadd.s32 v62, v35;
	[tilespmem:v2+s24+$0x0] =	vst.idx.add.f32.msk $0xffff, v27  }
0x1a6: {  	v30 =	vperm.xlane v22, v54;
	v34 =	vld [tilespmem:s3+$0xFFFFFF80]  }
0x1a7: {  	v33 =	vperm.xlane v23, v54;
	[tilespmem:v3+s24+$0x0] =	vst.idx.add.f32.msk $0xffff, v31  }
0x1a8: {  	v39 =	vperm.xlane v25, v54;
	v0 =	vadd.s32 v62, v30;
	v43 =	vld [tilespmem:s3+$0x280]  }
0x1a9: {  	v42 =	vperm.xlane v21, v55;
	v2 =	vadd.s32 v62, v33;
	v45 =	vld [tilespmem:s3+$0xFFFFFC90]  }
0x1aa: {  	v41 =	vadd.s32 v62, v39;
	[tilespmem:v1+s24+$0x0] =	vst.idx.add.f32.msk $0xffff, v40  }
0x1ab: {  	v3 =	vadd.s32 v62, v42;
	v51 =	vld [tilespmem:s3+$0xFFFFFE90]  }
0x1ac: {  	v46 =	vperm.xlane v20, v55;
	v10 =	vld [tilespmem:s3+$0x190]  }
0x1ad: {  	[tilespmem:v0+s24+$0x0] =	vst.idx.add.f32.msk $0xffff, v34  }
0x1ae: {  	v1 =	vadd.s32 v62, v46;
	[tilespmem:v2+s24+$0x0] =	vst.idx.add.f32.msk $0xffff, v37  }
0x1af: {  	[tilespmem:v41+s24+$0x0] =	vst.idx.add.f32.msk $0xffff, v43  }
0x1b0: {  	v44 =	vperm.xlane v19, v55;
	[tilespmem:v3+s24+$0x0] =	vst.idx.add.f32.msk $0xffff, v45  }
0x1b1: {  	v49 =	vperm.xlane v22, v55;
	v60 =	vld [tilespmem:s3+$0xFFFFFF90]  }
0x1b2: {  	v59 =	vperm.xlane v23, v55;
	v2 =	vadd.s32 v62, v44;
	v63 =	vld [tilespmem:s3+$0x90]  }
0x1b3: {  	v0 =	vadd.s32 v62, v49;
	[tilespmem:v1+s24+$0x0] =	vst.idx.add.f32.msk $0xffff, v51  }
0x1b4: {  	v9 =	vperm.xlane v25, v55;
	v3 =	vadd.s32 v62, v59;
	v17 =	vld [tilespmem:s3+$0x290]  }
0x1b5: {  	v26 =	vld [tilespmem:s3+$0xFFFFFCA0]  }
0x1b6: {  	v1 =	vadd.s32 v62, v9;
	v30 =	vld [tilespmem:s3+$0xFFFFFEA0]  }
0x1b7: {  	[tilespmem:v2+s24+$0x0] =	vst.idx.add.f32.msk $0xffff, v48  }
0x1b8: {  	v61 =	vperm.xlane v24, v55;
	[tilespmem:v0+s24+$0x0] =	vst.idx.add.f32.msk $0xffff, v60  }
0x1b9: {  	v11 =	vperm.xlane v21, v58;
	[tilespmem:v3+s24+$0x0] =	vst.idx.add.f32.msk $0xffff, v63  }
0x1ba: {  	v18 =	vperm.xlane v19, v58;
	v2 =	vadd.s32 v62, v61;
	v28 =	vld [tilespmem:s3+$0xFFFFFDA0]  }
0x1bb: {  	v0 =	vadd.s32 v62, v11;
	[tilespmem:v1+s24+$0x0] =	vst.idx.add.f32.msk $0xffff, v17  }
0x1bc: {  	v29 =	vperm.xlane v22, v58;
	v3 =	vadd.s32 v62, v18;
	v33 =	vld [tilespmem:s3+$0xFFFFFFA0]  }
0x1bd: {  	v35 =	vld [tilespmem:s3+$0xA0]  }
0x1be: {  	v1 =	vadd.s32 v62, v29;
	v41 =	vld [tilespmem:s3+$0x2A0]  }
0x1bf: {  	[tilespmem:v2+s24+$0x0] =	vst.idx.add.f32.msk $0xffff, v10  }
0x1c0: {  	v27 =	vperm.xlane v20, v58;
	[tilespmem:v0+s24+$0x0] =	vst.idx.add.f32.msk $0xffff, v26  }
0x1c1: {  	v31 =	vperm.xlane v23, v58;
	[tilespmem:v3+s24+$0x0] =	vst.idx.add.f32.msk $0xffff, v28  }
0x1c2: {  	v34 =	vperm.xlane v24, v58;
	v2 =	vadd.s32 v62, v27;
	v39 =	vld [tilespmem:s3+$0x1A0]  }
0x1c3: {  	v0 =	vadd.s32 v62, v31;
	[tilespmem:v1+s24+$0x0] =	vst.idx.add.f32.msk $0xffff, v33  }
0x1c4: {  	v40 =	vperm.xlane v21, v56;
	v3 =	vadd.s32 v62, v34;
	v43 =	vld [tilespmem:s3+$0xFFFFFCB0]  }
0x1c5: {  	v45 =	vld [tilespmem:s3+$0xFFFFFDB0]  }
0x1c6: {  	v1 =	vadd.s32 v62, v40;
	v51 =	vld [tilespmem:s3+$0xFFFFFFB0]  }
0x1c7: {  	[tilespmem:v2+s24+$0x0] =	vst.idx.add.f32.msk $0xffff, v30  }
0x1c8: {  	v37 =	vperm.xlane v25, v58;
	[tilespmem:v0+s24+$0x0] =	vst.idx.add.f32.msk $0xffff, v35  }
0x1c9: {  	v42 =	vperm.xlane v19, v56;
	[tilespmem:v3+s24+$0x0] =	vst.idx.add.f32.msk $0xffff, v39  }
0x1ca: {  	v44 =	vperm.xlane v20, v56;
	v2 =	vadd.s32 v62, v37;
	v48 =	vld [tilespmem:s3+$0xFFFFFEB0]  }
0x1cb: {  	v0 =	vadd.s32 v62, v42;
	[tilespmem:v1+s24+$0x0] =	vst.idx.add.f32.msk $0xffff, v43  }
0x1cc: {  	v49 =	vperm.xlane v23, v56;
	v3 =	vadd.s32 v62, v44;
	v60 =	vld [tilespmem:s3+$0xB0]  }
0x1cd: {  	v63 =	vld [tilespmem:s3+$0x1B0]  }
0x1ce: {  	v1 =	vadd.s32 v62, v49;
	v18 =	vld [tilespmem:s3+$0xFFFFFCC0]  }
0x1cf: {  	[tilespmem:v2+s24+$0x0] =	vst.idx.add.f32.msk $0xffff, v41  }
0x1d0: {  	v46 =	vperm.xlane v22, v56;
	[tilespmem:v0+s24+$0x0] =	vst.idx.add.f32.msk $0xffff, v45  }
0x1d1: {  	v59 =	vperm.xlane v24, v56;
	[tilespmem:v3+s24+$0x0] =	vst.idx.add.f32.msk $0xffff, v48  }
0x1d2: {  	v61 =	vperm.xlane v25, v56;
	v2 =	vadd.s32 v62, v46;
	v11 =	vld [tilespmem:s3+$0x2B0]  }
0x1d3: {  	v10 =	vperm.xlane v21, v57;
	v0 =	vadd.s32 v62, v59;
	[tilespmem:v1+s24+$0x0] =	vst.idx.add.f32.msk $0xffff, v60  }
0x1d4: {  	v9 =	vadd.s32 v62, v61;
	v27 =	vld [tilespmem:s3+$0xFFFFFDC0]  }
0x1d5: {  	v17 =	vperm.xlane v19, v57;
	v3 =	vadd.s32 v62, v10;
	v29 =	vld [tilespmem:s3+$0xFFFFFEC0]  }
0x1d6: {  	v34 =	vld [tilespmem:s3+$0xC0]  }
0x1d7: {  	v1 =	vadd.s32 v62, v17;
	[tilespmem:v2+s24+$0x0] =	vst.idx.add.f32.msk $0xffff, v51  }
0x1d8: {  	[tilespmem:v0+s24+$0x0] =	vst.idx.add.f32.msk $0xffff, v63  }
0x1d9: {  	[tilespmem:v9+s24+$0x0] =	vst.idx.add.f32.msk $0xffff, v11  }
0x1da: {  	v26 =	vperm.xlane v20, v57;
	[tilespmem:v3+s24+$0x0] =	vst.idx.add.f32.msk $0xffff, v18  }
0x1db: {  	v28 =	vperm.xlane v22, v57;
	v31 =	vld [tilespmem:s3+$0xFFFFFFC0]  }
0x1dc: {  	v30 =	vperm.xlane v23, v57;
	v0 =	vadd.s32 v62, v26;
	[tilespmem:v1+s24+$0x0] =	vst.idx.add.f32.msk $0xffff, v27  }
0x1dd: {  	v33 =	vperm.xlane v24, v57;
	v2 =	vadd.s32 v62, v28;
	v37 =	vld [tilespmem:s3+$0x1C0]  }
0x1de: {  	v3 =	vadd.s32 v62, v30;
	v40 =	vld [tilespmem:s3+$0x2C0]  }
0x1df: {  	v1 =	vadd.s32 v62, v33;
	v42 =	vld [tilespmem:s3+$0xFFFFFCD0]  }
0x1e0: {  	v44 =	vld [tilespmem:s3+$0xFFFFFDD0]  }
0x1e1: {  	[tilespmem:v0+s24+$0x0] =	vst.idx.add.f32.msk $0xffff, v29  }
0x1e2: {  	v35 =	vperm.xlane v25, v57;
	[tilespmem:v2+s24+$0x0] =	vst.idx.add.f32.msk $0xffff, v31  }
0x1e3: {  	v39 =	vperm.xlane v21, v13;
	[tilespmem:v3+s24+$0x0] =	vst.idx.add.f32.msk $0xffff, v34  }
0x1e4: {  	v41 =	vperm.xlane v19, v13;
	v0 =	vadd.s32 v62, v35;
	[tilespmem:v1+s24+$0x0] =	vst.idx.add.f32.msk $0xffff, v37  }
0x1e5: {  	v43 =	vperm.xlane v20, v13;
	v2 =	vadd.s32 v62, v39;
	v46 =	vld [tilespmem:s3+$0xFFFFFED0]  }
0x1e6: {  	v3 =	vadd.s32 v62, v41;
	v49 =	vld [tilespmem:s3+$0xFFFFFFD0]  }
0x1e7: {  	v1 =	vadd.s32 v62, v43;
	v56 =	vld [tilespmem:s3+$0xD0]  }
0x1e8: {  	v59 =	vld [tilespmem:s3+$0x1D0]  }
0x1e9: {  	[tilespmem:v0+s24+$0x0] =	vst.idx.add.f32.msk $0xffff, v40  }
0x1ea: {  	v45 =	vperm.xlane v22, v13;
	[tilespmem:v2+s24+$0x0] =	vst.idx.add.f32.msk $0xffff, v42  }
0x1eb: {  	v48 =	vperm.xlane v23, v13;
	[tilespmem:v3+s24+$0x0] =	vst.idx.add.f32.msk $0xffff, v44  }
0x1ec: {  	v51 =	vperm.xlane v24, v13;
	v0 =	vadd.s32 v62, v45;
	[tilespmem:v1+s24+$0x0] =	vst.idx.add.f32.msk $0xffff, v46  }
0x1ed: {  	v57 =	vperm.xlane v25, v13;
	v2 =	vadd.s32 v62, v48;
	v61 =	vld [tilespmem:s3+$0x2D0]  }
0x1ee: {  	v3 =	vadd.s32 v62, v51;
	v9 =	vld [tilespmem:s3+$0xFFFFFCE0]  }
0x1ef: {  	v1 =	vadd.s32 v62, v57;
	v11 =	vld [tilespmem:s3+$0xFFFFFDE0]  }
0x1f0: {  	v18 =	vld [tilespmem:s3+$0xFFFFFEE0]  }
0x1f1: {  	v10 =	vperm.xlane v20, v15;
	[tilespmem:v0+s24+$0x0] =	vst.idx.add.f32.msk $0xffff, v49  }
0x1f2: {  	[tilespmem:v2+s24+$0x0] =	vst.idx.add.f32.msk $0xffff, v56  }
0x1f3: {  	v17 =	vadd.s32 v62, v10;
	[tilespmem:v3+s24+$0x0] =	vst.idx.add.f32.msk $0xffff, v59  }
0x1f4: {  	v60 =	vperm.xlane v21, v15;
	[tilespmem:v1+s24+$0x0] =	vst.idx.add.f32.msk $0xffff, v61  }
0x1f5: {  	v63 =	vperm.xlane v19, v15;
	v28 =	vld [tilespmem:s3+$0xFFFFFFE0]  }
0x1f6: {  	v26 =	vperm.xlane v22, v15;
	v0 =	vadd.s32 v62, v60;
	v30 =	vld [tilespmem:s3+$0xE0]  }
0x1f7: {  	v2 =	vadd.s32 v62, v63;
	v34 =	vld [tilespmem:s3+$0x1E0]  }
0x1f8: {  	v6 =	vadd.s32 v62, v26;
	v29 =	vperm.xlane v24, v15;
	[tilespmem:v17+s24+$0x0] =	vst.idx.add.f32.msk $0xffff, v18  }
0x1f9: {  	v37 =	vld [tilespmem:s3+$0x2E0]  }
0x1fa: {  	v31 =	vperm.xlane v25, v15;
	v33 =	vadd.s32 v62, v29;
	v45 =	vld [tilespmem:s3+$0xFFFFFEF0]  }
0x1fb: {  	[tilespmem:v0+s24+$0x0] =	vst.idx.add.f32.msk $0xffff, v9  }
0x1fc: {  	v35 =	vadd.s32 v62, v31;
	[tilespmem:v2+s24+$0x0] =	vst.idx.add.f32.msk $0xffff, v11  }
0x1fd: {  	[tilespmem:v6+s24+$0x0] =	vst.idx.add.f32.msk $0xffff, v28  }
0x1fe: {  	v44 =	vperm.xlane v20, v16;
	v41 =	vld [tilespmem:s3+$0xFFFFFCF0]  }
0x1ff: {  	v27 =	vperm.xlane v23, v15;
	[tilespmem:v33+s24+$0x0] =	vst.idx.add.f32.msk $0xffff, v34  }
0x200: {  	v39 =	vperm.xlane v21, v16;
	v3 =	vadd.s32 v62, v44;
	v43 =	vld [tilespmem:s3+$0xFFFFFDF0]  }
0x201: {  	v0 =	vadd.s32 v62, v27;
	[tilespmem:v35+s24+$0x0] =	vst.idx.add.f32.msk $0xffff, v37  }
0x202: {  	v40 =	vadd.s32 v62, v39;
	v42 =	vperm.xlane v19, v16;
	v49 =	vld [tilespmem:s3+$0xFFFFFFF0]  }
0x203: {  	v46 =	vperm.xlane v22, v16;
	v60 =	vld [tilespmem:s3+$0x1F0]  }
0x204: {  	v51 =	vperm.xlane v24, v16;
	v1 =	vadd.s32 v62, v42;
	v63 =	vld [tilespmem:s3+$0x2F0]  }
0x205: {  	v57 =	vperm.xlane v25, v16;
	v7 =	vadd.s32 v62, v46;
	[tilespmem:v3+s24+$0x0] =	vst.idx.add.f32.msk $0xffff, v45  }
0x206: {  	v48 =	vperm.xlane v23, v16;
	v59 =	vadd.s32 v62, v51;
	[tilespmem:v0+s24+$0x0] =	vst.idx.add.f32.msk $0xffff, v30  }
0x207: {  	v61 =	vadd.s32 v62, v57;
	[tilespmem:v40+s24+$0x0] =	vst.idx.add.f32.msk $0xffff, v41  }
0x208: {  	v0 =	vadd.s32 v62, v48;
	v56 =	vld [tilespmem:s3+$0xF0]  }
0x209: {  	[tilespmem:v1+s24+$0x0] =	vst.idx.add.f32.msk $0xffff, v43  }
0x20a: {  	[tilespmem:v7+s24+$0x0] =	vst.idx.add.f32.msk $0xffff, v49  }
0x20b: {  	[tilespmem:v59+s24+$0x0] =	vst.idx.add.f32.msk $0xffff, v60  }
0x20c: {  	[tilespmem:v61+s24+$0x0] =	vst.idx.add.f32.msk $0xffff, v63  }
0x20d: {  	s31 =	simm.s32 $0x0;
	s0 =	sadd.s32 $0x80, s30;
	s29 =	smov.u32 s3;
	[tilespmem:v0+s24+$0x0] =	vst.idx.add.f32.msk $0xffff, v56  }
.LBB2_8:
0x20e: {  	v0 =	vld [tilespmem:s0+$0x30]  }
0x20f: {  	v1 =	vld [tilespmem:s0+$0xFFFFFFD0]  }
0x210: {  	v2 =	vld [tilespmem:s0+$0xFFFFFFE0]  }
0x211: {  	v3 =	vld [tilespmem:s0+$0xFFFFFFF0]  }
0x212: {  	v5 =	vld [tilespmem:s0+$0x0]  }
0x213: {  	v6 =	vld [tilespmem:s0+$0x10]  }
0x214: {  	v45 =	vld [tilespmem:s0+$0x20]  }
0x215: {  	v7 =	vld [tilespmem:s0+$0xFFFFFFC0];
	v4 =	vimm.s32 $0x0  }
0x216: {  	v26 =	vshll.u32 v0, $0x4;
	v19 =	vshll.u32 v1, $0x4;
	v20 =	vshll.u32 v2, $0x4  }
0x217: {  	s29 =	sadd.s32 $0x800, s29;
	v21 =	vshll.u32 v3, $0x4;
	v22 =	vshll.u32 v5, $0x4;
	v46 =	vperm.xlane v26, v14  }
0x218: {  	v48 =	vld [tilespmem:s29+$0x300];
	v23 =	vshll.u32 v6, $0x4;
	v8 =	vperm.xlane v19, v14;
	v2 =	vperm.xlane v20, v14  }
0x219: {  	v10 =	vld [tilespmem:s29+$0xFFFFFC00];
	v24 =	vshll.u32 v45, $0x4;
	v11 =	vperm.xlane v21, v14;
	v12 =	vperm.xlane v22, v14  }
0x21a: {  	v49 =	vld [tilespmem:s29+$0xFFFFFD00];
	v25 =	vshll.u32 v7, $0x4;
	v13 =	vperm.xlane v23, v14;
	v57 =	vperm.xlane v24, v14  }
0x21b: {  	v51 =	vld [tilespmem:s29+$0xFFFFFE00];
	v14 =	vperm.xlane v26, v32;
	v15 =	vperm.xlane v25, v4;
	v1 =	vadd.s32 v62, v46  }
0x21c: {  	v56 =	vld [tilespmem:s29+$0xFFFFFF00];
	v8 =	vadd.s32 v62, v8  }
0x21d: {  	v17 =	vld [tilespmem:s29+$0x0];
	v59 =	vadd.s32 v62, v13;
	v13 =	vadd.s32 v62, v14;
	v14 =	vadd.s32 v62, v15  }
0x21e: {  	v27 =	vld [tilespmem:s29+$0x100];
	v2 =	vadd.s32 v62, v2  }
0x21f: {  	v30 =	vld [tilespmem:s29+$0x200];
	v11 =	vadd.s32 v62, v11  }
0x220: {  	v12 =	vadd.s32 v62, v12;
	[tilespmem:v1+s24+$0x0] =	vst.idx.add.f32.msk $0xffff, v48  }
0x221: {  	[tilespmem:v8+s24+$0x0] =	vst.idx.add.f32.msk $0xffff, v49  }
0x222: {  	v9 =	vperm.xlane v19, v32;
	v60 =	vadd.s32 v62, v57;
	[tilespmem:v14+s24+$0x0] =	vst.idx.add.f32.msk $0xffff, v10  }
0x223: {  	v16 =	vperm.xlane v20, v32;
	v63 =	vperm.xlane v21, v32;
	[tilespmem:v2+s24+$0x0] =	vst.idx.add.f32.msk $0xffff, v51  }
0x224: {  	v18 =	vperm.xlane v22, v32;
	v31 =	vperm.xlane v24, v32;
	[tilespmem:v11+s24+$0x0] =	vst.idx.add.f32.msk $0xffff, v56  }
0x225: {  	v37 =	vperm.xlane v19, v36;
	v39 =	vperm.xlane v20, v36;
	[tilespmem:v12+s24+$0x0] =	vst.idx.add.f32.msk $0xffff, v17  }
0x226: {  	v40 =	vperm.xlane v21, v36;
	v15 =	vperm.xlane v25, v32;
	[tilespmem:v59+s24+$0x0] =	vst.idx.add.f32.msk $0xffff, v27  }
0x227: {  	v41 =	vperm.xlane v22, v36;
	v42 =	vperm.xlane v23, v36;
	[tilespmem:v60+s24+$0x0] =	vst.idx.add.f32.msk $0xffff, v30  }
0x228: {  	v45 =	vperm.xlane v25, v38;
	v29 =	vadd.s32 v62, v15;
	v15 =	vperm.xlane v23, v32;
	v61 =	vld [tilespmem:s29+$0x310]  }
0x229: {  	v28 =	vadd.s32 v62, v9;
	v33 =	vadd.s32 v62, v63;
	v34 =	vadd.s32 v62, v18;
	v30 =	vld [tilespmem:s29+$0xFFFFFC10]  }
0x22a: {  	v31 =	vadd.s32 v62, v31;
	v35 =	vadd.s32 v62, v15;
	v15 =	vadd.s32 v62, v37;
	v37 =	vld [tilespmem:s29+$0xFFFFFD10]  }
0x22b: {  	v18 =	vperm.xlane v25, v36;
	v9 =	vadd.s32 v62, v42;
	v14 =	vadd.s32 v62, v39;
	v39 =	vld [tilespmem:s29+$0xFFFFFF10]  }
0x22c: {  	v46 =	vperm.xlane v19, v38;
	v57 =	vperm.xlane v24, v38;
	v11 =	vadd.s32 v62, v40;
	v40 =	vld [tilespmem:s29+$0x10]  }
0x22d: {  	v63 =	vperm.xlane v25, v47;
	v32 =	vadd.s32 v62, v16;
	v16 =	vperm.xlane v26, v36;
	v42 =	vld [tilespmem:s29+$0x110]  }
0x22e: {  	v6 =	vadd.s32 v62, v46;
	v46 =	vperm.xlane v24, v47;
	[tilespmem:v13+s24+$0x0] =	vst.idx.add.f32.msk $0xffff, v61  }
0x22f: {  	v5 =	vadd.s32 v62, v16;
	v16 =	vadd.s32 v62, v18;
	v12 =	vperm.xlane v24, v36;
	v61 =	vld [tilespmem:s29+$0xFFFFFE10]  }
0x230: {  	v48 =	vperm.xlane v20, v38;
	v49 =	vperm.xlane v21, v38;
	[tilespmem:v29+s24+$0x0] =	vst.idx.add.f32.msk $0xffff, v30  }
0x231: {  	v51 =	vperm.xlane v26, v47;
	v56 =	vperm.xlane v22, v38;
	v17 =	vadd.s32 v62, v57;
	v7 =	vld [tilespmem:s29+$0x320]  }
0x232: {  	v8 =	vperm.xlane v25, v50;
	v57 =	vperm.xlane v26, v52;
	[tilespmem:v28+s24+$0x0] =	vst.idx.add.f32.msk $0xffff, v37  }
0x233: {  	v10 =	vadd.s32 v62, v12;
	v12 =	vperm.xlane v23, v38;
	[tilespmem:v33+s24+$0x0] =	vst.idx.add.f32.msk $0xffff, v39  }
0x234: {  	v60 =	vadd.s32 v62, v51;
	v1 =	vadd.s32 v62, v56;
	[tilespmem:v34+s24+$0x0] =	vst.idx.add.f32.msk $0xffff, v40  }
0x235: {  	v56 =	vperm.xlane v20, v50;
	v13 =	vperm.xlane v26, v38;
	[tilespmem:v35+s24+$0x0] =	vst.idx.add.f32.msk $0xffff, v42  }
0x236: {  	v28 =	vperm.xlane v19, v50;
	v38 =	vperm.xlane v26, v53;
	[tilespmem:v5+s24+$0x0] =	vst.idx.add.f32.msk $0xffff, v7  }
0x237: {  	v8 =	vadd.s32 v62, v8;
	v44 =	vadd.s32 v62, v13;
	v13 =	vadd.s32 v62, v41;
	v43 =	vld [tilespmem:s29+$0x330]  }
0x238: {  	[tilespmem:$0x1FE20] =	vst v8;
	v41 =	vperm.xlane v21, v47;
	v29 =	vadd.s32 v62, v28;
	v28 =	vadd.s32 v62, v38;
	v38 =	vld [tilespmem:s29+$0xFFFFFD20]  }
0x239: {  	v3 =	vadd.s32 v62, v49;
	v51 =	vadd.s32 v62, v46;
	v30 =	vadd.s32 v62, v56;
	[tilespmem:$0x1FE30] =	vst v29;
	v29 =	vld [tilespmem:s29+$0x20]  }
0x23a: {  	v46 =	vperm.xlane v23, v52;
	v42 =	vperm.xlane v21, v52;
	[tilespmem:$0x1FE40] =	vst v30;
	v27 =	vadd.s32 v62, v41;
	v41 =	vld [tilespmem:s29+$0x210]  }
0x23b: {  	v37 =	vadd.s32 v62, v57;
	v39 =	vperm.xlane v25, v52;
	[tilespmem:v32+s24+$0x0] =	vst.idx.add.f32.msk $0xffff, v61  }
0x23c: {  	v40 =	vperm.xlane v19, v52;
	v57 =	vadd.s32 v62, v42;
	[tilespmem:v44+s24+$0x0] =	vst.idx.add.f32.msk $0xffff, v43  }
0x23d: {  	v56 =	vperm.xlane v24, v52;
	[tilespmem:$0x1FEC0] =	vst v57;
	v61 =	vperm.xlane v23, v50;
	v7 =	vadd.s32 v62, v48;
	v59 =	vld [tilespmem:s29+$0x340]  }
0x23e: {  	v48 =	vadd.s32 v62, v63;
	v63 =	vperm.xlane v24, v50;
	[tilespmem:v15+s24+$0x0] =	vst.idx.add.f32.msk $0xffff, v38  }
0x23f: {  	v5 =	vadd.s32 v62, v45;
	v45 =	vperm.xlane v23, v47;
	[tilespmem:v13+s24+$0x0] =	vst.idx.add.f32.msk $0xffff, v29  }
0x240: {  	v34 =	vadd.s32 v62, v61;
	v35 =	vadd.s32 v62, v63;
	[tilespmem:v31+s24+$0x0] =	vst.idx.add.f32.msk $0xffff, v41  }
0x241: {  	v49 =	vadd.s32 v62, v45;
	v45 =	vperm.xlane v22, v52;
	[tilespmem:$0x1FE80] =	vst v35;
	v35 =	vld [tilespmem:s29+$0xFFFFFC20];
	v43 =	vperm.xlane v26, v50  }
0x242: {  	v41 =	vperm.xlane v20, v52;
	v52 =	vperm.xlane v23, v53;
	[tilespmem:v60+s24+$0x0] =	vst.idx.add.f32.msk $0xffff, v59  }
0x243: {  	[tilespmem:$0x1FE70] =	vst v34;
	v63 =	vadd.s32 v62, v56;
	v43 =	vadd.s32 v62, v43;
	v4 =	vld [tilespmem:s29+$0x350]  }
0x244: {  	v0 =	vperm.xlane v20, v47;
	v2 =	vadd.s32 v62, v12;
	[tilespmem:$0x1FEF0] =	vst v63;
	v63 =	vadd.s32 v62, v52  }
0x245: {  	v12 =	vperm.xlane v19, v47;
	v34 =	vld [tilespmem:s29+$0x220];
	v44 =	vperm.xlane v22, v47;
	v47 =	vadd.s32 v62, v40;
	[tilespmem:$0x1FF50] =	vst v63  }
0x246: {  	[tilespmem:$0x1FEA0] =	vst v47  }
0x247: {  	[tilespmem:v16+s24+$0x0] =	vst.idx.add.f32.msk $0xffff, v35  }
0x248: {  	v36 =	vadd.s32 v62, v44;
	v44 =	vadd.s32 v62, v39;
	[tilespmem:v43+s24+$0x0] =	vst.idx.add.f32.msk $0xffff, v4  }
0x249: {  	[tilespmem:$0x1FE90] =	vst v44;
	v59 =	vperm.xlane v21, v50;
	v4 =	vld [tilespmem:s29+$0x360]  }
0x24a: {  	[tilespmem:v10+s24+$0x0] =	vst.idx.add.f32.msk $0xffff, v34;
	v60 =	vperm.xlane v22, v50;
	v50 =	vadd.s32 v62, v41  }
0x24b: {  	v10 =	vld [tilespmem:s29+$0xFFFFFC30];
	[tilespmem:$0x1FEB0] =	vst v50;
	v32 =	vadd.s32 v62, v59  }
0x24c: {  	v61 =	vperm.xlane v25, v53;
	v33 =	vadd.s32 v62, v60;
	[tilespmem:$0x1FE50] =	vst v32;
	v32 =	vld [tilespmem:s29+$0xFFFFFE20]  }
0x24d: {  	[tilespmem:$0x1FE60] =	vst v33;
	v33 =	vld [tilespmem:s29+$0xFFFFFF20]  }
0x24e: {  	v50 =	vadd.s32 v62, v61;
	[tilespmem:v37+s24+$0x0] =	vst.idx.add.f32.msk $0xffff, v4  }
0x24f: {  	[tilespmem:$0x1FF00] =	vst v50;
	v43 =	vld [tilespmem:s29+$0x370]  }
0x250: {  	v18 =	vadd.s32 v62, v0;
	[tilespmem:v5+s24+$0x0] =	vst.idx.add.f32.msk $0xffff, v10  }
0x251: {  	v0 =	vperm.xlane v26, v54;
	v8 =	vperm.xlane v20, v53;
	[tilespmem:v14+s24+$0x0] =	vst.idx.add.f32.msk $0xffff, v32  }
0x252: {  	v12 =	vadd.s32 v62, v12;
	v59 =	vadd.s32 v62, v45;
	[tilespmem:v11+s24+$0x0] =	vst.idx.add.f32.msk $0xffff, v33  }
0x253: {  	v42 =	vperm.xlane v21, v58;
	v15 =	vperm.xlane v23, v54;
	v60 =	vadd.s32 v62, v46;
	[tilespmem:$0x1FED0] =	vst v59;
	v16 =	vld [tilespmem:s29+$0xFFFFFE30]  }
0x254: {  	v45 =	vperm.xlane v21, v53;
	v14 =	vperm.xlane v19, v55;
	[tilespmem:v28+s24+$0x0] =	vst.idx.add.f32.msk $0xffff, v43  }
0x255: {  	v56 =	vperm.xlane v24, v53;
	v13 =	vperm.xlane v25, v55;
	[tilespmem:$0x1FEE0] =	vst v60;
	v59 =	vadd.s32 v62, v8;
	v28 =	vld [tilespmem:s29+$0x120]  }
0x256: {  	[tilespmem:$0x1FF20] =	vst v59;
	v60 =	vadd.s32 v62, v45;
	v4 =	vperm.xlane v19, v53;
	v37 =	vadd.s32 v62, v14;
	v14 =	vld [tilespmem:s29+$0xFFFFFD30]  }
0x257: {  	v31 =	vadd.s32 v62, v0;
	v0 =	vperm.xlane v26, v58;
	v8 =	vperm.xlane v25, v54;
	[tilespmem:$0x1FF30] =	vst v60;
	v47 =	vld [tilespmem:s29+$0x380]  }
0x258: {  	v46 =	vperm.xlane v22, v53;
	v57 =	vadd.s32 v62, v4;
	[tilespmem:v7+s24+$0x0] =	vst.idx.add.f32.msk $0xffff, v16  }
0x259: {  	v40 =	vperm.xlane v20, v58;
	v44 =	vperm.xlane v26, v55;
	[tilespmem:$0x1FF10] =	vst v57;
	v57 =	vadd.s32 v62, v8;
	v8 =	vld [tilespmem:s29+$0xFFFFFE40]  }
0x25a: {  	v61 =	vadd.s32 v62, v46;
	v45 =	vperm.xlane v19, v54;
	[tilespmem:v9+s24+$0x0] =	vst.idx.add.f32.msk $0xffff, v28  }
0x25b: {  	v39 =	vperm.xlane v25, v58;
	v35 =	vadd.s32 v62, v44;
	v50 =	vperm.xlane v22, v54;
	[tilespmem:$0x1FF40] =	vst v61;
	v9 =	vld [tilespmem:s29+$0xFFFFFF30]  }
0x25c: {  	v46 =	vperm.xlane v20, v54;
	v59 =	vadd.s32 v62, v45;
	[tilespmem:v31+s24+$0x0] =	vst.idx.add.f32.msk $0xffff, v47  }
0x25d: {  	v44 =	vperm.xlane v22, v58;
	v41 =	vadd.s32 v62, v39;
	v63 =	vadd.s32 v62, v50;
	[tilespmem:$0x1FF80] =	vst v59;
	v52 =	vld [tilespmem:s29+$0x390]  }
0x25e: {  	v50 =	vperm.xlane v23, v58;
	v60 =	vadd.s32 v62, v46;
	[tilespmem:v6+s24+$0x0] =	vst.idx.add.f32.msk $0xffff, v14  }
0x25f: {  	[tilespmem:$0x1FF90] =	vst v60;
	v59 =	vadd.s32 v62, v40;
	v11 =	vadd.s32 v62, v0;
	v32 =	vperm.xlane v21, v55;
	v29 =	vld [tilespmem:s29+$0x130]  }
0x260: {  	v33 =	vperm.xlane v22, v55;
	v0 =	vimm.s32 $0xB;
	v4 =	vadd.s32 v62, v56;
	[tilespmem:v3+s24+$0x0] =	vst.idx.add.f32.msk $0xffff, v9  }
0x261: {  	v38 =	vperm.xlane v26, v0;
	v60 =	vadd.s32 v62, v32;
	v32 =	vperm.xlane v20, v0;
	[tilespmem:$0x1FF60] =	vst v4;
	v9 =	vld [tilespmem:s29+$0xFFFFFD40]  }
0x262: {  	v39 =	vperm.xlane v19, v0;
	v53 =	vperm.xlane v24, v54;
	[tilespmem:v35+s24+$0x0] =	vst.idx.add.f32.msk $0xffff, v52  }
0x263: {  	v46 =	vadd.s32 v62, v33;
	v40 =	vadd.s32 v62, v32;
	v56 =	vadd.s32 v62, v15;
	[tilespmem:$0x1FF70] =	vst v57;
	v15 =	vld [tilespmem:s29+$0x3A0]  }
0x264: {  	v4 =	vperm.xlane v20, v55;
	v57 =	vadd.s32 v62, v53;
	[tilespmem:v18+s24+$0x0] =	vst.idx.add.f32.msk $0xffff, v8  }
0x265: {  	v30 =	vimm.s32 $0xD;
	v53 =	vadd.s32 v62, v13;
	v13 =	vperm.xlane v24, v55;
	[tilespmem:v2+s24+$0x0] =	vst.idx.add.f32.msk $0xffff, v29  }
0x266: {  	[tilespmem:$0x1FFC0] =	vst v37;
	v16 =	vperm.xlane v26, v30;
	v45 =	vadd.s32 v62, v4;
	v47 =	vperm.xlane v21, v54;
	v6 =	vld [tilespmem:s29+$0x140]  }
0x267: {  	v4 =	vimm.s32 $0xC;
	v14 =	vperm.xlane v20, v30;
	v43 =	vadd.s32 v62, v13;
	[tilespmem:v12+s24+$0x0] =	vst.idx.add.f32.msk $0xffff, v9  }
0x268: {  	v37 =	vperm.xlane v26, v4;
	v61 =	vadd.s32 v62, v47;
	[tilespmem:v11+s24+$0x0] =	vst.idx.add.f32.msk $0xffff, v15  }
0x269: {  	[tilespmem:$0x1FFA0] =	vst v61;
	v61 =	vperm.xlane v24, v58;
	v15 =	vperm.xlane v19, v58;
	v58 =	vadd.s32 v62, v50;
	v50 =	vld [tilespmem:s29+$0x230]  }
0x26a: {  	v33 =	vperm.xlane v25, v4;
	v28 =	vadd.s32 v62, v37;
	v37 =	vperm.xlane v19, v4;
	v9 =	vld [tilespmem:$0x1FE50]  }
0x26b: {  	v13 =	vadd.s32 v62, v38;
	v38 =	vperm.xlane v25, v0;
	v54 =	vperm.xlane v22, v0;
	v11 =	vld [tilespmem:s29+$0x3B0]  }
0x26c: {  	v32 =	vadd.s32 v62, v33;
	v33 =	vadd.s32 v62, v37;
	[tilespmem:v49+s24+$0x0] =	vst.idx.add.f32.msk $0xffff, v6  }
0x26d: {  	[tilespmem:$0x1FFD0] =	vst v41;
	v41 =	vadd.s32 v62, v54;
	v29 =	vperm.xlane v22, v4;
	v47 =	vadd.s32 v62, v15;
	v15 =	vld [tilespmem:s29+$0x30]  }
0x26e: {  	v54 =	vimm.s32 $0xE;
	v35 =	vperm.xlane v23, v55;
	v52 =	vperm.xlane v21, v0;
	[tilespmem:v17+s24+$0x0] =	vst.idx.add.f32.msk $0xffff, v50  }
0x26f: {  	v55 =	vadd.s32 v62, v42;
	v42 =	vadd.s32 v62, v38;
	v38 =	vadd.s32 v62, v39;
	v17 =	vld [tilespmem:s29+$0xFFFFFC40]  }
0x270: {  	v39 =	vadd.s32 v62, v52;
	v52 =	vperm.xlane v26, v54;
	[tilespmem:v13+s24+$0x0] =	vst.idx.add.f32.msk $0xffff, v11  }
0x271: {  	[tilespmem:$0x1FFE0] =	vst v47;
	v47 =	vadd.s32 v62, v44;
	v44 =	vadd.s32 v62, v61;
	v61 =	vperm.xlane v23, v0;
	v13 =	vld [tilespmem:s29+$0x3C0]  }
0x272: {  	[tilespmem:$0x1FFB0] =	vst v63;
	v63 =	vadd.s32 v62, v35;
	v37 =	vadd.s32 v62, v52;
	v0 =	vperm.xlane v24, v0;
	v2 =	vld [tilespmem:s29+$0x240]  }
0x273: {  	v52 =	vperm.xlane v19, v30;
	v34 =	vadd.s32 v62, v61;
	[tilespmem:v1+s24+$0x0] =	vst.idx.add.f32.msk $0xffff, v15  }
0x274: {  	v35 =	vadd.s32 v62, v0;
	v61 =	vperm.xlane v23, v4;
	v0 =	vperm.xlane v23, v30;
	v5 =	vld [tilespmem:s29+$0x40]  }
0x275: {  	v1 =	vperm.xlane v20, v4;
	v15 =	vperm.xlane v24, v4;
	[tilespmem:v48+s24+$0x0] =	vst.idx.add.f32.msk $0xffff, v17  }
0x276: {  	v11 =	vadd.s32 v62, v0;
	v0 =	vperm.xlane v19, v54;
	[tilespmem:v28+s24+$0x0] =	vst.idx.add.f32.msk $0xffff, v13  }
0x277: {  	v7 =	vadd.s32 v62, v16;
	v48 =	vperm.xlane v21, v54;
	v17 =	vperm.xlane v22, v54;
	v31 =	vld [tilespmem:s29+$0x3D0]  }
0x278: {  	[tilespmem:v51+s24+$0x0] =	vst.idx.add.f32.msk $0xffff, v2;
	v28 =	vperm.xlane v21, v4;
	v13 =	vadd.s32 v62, v61;
	v61 =	vimm.s32 $0xF  }
0x279: {  	v2 =	vld [tilespmem:s29+$0xFFFFFC50];
	v4 =	vperm.xlane v20, v54;
	v51 =	vperm.xlane v24, v61  }
0x27a: {  	v12 =	vadd.s32 v62, v17;
	v17 =	vperm.xlane v25, v61;
	[tilespmem:v36+s24+$0x0] =	vst.idx.add.f32.msk $0xffff, v5  }
0x27b: {  	v8 =	vadd.s32 v62, v4;
	v4 =	vperm.xlane v19, v61;
	v19 =	vadd.s32 v62, v51;
	v51 =	vld [tilespmem:$0x1FE30]  }
0x27c: {  	v20 =	vperm.xlane v20, v61;
	v6 =	vperm.xlane v21, v61;
	[tilespmem:v7+s24+$0x0] =	vst.idx.add.f32.msk $0xffff, v31  }
0x27d: {  	v18 =	vadd.s32 v62, v48;
	v48 =	vperm.xlane v22, v61;
	v49 =	vperm.xlane v23, v61;
	v7 =	vld [tilespmem:s29+$0xFFFFFF40]  }
0x27e: {  	v16 =	vadd.s32 v62, v28;
	v28 =	vadd.s32 v62, v15;
	v15 =	vperm.xlane v26, v61;
	v61 =	vld [tilespmem:s29+$0xFFFFFD50]  }
0x27f: {  	v31 =	vperm.xlane v21, v30;
	v21 =	vadd.s32 v62, v49;
	v49 =	vld [tilespmem:$0x1FE20]  }
0x280: {  	v26 =	vperm.xlane v22, v30;
	v22 =	vadd.s32 v62, v20;
	v20 =	vadd.s32 v62, v6;
	v6 =	vld [tilespmem:s29+$0x150]  }
0x281: {  	v3 =	vld [tilespmem:s29+$0x3E0]  }
0x282: {  	[tilespmem:v27+s24+$0x0] =	vst.idx.add.f32.msk $0xffff, v7  }
0x283: {  	v7 =	vld [tilespmem:s29+$0x250]  }
0x284: {  	[tilespmem:v51+s24+$0x0] =	vst.idx.add.f32.msk $0xffff, v61  }
0x285: {  	v27 =	vadd.s32 v62, v17;
	v17 =	vld [tilespmem:$0x1FE60]  }
0x286: {  	[tilespmem:v37+s24+$0x0] =	vst.idx.add.f32.msk $0xffff, v3  }
0x287: {  	v37 =	vadd.s32 v62, v52;
	v52 =	vperm.xlane v24, v30;
	[tilespmem:v49+s24+$0x0] =	vst.idx.add.f32.msk $0xffff, v2  }
0x288: {  	v49 =	vld [tilespmem:$0x1FE80]  }
0x289: {  	v3 =	vadd.s32 v62, v52;
	v52 =	vperm.xlane v23, v54;
	v23 =	vadd.s32 v62, v48;
	v48 =	vld [tilespmem:s29+$0x50]  }
0x28a: {  	v61 =	vld [tilespmem:$0x1FE40]  }
0x28b: {  	v50 =	vperm.xlane v25, v30;
	v10 =	vadd.s32 v62, v1;
	v30 =	vadd.s32 v62, v26;
	v1 =	vld [tilespmem:s29+$0x3F0]  }
0x28c: {  	v26 =	vperm.xlane v25, v54;
	v54 =	vperm.xlane v24, v54;
	v24 =	vadd.s32 v62, v4;
	v4 =	vld [tilespmem:s29+$0xFFFFFE50]  }
0x28d: {  	v15 =	vadd.s32 v62, v15;
	v51 =	vld [tilespmem:s29+$0xFFFFFC60]  }
0x28e: {  	[tilespmem:v17+s24+$0x0] =	vst.idx.add.f32.msk $0xffff, v48  }
0x28f: {  	v48 =	vld [tilespmem:$0x1FE70]  }
0x290: {  	[tilespmem:v49+s24+$0x0] =	vst.idx.add.f32.msk $0xffff, v7  }
0x291: {  	v49 =	vld [tilespmem:$0x1FE90]  }
0x292: {  	[tilespmem:v15+s24+$0x0] =	vst.idx.add.f32.msk $0xffff, v1  }
0x293: {  	v1 =	vld [tilespmem:s29+$0xFFFFFF50]  }
0x294: {  	[tilespmem:v61+s24+$0x0] =	vst.idx.add.f32.msk $0xffff, v4  }
0x295: {  	v61 =	vld [tilespmem:s29+$0xFFFFFD60]  }
0x296: {  	v17 =	vld [tilespmem:$0x1FEF0]  }
0x297: {  	[tilespmem:v48+s24+$0x0] =	vst.idx.add.f32.msk $0xffff, v6  }
0x298: {  	v48 =	vld [tilespmem:s29+$0x260]  }
0x299: {  	[tilespmem:v49+s24+$0x0] =	vst.idx.add.f32.msk $0xffff, v51  }
0x29a: {  	v51 =	vld [tilespmem:$0x1FEA0]  }
0x29b: {  	v4 =	vld [tilespmem:s29+$0xFFFFFE60]  }
0x29c: {  	v49 =	vld [tilespmem:$0x1FF00]  }
0x29d: {  	[tilespmem:v9+s24+$0x0] =	vst.idx.add.f32.msk $0xffff, v1  }
0x29e: {  	[tilespmem:v17+s24+$0x0] =	vst.idx.add.f32.msk $0xffff, v48  }
0x29f: {  	v48 =	vld [tilespmem:s29+$0xFFFFFC70]  }
0x2a0: {  	v5 =	vld [tilespmem:s29+$0xFFFFFF60]  }
0x2a1: {  	v6 =	vld [tilespmem:s29+$0x60]  }
0x2a2: {  	[tilespmem:v51+s24+$0x0] =	vst.idx.add.f32.msk $0xffff, v61  }
0x2a3: {  	v61 =	vld [tilespmem:$0x1FEB0]  }
0x2a4: {  	[tilespmem:v49+s24+$0x0] =	vst.idx.add.f32.msk $0xffff, v48  }
0x2a5: {  	v49 =	vld [tilespmem:$0x1FF60]  }
0x2a6: {  	v7 =	vld [tilespmem:s29+$0x160]  }
0x2a7: {  	v9 =	vld [tilespmem:s29+$0x270]  }
0x2a8: {  	v51 =	vld [tilespmem:$0x1FF10]  }
0x2a9: {  	v17 =	vld [tilespmem:$0x1FF40]  }
0x2aa: {  	v2 =	vld [tilespmem:s29+$0xFFFFFD70]  }
0x2ab: {  	[tilespmem:v61+s24+$0x0] =	vst.idx.add.f32.msk $0xffff, v4  }
0x2ac: {  	v4 =	vld [tilespmem:$0x1FEC0]  }
0x2ad: {  	[tilespmem:v49+s24+$0x0] =	vst.idx.add.f32.msk $0xffff, v9  }
0x2ae: {  	v9 =	vld [tilespmem:s29+$0x280]  }
0x2af: {  	v48 =	vld [tilespmem:$0x1FF50]  }
0x2b0: {  	[tilespmem:v51+s24+$0x0] =	vst.idx.add.f32.msk $0xffff, v2  }
0x2b1: {  	v61 =	vld [tilespmem:$0x1FF20]  }
0x2b2: {  	v51 =	vld [tilespmem:s29+$0xFFFFFC80]  }
0x2b3: {  	[tilespmem:v57+s24+$0x0] =	vst.idx.add.f32.msk $0xffff, v9  }
0x2b4: {  	v9 =	vld [tilespmem:s29+$0x290]  }
0x2b5: {  	[tilespmem:v4+s24+$0x0] =	vst.idx.add.f32.msk $0xffff, v5  }
0x2b6: {  	v4 =	vld [tilespmem:s29+$0xFFFFFE70]  }
0x2b7: {  	v5 =	vld [tilespmem:$0x1FED0]  }
0x2b8: {  	v49 =	vld [tilespmem:$0x1FFA0]  }
0x2b9: {  	v2 =	vld [tilespmem:s29+$0xFFFFFD80]  }
0x2ba: {  	[tilespmem:v43+s24+$0x0] =	vst.idx.add.f32.msk $0xffff, v9  }
0x2bb: {  	[tilespmem:v61+s24+$0x0] =	vst.idx.add.f32.msk $0xffff, v4  }
0x2bc: {  	v4 =	vld [tilespmem:$0x1FF30]  }
0x2bd: {  	v61 =	vld [tilespmem:$0x1FF70]  }
0x2be: {  	v9 =	vld [tilespmem:s29+$0x2A0]  }
0x2bf: {  	[tilespmem:v5+s24+$0x0] =	vst.idx.add.f32.msk $0xffff, v6  }
0x2c0: {  	v5 =	vld [tilespmem:s29+$0xFFFFFF70]  }
0x2c1: {  	v57 =	vld [tilespmem:$0x1FFC0]  }
0x2c2: {  	v6 =	vld [tilespmem:$0x1FEE0]  }
0x2c3: {  	[tilespmem:v44+s24+$0x0] =	vst.idx.add.f32.msk $0xffff, v9  }
0x2c4: {  	v9 =	vld [tilespmem:s29+$0x2B0]  }
0x2c5: {  	[tilespmem:v4+s24+$0x0] =	vst.idx.add.f32.msk $0xffff, v5  }
0x2c6: {  	v4 =	vld [tilespmem:s29+$0xFFFFFE80]  }
0x2c7: {  	[tilespmem:v61+s24+$0x0] =	vst.idx.add.f32.msk $0xffff, v51  }
0x2c8: {  	v51 =	vld [tilespmem:$0x1FFB0]  }
0x2c9: {  	v5 =	vld [tilespmem:s29+$0xFFFFFF80]  }
0x2ca: {  	[tilespmem:v6+s24+$0x0] =	vst.idx.add.f32.msk $0xffff, v7  }
0x2cb: {  	v6 =	vld [tilespmem:s29+$0x70]  }
0x2cc: {  	[tilespmem:v35+s24+$0x0] =	vst.idx.add.f32.msk $0xffff, v9  }
0x2cd: {  	v7 =	vld [tilespmem:s29+$0x170]  }
0x2ce: {  	v9 =	vld [tilespmem:s29+$0x2C0]  }
0x2cf: {  	[tilespmem:v49+s24+$0x0] =	vst.idx.add.f32.msk $0xffff, v5  }
0x2d0: {  	v5 =	vld [tilespmem:s29+$0xFFFFFF90]  }
0x2d1: {  	[tilespmem:v17+s24+$0x0] =	vst.idx.add.f32.msk $0xffff, v6  }
0x2d2: {  	v17 =	vld [tilespmem:$0x1FF80]  }
0x2d3: {  	[tilespmem:v48+s24+$0x0] =	vst.idx.add.f32.msk $0xffff, v7  }
0x2d4: {  	v6 =	vld [tilespmem:s29+$0x80]  }
0x2d5: {  	v48 =	vld [tilespmem:$0x1FF90]  }
0x2d6: {  	[tilespmem:v28+s24+$0x0] =	vst.idx.add.f32.msk $0xffff, v9  }
0x2d7: {  	v7 =	vld [tilespmem:s29+$0x180]  }
0x2d8: {  	v9 =	vld [tilespmem:s29+$0x2D0]  }
0x2d9: {  	[tilespmem:v60+s24+$0x0] =	vst.idx.add.f32.msk $0xffff, v5  }
0x2da: {  	v5 =	vld [tilespmem:s29+$0xFFFFFFA0]  }
0x2db: {  	[tilespmem:v51+s24+$0x0] =	vst.idx.add.f32.msk $0xffff, v6  }
0x2dc: {  	[tilespmem:v56+s24+$0x0] =	vst.idx.add.f32.msk $0xffff, v7  }
0x2dd: {  	v56 =	vld [tilespmem:s29+$0xFFFFFC90]  }
0x2de: {  	v6 =	vld [tilespmem:s29+$0x90]  }
0x2df: {  	[tilespmem:v3+s24+$0x0] =	vst.idx.add.f32.msk $0xffff, v9  }
0x2e0: {  	[tilespmem:v17+s24+$0x0] =	vst.idx.add.f32.msk $0xffff, v2  }
0x2e1: {  	v7 =	vld [tilespmem:s29+$0x190]  }
0x2e2: {  	v17 =	vld [tilespmem:$0x1FFE0]  }
0x2e3: {  	v49 =	vld [tilespmem:s29+$0x2E0]  }
0x2e4: {  	[tilespmem:v48+s24+$0x0] =	vst.idx.add.f32.msk $0xffff, v4  }
0x2e5: {  	v2 =	vld [tilespmem:s29+$0xFFFFFD90]  }
0x2e6: {  	v4 =	vld [tilespmem:s29+$0xFFFFFE90]  }
0x2e7: {  	[tilespmem:v55+s24+$0x0] =	vst.idx.add.f32.msk $0xffff, v5  }
0x2e8: {  	v5 =	vld [tilespmem:s29+$0xFFFFFFB0]  }
0x2e9: {  	[tilespmem:v53+s24+$0x0] =	vst.idx.add.f32.msk $0xffff, v56  }
0x2ea: {  	v25 =	vadd.s32 v62, v54;
	[tilespmem:v46+s24+$0x0] =	vst.idx.add.f32.msk $0xffff, v6  }
0x2eb: {  	[tilespmem:v63+s24+$0x0] =	vst.idx.add.f32.msk $0xffff, v7  }
0x2ec: {  	v61 =	vld [tilespmem:s29+$0xFFFFFCA0]  }
0x2ed: {  	v6 =	vld [tilespmem:s29+$0xA0]  }
0x2ee: {  	v63 =	vld [tilespmem:$0x1FFD0]  }
0x2ef: {  	[tilespmem:v25+s24+$0x0] =	vst.idx.add.f32.msk $0xffff, v49  }
0x2f0: {  	[tilespmem:v57+s24+$0x0] =	vst.idx.add.f32.msk $0xffff, v2  }
0x2f1: {  	v7 =	vld [tilespmem:s29+$0x1A0]  }
0x2f2: {  	[tilespmem:v45+s24+$0x0] =	vst.idx.add.f32.msk $0xffff, v4  }
0x2f3: {  	v2 =	vld [tilespmem:s29+$0xFFFFFDA0]  }
0x2f4: {  	v4 =	vld [tilespmem:s29+$0xFFFFFEA0]  }
0x2f5: {  	[tilespmem:v39+s24+$0x0] =	vst.idx.add.f32.msk $0xffff, v5  }
0x2f6: {  	v5 =	vld [tilespmem:s29+$0xFFFFFFC0]  }
0x2f7: {  	[tilespmem:v47+s24+$0x0] =	vst.idx.add.f32.msk $0xffff, v6  }
0x2f8: {  	[tilespmem:v58+s24+$0x0] =	vst.idx.add.f32.msk $0xffff, v7  }
0x2f9: {  	v6 =	vld [tilespmem:s29+$0xB0]  }
0x2fa: {  	[tilespmem:v17+s24+$0x0] =	vst.idx.add.f32.msk $0xffff, v2  }
0x2fb: {  	v7 =	vld [tilespmem:s29+$0x1B0]  }
0x2fc: {  	[tilespmem:v63+s24+$0x0] =	vst.idx.add.f32.msk $0xffff, v61  }
0x2fd: {  	[tilespmem:v59+s24+$0x0] =	vst.idx.add.f32.msk $0xffff, v4  }
0x2fe: {  	v2 =	vld [tilespmem:s29+$0xFFFFFDB0]  }
0x2ff: {  	v63 =	vld [tilespmem:s29+$0x2F0]  }
0x300: {  	v43 =	vld [tilespmem:s29+$0xFFFFFCB0]  }
0x301: {  	v4 =	vld [tilespmem:s29+$0xFFFFFEB0]  }
0x302: {  	[tilespmem:v16+s24+$0x0] =	vst.idx.add.f32.msk $0xffff, v5  }
0x303: {  	v5 =	vld [tilespmem:s29+$0xFFFFFFD0]  }
0x304: {  	[tilespmem:v41+s24+$0x0] =	vst.idx.add.f32.msk $0xffff, v6  }
0x305: {  	[tilespmem:v34+s24+$0x0] =	vst.idx.add.f32.msk $0xffff, v7  }
0x306: {  	v6 =	vld [tilespmem:s29+$0xC0]  }
0x307: {  	[tilespmem:v38+s24+$0x0] =	vst.idx.add.f32.msk $0xffff, v2  }
0x308: {  	v7 =	vld [tilespmem:s29+$0x1C0]  }
0x309: {  	[tilespmem:v19+s24+$0x0] =	vst.idx.add.f32.msk $0xffff, v63  }
0x30a: {  	v31 =	vadd.s32 v62, v31;
	[tilespmem:v42+s24+$0x0] =	vst.idx.add.f32.msk $0xffff, v43  }
0x30b: {  	[tilespmem:v40+s24+$0x0] =	vst.idx.add.f32.msk $0xffff, v4  }
0x30c: {  	v29 =	vadd.s32 v62, v29;
	v2 =	vld [tilespmem:s29+$0xFFFFFDC0]  }
0x30d: {  	v1 =	vld [tilespmem:s29+$0xFFFFFCC0]  }
0x30e: {  	v4 =	vld [tilespmem:s29+$0xFFFFFEC0]  }
0x30f: {  	[tilespmem:v31+s24+$0x0] =	vst.idx.add.f32.msk $0xffff, v5  }
0x310: {  	v45 =	vld [tilespmem:s29+$0xFFFFFFE0]  }
0x311: {  	[tilespmem:v29+s24+$0x0] =	vst.idx.add.f32.msk $0xffff, v6  }
0x312: {  	[tilespmem:v13+s24+$0x0] =	vst.idx.add.f32.msk $0xffff, v7  }
0x313: {  	v6 =	vld [tilespmem:s29+$0xD0]  }
0x314: {  	[tilespmem:v33+s24+$0x0] =	vst.idx.add.f32.msk $0xffff, v2  }
0x315: {  	v7 =	vld [tilespmem:s29+$0x1D0]  }
0x316: {  	[tilespmem:v32+s24+$0x0] =	vst.idx.add.f32.msk $0xffff, v1  }
0x317: {  	[tilespmem:v10+s24+$0x0] =	vst.idx.add.f32.msk $0xffff, v4  }
0x318: {  	v2 =	vld [tilespmem:s29+$0xFFFFFDD0]  }
0x319: {  	v1 =	vld [tilespmem:s29+$0xFFFFFCD0]  }
0x31a: {  	v4 =	vld [tilespmem:s29+$0xFFFFFED0]  }
0x31b: {  	[tilespmem:v18+s24+$0x0] =	vst.idx.add.f32.msk $0xffff, v45  }
0x31c: {  	v59 =	vld [tilespmem:s29+$0xFFFFFFF0]  }
0x31d: {  	v50 =	vadd.s32 v62, v50;
	[tilespmem:v30+s24+$0x0] =	vst.idx.add.f32.msk $0xffff, v6  }
0x31e: {  	v14 =	vadd.s32 v62, v14;
	[tilespmem:v11+s24+$0x0] =	vst.idx.add.f32.msk $0xffff, v7  }
0x31f: {  	v46 =	vld [tilespmem:s29+$0xE0]  }
0x320: {  	[tilespmem:v37+s24+$0x0] =	vst.idx.add.f32.msk $0xffff, v2  }
0x321: {  	v48 =	vld [tilespmem:s29+$0x1E0]  }
0x322: {  	[tilespmem:v50+s24+$0x0] =	vst.idx.add.f32.msk $0xffff, v1  }
0x323: {  	[tilespmem:v14+s24+$0x0] =	vst.idx.add.f32.msk $0xffff, v4  }
0x324: {  	v15 =	vadd.s32 v62, v26;
	v26 =	vadd.s32 v62, v52;
	v2 =	vld [tilespmem:s29+$0xFFFFFDE0]  }
0x325: {  	v1 =	vld [tilespmem:s29+$0xFFFFFCE0]  }
0x326: {  	v0 =	vadd.s32 v62, v0;
	v44 =	vld [tilespmem:s29+$0xFFFFFEE0]  }
0x327: {  	[tilespmem:v20+s24+$0x0] =	vst.idx.add.f32.msk $0xffff, v59  }
0x328: {  	[tilespmem:v12+s24+$0x0] =	vst.idx.add.f32.msk $0xffff, v46  }
0x329: {  	[tilespmem:v26+s24+$0x0] =	vst.idx.add.f32.msk $0xffff, v48  }
0x32a: {  	v60 =	vld [tilespmem:s29+$0xF0]  }
0x32b: {  	[tilespmem:v0+s24+$0x0] =	vst.idx.add.f32.msk $0xffff, v2  }
0x32c: {  	v61 =	vld [tilespmem:s29+$0x1F0]  }
0x32d: {  	[tilespmem:v15+s24+$0x0] =	vst.idx.add.f32.msk $0xffff, v1  }
0x32e: {  	[tilespmem:v8+s24+$0x0] =	vst.idx.add.f32.msk $0xffff, v44  }
0x32f: {  	v56 =	vld [tilespmem:s29+$0xFFFFFDF0]  }
0x330: {  	s31 =	sadd.s32 $0x8, s31;
	v51 =	vld [tilespmem:s29+$0xFFFFFCF0]  }
0x331: {  	p0 =	slt.u32 s31, $0x18;
	v57 =	vld [tilespmem:s29+$0xFFFFFEF0]  }
.Ltmp2:
0x332: {  	[tilespmem:v23+s24+$0x0] =	vst.idx.add.f32.msk $0xffff, v60;
	(pc) =	sbr.rel @p0 .LBB2_8-.Ltmp2, $4  }
0x333: {  	v36 =	vimm.s32 $0x2;
	v54 =	vimm.s32 $0x8;
	[tilespmem:v21+s24+$0x0] =	vst.idx.add.f32.msk $0xffff, v61  }
0x334: {  	v52 =	vimm.s32 $0x6;
	v55 =	vimm.s32 $0x9;
	v53 =	vimm.s32 $0x7;
	[tilespmem:v24+s24+$0x0] =	vst.idx.add.f32.msk $0xffff, v56  }
0x335: {  	v47 =	vimm.s32 $0x4;
	v58 =	vimm.s32 $0xA;
	v38 =	vimm.s32 $0x3;
	[tilespmem:v27+s24+$0x0] =	vst.idx.add.f32.msk $0xffff, v51  }
0x336: {  	s0 =	sadd.s32 $0x80, s0;
	v32 =	vimm.s32 $0x1;
	v50 =	vimm.s32 $0x5;
	v14 =	vimm.s32 $0x0;
	[tilespmem:v22+s24+$0x0] =	vst.idx.add.f32.msk $0xffff, v57  }
0x337: {  	s28 =	sadd.s32 $0x1, s28  }
0x338: {  	p0 =	sne.s32 s28, $0x4  }
.Ltmp3:
0x339: {  	_ = 	snop;
	(pc) =	sbr.rel @p0 .LBB2_7-.Ltmp3, $3  }
0x33a: {  	_ =	sdelay $0x1  }
0x33b: {  	v56 =	vimm.s32 $0xB;
	v57 =	vimm.s32 $0xC  }
0x33c: {  	s3 =	sadd.s32 $0x2000, s3;
	s30 =	sadd.s32 $0x200, s30;
	v13 =	vimm.s32 $0xD;
	v15 =	vimm.s32 $0xE;
	v16 =	vimm.s32 $0xF  }
0x33d: {  	_ =	swait.ge [sflag:s13], $0x800  }
0x33e: {  	[sflag:s13] =	ssyncset.done $0x0  }
0x33f: {  	[sflag:s13] =	ssyncadd.s32 $0xFFFFF800  }
0x340: {  	_ =	swait.ge [sflag:s13], $0x800  }
0x341: {  	p0 =	seq.s32 s25, $0x18;
	s0 =	rddreg [dreg:$0x6]  }
0x342: {  	s0 =	sadd.s32 @!p0 s26, s0  }
0x343: {  	[sflag:s13] =	ssyncset.done $0x0;
	s0 =	sshrl.u32 @!p0 s0, $0x3  }
0x344: {  	s6 =	simm.s32 @!p0 $0x0;
	[sflag:s13] =	ssyncadd.s32 $0xFFFFF800;
	s3 =	sadd.s32 @!p0 s4, s0  }
0x345: {  	[tilespmem:s6], [sflag:$0x2] =	stream.linear.gather @!p0 [hbm4b:s3+s6], $0x800, $0x38;
	[tilespmem:$0x1A800] =	vst v63  }
0x346: {  	s12 =	simm.s32 $0x18F0;
	s0 =	sadd.s32 @!p0 s14, s0;
	s3 =	simm.s32 @!p0 $0x1000  }
0x347: {  	[tilespmem:s3], [sflag:$0x2] =	stream.linear.gather @!p0 [hbm4b:s0+s6], $0x800, $0x38;
	[tilespmem:$0x1A800] =	vst v63  }
0x348: {  	v0 =	vld [tilespmem:s12+$0xFFFFFF90]  }
0x349: {  	v9 =	vld [tilespmem:$0x1FFF0];
	_ =	sdelay $0x2  }
0x34a: {  	v1 =	vld [tilespmem:s12+$0xFFFFFF10]  }
0x34b: {  	v0 =	vshll.u32 v0, $0x4  }
0x34c: {  	s0 =	simm.s32 $0x2080;
	v0 =	vor.u32 v9, v0  }
0x34d: {  	[tilespmem:s0+$0x0] =	vst v0  }
0x34e: {  	v0 =	vld [tilespmem:s12+$0xFFFFFFA0]  }
0x34f: {  	v1 =	vshll.u32 v1, $0x4  }
0x350: {  	v1 =	vor.u32 v9, v1  }
0x351: {  	[tilespmem:s0+$0xFFFFFF80] =	vst v1  }
0x352: {  	v1 =	vld [tilespmem:s12+$0xFFFFFF20]  }
0x353: {  	v0 =	vshll.u32 v0, $0x4  }
0x354: {  	s26 =	simm.s32 $0x19F0;
	v0 =	vor.u32 v9, v0  }
0x355: {  	[tilespmem:s0+$0x10] =	vst v0;
	v0 =	vld [tilespmem:s26+$0xFFFFFF90]  }
0x356: {  	v2 =	vld [tilespmem:s12+$0xFFFFFFB0]  }
0x357: {  	v1 =	vshll.u32 v1, $0x4  }
0x358: {  	v1 =	vor.u32 v9, v1  }
0x359: {  	[tilespmem:s0+$0xFFFFFF90] =	vst v1;
	v1 =	vld [tilespmem:s26+$0xFFFFFF10]  }
0x35a: {  	v3 =	vld [tilespmem:s12+$0xFFFFFF30];
	v0 =	vshll.u32 v0, $0x4  }
0x35b: {  	s3 =	simm.s32 $0x2180;
	v0 =	vor.u32 v9, v0;
	v2 =	vshll.u32 v2, $0x4  }
0x35c: {  	[tilespmem:s3+$0x0] =	vst v0;
	v0 =	vor.u32 v9, v2  }
0x35d: {  	v2 =	vld [tilespmem:s26+$0xFFFFFFA0];
	[tilespmem:s0+$0x20] =	vst v0  }
0x35e: {  	v0 =	vshll.u32 v1, $0x4;
	v1 =	vld [tilespmem:s12+$0xFFFFFFC0]  }
0x35f: {  	v3 =	vshll.u32 v3, $0x4;
	v0 =	vor.u32 v9, v0  }
0x360: {  	[tilespmem:s3+$0xFFFFFF80] =	vst v0;
	v0 =	vor.u32 v9, v3  }
0x361: {  	v3 =	vld [tilespmem:s26+$0xFFFFFF20];
	[tilespmem:s0+$0xFFFFFFA0] =	vst v0  }
0x362: {  	v0 =	vshll.u32 v2, $0x4;
	v2 =	vld [tilespmem:s12+$0xFFFFFF40]  }
0x363: {  	s29 =	simm.s32 $0x1AF0;
	v0 =	vor.u32 v9, v0;
	v1 =	vshll.u32 v1, $0x4  }
0x364: {  	[tilespmem:s3+$0x10] =	vst v0;
	v0 =	vor.u32 v9, v1;
	v1 =	vld [tilespmem:s29+$0xFFFFFF90]  }
0x365: {  	[tilespmem:s0+$0x30] =	vst v0;
	v0 =	vld [tilespmem:s26+$0xFFFFFFB0]  }
0x366: {  	v3 =	vshll.u32 v3, $0x4;
	v4 =	vld [tilespmem:s12+$0xFFFFFFD0]  }
0x367: {  	v3 =	vor.u32 v9, v3;
	v2 =	vshll.u32 v2, $0x4  }
0x368: {  	[tilespmem:s3+$0xFFFFFF90] =	vst v3;
	v3 =	vld [tilespmem:s29+$0xFFFFFF10];
	v2 =	vor.u32 v9, v2  }
0x369: {  	[tilespmem:s0+$0xFFFFFFB0] =	vst v2;
	v1 =	vshll.u32 v1, $0x4;
	v2 =	vld [tilespmem:s26+$0xFFFFFF30]  }
0x36a: {  	s28 =	simm.s32 $0x2280;
	v1 =	vor.u32 v9, v1;
	v0 =	vshll.u32 v0, $0x4;
	v5 =	vld [tilespmem:s12+$0xFFFFFF50]  }
0x36b: {  	[tilespmem:s28+$0x0] =	vst v1;
	v0 =	vor.u32 v9, v0;
	v1 =	vshll.u32 v4, $0x4  }
0x36c: {  	v4 =	vld [tilespmem:s29+$0xFFFFFFA0];
	[tilespmem:s3+$0x20] =	vst v0;
	v0 =	vor.u32 v9, v1  }
0x36d: {  	v1 =	vshll.u32 v3, $0x4;
	v3 =	vld [tilespmem:s26+$0xFFFFFFC0];
	[tilespmem:s0+$0x40] =	vst v0  }
0x36e: {  	v0 =	vor.u32 v9, v1;
	v1 =	vshll.u32 v2, $0x4;
	v2 =	vld [tilespmem:s12+$0xFFFFFFE0]  }
0x36f: {  	[tilespmem:s28+$0xFFFFFF80] =	vst v0;
	v0 =	vor.u32 v9, v1;
	v1 =	vshll.u32 v5, $0x4  }
0x370: {  	v5 =	vld [tilespmem:s29+$0xFFFFFF20];
	[tilespmem:s3+$0xFFFFFFA0] =	vst v0;
	v0 =	vor.u32 v9, v1  }
0x371: {  	v1 =	vshll.u32 v4, $0x4;
	v4 =	vld [tilespmem:s26+$0xFFFFFF40];
	[tilespmem:s0+$0xFFFFFFC0] =	vst v0  }
0x372: {  	s30 =	simm.s32 $0x1BF0;
	v0 =	vor.u32 v9, v1;
	v1 =	vshll.u32 v3, $0x4;
	v3 =	vld [tilespmem:s12+$0xFFFFFF60]  }
0x373: {  	[tilespmem:s28+$0x10] =	vst v0;
	v0 =	vor.u32 v9, v1;
	v1 =	vshll.u32 v2, $0x4;
	v2 =	vld [tilespmem:s30+$0xFFFFFF90]  }
0x374: {  	[tilespmem:s3+$0x30] =	vst v0;
	v0 =	vor.u32 v9, v1;
	v1 =	vld [tilespmem:s29+$0xFFFFFFB0]  }
0x375: {  	v5 =	vshll.u32 v5, $0x4;
	[tilespmem:s0+$0x50] =	vst v0;
	v0 =	vld [tilespmem:s26+$0xFFFFFFD0]  }
0x376: {  	v5 =	vor.u32 v9, v5;
	v4 =	vshll.u32 v4, $0x4;
	v6 =	vld [tilespmem:s12+$0xFFFFFFF0]  }
0x377: {  	[tilespmem:s28+$0xFFFFFF90] =	vst v5;
	v5 =	vld [tilespmem:s30+$0xFFFFFF10];
	v4 =	vor.u32 v9, v4;
	v3 =	vshll.u32 v3, $0x4  }
0x378: {  	[tilespmem:s3+$0xFFFFFFB0] =	vst v4;
	v3 =	vor.u32 v9, v3;
	v2 =	vshll.u32 v2, $0x4;
	v4 =	vld [tilespmem:s29+$0xFFFFFF30]  }
0x379: {  	s6 =	simm.s32 $0x2380;
	[tilespmem:s0+$0xFFFFFFD0] =	vst v3;
	v2 =	vor.u32 v9, v2;
	v1 =	vshll.u32 v1, $0x4;
	v3 =	vld [tilespmem:s26+$0xFFFFFF50]  }
0x37a: {  	[tilespmem:s6+$0x0] =	vst v2;
	v1 =	vor.u32 v9, v1;
	v0 =	vshll.u32 v0, $0x4;
	v2 =	vld [tilespmem:s12+$0xFFFFFF70]  }
0x37b: {  	v7 =	vld [tilespmem:s30+$0xFFFFFFA0];
	[tilespmem:s28+$0x20] =	vst v1;
	v0 =	vor.u32 v9, v0;
	v1 =	vshll.u32 v6, $0x4  }
0x37c: {  	v5 =	vshll.u32 v5, $0x4;
	v8 =	vld [tilespmem:s29+$0xFFFFFFC0];
	[tilespmem:s3+$0x40] =	vst v0;
	v0 =	vor.u32 v9, v1  }
0x37d: {  	v1 =	vor.u32 v9, v5;
	v4 =	vshll.u32 v4, $0x4;
	v5 =	vld [tilespmem:s26+$0xFFFFFFE0];
	[tilespmem:s0+$0x60] =	vst v0  }
0x37e: {  	[tilespmem:s6+$0xFFFFFF80] =	vst v1;
	v1 =	vor.u32 v9, v4;
	v3 =	vshll.u32 v3, $0x4;
	v0 =	vld [tilespmem:s12+$0x0]  }
0x37f: {  	v6 =	vld [tilespmem:s30+$0xFFFFFF20];
	[tilespmem:s28+$0xFFFFFFA0] =	vst v1;
	v1 =	vor.u32 v9, v3;
	v2 =	vshll.u32 v2, $0x4  }
0x380: {  	v4 =	vshll.u32 v7, $0x4;
	v3 =	vld [tilespmem:s29+$0xFFFFFF40];
	[tilespmem:s3+$0xFFFFFFC0] =	vst v1;
	v1 =	vor.u32 v9, v2  }
0x381: {  	s31 =	smov.u32 s14;
	v4 =	vor.u32 v9, v4;
	v7 =	vshll.u32 v8, $0x4;
	v2 =	vld [tilespmem:s26+$0xFFFFFF60];
	[tilespmem:s0+$0xFFFFFFE0] =	vst v1  }
0x382: {  	s7 =	simm.s32 $0x6;
	s10 =	simm.s32 $0x1CF0;
	[tilespmem:s6+$0x10] =	vst v4;
	v7 =	vor.u32 v9, v7;
	v5 =	vshll.u32 v5, $0x4;
	v1 =	vld [tilespmem:s12+$0xFFFFFF80];
	s12 =	simm.s32 $0x2380  }
.LBB2_11:
0x383: {  	v4 =	vld [tilespmem:s10+$0xFFFFFF90];
	[tilespmem:s28+$0x30] =	vst v7;
	v5 =	vor.u32 v9, v5;
	v0 =	vshll.u32 v0, $0x4;
	s11 =	smov.u32 s30;
	s30 =	smov.u32 s10  }
0x384: {  	v6 =	vshll.u32 v6, $0x4;
	v7 =	vld [tilespmem:s11+$0xFFFFFFB0];
	[tilespmem:s3+$0x50] =	vst v5;
	v0 =	vor.u32 v9, v0  }
0x385: {  	v5 =	vor.u32 v9, v6;
	v3 =	vshll.u32 v3, $0x4;
	v6 =	vld [tilespmem:s29+$0xFFFFFFD0];
	[tilespmem:s0+$0x70] =	vst v0  }
0x386: {  	s7 =	sadd.s32 $0x2, s7;
	[tilespmem:s6+$0xFFFFFF90] =	vst v5;
	v0 =	vor.u32 v9, v3;
	v2 =	vshll.u32 v2, $0x4;
	v3 =	vld [tilespmem:s26+$0xFFFFFFF0]  }
0x387: {  	p0 =	slt.u32 s7, $0xE;
	v5 =	vld [tilespmem:s10+$0xFFFFFF10];
	[tilespmem:s28+$0xFFFFFFB0] =	vst v0;
	v0 =	vor.u32 v9, v2;
	v1 =	vshll.u32 v1, $0x4  }
0x388: {  	v2 =	vshll.u32 v4, $0x4;
	v4 =	vld [tilespmem:s11+$0xFFFFFF30];
	[tilespmem:s3+$0xFFFFFFD0] =	vst v0;
	v0 =	vor.u32 v9, v1  }
0x389: {  	s6 =	sadd.s32 $0x100, s6;
	v1 =	vor.u32 v9, v2;
	v2 =	vshll.u32 v7, $0x4;
	v7 =	vld [tilespmem:s29+$0xFFFFFF50];
	[tilespmem:s0+$0xFFFFFFF0] =	vst v0;
	s0 =	smov.u32 s3;
	s3 =	smov.u32 s28  }
0x38a: {  	s28 =	smov.u32 s12;
	s12 =	smov.u32 s6;
	[tilespmem:s6+$0x0] =	vst v1;
	v0 =	vor.u32 v9, v2;
	v1 =	vshll.u32 v6, $0x4;
	v2 =	vld [tilespmem:s26+$0xFFFFFF70]  }
0x38b: {  	v8 =	vld [tilespmem:s10+$0xFFFFFFA0];
	[tilespmem:s28+$0x20] =	vst v0;
	v0 =	vor.u32 v9, v1;
	v1 =	vshll.u32 v3, $0x4  }
0x38c: {  	v3 =	vshll.u32 v5, $0x4;
	v5 =	vld [tilespmem:s11+$0xFFFFFFC0];
	[tilespmem:s3+$0x40] =	vst v0;
	v0 =	vor.u32 v9, v1  }
0x38d: {  	v1 =	vor.u32 v9, v3;
	v3 =	vshll.u32 v4, $0x4;
	v4 =	vld [tilespmem:s29+$0xFFFFFFE0];
	[tilespmem:s0+$0x60] =	vst v0  }
.Ltmp4:
0x38e: {  	[tilespmem:s6+$0xFFFFFF80] =	vst v1;
	v1 =	vor.u32 v9, v3;
	v3 =	vshll.u32 v7, $0x4;
	v0 =	vld [tilespmem:s26+$0x0];
	(pc) =	sbr.rel @p0 .LBB2_11-.Ltmp4, $4  }
0x38f: {  	v6 =	vld [tilespmem:s10+$0xFFFFFF20];
	[tilespmem:s28+$0xFFFFFFA0] =	vst v1;
	v1 =	vor.u32 v9, v3;
	v2 =	vshll.u32 v2, $0x4  }
0x390: {  	v7 =	vshll.u32 v8, $0x4;
	v3 =	vld [tilespmem:s11+$0xFFFFFF40];
	[tilespmem:s3+$0xFFFFFFC0] =	vst v1;
	v1 =	vor.u32 v9, v2  }
0x391: {  	v7 =	vor.u32 v9, v7;
	v5 =	vshll.u32 v5, $0x4;
	v2 =	vld [tilespmem:s29+$0xFFFFFF60];
	[tilespmem:s0+$0xFFFFFFE0] =	vst v1  }
0x392: {  	s10 =	sadd.s32 $0x100, s10;
	[tilespmem:s6+$0x10] =	vst v7;
	v7 =	vor.u32 v9, v5;
	v5 =	vshll.u32 v4, $0x4;
	v1 =	vld [tilespmem:s26+$0xFFFFFF80];
	s26 =	smov.u32 s29;
	s29 =	smov.u32 s11  }
0x393: {  	_ = 	snop  }
0x394: {  	v4 =	vshll.u32 v6, $0x4  }
0x395: {  	v4 =	vor.u32 v9, v4  }
0x396: {  	v42 =	vld [tilespmem:s30+$0xFFFFFFB0];
	[tilespmem:s6+$0xFFFFFF90] =	vst v4  }
0x397: {  	v43 =	vld [tilespmem:s30+$0xFFFFFF30];
	_ =	sdelay $0x3  }
0x398: {  	v4 =	vshll.u32 v42, $0x4  }
0x399: {  	v4 =	vor.u32 v9, v4;
	v6 =	vshll.u32 v43, $0x4  }
0x39a: {  	[tilespmem:s12+$0x20] =	vst v4;
	v44 =	vor.u32 v9, v6  }
0x39b: {  	v45 =	vld [tilespmem:s30+$0xFFFFFFC0];
	[tilespmem:s12+$0xFFFFFFA0] =	vst v44  }
0x39c: {  	v4 =	vld [tilespmem:s30+$0xFFFFFF40];
	_ =	sdelay $0x2  }
0x39d: {  	v3 =	vshll.u32 v3, $0x4  }
0x39e: {  	[tilespmem:s28+$0x30] =	vst v7;
	v3 =	vor.u32 v9, v3;
	v6 =	vshll.u32 v45, $0x4  }
0x39f: {  	v7 =	vld [tilespmem:s29+$0xFFFFFFD0];
	[tilespmem:s28+$0xFFFFFFB0] =	vst v3;
	v46 =	vor.u32 v9, v6;
	v4 =	vshll.u32 v4, $0x4  }
0x3a0: {  	v48 =	vld [tilespmem:s29+$0xFFFFFF50];
	[tilespmem:s12+$0x30] =	vst v46;
	v49 =	vor.u32 v9, v4  }
0x3a1: {  	v51 =	vld [tilespmem:s30+$0xFFFFFFD0];
	[tilespmem:s12+$0xFFFFFFB0] =	vst v49  }
0x3a2: {  	v3 =	vld [tilespmem:s30+$0xFFFFFF50];
	_ =	sdelay $0x1  }
0x3a3: {  	v7 =	vshll.u32 v7, $0x4  }
0x3a4: {  	v7 =	vor.u32 v9, v7;
	v6 =	vshll.u32 v48, $0x4  }
0x3a5: {  	[tilespmem:s28+$0x40] =	vst v7;
	v6 =	vor.u32 v9, v6;
	v4 =	vshll.u32 v51, $0x4  }
0x3a6: {  	v7 =	vld [tilespmem:s29+$0xFFFFFFE0];
	[tilespmem:s28+$0xFFFFFFC0] =	vst v6;
	v4 =	vor.u32 v9, v4;
	v3 =	vshll.u32 v3, $0x4  }
0x3a7: {  	v6 =	vld [tilespmem:s29+$0xFFFFFF60];
	[tilespmem:s12+$0x40] =	vst v4;
	v3 =	vor.u32 v9, v3  }
0x3a8: {  	v4 =	vld [tilespmem:s30+$0xFFFFFFE0];
	[tilespmem:s12+$0xFFFFFFC0] =	vst v3  }
0x3a9: {  	v3 =	vld [tilespmem:s30+$0xFFFFFF60]  }
0x3aa: {  	v5 =	vor.u32 v9, v5;
	v2 =	vshll.u32 v2, $0x4  }
0x3ab: {  	[tilespmem:s3+$0x50] =	vst v5;
	v2 =	vor.u32 v9, v2;
	v59 =	vshll.u32 v7, $0x4  }
0x3ac: {  	v60 =	vld [tilespmem:s26+$0xFFFFFFF0];
	[tilespmem:s3+$0xFFFFFFD0] =	vst v2;
	v61 =	vor.u32 v9, v59;
	v63 =	vshll.u32 v6, $0x4  }
0x3ad: {  	v10 =	vld [tilespmem:s26+$0xFFFFFF70];
	[tilespmem:s28+$0x50] =	vst v61;
	v11 =	vor.u32 v9, v63;
	v4 =	vshll.u32 v4, $0x4  }
0x3ae: {  	v20 =	vld [tilespmem:s29+$0xFFFFFFF0];
	[tilespmem:s28+$0xFFFFFFD0] =	vst v11;
	v21 =	vor.u32 v9, v4;
	v3 =	vshll.u32 v3, $0x4  }
0x3af: {  	v22 =	vld [tilespmem:s29+$0xFFFFFF70];
	[tilespmem:s12+$0x50] =	vst v21;
	v23 =	vor.u32 v9, v3  }
0x3b0: {  	v24 =	vld [tilespmem:s30+$0xFFFFFFF0];
	[tilespmem:s12+$0xFFFFFFD0] =	vst v23  }
0x3b1: {  	v25 =	vshll.u32 v60, $0x4;
	v26 =	vld [tilespmem:s30+$0xFFFFFF70]  }
0x3b2: {  	v2 =	vor.u32 v9, v25;
	v6 =	vshll.u32 v10, $0x4  }
0x3b3: {  	[tilespmem:s3+$0x60] =	vst v2;
	v5 =	vshll.u32 v20, $0x4;
	v27 =	vor.u32 v9, v6  }
0x3b4: {  	v28 =	vld [tilespmem:s26+$0x0];
	v29 =	vor.u32 v9, v5;
	[tilespmem:s3+$0xFFFFFFE0] =	vst v27;
	v4 =	vshll.u32 v22, $0x4  }
0x3b5: {  	[tilespmem:s28+$0x60] =	vst v29;
	v30 =	vld [tilespmem:s26+$0xFFFFFF80];
	v31 =	vor.u32 v9, v4;
	v3 =	vshll.u32 v24, $0x4  }
0x3b6: {  	v33 =	vld [tilespmem:s29+$0x0];
	[tilespmem:s28+$0xFFFFFFE0] =	vst v31;
	v34 =	vor.u32 v9, v3;
	v35 =	vshll.u32 v26, $0x4  }
0x3b7: {  	v0 =	vshll.u32 v0, $0x4;
	v37 =	vld [tilespmem:s29+$0xFFFFFF80];
	[tilespmem:s12+$0x60] =	vst v34;
	v39 =	vor.u32 v9, v35  }
0x3b8: {  	v0 =	vor.u32 v9, v0;
	v1 =	vshll.u32 v1, $0x4;
	v40 =	vld [tilespmem:s30+$0x0];
	[tilespmem:s12+$0xFFFFFFE0] =	vst v39  }
0x3b9: {  	[tilespmem:s0+$0x70] =	vst v0;
	v41 =	vor.u32 v9, v1;
	v42 =	vshll.u32 v28, $0x4;
	v2 =	vld [tilespmem:s30+$0xFFFFFF80]  }
0x3ba: {  	[tilespmem:s0+$0xFFFFFFF0] =	vst v41;
	v43 =	vor.u32 v9, v42;
	v44 =	vshll.u32 v30, $0x4  }
0x3bb: {  	[tilespmem:s3+$0x70] =	vst v43;
	v46 =	vshll.u32 v33, $0x4;
	v45 =	vor.u32 v9, v44  }
0x3bc: {  	v48 =	vor.u32 v9, v46;
	[tilespmem:s3+$0xFFFFFFF0] =	vst v45;
	v49 =	vshll.u32 v37, $0x4  }
0x3bd: {  	[tilespmem:s28+$0x70] =	vst v48;
	v51 =	vor.u32 v9, v49;
	v59 =	vshll.u32 v40, $0x4  }
0x3be: {  	[tilespmem:s28+$0xFFFFFFF0] =	vst v51;
	v60 =	vor.u32 v9, v59;
	v61 =	vshll.u32 v2, $0x4  }
0x3bf: {  	[tilespmem:s12+$0x70] =	vst v60;
	v63 =	vor.u32 v9, v61  }
0x3c0: {  	s10 =	simm.s32 $0x2000;
	s11 =	simm.s32 $0x2800;
	[tilespmem:s12+$0xFFFFFFF0] =	vst v63  }
0x3c1: {  	[tilespmem:s11], [sflag:$0x1] =	stream.indirect.gather [hbm4b:s5+s16], $0x10, s10, s16, $0xb8;
	[tilespmem:$0x1A800] =	vst v63  }
0x3c2: {  	s14 =	simm.s32 $0x3000;
	s12 =	simm.s32 $0x2080  }
0x3c3: {  	[tilespmem:s14], [sflag:$0x1] =	stream.indirect.gather [hbm4b:s5+s16], $0x10, s12, s16, $0xb8;
	[tilespmem:$0x1A800] =	vst v63  }
0x3c4: {  	s26 =	simm.s32 $0x2100;
	s30 =	simm.s32 $0x3800  }
0x3c5: {  	[tilespmem:s30], [sflag:$0x1] =	stream.indirect.gather [hbm4b:s5+s16], $0x10, s26, s16, $0xb8;
	[tilespmem:$0x1A800] =	vst v63  }
0x3c6: {  	s7 =	simm.s32 $0x4000;
	s6 =	simm.s32 $0x2180  }
0x3c7: {  	[tilespmem:s7], [sflag:$0x1] =	stream.indirect.gather [hbm4b:s5+s16], $0x10, s6, s16, $0xb8;
	[tilespmem:$0x1A800] =	vst v63  }
0x3c8: {  	s10 =	simm.s32 $0x2200;
	s11 =	simm.s32 $0x4800  }
0x3c9: {  	[tilespmem:s11], [sflag:$0x1] =	stream.indirect.gather [hbm4b:s5+s16], $0x10, s10, s16, $0xb8;
	[tilespmem:$0x1A800] =	vst v63  }
0x3ca: {  	s12 =	simm.s32 $0x2280;
	s14 =	simm.s32 $0x5000  }
0x3cb: {  	[tilespmem:s14], [sflag:$0x1] =	stream.indirect.gather [hbm4b:s5+s16], $0x10, s12, s16, $0xb8;
	[tilespmem:$0x1A800] =	vst v63  }
0x3cc: {  	s26 =	simm.s32 $0x2300;
	s30 =	simm.s32 $0x5800  }
0x3cd: {  	[tilespmem:s30], [sflag:$0x1] =	stream.indirect.gather [hbm4b:s5+s16], $0x10, s26, s16, $0xb8;
	[tilespmem:$0x1A800] =	vst v63  }
0x3ce: {  	s6 =	simm.s32 $0x2380;
	s7 =	simm.s32 $0x6000  }
0x3cf: {  	[tilespmem:s7], [sflag:$0x1] =	stream.indirect.gather [hbm4b:s5+s16], $0x10, s6, s16, $0xb8;
	[tilespmem:$0x1A800] =	vst v63  }
0x3d0: {  	s10 =	simm.s32 $0x2400;
	s11 =	simm.s32 $0x6800  }
0x3d1: {  	[tilespmem:s11], [sflag:$0x1] =	stream.indirect.gather [hbm4b:s5+s16], $0x10, s10, s16, $0xb8;
	[tilespmem:$0x1A800] =	vst v63  }
0x3d2: {  	s12 =	simm.s32 $0x2480;
	s14 =	simm.s32 $0x7000  }
0x3d3: {  	[tilespmem:s14], [sflag:$0x1] =	stream.indirect.gather [hbm4b:s5+s16], $0x10, s12, s16, $0xb8;
	[tilespmem:$0x1A800] =	vst v63  }
0x3d4: {  	s26 =	simm.s32 $0x2500;
	s30 =	simm.s32 $0x7800  }
0x3d5: {  	[tilespmem:s30], [sflag:$0x1] =	stream.indirect.gather [hbm4b:s5+s16], $0x10, s26, s16, $0xb8;
	[tilespmem:$0x1A800] =	vst v63  }
0x3d6: {  	_ = 	snop  }
0x3d7: {  	[tilespmem:s1], [sflag:$0x1] =	stream.indirect.gather [hbm4b:s5+s16], $0x10, s15, s16, $0xb8;
	[tilespmem:$0x1A800] =	vst v63  }
0x3d8: {  	_ = 	snop  }
0x3d9: {  	[tilespmem:s9], [sflag:$0x1] =	stream.indirect.gather [hbm4b:s5+s16], $0x10, s8, s16, $0xb8;
	[tilespmem:$0x1A800] =	vst v63  }
0x3da: {  	_ = 	snop  }
0x3db: {  	[tilespmem:s18], [sflag:$0x1] =	stream.indirect.gather [hbm4b:s5+s16], $0x10, s17, s16, $0xb8;
	[tilespmem:$0x1A800] =	vst v63  }
0x3dc: {  	_ = 	snop  }
0x3dd: {  	[tilespmem:s20], [sflag:$0x1] =	stream.indirect.gather [hbm4b:s5+s16], $0x10, s19, s16, $0xb8;
	[tilespmem:$0x1A800] =	vst v63  }
0x3de: {  	s29 =	simm.s32 $0x870;
	s28 =	simm.s32 $0x2C00;
	s26 =	simm.s32 $0x0  }
0x3df: {  	[tilespmem:s22], [sflag:$0x1] =	stream.indirect.gather [hbm4b:s5+s16], $0x10, s21, s16, $0xb8;
	[tilespmem:$0x1A800] =	vst v63  }
.LBB2_13:
0x3e0: {  	_ =	swait.ge [sflag:s23], $0x800  }
0x3e1: {  	[sflag:s23] =	ssyncset.done $0x0  }
0x3e2: {  	[sflag:s23] =	ssyncadd.s32 $0xFFFFF800  }
0x3e3: {  	_ =	swait.ge [sflag:s23], $0x800  }
0x3e4: {  	[sflag:s23] =	ssyncset.done $0x0  }
0x3e5: {  	[sflag:s23] =	ssyncadd.s32 $0xFFFFF800  }
0x3e6: {  	_ =	swait.ge [sflag:s23], $0x800  }
0x3e7: {  	[sflag:s23] =	ssyncset.done $0x0  }
0x3e8: {  	[sflag:s23] =	ssyncadd.s32 $0xFFFFF800  }
0x3e9: {  	_ =	swait.ge [sflag:s23], $0x800  }
0x3ea: {  	[sflag:s23] =	ssyncset.done $0x0  }
0x3eb: {  	[sflag:s23] =	ssyncadd.s32 $0xFFFFF800  }
0x3ec: {  	v0 =	vld [tilespmem:s29+$0x0]  }
0x3ed: {  	v1 =	vld [tilespmem:s29+$0xFFFFFFA0]  }
0x3ee: {  	v2 =	vld [tilespmem:s29+$0xFFFFFFB0]  }
0x3ef: {  	v4 =	vld [tilespmem:s29+$0xFFFFFF90]  }
0x3f0: {  	v5 =	vld [tilespmem:s28+$0x300]  }
0x3f1: {  	v6 =	vld [tilespmem:s29+$0xFFFFFFC0]  }
0x3f2: {  	v28 =	vld [tilespmem:s29+$0xFFFFFFD0]  }
0x3f3: {  	v8 =	vld [tilespmem:s29+$0xFFFFFFE0]  }
0x3f4: {  	v9 =	vld [tilespmem:s28+$0xFFFFFD00];
	v0 =	vshll.u32 v0, $0x4  }
0x3f5: {  	v33 =	vld [tilespmem:s29+$0xFFFFFFF0];
	v19 =	vshll.u32 v1, $0x4;
	v3 =	vperm.xlane v0, v14  }
0x3f6: {  	v11 =	vld [tilespmem:s28+$0xFFFFFC00];
	v20 =	vshll.u32 v2, $0x4;
	v7 =	vperm.xlane v19, v14  }
0x3f7: {  	v34 =	vld [tilespmem:s28+$0xFFFFFE00];
	v2 =	vperm.xlane v20, v14;
	v3 =	vadd.s32 v62, v3  }
0x3f8: {  	v41 =	vld [tilespmem:s28+$0xFFFFFF00];
	v22 =	vshll.u32 v6, $0x4;
	v7 =	vadd.s32 v62, v7  }
0x3f9: {  	v42 =	vld [tilespmem:s28+$0x0];
	v23 =	vshll.u32 v28, $0x4;
	v37 =	vperm.xlane v22, v14;
	v2 =	vadd.s32 v62, v2  }
0x3fa: {  	v48 =	vld [tilespmem:s28+$0x100];
	v24 =	vshll.u32 v8, $0x4;
	v1 =	vperm.xlane v23, v14  }
0x3fb: {  	v51 =	vld [tilespmem:s28+$0x200];
	v25 =	vshll.u32 v33, $0x4;
	v44 =	vperm.xlane v24, v14;
	v40 =	vadd.s32 v62, v37  }
0x3fc: {  	v45 =	vperm.xlane v25, v14;
	v1 =	vadd.s32 v62, v1;
	[tilespmem:v3+s24+$0x0] =	vst.idx.add.f32.msk $0xffff, v5  }
0x3fd: {  	v10 =	vperm.xlane v0, v32;
	v46 =	vadd.s32 v62, v44;
	[tilespmem:v7+s24+$0x0] =	vst.idx.add.f32.msk $0xffff, v9  }
0x3fe: {  	v49 =	vadd.s32 v62, v45;
	[tilespmem:v2+s24+$0x0] =	vst.idx.add.f32.msk $0xffff, v34  }
0x3ff: {  	v31 =	vadd.s32 v62, v10;
	v30 =	vld [tilespmem:s28+$0x310]  }
0x400: {  	[tilespmem:v40+s24+$0x0] =	vst.idx.add.f32.msk $0xffff, v41  }
0x401: {  	[tilespmem:v1+s24+$0x0] =	vst.idx.add.f32.msk $0xffff, v42  }
0x402: {  	[tilespmem:v46+s24+$0x0] =	vst.idx.add.f32.msk $0xffff, v48  }
0x403: {  	v35 =	vperm.xlane v0, v36;
	[tilespmem:v49+s24+$0x0] =	vst.idx.add.f32.msk $0xffff, v51  }
0x404: {  	v21 =	vshll.u32 v4, $0x4;
	[tilespmem:v31+s24+$0x0] =	vst.idx.add.f32.msk $0xffff, v30  }
0x405: {  	v29 =	vperm.xlane v21, v14;
	v39 =	vadd.s32 v62, v35;
	v5 =	vld [tilespmem:s28+$0x320]  }
0x406: {  	v27 =	vld [tilespmem:s28+$0xFFFFFE10]  }
0x407: {  	v3 =	vadd.s32 v62, v29;
	v29 =	vld [tilespmem:s28+$0xFFFFFF10]  }
0x408: {  	v34 =	vld [tilespmem:s28+$0x10]  }
0x409: {  	v43 =	vperm.xlane v0, v38;
	v37 =	vld [tilespmem:s28+$0x110]  }
0x40a: {  	[tilespmem:v39+s24+$0x0] =	vst.idx.add.f32.msk $0xffff, v5  }
0x40b: {  	v26 =	vperm.xlane v22, v32;
	v7 =	vadd.s32 v62, v43;
	v6 =	vld [tilespmem:s28+$0x330]  }
0x40c: {  	v33 =	vperm.xlane v24, v32;
	v43 =	vld [tilespmem:s28+$0x210]  }
0x40d: {  	v28 =	vadd.s32 v62, v26;
	v40 =	vperm.xlane v25, v32;
	[tilespmem:v3+s24+$0x0] =	vst.idx.add.f32.msk $0xffff, v11  }
0x40e: {  	v35 =	vadd.s32 v62, v33;
	v11 =	vld [tilespmem:s28+$0xFFFFFD10]  }
0x40f: {  	v59 =	vperm.xlane v0, v47;
	v41 =	vadd.s32 v62, v40;
	v9 =	vld [tilespmem:s28+$0xFFFFFC10]  }
0x410: {  	[tilespmem:v7+s24+$0x0] =	vst.idx.add.f32.msk $0xffff, v6  }
0x411: {  	v61 =	vperm.xlane v19, v32;
	v3 =	vadd.s32 v62, v59;
	v7 =	vld [tilespmem:s28+$0x340]  }
0x412: {  	[tilespmem:v28+s24+$0x0] =	vst.idx.add.f32.msk $0xffff, v29  }
0x413: {  	v60 =	vperm.xlane v21, v32;
	v10 =	vadd.s32 v62, v61;
	[tilespmem:v35+s24+$0x0] =	vst.idx.add.f32.msk $0xffff, v37  }
0x414: {  	[tilespmem:v41+s24+$0x0] =	vst.idx.add.f32.msk $0xffff, v43  }
0x415: {  	v17 =	vperm.xlane v0, v50;
	v63 =	vadd.s32 v62, v60;
	v28 =	vld [tilespmem:s28+$0x120]  }
0x416: {  	[tilespmem:v3+s24+$0x0] =	vst.idx.add.f32.msk $0xffff, v7  }
0x417: {  	v4 =	vadd.s32 v62, v17;
	v7 =	vld [tilespmem:s28+$0x350]  }
0x418: {  	[tilespmem:v10+s24+$0x0] =	vst.idx.add.f32.msk $0xffff, v11  }
0x419: {  	v18 =	vperm.xlane v20, v32;
	v10 =	vld [tilespmem:s28+$0xFFFFFF20]  }
0x41a: {  	[tilespmem:v63+s24+$0x0] =	vst.idx.add.f32.msk $0xffff, v9  }
0x41b: {  	v30 =	vperm.xlane v0, v52;
	v51 =	vld [tilespmem:s28+$0xFFFFFD20];
	v3 =	vadd.s32 v62, v18  }
0x41c: {  	[tilespmem:v4+s24+$0x0] =	vst.idx.add.f32.msk $0xffff, v7  }
0x41d: {  	v42 =	vperm.xlane v21, v36;
	v5 =	vadd.s32 v62, v30;
	v7 =	vld [tilespmem:s28+$0x360]  }
0x41e: {  	v45 =	vld [tilespmem:s28+$0xFFFFFC20]  }
0x41f: {  	v44 =	vadd.s32 v62, v42;
	v31 =	vperm.xlane v23, v32;
	v30 =	vld [tilespmem:s28+$0x220]  }
0x420: {  	v49 =	vperm.xlane v20, v36;
	[tilespmem:v3+s24+$0x0] =	vst.idx.add.f32.msk $0xffff, v27  }
0x421: {  	v39 =	vperm.xlane v0, v53;
	v4 =	vadd.s32 v62, v31;
	v60 =	vld [tilespmem:s28+$0xFFFFFE20]  }
0x422: {  	v59 =	vadd.s32 v62, v49;
	[tilespmem:v5+s24+$0x0] =	vst.idx.add.f32.msk $0xffff, v7  }
0x423: {  	v3 =	vadd.s32 v62, v39;
	v7 =	vld [tilespmem:s28+$0x370]  }
0x424: {  	[tilespmem:v44+s24+$0x0] =	vst.idx.add.f32.msk $0xffff, v45;
	v27 =	vperm.xlane v25, v36  }
0x425: {  	v35 =	vld [tilespmem:s28+$0xFFFFFC30]  }
0x426: {  	v48 =	vperm.xlane v19, v36;
	v29 =	vadd.s32 v62, v27;
	[tilespmem:v4+s24+$0x0] =	vst.idx.add.f32.msk $0xffff, v34  }
0x427: {  	v46 =	vperm.xlane v0, v54;
	[tilespmem:v59+s24+$0x0] =	vst.idx.add.f32.msk $0xffff, v60  }
0x428: {  	[tilespmem:v3+s24+$0x0] =	vst.idx.add.f32.msk $0xffff, v7;
	v3 =	vadd.s32 v62, v48  }
0x429: {  	v5 =	vadd.s32 v62, v46;
	v7 =	vld [tilespmem:s28+$0x380]  }
0x42a: {  	v9 =	vperm.xlane v23, v36;
	v17 =	vld [tilespmem:s28+$0x20]  }
0x42b: {  	[tilespmem:v29+s24+$0x0] =	vst.idx.add.f32.msk $0xffff, v30  }
0x42c: {  	v63 =	vperm.xlane v22, v36;
	v11 =	vadd.s32 v62, v9;
	v43 =	vld [tilespmem:s28+$0xFFFFFE30]  }
0x42d: {  	v34 =	vperm.xlane v19, v38;
	[tilespmem:v3+s24+$0x0] =	vst.idx.add.f32.msk $0xffff, v51  }
0x42e: {  	v61 =	vperm.xlane v0, v55;
	[tilespmem:v5+s24+$0x0] =	vst.idx.add.f32.msk $0xffff, v7;
	v5 =	vadd.s32 v62, v63  }
0x42f: {  	v37 =	vadd.s32 v62, v34;
	v39 =	vld [tilespmem:s28+$0xFFFFFD30]  }
0x430: {  	v4 =	vadd.s32 v62, v61;
	v7 =	vld [tilespmem:s28+$0x390]  }
0x431: {  	[tilespmem:v11+s24+$0x0] =	vst.idx.add.f32.msk $0xffff, v17  }
0x432: {  	v51 =	vld [tilespmem:s28+$0x30]  }
0x433: {  	v26 =	vperm.xlane v24, v36;
	[tilespmem:v5+s24+$0x0] =	vst.idx.add.f32.msk $0xffff, v10  }
0x434: {  	v18 =	vperm.xlane v0, v58;
	[tilespmem:v37+s24+$0x0] =	vst.idx.add.f32.msk $0xffff, v39  }
0x435: {  	[tilespmem:v4+s24+$0x0] =	vst.idx.add.f32.msk $0xffff, v7;
	v4 =	vadd.s32 v62, v26  }
0x436: {  	v3 =	vadd.s32 v62, v18;
	v7 =	vld [tilespmem:s28+$0x3A0]  }
0x437: {  	v42 =	vperm.xlane v22, v38;
	v10 =	vld [tilespmem:s28+$0x230]  }
0x438: {  	v45 =	vld [tilespmem:s28+$0xFFFFFF30]  }
0x439: {  	v33 =	vperm.xlane v21, v38;
	v44 =	vadd.s32 v62, v42;
	v27 =	vld [tilespmem:s28+$0xFFFFFD40]  }
0x43a: {  	v49 =	vperm.xlane v24, v38;
	[tilespmem:v4+s24+$0x0] =	vst.idx.add.f32.msk $0xffff, v28  }
0x43b: {  	v31 =	vperm.xlane v0, v56;
	[tilespmem:v3+s24+$0x0] =	vst.idx.add.f32.msk $0xffff, v7;
	v3 =	vadd.s32 v62, v33  }
0x43c: {  	v59 =	vadd.s32 v62, v49;
	v60 =	vld [tilespmem:s28+$0x130]  }
0x43d: {  	v5 =	vadd.s32 v62, v31;
	v7 =	vld [tilespmem:s28+$0x3B0]  }
0x43e: {  	[tilespmem:v44+s24+$0x0] =	vst.idx.add.f32.msk $0xffff, v45;
	v28 =	vperm.xlane v22, v47  }
0x43f: {  	v33 =	vld [tilespmem:s28+$0xFFFFFF40]  }
0x440: {  	v1 =	vadd.s32 v62, v28;
	[tilespmem:v3+s24+$0x0] =	vst.idx.add.f32.msk $0xffff, v35  }
0x441: {  	v41 =	vperm.xlane v20, v38;
	[tilespmem:v59+s24+$0x0] =	vst.idx.add.f32.msk $0xffff, v60  }
0x442: {  	v40 =	vperm.xlane v0, v57;
	v9 =	vperm.xlane v21, v47;
	[tilespmem:v5+s24+$0x0] =	vst.idx.add.f32.msk $0xffff, v7  }
0x443: {  	v34 =	vperm.xlane v24, v47;
	v5 =	vadd.s32 v62, v41;
	v17 =	vld [tilespmem:s28+$0xFFFFFC40]  }
0x444: {  	v11 =	vadd.s32 v62, v9;
	v4 =	vadd.s32 v62, v40;
	v40 =	vld [tilespmem:s28+$0x140]  }
0x445: {  	v39 =	vadd.s32 v62, v34;
	[tilespmem:v1+s24+$0x0] =	vst.idx.add.f32.msk $0xffff, v33  }
0x446: {  	v7 =	vld [tilespmem:s28+$0x3C0]  }
0x447: {  	v60 =	vld [tilespmem:s28+$0xFFFFFF50]  }
0x448: {  	v49 =	vperm.xlane v22, v50;
	[tilespmem:v5+s24+$0x0] =	vst.idx.add.f32.msk $0xffff, v43  }
0x449: {  	[tilespmem:v11+s24+$0x0] =	vst.idx.add.f32.msk $0xffff, v17  }
0x44a: {  	v1 =	vadd.s32 v62, v49;
	[tilespmem:v39+s24+$0x0] =	vst.idx.add.f32.msk $0xffff, v40  }
0x44b: {  	v48 =	vperm.xlane v23, v38;
	[tilespmem:v4+s24+$0x0] =	vst.idx.add.f32.msk $0xffff, v7  }
0x44c: {  	v26 =	vperm.xlane v20, v47;
	v30 =	vld [tilespmem:s28+$0xFFFFFE40]  }
0x44d: {  	v42 =	vperm.xlane v21, v50;
	v4 =	vadd.s32 v62, v48;
	v45 =	vld [tilespmem:s28+$0xFFFFFC50]  }
0x44e: {  	v46 =	vperm.xlane v0, v13;
	v29 =	vadd.s32 v62, v26;
	v9 =	vld [tilespmem:s28+$0x150]  }
0x44f: {  	v2 =	vadd.s32 v62, v42;
	[tilespmem:v1+s24+$0x0] =	vst.idx.add.f32.msk $0xffff, v60  }
0x450: {  	v3 =	vadd.s32 v62, v46;
	v7 =	vld [tilespmem:s28+$0x3D0]  }
0x451: {  	v33 =	vld [tilespmem:s28+$0xFFFFFF60]  }
0x452: {  	[tilespmem:v4+s24+$0x0] =	vst.idx.add.f32.msk $0xffff, v51  }
0x453: {  	v18 =	vperm.xlane v19, v47;
	[tilespmem:v29+s24+$0x0] =	vst.idx.add.f32.msk $0xffff, v30  }
0x454: {  	v63 =	vperm.xlane v25, v38;
	[tilespmem:v2+s24+$0x0] =	vst.idx.add.f32.msk $0xffff, v45  }
0x455: {  	v4 =	vadd.s32 v62, v18;
	[tilespmem:v3+s24+$0x0] =	vst.idx.add.f32.msk $0xffff, v7  }
0x456: {  	v61 =	vperm.xlane v0, v15;
	v3 =	vadd.s32 v62, v63;
	v35 =	vld [tilespmem:s28+$0x40]  }
0x457: {  	v51 =	vld [tilespmem:s28+$0xFFFFFE50]  }
0x458: {  	v5 =	vadd.s32 v62, v61;
	v7 =	vld [tilespmem:s28+$0x3E0]  }
0x459: {  	v29 =	vperm.xlane v22, v52;
	v26 =	vld [tilespmem:s28+$0xFFFFFC60]  }
0x45a: {  	v46 =	vperm.xlane v20, v50;
	[tilespmem:v4+s24+$0x0] =	vst.idx.add.f32.msk $0xffff, v27  }
0x45b: {  	v1 =	vadd.s32 v62, v29;
	[tilespmem:v3+s24+$0x0] =	vst.idx.add.f32.msk $0xffff, v10  }
0x45c: {  	v0 =	vperm.xlane v0, v16;
	v48 =	vld [tilespmem:s28+$0xFFFFFD50];
	v3 =	vadd.s32 v62, v46  }
0x45d: {  	v37 =	vperm.xlane v25, v47;
	[tilespmem:v5+s24+$0x0] =	vst.idx.add.f32.msk $0xffff, v7  }
0x45e: {  	v0 =	vadd.s32 v62, v0;
	v5 =	vld [tilespmem:s28+$0x3F0]  }
0x45f: {  	v41 =	vadd.s32 v62, v37;
	v43 =	vld [tilespmem:s28+$0x240]  }
0x460: {  	v11 =	vperm.xlane v21, v52;
	[tilespmem:v1+s24+$0x0] =	vst.idx.add.f32.msk $0xffff, v33  }
0x461: {  	v31 =	vperm.xlane v23, v47;
	[tilespmem:v3+s24+$0x0] =	vst.idx.add.f32.msk $0xffff, v51  }
0x462: {  	v3 =	vadd.s32 v62, v11;
	v51 =	vld [tilespmem:s28+$0xFFFFFF70]  }
0x463: {  	[tilespmem:v0+s24+$0x0] =	vst.idx.add.f32.msk $0xffff, v5;
	v0 =	vadd.s32 v62, v31  }
0x464: {  	v8 =	vperm.xlane v25, v50;
	[tilespmem:v41+s24+$0x0] =	vst.idx.add.f32.msk $0xffff, v43  }
0x465: {  	v30 =	vld [tilespmem:s28+$0xFFFFFE60]  }
0x466: {  	v44 =	vperm.xlane v19, v50;
	v10 =	vadd.s32 v62, v8;
	v17 =	vld [tilespmem:s28+$0x250]  }
0x467: {  	v59 =	vperm.xlane v23, v50;
	[tilespmem:v3+s24+$0x0] =	vst.idx.add.f32.msk $0xffff, v26  }
0x468: {  	[tilespmem:v0+s24+$0x0] =	vst.idx.add.f32.msk $0xffff, v35;
	v0 =	vadd.s32 v62, v44  }
0x469: {  	v40 =	vperm.xlane v21, v53;
	v2 =	vadd.s32 v62, v59;
	v63 =	vld [tilespmem:s28+$0x50]  }
0x46a: {  	v43 =	vld [tilespmem:s28+$0xFFFFFC70]  }
0x46b: {  	v1 =	vadd.s32 v62, v40;
	[tilespmem:v10+s24+$0x0] =	vst.idx.add.f32.msk $0xffff, v17  }
0x46c: {  	v61 =	vperm.xlane v24, v50;
	v41 =	vld [tilespmem:s28+$0x260]  }
0x46d: {  	v18 =	vperm.xlane v19, v52;
	[tilespmem:v0+s24+$0x0] =	vst.idx.add.f32.msk $0xffff, v48  }
0x46e: {  	v0 =	vadd.s32 v62, v61;
	[tilespmem:v2+s24+$0x0] =	vst.idx.add.f32.msk $0xffff, v63  }
0x46f: {  	v31 =	vperm.xlane v23, v52;
	v2 =	vadd.s32 v62, v18;
	v28 =	vld [tilespmem:s28+$0xFFFFFD60]  }
0x470: {  	[tilespmem:v1+s24+$0x0] =	vst.idx.add.f32.msk $0xffff, v43  }
0x471: {  	v3 =	vadd.s32 v62, v31;
	v35 =	vld [tilespmem:s28+$0x60]  }
0x472: {  	v27 =	vperm.xlane v20, v52;
	v18 =	vld [tilespmem:s28+$0xFFFFFC80]  }
0x473: {  	v34 =	vperm.xlane v24, v52;
	[tilespmem:v0+s24+$0x0] =	vst.idx.add.f32.msk $0xffff, v9  }
0x474: {  	v0 =	vadd.s32 v62, v27;
	[tilespmem:v2+s24+$0x0] =	vst.idx.add.f32.msk $0xffff, v28  }
0x475: {  	v42 =	vperm.xlane v19, v53;
	v2 =	vadd.s32 v62, v34;
	v39 =	vld [tilespmem:s28+$0x160]  }
0x476: {  	[tilespmem:v3+s24+$0x0] =	vst.idx.add.f32.msk $0xffff, v35  }
0x477: {  	v49 =	vperm.xlane v23, v53;
	v3 =	vadd.s32 v62, v42;
	v45 =	vld [tilespmem:s28+$0xFFFFFD70]  }
0x478: {  	v60 =	vld [tilespmem:s28+$0x70]  }
0x479: {  	v1 =	vadd.s32 v62, v49;
	[tilespmem:v0+s24+$0x0] =	vst.idx.add.f32.msk $0xffff, v30  }
0x47a: {  	v37 =	vperm.xlane v25, v52;
	[tilespmem:v2+s24+$0x0] =	vst.idx.add.f32.msk $0xffff, v39  }
0x47b: {  	v44 =	vperm.xlane v20, v53;
	v48 =	vld [tilespmem:s28+$0xFFFFFE70]  }
0x47c: {  	v0 =	vadd.s32 v62, v37;
	[tilespmem:v3+s24+$0x0] =	vst.idx.add.f32.msk $0xffff, v45  }
0x47d: {  	v59 =	vperm.xlane v24, v53;
	v2 =	vadd.s32 v62, v44;
	v63 =	vld [tilespmem:s28+$0x170]  }
0x47e: {  	[tilespmem:v1+s24+$0x0] =	vst.idx.add.f32.msk $0xffff, v60  }
0x47f: {  	v17 =	vperm.xlane v19, v54;
	v3 =	vadd.s32 v62, v59;
	v27 =	vld [tilespmem:s28+$0xFFFFFD80]  }
0x480: {  	v34 =	vld [tilespmem:s28+$0x80]  }
0x481: {  	v1 =	vadd.s32 v62, v17;
	[tilespmem:v0+s24+$0x0] =	vst.idx.add.f32.msk $0xffff, v41  }
0x482: {  	v46 =	vperm.xlane v22, v53;
	[tilespmem:v2+s24+$0x0] =	vst.idx.add.f32.msk $0xffff, v48  }
0x483: {  	v61 =	vperm.xlane v25, v53;
	v11 =	vld [tilespmem:s28+$0x270]  }
0x484: {  	v10 =	vperm.xlane v21, v54;
	v0 =	vadd.s32 v62, v46;
	[tilespmem:v3+s24+$0x0] =	vst.idx.add.f32.msk $0xffff, v63  }
0x485: {  	v9 =	vadd.s32 v62, v61;
	v29 =	vld [tilespmem:s28+$0xFFFFFE80]  }
0x486: {  	v26 =	vperm.xlane v20, v54;
	v2 =	vadd.s32 v62, v10;
	[tilespmem:v1+s24+$0x0] =	vst.idx.add.f32.msk $0xffff, v27  }
0x487: {  	v37 =	vld [tilespmem:s28+$0x180]  }
0x488: {  	v3 =	vadd.s32 v62, v26;
	v45 =	vld [tilespmem:s28+$0xFFFFFD90]  }
0x489: {  	v33 =	vperm.xlane v24, v54;
	[tilespmem:v0+s24+$0x0] =	vst.idx.add.f32.msk $0xffff, v51  }
0x48a: {  	[tilespmem:v9+s24+$0x0] =	vst.idx.add.f32.msk $0xffff, v11  }
0x48b: {  	v1 =	vadd.s32 v62, v33;
	[tilespmem:v2+s24+$0x0] =	vst.idx.add.f32.msk $0xffff, v18  }
0x48c: {  	v28 =	vperm.xlane v22, v54;
	v31 =	vld [tilespmem:s28+$0xFFFFFF80]  }
0x48d: {  	v30 =	vperm.xlane v23, v54;
	[tilespmem:v3+s24+$0x0] =	vst.idx.add.f32.msk $0xffff, v29  }
0x48e: {  	v35 =	vperm.xlane v25, v54;
	v0 =	vadd.s32 v62, v28;
	v41 =	vld [tilespmem:s28+$0x280]  }
0x48f: {  	v40 =	vperm.xlane v21, v55;
	v2 =	vadd.s32 v62, v30;
	v43 =	vld [tilespmem:s28+$0xFFFFFC90]  }
0x490: {  	v39 =	vadd.s32 v62, v35;
	[tilespmem:v1+s24+$0x0] =	vst.idx.add.f32.msk $0xffff, v37  }
0x491: {  	v3 =	vadd.s32 v62, v40;
	v48 =	vld [tilespmem:s28+$0xFFFFFE90]  }
0x492: {  	v44 =	vperm.xlane v20, v55;
	v63 =	vld [tilespmem:s28+$0x190]  }
0x493: {  	[tilespmem:v0+s24+$0x0] =	vst.idx.add.f32.msk $0xffff, v31  }
0x494: {  	v1 =	vadd.s32 v62, v44;
	[tilespmem:v2+s24+$0x0] =	vst.idx.add.f32.msk $0xffff, v34  }
0x495: {  	[tilespmem:v39+s24+$0x0] =	vst.idx.add.f32.msk $0xffff, v41  }
0x496: {  	v42 =	vperm.xlane v19, v55;
	[tilespmem:v3+s24+$0x0] =	vst.idx.add.f32.msk $0xffff, v43  }
0x497: {  	v46 =	vperm.xlane v22, v55;
	v51 =	vld [tilespmem:s28+$0xFFFFFF90]  }
0x498: {  	v49 =	vperm.xlane v23, v55;
	v2 =	vadd.s32 v62, v42;
	v60 =	vld [tilespmem:s28+$0x90]  }
0x499: {  	v0 =	vadd.s32 v62, v46;
	[tilespmem:v1+s24+$0x0] =	vst.idx.add.f32.msk $0xffff, v48  }
0x49a: {  	v61 =	vperm.xlane v25, v55;
	v3 =	vadd.s32 v62, v49;
	v9 =	vld [tilespmem:s28+$0x290]  }
0x49b: {  	v11 =	vld [tilespmem:s28+$0xFFFFFCA0]  }
0x49c: {  	v1 =	vadd.s32 v62, v61;
	v27 =	vld [tilespmem:s28+$0xFFFFFEA0]  }
0x49d: {  	[tilespmem:v2+s24+$0x0] =	vst.idx.add.f32.msk $0xffff, v45  }
0x49e: {  	v59 =	vperm.xlane v24, v55;
	[tilespmem:v0+s24+$0x0] =	vst.idx.add.f32.msk $0xffff, v51  }
0x49f: {  	v8 =	vperm.xlane v21, v58;
	[tilespmem:v3+s24+$0x0] =	vst.idx.add.f32.msk $0xffff, v60  }
0x4a0: {  	v10 =	vperm.xlane v19, v58;
	v2 =	vadd.s32 v62, v59;
	v18 =	vld [tilespmem:s28+$0xFFFFFDA0]  }
0x4a1: {  	v0 =	vadd.s32 v62, v8;
	[tilespmem:v1+s24+$0x0] =	vst.idx.add.f32.msk $0xffff, v9  }
0x4a2: {  	v26 =	vperm.xlane v22, v58;
	v3 =	vadd.s32 v62, v10;
	v29 =	vld [tilespmem:s28+$0xFFFFFFA0]  }
0x4a3: {  	v31 =	vld [tilespmem:s28+$0xA0]  }
0x4a4: {  	v1 =	vadd.s32 v62, v26;
	v37 =	vld [tilespmem:s28+$0x2A0]  }
0x4a5: {  	[tilespmem:v2+s24+$0x0] =	vst.idx.add.f32.msk $0xffff, v63  }
0x4a6: {  	v17 =	vperm.xlane v20, v58;
	[tilespmem:v0+s24+$0x0] =	vst.idx.add.f32.msk $0xffff, v11  }
0x4a7: {  	v28 =	vperm.xlane v23, v58;
	[tilespmem:v3+s24+$0x0] =	vst.idx.add.f32.msk $0xffff, v18  }
0x4a8: {  	v30 =	vperm.xlane v24, v58;
	v2 =	vadd.s32 v62, v17;
	v34 =	vld [tilespmem:s28+$0x1A0]  }
0x4a9: {  	v0 =	vadd.s32 v62, v28;
	[tilespmem:v1+s24+$0x0] =	vst.idx.add.f32.msk $0xffff, v29  }
0x4aa: {  	v35 =	vperm.xlane v21, v56;
	v3 =	vadd.s32 v62, v30;
	v40 =	vld [tilespmem:s28+$0xFFFFFCB0]  }
0x4ab: {  	v42 =	vld [tilespmem:s28+$0xFFFFFDB0]  }
0x4ac: {  	v1 =	vadd.s32 v62, v35;
	v46 =	vld [tilespmem:s28+$0xFFFFFFB0]  }
0x4ad: {  	[tilespmem:v2+s24+$0x0] =	vst.idx.add.f32.msk $0xffff, v27  }
0x4ae: {  	v33 =	vperm.xlane v25, v58;
	[tilespmem:v0+s24+$0x0] =	vst.idx.add.f32.msk $0xffff, v31  }
0x4af: {  	v39 =	vperm.xlane v19, v56;
	[tilespmem:v3+s24+$0x0] =	vst.idx.add.f32.msk $0xffff, v34  }
0x4b0: {  	v41 =	vperm.xlane v20, v56;
	v2 =	vadd.s32 v62, v33;
	v44 =	vld [tilespmem:s28+$0xFFFFFEB0]  }
0x4b1: {  	v0 =	vadd.s32 v62, v39;
	[tilespmem:v1+s24+$0x0] =	vst.idx.add.f32.msk $0xffff, v40  }
0x4b2: {  	v45 =	vperm.xlane v23, v56;
	v3 =	vadd.s32 v62, v41;
	v49 =	vld [tilespmem:s28+$0xB0]  }
0x4b3: {  	v59 =	vld [tilespmem:s28+$0x1B0]  }
0x4b4: {  	v1 =	vadd.s32 v62, v45;
	v10 =	vld [tilespmem:s28+$0xFFFFFCC0]  }
0x4b5: {  	[tilespmem:v2+s24+$0x0] =	vst.idx.add.f32.msk $0xffff, v37  }
0x4b6: {  	v43 =	vperm.xlane v22, v56;
	[tilespmem:v0+s24+$0x0] =	vst.idx.add.f32.msk $0xffff, v42  }
0x4b7: {  	v48 =	vperm.xlane v24, v56;
	[tilespmem:v3+s24+$0x0] =	vst.idx.add.f32.msk $0xffff, v44  }
0x4b8: {  	v51 =	vperm.xlane v25, v56;
	v2 =	vadd.s32 v62, v43;
	v63 =	vld [tilespmem:s28+$0x2B0]  }
0x4b9: {  	v61 =	vperm.xlane v21, v57;
	v0 =	vadd.s32 v62, v48;
	[tilespmem:v1+s24+$0x0] =	vst.idx.add.f32.msk $0xffff, v49  }
0x4ba: {  	v60 =	vadd.s32 v62, v51;
	v17 =	vld [tilespmem:s28+$0xFFFFFDC0]  }
0x4bb: {  	v9 =	vperm.xlane v19, v57;
	v3 =	vadd.s32 v62, v61;
	v26 =	vld [tilespmem:s28+$0xFFFFFEC0]  }
0x4bc: {  	v30 =	vld [tilespmem:s28+$0xC0]  }
0x4bd: {  	v1 =	vadd.s32 v62, v9;
	[tilespmem:v2+s24+$0x0] =	vst.idx.add.f32.msk $0xffff, v46  }
0x4be: {  	[tilespmem:v0+s24+$0x0] =	vst.idx.add.f32.msk $0xffff, v59  }
0x4bf: {  	[tilespmem:v60+s24+$0x0] =	vst.idx.add.f32.msk $0xffff, v63  }
0x4c0: {  	v11 =	vperm.xlane v20, v57;
	[tilespmem:v3+s24+$0x0] =	vst.idx.add.f32.msk $0xffff, v10  }
0x4c1: {  	v18 =	vperm.xlane v22, v57;
	v28 =	vld [tilespmem:s28+$0xFFFFFFC0]  }
0x4c2: {  	v27 =	vperm.xlane v23, v57;
	v0 =	vadd.s32 v62, v11;
	[tilespmem:v1+s24+$0x0] =	vst.idx.add.f32.msk $0xffff, v17  }
0x4c3: {  	v29 =	vperm.xlane v24, v57;
	v2 =	vadd.s32 v62, v18;
	v33 =	vld [tilespmem:s28+$0x1C0]  }
0x4c4: {  	v3 =	vadd.s32 v62, v27;
	v35 =	vld [tilespmem:s28+$0x2C0]  }
0x4c5: {  	v1 =	vadd.s32 v62, v29;
	v39 =	vld [tilespmem:s28+$0xFFFFFCD0]  }
0x4c6: {  	v41 =	vld [tilespmem:s28+$0xFFFFFDD0]  }
0x4c7: {  	[tilespmem:v0+s24+$0x0] =	vst.idx.add.f32.msk $0xffff, v26  }
0x4c8: {  	v31 =	vperm.xlane v25, v57;
	[tilespmem:v2+s24+$0x0] =	vst.idx.add.f32.msk $0xffff, v28  }
0x4c9: {  	v34 =	vperm.xlane v21, v13;
	[tilespmem:v3+s24+$0x0] =	vst.idx.add.f32.msk $0xffff, v30  }
0x4ca: {  	v37 =	vperm.xlane v19, v13;
	v0 =	vadd.s32 v62, v31;
	[tilespmem:v1+s24+$0x0] =	vst.idx.add.f32.msk $0xffff, v33  }
0x4cb: {  	v40 =	vperm.xlane v20, v13;
	v2 =	vadd.s32 v62, v34;
	v43 =	vld [tilespmem:s28+$0xFFFFFED0]  }
0x4cc: {  	v3 =	vadd.s32 v62, v37;
	v45 =	vld [tilespmem:s28+$0xFFFFFFD0]  }
0x4cd: {  	v1 =	vadd.s32 v62, v40;
	v48 =	vld [tilespmem:s28+$0xD0]  }
0x4ce: {  	v51 =	vld [tilespmem:s28+$0x1D0]  }
0x4cf: {  	[tilespmem:v0+s24+$0x0] =	vst.idx.add.f32.msk $0xffff, v35  }
0x4d0: {  	v42 =	vperm.xlane v22, v13;
	[tilespmem:v2+s24+$0x0] =	vst.idx.add.f32.msk $0xffff, v39  }
0x4d1: {  	v44 =	vperm.xlane v23, v13;
	[tilespmem:v3+s24+$0x0] =	vst.idx.add.f32.msk $0xffff, v41  }
0x4d2: {  	v46 =	vperm.xlane v24, v13;
	v0 =	vadd.s32 v62, v42;
	[tilespmem:v1+s24+$0x0] =	vst.idx.add.f32.msk $0xffff, v43  }
0x4d3: {  	v49 =	vperm.xlane v25, v13;
	v2 =	vadd.s32 v62, v44;
	v60 =	vld [tilespmem:s28+$0x2D0]  }
0x4d4: {  	v3 =	vadd.s32 v62, v46;
	v63 =	vld [tilespmem:s28+$0xFFFFFCE0]  }
0x4d5: {  	v1 =	vadd.s32 v62, v49;
	v9 =	vld [tilespmem:s28+$0xFFFFFDE0]  }
0x4d6: {  	v11 =	vld [tilespmem:s28+$0xFFFFFEE0]  }
0x4d7: {  	v8 =	vperm.xlane v20, v15;
	[tilespmem:v0+s24+$0x0] =	vst.idx.add.f32.msk $0xffff, v45  }
0x4d8: {  	[tilespmem:v2+s24+$0x0] =	vst.idx.add.f32.msk $0xffff, v48  }
0x4d9: {  	v10 =	vadd.s32 v62, v8;
	[tilespmem:v3+s24+$0x0] =	vst.idx.add.f32.msk $0xffff, v51  }
0x4da: {  	v59 =	vperm.xlane v21, v15;
	[tilespmem:v1+s24+$0x0] =	vst.idx.add.f32.msk $0xffff, v60  }
0x4db: {  	v61 =	vperm.xlane v19, v15;
	v26 =	vld [tilespmem:s28+$0xFFFFFFE0]  }
0x4dc: {  	v17 =	vperm.xlane v22, v15;
	v0 =	vadd.s32 v62, v59;
	v28 =	vld [tilespmem:s28+$0xE0]  }
0x4dd: {  	v2 =	vadd.s32 v62, v61;
	v31 =	vld [tilespmem:s28+$0x1E0]  }
0x4de: {  	v27 =	vperm.xlane v24, v15;
	v5 =	vadd.s32 v62, v17;
	[tilespmem:v10+s24+$0x0] =	vst.idx.add.f32.msk $0xffff, v11  }
0x4df: {  	v34 =	vld [tilespmem:s28+$0x2E0]  }
0x4e0: {  	v29 =	vperm.xlane v25, v15;
	v30 =	vadd.s32 v62, v27;
	v43 =	vld [tilespmem:s28+$0xFFFFFEF0]  }
0x4e1: {  	[tilespmem:v0+s24+$0x0] =	vst.idx.add.f32.msk $0xffff, v63  }
0x4e2: {  	v33 =	vadd.s32 v62, v29;
	[tilespmem:v2+s24+$0x0] =	vst.idx.add.f32.msk $0xffff, v9  }
0x4e3: {  	[tilespmem:v5+s24+$0x0] =	vst.idx.add.f32.msk $0xffff, v26  }
0x4e4: {  	v42 =	vperm.xlane v20, v16;
	v39 =	vld [tilespmem:s28+$0xFFFFFCF0]  }
0x4e5: {  	v18 =	vperm.xlane v23, v15;
	[tilespmem:v30+s24+$0x0] =	vst.idx.add.f32.msk $0xffff, v31  }
0x4e6: {  	v35 =	vperm.xlane v21, v16;
	v3 =	vadd.s32 v62, v42;
	v41 =	vld [tilespmem:s28+$0xFFFFFDF0]  }
0x4e7: {  	v0 =	vadd.s32 v62, v18;
	[tilespmem:v33+s24+$0x0] =	vst.idx.add.f32.msk $0xffff, v34  }
0x4e8: {  	v40 =	vperm.xlane v19, v16;
	v37 =	vadd.s32 v62, v35;
	v46 =	vld [tilespmem:s28+$0xFFFFFFF0]  }
0x4e9: {  	v44 =	vperm.xlane v22, v16;
	v60 =	vld [tilespmem:s28+$0x1F0]  }
0x4ea: {  	v48 =	vperm.xlane v24, v16;
	v1 =	vadd.s32 v62, v40;
	v63 =	vld [tilespmem:s28+$0x2F0]  }
0x4eb: {  	v6 =	vadd.s32 v62, v44;
	v51 =	vperm.xlane v25, v16;
	[tilespmem:v3+s24+$0x0] =	vst.idx.add.f32.msk $0xffff, v43  }
0x4ec: {  	v45 =	vperm.xlane v23, v16;
	v59 =	vadd.s32 v62, v48;
	[tilespmem:v0+s24+$0x0] =	vst.idx.add.f32.msk $0xffff, v28  }
0x4ed: {  	v61 =	vadd.s32 v62, v51;
	[tilespmem:v37+s24+$0x0] =	vst.idx.add.f32.msk $0xffff, v39  }
0x4ee: {  	v0 =	vadd.s32 v62, v45;
	v49 =	vld [tilespmem:s28+$0xF0]  }
0x4ef: {  	[tilespmem:v1+s24+$0x0] =	vst.idx.add.f32.msk $0xffff, v41  }
0x4f0: {  	[tilespmem:v6+s24+$0x0] =	vst.idx.add.f32.msk $0xffff, v46  }
0x4f1: {  	[tilespmem:v59+s24+$0x0] =	vst.idx.add.f32.msk $0xffff, v60  }
0x4f2: {  	[tilespmem:v61+s24+$0x0] =	vst.idx.add.f32.msk $0xffff, v63  }
0x4f3: {  	s30 =	simm.s32 $0x0;
	s0 =	sadd.s32 $0x80, s29;
	s3 =	smov.u32 s28;
	[tilespmem:v0+s24+$0x0] =	vst.idx.add.f32.msk $0xffff, v49  }
.LBB2_14:
0x4f4: {  	v0 =	vld [tilespmem:s0+$0x0]  }
0x4f5: {  	v1 =	vld [tilespmem:s0+$0xFFFFFFA0]  }
0x4f6: {  	v2 =	vld [tilespmem:s0+$0xFFFFFFB0]  }
0x4f7: {  	v3 =	vld [tilespmem:s0+$0xFFFFFFC0]  }
0x4f8: {  	v4 =	vld [tilespmem:s0+$0xFFFFFFD0]  }
0x4f9: {  	v5 =	vld [tilespmem:s0+$0xFFFFFFE0]  }
0x4fa: {  	v39 =	vld [tilespmem:s0+$0xFFFFFFF0]  }
0x4fb: {  	v6 =	vld [tilespmem:s0+$0xFFFFFF90]  }
0x4fc: {  	v26 =	vshll.u32 v0, $0x4;
	v19 =	vshll.u32 v1, $0x4;
	v20 =	vshll.u32 v2, $0x4  }
0x4fd: {  	s3 =	sadd.s32 $0x800, s3;
	v21 =	vshll.u32 v3, $0x4;
	v22 =	vshll.u32 v4, $0x4;
	v40 =	vperm.xlane v26, v14  }
0x4fe: {  	v41 =	vld [tilespmem:s3+$0x300];
	v23 =	vshll.u32 v5, $0x4;
	v7 =	vperm.xlane v19, v14;
	v2 =	vperm.xlane v20, v14  }
0x4ff: {  	v9 =	vld [tilespmem:s3+$0xFFFFFC00];
	v24 =	vshll.u32 v39, $0x4;
	v10 =	vperm.xlane v21, v14;
	v11 =	vperm.xlane v22, v14  }
0x500: {  	v42 =	vld [tilespmem:s3+$0xFFFFFD00];
	v25 =	vshll.u32 v6, $0x4;
	v12 =	vperm.xlane v23, v14;
	v45 =	vperm.xlane v24, v14  }
0x501: {  	v43 =	vld [tilespmem:s3+$0xFFFFFE00];
	v13 =	vperm.xlane v26, v32;
	v14 =	vperm.xlane v25, v14;
	v1 =	vadd.s32 v62, v40  }
0x502: {  	v44 =	vld [tilespmem:s3+$0xFFFFFF00];
	v7 =	vadd.s32 v62, v7  }
0x503: {  	v16 =	vld [tilespmem:s3+$0x0];
	v46 =	vadd.s32 v62, v12;
	v12 =	vadd.s32 v62, v13;
	v13 =	vadd.s32 v62, v14  }
0x504: {  	v28 =	vld [tilespmem:s3+$0x100];
	v2 =	vadd.s32 v62, v2  }
0x505: {  	v31 =	vld [tilespmem:s3+$0x200];
	v10 =	vadd.s32 v62, v10  }
0x506: {  	v11 =	vadd.s32 v62, v11;
	[tilespmem:v1+s24+$0x0] =	vst.idx.add.f32.msk $0xffff, v41  }
0x507: {  	[tilespmem:v7+s24+$0x0] =	vst.idx.add.f32.msk $0xffff, v42  }
0x508: {  	[tilespmem:v13+s24+$0x0] =	vst.idx.add.f32.msk $0xffff, v9  }
0x509: {  	v48 =	vadd.s32 v62, v45;
	[tilespmem:v2+s24+$0x0] =	vst.idx.add.f32.msk $0xffff, v43  }
0x50a: {  	v8 =	vperm.xlane v19, v32;
	[tilespmem:v10+s24+$0x0] =	vst.idx.add.f32.msk $0xffff, v44  }
0x50b: {  	v15 =	vperm.xlane v20, v32;
	v51 =	vperm.xlane v21, v32;
	[tilespmem:v11+s24+$0x0] =	vst.idx.add.f32.msk $0xffff, v16  }
0x50c: {  	v17 =	vperm.xlane v22, v32;
	v18 =	vperm.xlane v24, v32;
	v49 =	vld [tilespmem:s3+$0x310]  }
0x50d: {  	v59 =	vperm.xlane v26, v36;
	v60 =	vperm.xlane v25, v36;
	[tilespmem:v46+s24+$0x0] =	vst.idx.add.f32.msk $0xffff, v28  }
0x50e: {  	v61 =	vperm.xlane v19, v36;
	v63 =	vperm.xlane v20, v36;
	[tilespmem:v48+s24+$0x0] =	vst.idx.add.f32.msk $0xffff, v31  }
0x50f: {  	v37 =	vperm.xlane v21, v36;
	v14 =	vperm.xlane v25, v32;
	v28 =	vld [tilespmem:s3+$0xFFFFFC10]  }
0x510: {  	v39 =	vperm.xlane v22, v36;
	v0 =	vperm.xlane v25, v50;
	v29 =	vadd.s32 v62, v8;
	v31 =	vld [tilespmem:s3+$0xFFFFFD10]  }
0x511: {  	v30 =	vadd.s32 v62, v14;
	v14 =	vperm.xlane v23, v32;
	[tilespmem:v12+s24+$0x0] =	vst.idx.add.f32.msk $0xffff, v49  }
0x512: {  	v4 =	vadd.s32 v62, v15;
	v33 =	vadd.s32 v62, v17;
	v7 =	vadd.s32 v62, v59;
	v6 =	vld [tilespmem:s3+$0x320]  }
0x513: {  	v34 =	vadd.s32 v62, v14;
	v14 =	vadd.s32 v62, v37;
	v41 =	vperm.xlane v24, v36;
	v37 =	vld [tilespmem:s3+$0xFFFFFE10]  }
0x514: {  	v35 =	vadd.s32 v62, v18;
	v40 =	vperm.xlane v23, v36;
	v16 =	vadd.s32 v62, v39;
	v39 =	vld [tilespmem:s3+$0x10]  }
0x515: {  	v27 =	vadd.s32 v62, v60;
	v18 =	vadd.s32 v62, v61;
	v11 =	vadd.s32 v62, v41;
	v41 =	vld [tilespmem:s3+$0x110]  }
0x516: {  	v17 =	vadd.s32 v62, v63;
	v12 =	vperm.xlane v26, v38;
	[tilespmem:v30+s24+$0x0] =	vst.idx.add.f32.msk $0xffff, v28  }
0x517: {  	v45 =	vperm.xlane v19, v38;
	v60 =	vperm.xlane v25, v47;
	[tilespmem:v7+s24+$0x0] =	vst.idx.add.f32.msk $0xffff, v6  }
0x518: {  	v61 =	vperm.xlane v26, v50;
	v63 =	vperm.xlane v24, v47;
	v43 =	vadd.s32 v62, v12;
	v42 =	vld [tilespmem:s3+$0x330]  }
0x519: {  	v32 =	vadd.s32 v62, v51;
	v51 =	vperm.xlane v24, v38;
	[tilespmem:v29+s24+$0x0] =	vst.idx.add.f32.msk $0xffff, v31  }
0x51a: {  	v44 =	vperm.xlane v25, v38;
	v46 =	vperm.xlane v20, v38;
	[tilespmem:v4+s24+$0x0] =	vst.idx.add.f32.msk $0xffff, v37  }
0x51b: {  	v48 =	vperm.xlane v21, v38;
	v13 =	vperm.xlane v23, v38;
	[tilespmem:v33+s24+$0x0] =	vst.idx.add.f32.msk $0xffff, v39  }
0x51c: {  	v49 =	vperm.xlane v26, v47;
	v12 =	vperm.xlane v22, v38;
	v38 =	vld [tilespmem:s3+$0xFFFFFF10]  }
0x51d: {  	v10 =	vadd.s32 v62, v40;
	v9 =	vadd.s32 v62, v46;
	[tilespmem:v43+s24+$0x0] =	vst.idx.add.f32.msk $0xffff, v42  }
0x51e: {  	v46 =	vadd.s32 v62, v60;
	v29 =	vperm.xlane v19, v50;
	v59 =	vadd.s32 v62, v49;
	v15 =	vld [tilespmem:s3+$0x340]  }
0x51f: {  	v60 =	vperm.xlane v22, v50;
	v28 =	vadd.s32 v62, v0;
	[tilespmem:v34+s24+$0x0] =	vst.idx.add.f32.msk $0xffff, v41  }
0x520: {  	v40 =	vperm.xlane v21, v47;
	v5 =	vadd.s32 v62, v48;
	[tilespmem:$0x1FC40] =	vst v28;
	v30 =	vadd.s32 v62, v29;
	v29 =	vld [tilespmem:s3+$0x20]  }
0x521: {  	v4 =	vperm.xlane v20, v50;
	v39 =	vadd.s32 v62, v60;
	[tilespmem:v32+s24+$0x0] =	vst.idx.add.f32.msk $0xffff, v38  }
0x522: {  	v3 =	vadd.s32 v62, v13;
	[tilespmem:$0x1FC80] =	vst v39;
	v2 =	vadd.s32 v62, v12;
	v12 =	vperm.xlane v19, v47;
	v32 =	vld [tilespmem:s3+$0xFFFFFF20]  }
0x523: {  	v13 =	vperm.xlane v20, v47;
	v36 =	vadd.s32 v62, v4;
	[tilespmem:v59+s24+$0x0] =	vst.idx.add.f32.msk $0xffff, v15  }
0x524: {  	[tilespmem:$0x1FC50] =	vst v30;
	v6 =	vadd.s32 v62, v44;
	v15 =	vadd.s32 v62, v12;
	v12 =	vadd.s32 v62, v40;
	v40 =	vld [tilespmem:s3+$0x210]  }
0x525: {  	v7 =	vadd.s32 v62, v45;
	[tilespmem:v16+s24+$0x0] =	vst.idx.add.f32.msk $0xffff, v29;
	v59 =	vperm.xlane v21, v50  }
0x526: {  	[tilespmem:$0x1FC60] =	vst v36;
	v45 =	vadd.s32 v62, v61;
	v61 =	vperm.xlane v23, v50;
	v42 =	vperm.xlane v22, v47;
	v44 =	vld [tilespmem:s3+$0x350]  }
0x527: {  	v43 =	vperm.xlane v23, v47;
	[tilespmem:v14+s24+$0x0] =	vst.idx.add.f32.msk $0xffff, v32;
	v38 =	vadd.s32 v62, v59  }
0x528: {  	v49 =	vadd.s32 v62, v63;
	v63 =	vperm.xlane v24, v50;
	v41 =	vadd.s32 v62, v61;
	[tilespmem:$0x1FC70] =	vst v38;
	v38 =	vld [tilespmem:s3+$0xFFFFFD20]  }
0x529: {  	v47 =	vadd.s32 v62, v42;
	v48 =	vadd.s32 v62, v43;
	[tilespmem:v35+s24+$0x0] =	vst.idx.add.f32.msk $0xffff, v40  }
0x52a: {  	[tilespmem:$0x1FC90] =	vst v41;
	v42 =	vadd.s32 v62, v63;
	v43 =	vperm.xlane v26, v53;
	v63 =	vperm.xlane v22, v52;
	v35 =	vld [tilespmem:s3+$0xFFFFFC20]  }
0x52b: {  	v1 =	vadd.s32 v62, v51;
	v51 =	vperm.xlane v26, v52;
	[tilespmem:v45+s24+$0x0] =	vst.idx.add.f32.msk $0xffff, v44  }
0x52c: {  	[tilespmem:$0x1FCA0] =	vst v42;
	v60 =	vadd.s32 v62, v43;
	v43 =	vadd.s32 v62, v63;
	v50 =	vperm.xlane v19, v52;
	v34 =	vld [tilespmem:s3+$0x220]  }
0x52d: {  	[tilespmem:$0x1FCF0] =	vst v43;
	v45 =	vld [tilespmem:s3+$0x360]  }
0x52e: {  	v31 =	vadd.s32 v62, v51;
	v39 =	vadd.s32 v62, v50;
	[tilespmem:v18+s24+$0x0] =	vst.idx.add.f32.msk $0xffff, v38  }
0x52f: {  	v41 =	vperm.xlane v24, v52;
	[tilespmem:$0x1FCC0] =	vst v39;
	v18 =	vld [tilespmem:s3+$0x30]  }
0x530: {  	v51 =	vperm.xlane v20, v52;
	v36 =	vperm.xlane v24, v53;
	[tilespmem:v27+s24+$0x0] =	vst.idx.add.f32.msk $0xffff, v35  }
0x531: {  	v50 =	vadd.s32 v62, v41;
	v44 =	vperm.xlane v25, v52;
	[tilespmem:v11+s24+$0x0] =	vst.idx.add.f32.msk $0xffff, v34  }
0x532: {  	v4 =	vperm.xlane v23, v52;
	v59 =	vperm.xlane v21, v52;
	[tilespmem:$0x1FD10] =	vst v50;
	v11 =	vld [tilespmem:s3+$0xFFFFFC30]  }
0x533: {  	v50 =	vadd.s32 v62, v36;
	v61 =	vadd.s32 v62, v44;
	[tilespmem:v31+s24+$0x0] =	vst.idx.add.f32.msk $0xffff, v45  }
0x534: {  	v42 =	vadd.s32 v62, v59;
	v44 =	vadd.s32 v62, v4;
	[tilespmem:$0x1FCB0] =	vst v61;
	v31 =	vld [tilespmem:s3+$0xFFFFFE20];
	v45 =	vperm.xlane v25, v53  }
0x535: {  	v40 =	vadd.s32 v62, v51;
	v51 =	vperm.xlane v26, v54;
	v52 =	vperm.xlane v19, v53;
	[tilespmem:$0x1FD00] =	vst v44;
	v33 =	vld [tilespmem:s3+$0x370]  }
0x536: {  	v61 =	vperm.xlane v22, v53;
	[tilespmem:v2+s24+$0x0] =	vst.idx.add.f32.msk $0xffff, v18;
	v4 =	vadd.s32 v62, v45  }
0x537: {  	v30 =	vadd.s32 v62, v51;
	v37 =	vadd.s32 v62, v52;
	v52 =	vperm.xlane v26, v55;
	[tilespmem:$0x1FD20] =	vst v4  }
0x538: {  	v44 =	vadd.s32 v62, v61;
	v61 =	vperm.xlane v22, v54;
	[tilespmem:v6+s24+$0x0] =	vst.idx.add.f32.msk $0xffff, v11  }
0x539: {  	v51 =	vperm.xlane v25, v54;
	v4 =	vperm.xlane v23, v54;
	[tilespmem:v17+s24+$0x0] =	vst.idx.add.f32.msk $0xffff, v31  }
0x53a: {  	[tilespmem:$0x1FD80] =	vst v50;
	v35 =	vadd.s32 v62, v52;
	v50 =	vadd.s32 v62, v61;
	v61 =	vperm.xlane v20, v55;
	v17 =	vld [tilespmem:s3+$0xFFFFFD30]  }
0x53b: {  	v52 =	vadd.s32 v62, v4;
	v4 =	vperm.xlane v23, v55;
	[tilespmem:v60+s24+$0x0] =	vst.idx.add.f32.msk $0xffff, v33  }
0x53c: {  	v59 =	vperm.xlane v20, v53;
	[tilespmem:$0x1FCE0] =	vst v42;
	v42 =	vadd.s32 v62, v51;
	v33 =	vld [tilespmem:s3+$0x120]  }
0x53d: {  	[tilespmem:$0x1FD90] =	vst v42;
	v42 =	vadd.s32 v62, v61;
	v27 =	vld [tilespmem:s3+$0xFFFFFE30];
	v61 =	vadd.s32 v62, v4;
	v4 =	vperm.xlane v26, v57  }
0x53e: {  	[tilespmem:$0x1FD30] =	vst v37;
	v63 =	vld [tilespmem:s3+$0x380]  }
0x53f: {  	v39 =	vadd.s32 v62, v59;
	v59 =	vperm.xlane v20, v54;
	[tilespmem:$0x1FD60] =	vst v44;
	v29 =	vadd.s32 v62, v4;
	v4 =	vld [tilespmem:s3+$0xFFFFFC40]  }
0x540: {  	v0 =	vperm.xlane v22, v55;
	v28 =	vperm.xlane v23, v53;
	[tilespmem:v7+s24+$0x0] =	vst.idx.add.f32.msk $0xffff, v17  }
0x541: {  	v14 =	vperm.xlane v26, v58;
	v44 =	vadd.s32 v62, v59;
	[tilespmem:v10+s24+$0x0] =	vst.idx.add.f32.msk $0xffff, v33  }
0x542: {  	v8 =	vadd.s32 v62, v13;
	v32 =	vperm.xlane v20, v56;
	v41 =	vperm.xlane v21, v58;
	[tilespmem:$0x1FDB0] =	vst v44;
	v10 =	vld [tilespmem:s3+$0xFFFFFF30]  }
0x543: {  	v38 =	vperm.xlane v20, v58;
	v37 =	vperm.xlane v19, v58;
	[tilespmem:v30+s24+$0x0] =	vst.idx.add.f32.msk $0xffff, v63  }
0x544: {  	v14 =	vadd.s32 v62, v14;
	v34 =	vperm.xlane v26, v56;
	[tilespmem:$0x1FDD0] =	vst v50;
	v60 =	vperm.xlane v21, v53;
	v63 =	vld [tilespmem:s3+$0x390]  }
0x545: {  	v45 =	vadd.s32 v62, v28;
	v28 =	vperm.xlane v24, v54;
	[tilespmem:v9+s24+$0x0] =	vst.idx.add.f32.msk $0xffff, v27  }
0x546: {  	v36 =	vadd.s32 v62, v34;
	v2 =	vperm.xlane v20, v57;
	[tilespmem:$0x1FD70] =	vst v45;
	v43 =	vadd.s32 v62, v60;
	v7 =	vld [tilespmem:s3+$0xFFFFFD40]  }
0x547: {  	v50 =	vperm.xlane v22, v58;
	v51 =	vadd.s32 v62, v28;
	v53 =	vperm.xlane v19, v54;
	[tilespmem:$0x1FD50] =	vst v43;
	v30 =	vld [tilespmem:s3+$0x130]  }
0x548: {  	v28 =	vperm.xlane v21, v56;
	v11 =	vperm.xlane v22, v57;
	[tilespmem:v46+s24+$0x0] =	vst.idx.add.f32.msk $0xffff, v4  }
0x549: {  	v13 =	vadd.s32 v62, v2;
	v43 =	vadd.s32 v62, v53;
	[tilespmem:v35+s24+$0x0] =	vst.idx.add.f32.msk $0xffff, v63  }
0x54a: {  	v31 =	vperm.xlane v19, v56;
	v34 =	vadd.s32 v62, v28;
	v28 =	vadd.s32 v62, v11;
	[tilespmem:$0x1FDA0] =	vst v43;
	v59 =	vld [tilespmem:s3+$0x3A0]  }
0x54b: {  	v60 =	vperm.xlane v21, v54;
	v54 =	vperm.xlane v19, v55;
	[tilespmem:v5+s24+$0x0] =	vst.idx.add.f32.msk $0xffff, v10  }
0x54c: {  	v53 =	vperm.xlane v25, v55;
	[tilespmem:v15+s24+$0x0] =	vst.idx.add.f32.msk $0xffff, v7;
	v63 =	vperm.xlane v21, v55  }
0x54d: {  	v45 =	vadd.s32 v62, v60;
	v43 =	vadd.s32 v62, v0;
	[tilespmem:v3+s24+$0x0] =	vst.idx.add.f32.msk $0xffff, v30  }
0x54e: {  	[tilespmem:$0x1FDE0] =	vst v51;
	v51 =	vadd.s32 v62, v63;
	v63 =	vadd.s32 v62, v41;
	v41 =	vadd.s32 v62, v50;
	v50 =	vld [tilespmem:s3+$0x230]  }
0x54f: {  	v60 =	vperm.xlane v24, v56;
	v44 =	vadd.s32 v62, v53;
	[tilespmem:v14+s24+$0x0] =	vst.idx.add.f32.msk $0xffff, v59  }
0x550: {  	[tilespmem:$0x1FDC0] =	vst v45;
	v33 =	vperm.xlane v24, v55;
	v53 =	vadd.s32 v62, v37;
	v45 =	vadd.s32 v62, v38;
	v14 =	vld [tilespmem:s3+$0x3B0]  }
0x551: {  	v37 =	vadd.s32 v62, v32;
	v32 =	vperm.xlane v25, v57;
	[tilespmem:$0x1FE00] =	vst v53;
	v53 =	vimm.s32 $0xD;
	v6 =	vld [tilespmem:s3+$0xFFFFFF40]  }
0x552: {  	[tilespmem:$0x1FCD0] =	vst v40;
	v40 =	vadd.s32 v62, v33;
	v0 =	vperm.xlane v26, v53;
	v33 =	vadd.s32 v62, v60;
	v2 =	vld [tilespmem:s3+$0x140]  }
0x553: {  	v60 =	vperm.xlane v23, v57;
	v18 =	vperm.xlane v20, v53;
	[tilespmem:v1+s24+$0x0] =	vst.idx.add.f32.msk $0xffff, v50  }
0x554: {  	v9 =	vadd.s32 v62, v0;
	v0 =	vperm.xlane v22, v53;
	v10 =	vperm.xlane v21, v57;
	v1 =	vld [tilespmem:s3+$0x240]  }
0x555: {  	v35 =	vperm.xlane v25, v58;
	v55 =	vperm.xlane v23, v58;
	[tilespmem:v36+s24+$0x0] =	vst.idx.add.f32.msk $0xffff, v14  }
0x556: {  	[tilespmem:$0x1FD40] =	vst v39;
	v17 =	vadd.s32 v62, v10;
	v10 =	vadd.s32 v62, v60;
	v60 =	vimm.s32 $0xF;
	v16 =	vld [tilespmem:s3+$0x3C0]  }
0x557: {  	v7 =	vperm.xlane v19, v60;
	v39 =	vadd.s32 v62, v35;
	[tilespmem:v12+s24+$0x0] =	vst.idx.add.f32.msk $0xffff, v6  }
0x558: {  	v35 =	vadd.s32 v62, v31;
	[tilespmem:v48+s24+$0x0] =	vst.idx.add.f32.msk $0xffff, v2;
	v59 =	vperm.xlane v24, v58  }
0x559: {  	[tilespmem:$0x1FE10] =	vst v63;
	v63 =	vadd.s32 v62, v55;
	v55 =	vperm.xlane v19, v57;
	v2 =	vperm.xlane v21, v60;
	v6 =	vld [tilespmem:s3+$0xFFFFFF50]  }
0x55a: {  	v38 =	vadd.s32 v62, v59;
	v59 =	vperm.xlane v23, v56;
	[tilespmem:v49+s24+$0x0] =	vst.idx.add.f32.msk $0xffff, v1  }
0x55b: {  	v48 =	vperm.xlane v23, v60;
	v58 =	vperm.xlane v22, v56;
	[tilespmem:v29+s24+$0x0] =	vst.idx.add.f32.msk $0xffff, v16  }
0x55c: {  	v50 =	vperm.xlane v24, v57;
	v31 =	vadd.s32 v62, v59;
	v59 =	vimm.s32 $0xE;
	v27 =	vld [tilespmem:s3+$0x3D0]  }
0x55d: {  	v11 =	vadd.s32 v62, v0;
	v57 =	vperm.xlane v25, v53;
	v46 =	vperm.xlane v22, v59;
	v1 =	vld [tilespmem:s3+$0xFFFFFC50]  }
0x55e: {  	v30 =	vadd.s32 v62, v55;
	v4 =	vperm.xlane v21, v59;
	v14 =	vperm.xlane v25, v56;
	v16 =	vld [tilespmem:s3+$0xFFFFFE40]  }
0x55f: {  	v36 =	vadd.s32 v62, v58;
	v58 =	vperm.xlane v26, v59;
	v12 =	vadd.s32 v62, v46;
	v46 =	vld [tilespmem:$0x1FC80]  }
0x560: {  	[tilespmem:$0x1FDF0] =	vst v39;
	v49 =	vperm.xlane v24, v60;
	v29 =	vperm.xlane v21, v53;
	v21 =	vadd.s32 v62, v48;
	v48 =	vld [tilespmem:$0x1FC90]  }
0x561: {  	v39 =	vadd.s32 v62, v14;
	v14 =	vadd.s32 v62, v50;
	[tilespmem:v9+s24+$0x0] =	vst.idx.add.f32.msk $0xffff, v27  }
0x562: {  	v50 =	vadd.s32 v62, v57;
	v57 =	vperm.xlane v23, v53;
	v9 =	vadd.s32 v62, v18;
	v18 =	vld [tilespmem:s3+$0x40]  }
0x563: {  	v56 =	vadd.s32 v62, v58;
	v58 =	vperm.xlane v19, v53;
	[tilespmem:v8+s24+$0x0] =	vst.idx.add.f32.msk $0xffff, v16  }
0x564: {  	v5 =	vadd.s32 v62, v57;
	v57 =	vperm.xlane v20, v59;
	v16 =	vperm.xlane v20, v60;
	v55 =	vld [tilespmem:s3+$0x3E0]  }
0x565: {  	v20 =	vadd.s32 v62, v2;
	v27 =	vadd.s32 v62, v32;
	v32 =	vadd.s32 v62, v58;
	v2 =	vld [tilespmem:s3+$0xFFFFFE50]  }
0x566: {  	v58 =	vperm.xlane v24, v53;
	v53 =	vperm.xlane v24, v59;
	v24 =	vadd.s32 v62, v16;
	v16 =	vld [tilespmem:s3+$0x150]  }
0x567: {  	v0 =	vperm.xlane v25, v59;
	v26 =	vperm.xlane v26, v60;
	[tilespmem:v47+s24+$0x0] =	vst.idx.add.f32.msk $0xffff, v18  }
0x568: {  	v25 =	vperm.xlane v25, v60;
	v18 =	vperm.xlane v22, v60;
	v60 =	vld [tilespmem:$0x1FC40]  }
0x569: {  	[tilespmem:v56+s24+$0x0] =	vst.idx.add.f32.msk $0xffff, v55  }
0x56a: {  	v56 =	vperm.xlane v19, v59;
	v19 =	vadd.s32 v62, v49;
	v49 =	vld [tilespmem:$0x1FC50]  }
0x56b: {  	v55 =	vadd.s32 v62, v58;
	v58 =	vperm.xlane v23, v59;
	v59 =	vld [tilespmem:s3+$0xFFFFFD50]  }
0x56c: {  	v23 =	vadd.s32 v62, v7;
	v7 =	vld [tilespmem:s3+$0x50]  }
0x56d: {  	[tilespmem:v48+s24+$0x0] =	vst.idx.add.f32.msk $0xffff, v16  }
0x56e: {  	v48 =	vld [tilespmem:$0x1FD00]  }
0x56f: {  	v3 =	vld [tilespmem:s3+$0x3F0]  }
0x570: {  	[tilespmem:v60+s24+$0x0] =	vst.idx.add.f32.msk $0xffff, v1  }
0x571: {  	v60 =	vld [tilespmem:$0x1FC70]  }
0x572: {  	v26 =	vadd.s32 v62, v26;
	[tilespmem:v49+s24+$0x0] =	vst.idx.add.f32.msk $0xffff, v59  }
0x573: {  	v59 =	vld [tilespmem:$0x1FC60]  }
0x574: {  	v49 =	vld [tilespmem:$0x1FCA0]  }
0x575: {  	v22 =	vadd.s32 v62, v18;
	v18 =	vld [tilespmem:s3+$0x250]  }
0x576: {  	[tilespmem:v46+s24+$0x0] =	vst.idx.add.f32.msk $0xffff, v7  }
0x577: {  	[tilespmem:v26+s24+$0x0] =	vst.idx.add.f32.msk $0xffff, v3  }
0x578: {  	v16 =	vld [tilespmem:s3+$0x60]  }
0x579: {  	[tilespmem:v60+s24+$0x0] =	vst.idx.add.f32.msk $0xffff, v6  }
0x57a: {  	v60 =	vld [tilespmem:$0x1FCB0]  }
0x57b: {  	[tilespmem:v59+s24+$0x0] =	vst.idx.add.f32.msk $0xffff, v2  }
0x57c: {  	[tilespmem:v49+s24+$0x0] =	vst.idx.add.f32.msk $0xffff, v18  }
0x57d: {  	v59 =	vld [tilespmem:s3+$0xFFFFFC60]  }
0x57e: {  	v2 =	vld [tilespmem:s3+$0xFFFFFD60]  }
0x57f: {  	v18 =	vld [tilespmem:s3+$0x160]  }
0x580: {  	v7 =	vld [tilespmem:s3+$0xFFFFFF60]  }
0x581: {  	v49 =	vld [tilespmem:$0x1FD10]  }
0x582: {  	v6 =	vld [tilespmem:s3+$0xFFFFFE60]  }
0x583: {  	v46 =	vld [tilespmem:s3+$0x260]  }
0x584: {  	[tilespmem:v48+s24+$0x0] =	vst.idx.add.f32.msk $0xffff, v18  }
0x585: {  	v48 =	vld [tilespmem:$0x1FD70]  }
0x586: {  	v18 =	vld [tilespmem:s3+$0x170]  }
0x587: {  	[tilespmem:v60+s24+$0x0] =	vst.idx.add.f32.msk $0xffff, v59  }
0x588: {  	v59 =	vld [tilespmem:$0x1FCC0]  }
0x589: {  	v60 =	vld [tilespmem:$0x1FCD0]  }
0x58a: {  	[tilespmem:v49+s24+$0x0] =	vst.idx.add.f32.msk $0xffff, v46  }
0x58b: {  	v49 =	vld [tilespmem:$0x1FD80]  }
0x58c: {  	v46 =	vld [tilespmem:s3+$0x270]  }
0x58d: {  	[tilespmem:v48+s24+$0x0] =	vst.idx.add.f32.msk $0xffff, v18  }
0x58e: {  	v48 =	vld [tilespmem:$0x1FDD0]  }
0x58f: {  	v18 =	vld [tilespmem:s3+$0x180]  }
0x590: {  	[tilespmem:v59+s24+$0x0] =	vst.idx.add.f32.msk $0xffff, v2  }
0x591: {  	[tilespmem:v60+s24+$0x0] =	vst.idx.add.f32.msk $0xffff, v6  }
0x592: {  	v6 =	vld [tilespmem:$0x1FCE0]  }
0x593: {  	v59 =	vld [tilespmem:s3+$0xFFFFFC70]  }
0x594: {  	v60 =	vld [tilespmem:$0x1FD20]  }
0x595: {  	v2 =	vld [tilespmem:s3+$0xFFFFFD70]  }
0x596: {  	[tilespmem:v49+s24+$0x0] =	vst.idx.add.f32.msk $0xffff, v46  }
0x597: {  	v49 =	vld [tilespmem:$0x1FDE0]  }
0x598: {  	v46 =	vld [tilespmem:s3+$0x280]  }
0x599: {  	[tilespmem:v52+s24+$0x0] =	vst.idx.add.f32.msk $0xffff, v18  }
0x59a: {  	v18 =	vld [tilespmem:s3+$0x190]  }
0x59b: {  	[tilespmem:v6+s24+$0x0] =	vst.idx.add.f32.msk $0xffff, v7  }
0x59c: {  	v7 =	vld [tilespmem:$0x1FCF0]  }
0x59d: {  	v6 =	vld [tilespmem:s3+$0xFFFFFE70]  }
0x59e: {  	[tilespmem:v60+s24+$0x0] =	vst.idx.add.f32.msk $0xffff, v59  }
0x59f: {  	v59 =	vld [tilespmem:$0x1FD30]  }
0x5a0: {  	[tilespmem:v49+s24+$0x0] =	vst.idx.add.f32.msk $0xffff, v46  }
0x5a1: {  	v46 =	vld [tilespmem:s3+$0x290]  }
0x5a2: {  	v60 =	vld [tilespmem:$0x1FD40]  }
0x5a3: {  	[tilespmem:v61+s24+$0x0] =	vst.idx.add.f32.msk $0xffff, v18  }
0x5a4: {  	v61 =	vld [tilespmem:$0x1FE10]  }
0x5a5: {  	v18 =	vld [tilespmem:s3+$0x1A0]  }
0x5a6: {  	[tilespmem:v40+s24+$0x0] =	vst.idx.add.f32.msk $0xffff, v46  }
0x5a7: {  	[tilespmem:v7+s24+$0x0] =	vst.idx.add.f32.msk $0xffff, v16  }
0x5a8: {  	v7 =	vld [tilespmem:s3+$0xFFFFFF70]  }
0x5a9: {  	[tilespmem:v59+s24+$0x0] =	vst.idx.add.f32.msk $0xffff, v2  }
0x5aa: {  	[tilespmem:v60+s24+$0x0] =	vst.idx.add.f32.msk $0xffff, v6  }
0x5ab: {  	v6 =	vld [tilespmem:$0x1FD50]  }
0x5ac: {  	v59 =	vld [tilespmem:s3+$0xFFFFFC80]  }
0x5ad: {  	v60 =	vld [tilespmem:$0x1FD90]  }
0x5ae: {  	v40 =	vld [tilespmem:s3+$0x2A0]  }
0x5af: {  	[tilespmem:v63+s24+$0x0] =	vst.idx.add.f32.msk $0xffff, v18  }
0x5b0: {  	v18 =	vld [tilespmem:s3+$0x1B0]  }
0x5b1: {  	v16 =	vld [tilespmem:s3+$0x70]  }
0x5b2: {  	v2 =	vld [tilespmem:s3+$0xFFFFFD80]  }
0x5b3: {  	[tilespmem:v38+s24+$0x0] =	vst.idx.add.f32.msk $0xffff, v40  }
0x5b4: {  	v38 =	vld [tilespmem:s3+$0x2B0]  }
0x5b5: {  	[tilespmem:v31+s24+$0x0] =	vst.idx.add.f32.msk $0xffff, v18  }
0x5b6: {  	v18 =	vld [tilespmem:s3+$0x1C0]  }
0x5b7: {  	[tilespmem:v6+s24+$0x0] =	vst.idx.add.f32.msk $0xffff, v7  }
0x5b8: {  	v7 =	vld [tilespmem:$0x1FD60]  }
0x5b9: {  	v6 =	vld [tilespmem:s3+$0xFFFFFE80]  }
0x5ba: {  	[tilespmem:v60+s24+$0x0] =	vst.idx.add.f32.msk $0xffff, v59  }
0x5bb: {  	v59 =	vld [tilespmem:$0x1FDA0]  }
0x5bc: {  	v52 =	vld [tilespmem:s3+$0xFFFFFC90]  }
0x5bd: {  	v60 =	vld [tilespmem:$0x1FDB0]  }
0x5be: {  	[tilespmem:v33+s24+$0x0] =	vst.idx.add.f32.msk $0xffff, v38  }
0x5bf: {  	v40 =	vld [tilespmem:s3+$0x2C0]  }
0x5c0: {  	[tilespmem:v10+s24+$0x0] =	vst.idx.add.f32.msk $0xffff, v18  }
0x5c1: {  	[tilespmem:v44+s24+$0x0] =	vst.idx.add.f32.msk $0xffff, v52  }
0x5c2: {  	v1 =	vld [tilespmem:s3+$0xFFFFFCA0]  }
0x5c3: {  	[tilespmem:v7+s24+$0x0] =	vst.idx.add.f32.msk $0xffff, v16  }
0x5c4: {  	v7 =	vld [tilespmem:s3+$0xFFFFFF80]  }
0x5c5: {  	[tilespmem:v59+s24+$0x0] =	vst.idx.add.f32.msk $0xffff, v2  }
0x5c6: {  	[tilespmem:v60+s24+$0x0] =	vst.idx.add.f32.msk $0xffff, v6  }
0x5c7: {  	v6 =	vld [tilespmem:$0x1FDC0]  }
0x5c8: {  	v59 =	vld [tilespmem:$0x1FDF0]  }
0x5c9: {  	v16 =	vld [tilespmem:s3+$0x80]  }
0x5ca: {  	v54 =	vadd.s32 v62, v54;
	v2 =	vld [tilespmem:s3+$0xFFFFFD90]  }
0x5cb: {  	v60 =	vld [tilespmem:$0x1FE00]  }
0x5cc: {  	[tilespmem:v14+s24+$0x0] =	vst.idx.add.f32.msk $0xffff, v40  }
0x5cd: {  	v14 =	vld [tilespmem:s3+$0x2D0]  }
0x5ce: {  	[tilespmem:v48+s24+$0x0] =	vst.idx.add.f32.msk $0xffff, v16  }
0x5cf: {  	[tilespmem:v54+s24+$0x0] =	vst.idx.add.f32.msk $0xffff, v2  }
0x5d0: {  	v16 =	vld [tilespmem:s3+$0x90]  }
0x5d1: {  	v2 =	vld [tilespmem:s3+$0xFFFFFDA0]  }
0x5d2: {  	[tilespmem:v55+s24+$0x0] =	vst.idx.add.f32.msk $0xffff, v14  }
0x5d3: {  	[tilespmem:v6+s24+$0x0] =	vst.idx.add.f32.msk $0xffff, v7  }
0x5d4: {  	v6 =	vld [tilespmem:s3+$0xFFFFFE90]  }
0x5d5: {  	[tilespmem:v59+s24+$0x0] =	vst.idx.add.f32.msk $0xffff, v1  }
0x5d6: {  	v46 =	vld [tilespmem:s3+$0x2E0]  }
0x5d7: {  	v7 =	vld [tilespmem:s3+$0xFFFFFF90]  }
0x5d8: {  	v26 =	vadd.s32 v62, v0;
	v63 =	vld [tilespmem:s3+$0xFFFFFCB0]  }
0x5d9: {  	v0 =	vadd.s32 v62, v4;
	v4 =	vadd.s32 v62, v53;
	[tilespmem:v43+s24+$0x0] =	vst.idx.add.f32.msk $0xffff, v16  }
0x5da: {  	[tilespmem:v60+s24+$0x0] =	vst.idx.add.f32.msk $0xffff, v2  }
0x5db: {  	[tilespmem:v42+s24+$0x0] =	vst.idx.add.f32.msk $0xffff, v6  }
0x5dc: {  	v16 =	vld [tilespmem:s3+$0xA0]  }
0x5dd: {  	v2 =	vld [tilespmem:s3+$0xFFFFFDB0]  }
0x5de: {  	[tilespmem:v4+s24+$0x0] =	vst.idx.add.f32.msk $0xffff, v46  }
0x5df: {  	[tilespmem:v51+s24+$0x0] =	vst.idx.add.f32.msk $0xffff, v7  }
0x5e0: {  	v6 =	vld [tilespmem:s3+$0xFFFFFEA0]  }
0x5e1: {  	[tilespmem:v39+s24+$0x0] =	vst.idx.add.f32.msk $0xffff, v63  }
0x5e2: {  	v63 =	vld [tilespmem:s3+$0x2F0]  }
0x5e3: {  	v7 =	vld [tilespmem:s3+$0xFFFFFFA0]  }
0x5e4: {  	v1 =	vld [tilespmem:s3+$0xFFFFFCC0]  }
0x5e5: {  	[tilespmem:v41+s24+$0x0] =	vst.idx.add.f32.msk $0xffff, v16  }
0x5e6: {  	[tilespmem:v35+s24+$0x0] =	vst.idx.add.f32.msk $0xffff, v2  }
0x5e7: {  	[tilespmem:v45+s24+$0x0] =	vst.idx.add.f32.msk $0xffff, v6  }
0x5e8: {  	v16 =	vld [tilespmem:s3+$0xB0]  }
0x5e9: {  	v2 =	vld [tilespmem:s3+$0xFFFFFDC0]  }
0x5ea: {  	[tilespmem:v19+s24+$0x0] =	vst.idx.add.f32.msk $0xffff, v63  }
0x5eb: {  	[tilespmem:v61+s24+$0x0] =	vst.idx.add.f32.msk $0xffff, v7  }
0x5ec: {  	v6 =	vld [tilespmem:s3+$0xFFFFFEB0]  }
0x5ed: {  	[tilespmem:v27+s24+$0x0] =	vst.idx.add.f32.msk $0xffff, v1  }
0x5ee: {  	v7 =	vld [tilespmem:s3+$0xFFFFFFB0]  }
0x5ef: {  	v1 =	vld [tilespmem:s3+$0xFFFFFCD0]  }
0x5f0: {  	[tilespmem:v36+s24+$0x0] =	vst.idx.add.f32.msk $0xffff, v16  }
0x5f1: {  	[tilespmem:v30+s24+$0x0] =	vst.idx.add.f32.msk $0xffff, v2  }
0x5f2: {  	[tilespmem:v37+s24+$0x0] =	vst.idx.add.f32.msk $0xffff, v6  }
0x5f3: {  	v16 =	vld [tilespmem:s3+$0xC0]  }
0x5f4: {  	v2 =	vld [tilespmem:s3+$0xFFFFFDD0]  }
0x5f5: {  	[tilespmem:v34+s24+$0x0] =	vst.idx.add.f32.msk $0xffff, v7  }
0x5f6: {  	v6 =	vld [tilespmem:s3+$0xFFFFFEC0]  }
0x5f7: {  	[tilespmem:v50+s24+$0x0] =	vst.idx.add.f32.msk $0xffff, v1  }
0x5f8: {  	v7 =	vld [tilespmem:s3+$0xFFFFFFC0]  }
0x5f9: {  	v1 =	vld [tilespmem:s3+$0xFFFFFCE0]  }
0x5fa: {  	[tilespmem:v28+s24+$0x0] =	vst.idx.add.f32.msk $0xffff, v16  }
0x5fb: {  	[tilespmem:v32+s24+$0x0] =	vst.idx.add.f32.msk $0xffff, v2  }
0x5fc: {  	[tilespmem:v13+s24+$0x0] =	vst.idx.add.f32.msk $0xffff, v6  }
0x5fd: {  	v41 =	vld [tilespmem:s3+$0xD0]  }
0x5fe: {  	v13 =	vld [tilespmem:s3+$0x1D0]  }
0x5ff: {  	v2 =	vld [tilespmem:s3+$0xFFFFFDE0]  }
0x600: {  	[tilespmem:v17+s24+$0x0] =	vst.idx.add.f32.msk $0xffff, v7  }
0x601: {  	v6 =	vld [tilespmem:s3+$0xFFFFFED0]  }
0x602: {  	v3 =	vadd.s32 v62, v56;
	[tilespmem:v26+s24+$0x0] =	vst.idx.add.f32.msk $0xffff, v1  }
0x603: {  	v7 =	vld [tilespmem:s3+$0xFFFFFFD0]  }
0x604: {  	v48 =	vld [tilespmem:s3+$0xFFFFFCF0]  }
0x605: {  	[tilespmem:v11+s24+$0x0] =	vst.idx.add.f32.msk $0xffff, v41  }
0x606: {  	[tilespmem:v5+s24+$0x0] =	vst.idx.add.f32.msk $0xffff, v13  }
0x607: {  	v29 =	vadd.s32 v62, v29;
	[tilespmem:v3+s24+$0x0] =	vst.idx.add.f32.msk $0xffff, v2  }
0x608: {  	[tilespmem:v9+s24+$0x0] =	vst.idx.add.f32.msk $0xffff, v6  }
0x609: {  	v25 =	vadd.s32 v62, v25;
	v44 =	vld [tilespmem:s3+$0xE0]  }
0x60a: {  	v45 =	vld [tilespmem:s3+$0x1E0]  }
0x60b: {  	v49 =	vld [tilespmem:s3+$0xFFFFFDF0]  }
0x60c: {  	v15 =	vadd.s32 v62, v58;
	[tilespmem:v29+s24+$0x0] =	vst.idx.add.f32.msk $0xffff, v7  }
0x60d: {  	v8 =	vadd.s32 v62, v57;
	v42 =	vld [tilespmem:s3+$0xFFFFFEE0]  }
0x60e: {  	[tilespmem:v25+s24+$0x0] =	vst.idx.add.f32.msk $0xffff, v48  }
0x60f: {  	v43 =	vld [tilespmem:s3+$0xFFFFFFE0]  }
0x610: {  	[tilespmem:v12+s24+$0x0] =	vst.idx.add.f32.msk $0xffff, v44  }
0x611: {  	[tilespmem:v15+s24+$0x0] =	vst.idx.add.f32.msk $0xffff, v45  }
0x612: {  	[tilespmem:v8+s24+$0x0] =	vst.idx.add.f32.msk $0xffff, v42  }
0x613: {  	v60 =	vld [tilespmem:s3+$0xF0]  }
0x614: {  	v61 =	vld [tilespmem:s3+$0x1F0]  }
0x615: {  	[tilespmem:v0+s24+$0x0] =	vst.idx.add.f32.msk $0xffff, v43  }
0x616: {  	s30 =	sadd.s32 $0x8, s30;
	v51 =	vld [tilespmem:s3+$0xFFFFFEF0]  }
0x617: {  	p0 =	slt.u32 s30, $0x18;
	v59 =	vld [tilespmem:s3+$0xFFFFFFF0]  }
.Ltmp5:
0x618: {  	v57 =	vimm.s32 $0xC;
	[tilespmem:v23+s24+$0x0] =	vst.idx.add.f32.msk $0xffff, v49;
	(pc) =	sbr.rel @p0 .LBB2_14-.Ltmp5, $4  }
0x619: {  	v47 =	vimm.s32 $0x4;
	v58 =	vimm.s32 $0xA;
	v56 =	vimm.s32 $0xB;
	[tilespmem:v22+s24+$0x0] =	vst.idx.add.f32.msk $0xffff, v60  }
0x61a: {  	v53 =	vimm.s32 $0x7;
	v38 =	vimm.s32 $0x3;
	v52 =	vimm.s32 $0x6;
	[tilespmem:v21+s24+$0x0] =	vst.idx.add.f32.msk $0xffff, v61  }
0x61b: {  	v54 =	vimm.s32 $0x8;
	v55 =	vimm.s32 $0x9;
	v14 =	vimm.s32 $0x0;
	[tilespmem:v24+s24+$0x0] =	vst.idx.add.f32.msk $0xffff, v51  }
0x61c: {  	s0 =	sadd.s32 $0x80, s0;
	v36 =	vimm.s32 $0x2;
	v50 =	vimm.s32 $0x5;
	v32 =	vimm.s32 $0x1;
	[tilespmem:v20+s24+$0x0] =	vst.idx.add.f32.msk $0xffff, v59  }
0x61d: {  	s26 =	sadd.s32 $0x1, s26  }
0x61e: {  	p0 =	sne.s32 s26, $0x4  }
.Ltmp6:
0x61f: {  	_ = 	snop;
	(pc) =	sbr.rel @p0 .LBB2_13-.Ltmp6, $2  }
0x620: {  	_ =	sdelay $0x2  }
0x621: {  	s28 =	sadd.s32 $0x2000, s28;
	s29 =	sadd.s32 $0x200, s29;
	v13 =	vimm.s32 $0xD;
	v15 =	vimm.s32 $0xE;
	v16 =	vimm.s32 $0xF  }
0x622: {  	s25 =	sadd.s32 $0x1, s25  }
0x623: {  	p0 =	sne.s32 s25, $0x19  }
.Ltmp7:
0x624: {  	v4 =	vld [tilespmem:$0x1FFF0];
	(pc) =	sbr.rel @p0 .LBB2_4-.Ltmp7, $1  }
0x625: {  	_ =	sdelay $0x3  }
0x626: {  	s0 =	rddreg [dreg:$0x7];
	s3 =	simm.s32 $0x3  }
0x627: {  	[hbm4b:s0+s2] =	stream.linear.scatter [tilespmem:s24], [sflag:$0x3], $0x10000, $0x38;
	[tilespmem:$0x1A800] =	vst v63  }
0x628: {  	_ =	swait.ge [sflag:s3], $0x10000  }
0x629: {  	s6 =	rddreg [dreg:$0x9]  }
0x62a: {  	s30 =	rddreg [dreg:$0x8];
	s6 =	sadd.s32 $0x1, s6  }
0x62b: {  	p0 =	sne.s32 s6, s30  }
.Ltmp8:
0x62c: {  	_ = 	snop;
	(pc) =	sbr.rel @p0 .LBB2_1-.Ltmp8, $3  }
0x62d: {  	_ =	sdelay $0x1  }
0x62e: {  	[sflag:s3] =	ssyncset.done $0x0  }
0x62f: {  	v0 =	vimm.f32 $0.0e+00;
	[sflag:s3] =	ssyncadd.s32 $0xFFFF0000  }
0x630: {  	_ =	sfence.sel $0x180000  }
0x631: {  	[bflag:$0x0] =	sbarrier.arrive $0xFFFF  }
0x632: {  	_ =	strace $0x90000047  }
0x633: {  	s0 =	stileid.u32;
	[bflag:$0x2] =	sbarrier.arrive $0xFFFF  }
0x634: {  	p0 =	sne.s32 s0, $0x0;
	s0 =	rddreg [dreg:$0x2]  }
0x635: {  	s0 =	sadd.s32 @!p0 $0x100000, s0  }
0x636: {  	[sflag:s0] =	ssyncadd.tile.s32 @!p0 $0x1;
	_ =	shalt  }
.Lfunc_end2:
_tile_overlayer_lowered:
.L_overlay_start_2:
0x637: {  	(tag) =	ssettag $0x2  }
0x638: {  	s0 =	rddreg [dreg:$0x0];
	s2 =	stileid.u32  }
0x639: {  	s1 =	rddreg [dreg:$0x1];
	p0 =	sne.s32 s2, $0x0  }
0x63a: {  	s3 =	rddreg [dreg:$0x2];
	[bflag:$0x3] =	sbarrier.arrive $0xFFFF;
	s2 =	simm.s32 @!p0 $0x1C03  }
0x63b: {  	[timem:s3], [sflag:s2] =	dma.local @!p0 [hbm:s0], s1  }
0x63c: {  	s0 =	simm.s32 @!p0 $0x3  }
0x63d: {  	_ =	swait.ge @!p0 [sflag:s0], s1  }
0x63e: {  	s1 =	ssub.s32 @!p0 $0x0, s1;
	[sflag:s0] =	ssyncset.done @!p0 $0x0  }
0x63f: {  	[sflag:s0] =	ssyncadd.s32 @!p0 s1  }
0x640: {  	[bflag:$0x3] =	sbarrier.arrive $0xFFFF  }
0x641: {  	_ =	shalt  }

</sc_bundles>
